<compile_context>
chip_gen: v7x
topology: tpu7x:2x2x1
jax: 0.10.2.dev20260603
libtpu: 0.0.44.dev20260713+nightly
codegen_flags: <defaults>
</compile_context>

<pallas_src>
import functools

import jax
import jax.numpy as jnp
from jax import lax
from jax.experimental import pallas as pl
from jax.experimental.pallas import tpu as pltpu
from jax.experimental.pallas import tpu_sc as plsc

N = 10000
E = 320000
DF = 128
H = 64
TP = 32
B = 16384

NC, NS = 2, 16
EPT = E // (NC * NS)
NPAD = 10240
RPT = NPAD // NS
DPT = NPAD // NS
BPT = B // (NC * NS)
GCH = 128
NGCH = BPT // GCH

ECH = 125
ENC = EPT // ECH

_mesh = functools.partial(
    plsc.VectorSubcoreMesh, core_axis_name="c", subcore_axis_name="s")



def _sc_degree(dst_r):

  @functools.partial(
      pl.kernel,
      out_type=jax.ShapeDtypeStruct((NC, NPAD), jnp.float32),
      mesh=_mesh(),
      scratch_types=[
          pltpu.VMEM((ENC, ECH), jnp.int32),
          pltpu.VMEM((DPT,), jnp.float32),
          pltpu.VMEM((128,), jnp.float32),
          pltpu.VMEM_SHARED((NPAD,), jnp.float32),
      ],
  )
  def k(dst_hbm, out_hbm, dv, zb, ones, acc):
    ci = lax.axis_index("c")
    si = lax.axis_index("s")

    def fill_zero(i, c):
      zb[pl.ds(i * 16, 16)] = jnp.zeros((16,), jnp.float32)
      return c
    lax.fori_loop(0, DPT // 16, fill_zero, 0)
    for t in range(128 // 16):
      ones[pl.ds(t * 16, 16)] = jnp.full((16,), 1.0, jnp.float32)

    pltpu.sync_copy(zb, acc.at[pl.ds(si * DPT, DPT)])
    plsc.subcore_barrier()
    pltpu.sync_copy(dst_hbm.at[ci, si], dv)

    def body(j, c):
      pltpu.sync_copy(ones.at[pl.ds(0, ECH)], acc.at[dv.at[j]], add=True)
      return c
    lax.fori_loop(0, ENC, body, 0)
    plsc.subcore_barrier()

    @pl.when(si == 0)
    def _():
      pltpu.sync_copy(acc, out_hbm.at[ci])

  return k(dst_r)


NBUF = 5
ZROWS = 128


def _sc_scatter(g, src_r, dst_r):

  @functools.partial(
      pl.kernel,
      out_type=jax.ShapeDtypeStruct((NC, NPAD, H), jnp.float32),
      mesh=_mesh(),
      compiler_params=pltpu.CompilerParams(use_tc_tiling_on_sc=False),
      scratch_types=[
          pltpu.VMEM((ENC, ECH), jnp.int32),
          pltpu.VMEM((ENC, ECH), jnp.int32),
          pltpu.VMEM((NBUF, ECH, H), jnp.float32),
          pltpu.VMEM((ZROWS, H), jnp.float32),
          pltpu.VMEM_SHARED((NPAD, H), jnp.float32),
      ] + [pltpu.SemaphoreType.DMA] * (2 * NBUF),
  )
  def k(g_hbm, src_hbm, dst_hbm, out_hbm, sv, dv, gb, zb, acc, *sems):
    semg = sems[:NBUF]
    sems_ = sems[NBUF:]
    ci = lax.axis_index("c")
    si = lax.axis_index("s")

    def fill_zero(i, c):
      for t in range(H // 16):
        zb[i, pl.ds(t * 16, 16)] = jnp.zeros((16,), jnp.float32)
      return c
    lax.fori_loop(0, ZROWS, fill_zero, 0)
    for q in range(RPT // ZROWS):
      pltpu.sync_copy(zb, acc.at[pl.ds(si * RPT + q * ZROWS, ZROWS)])
    plsc.subcore_barrier()

    pltpu.sync_copy(src_hbm.at[ci, si], sv)
    pltpu.sync_copy(dst_hbm.at[ci, si], dv)

    for t in range(NBUF):
      pltpu.async_copy(g_hbm.at[sv.at[t]], gb.at[t], semg[t])

    def body(i, c):
      for t in range(NBUF):
        j = NBUF * i + t
        pltpu.make_async_copy(g_hbm.at[sv.at[j]], gb.at[t], semg[t]).wait()
        pltpu.async_copy(gb.at[t], acc.at[dv.at[j]], sems_[t], add=True)
        pltpu.make_async_copy(g_hbm.at[sv.at[j]], gb.at[t], sems_[t]).wait()

        @pl.when(j + NBUF < ENC)
        def _():
          pltpu.async_copy(g_hbm.at[sv.at[j + NBUF]], gb.at[t], semg[t])
      return c
    lax.fori_loop(0, ENC // NBUF, body, 0)
    plsc.subcore_barrier()

    pltpu.sync_copy(acc.at[pl.ds(si * RPT, RPT)],
                    out_hbm.at[ci, pl.ds(si * RPT, RPT)])

  return k(g, src_r, dst_r)


def _sc_gather2(h3, oi_r, di_r):

  @functools.partial(
      pl.kernel,
      out_type=[jax.ShapeDtypeStruct((B, H), jnp.float32),
                jax.ShapeDtypeStruct((B, H), jnp.float32)],
      mesh=_mesh(),
      compiler_params=pltpu.CompilerParams(use_tc_tiling_on_sc=False),
      scratch_types=[
          pltpu.VMEM((NGCH, GCH), jnp.int32),
          pltpu.VMEM((NGCH, GCH), jnp.int32),
          pltpu.VMEM((GCH, H), jnp.float32),
          pltpu.VMEM((GCH, H), jnp.float32),
          pltpu.SemaphoreType.DMA,
          pltpu.SemaphoreType.DMA,
      ],
  )
  def k(h_hbm, oi_hbm, di_hbm, oout, dout, ob, db, gb0, gb1, sem0, sem1):
    ci = lax.axis_index("c")
    si = lax.axis_index("s")
    base = (ci * NS + si) * BPT
    pltpu.sync_copy(oi_hbm.at[ci, si], ob)
    pltpu.sync_copy(di_hbm.at[ci, si], db)

    bufs = (gb0, gb1)
    sems = (sem0, sem1)
    work = [(ob, oout, j) for j in range(NGCH)] + \
           [(db, dout, j) for j in range(NGCH)]
    pltpu.async_copy(h_hbm.at[work[0][0].at[work[0][2]]], bufs[0], sems[0])
    for t, (idx, out, j) in enumerate(work):
      if t + 1 < len(work):
        nidx, _, nj = work[t + 1]
        pltpu.async_copy(h_hbm.at[nidx.at[nj]], bufs[(t + 1) % 2],
                         sems[(t + 1) % 2])
      pltpu.make_async_copy(h_hbm.at[idx.at[j]], bufs[t % 2],
                            sems[t % 2]).wait()
      pltpu.sync_copy(bufs[t % 2], out.at[pl.ds(base + j * GCH, GCH)])

  return k(h3, oi_r, di_r)



_RB = 2000
_QB = 2048


def _dis(d0, d1):
  return lax.rsqrt(d0 + d1 + 1.0)


def _tc_pre(x, w, d0, d1):
  def body(x_ref, w_ref, d0_ref, d1_ref, o_ref):
    dis = _dis(d0_ref[...], d1_ref[...])
    o_ref[...] = dis * jnp.dot(x_ref[...], w_ref[...],
                               preferred_element_type=jnp.float32)

  return pl.pallas_call(
      body,
      grid=(N // _RB,),
      in_specs=[
          pl.BlockSpec((_RB, DF), lambda i: (i, 0)),
          pl.BlockSpec((DF, H), lambda i: (0, 0)),
          pl.BlockSpec((_RB, 1), lambda i: (i, 0)),
          pl.BlockSpec((_RB, 1), lambda i: (i, 0)),
      ],
      out_specs=pl.BlockSpec((_RB, H), lambda i: (i, 0)),
      out_shape=jax.ShapeDtypeStruct((N, H), jnp.float32),
  )(x, w, d0, d1)


def _tc_mid(s, g, d0, d1, b, w):
  def body(s0_ref, s1_ref, g_ref, d0_ref, d1_ref, b_ref, w_ref, o_ref):
    dis = _dis(d0_ref[...], d1_ref[...])
    h = jnp.maximum(
        dis * (s0_ref[0] + s1_ref[0] + g_ref[...]) + b_ref[...], 0.0)
    o_ref[...] = dis * jnp.dot(h, w_ref[...],
                               preferred_element_type=jnp.float32)

  return pl.pallas_call(
      body,
      grid=(N // _RB,),
      in_specs=[
          pl.BlockSpec((1, _RB, H), lambda i: (0, i, 0)),
          pl.BlockSpec((1, _RB, H), lambda i: (1, i, 0)),
          pl.BlockSpec((_RB, H), lambda i: (i, 0)),
          pl.BlockSpec((_RB, 1), lambda i: (i, 0)),
          pl.BlockSpec((_RB, 1), lambda i: (i, 0)),
          pl.BlockSpec((1, H), lambda i: (0, 0)),
          pl.BlockSpec((H, H), lambda i: (0, 0)),
      ],
      out_specs=pl.BlockSpec((_RB, H), lambda i: (i, 0)),
      out_shape=jax.ShapeDtypeStruct((N, H), jnp.float32),
  )(s, s, g, d0, d1, b, w)


def _tc_post(s, g, d0, d1, b):
  def body(s0_ref, s1_ref, g_ref, d0_ref, d1_ref, b_ref, o_ref):
    dis = _dis(d0_ref[...], d1_ref[...])
    o_ref[...] = jnp.maximum(
        dis * (s0_ref[0] + s1_ref[0] + g_ref[...]) + b_ref[...], 0.0)

  return pl.pallas_call(
      body,
      grid=(N // _RB,),
      in_specs=[
          pl.BlockSpec((1, _RB, H), lambda i: (0, i, 0)),
          pl.BlockSpec((1, _RB, H), lambda i: (1, i, 0)),
          pl.BlockSpec((_RB, H), lambda i: (i, 0)),
          pl.BlockSpec((_RB, 1), lambda i: (i, 0)),
          pl.BlockSpec((_RB, 1), lambda i: (i, 0)),
          pl.BlockSpec((1, H), lambda i: (0, 0)),
      ],
      out_specs=pl.BlockSpec((_RB, H), lambda i: (i, 0)),
      out_shape=jax.ShapeDtypeStruct((N, H), jnp.float32),
  )(s, s, g, d0, d1, b)


def _embed(ids, table_ref, nrows):
  acc = jnp.zeros((ids.shape[0], TP), jnp.float32)
  for v in range(nrows):
    row = table_ref[v:v + 1, :]
    acc = acc + jnp.where(ids == v, 1.0, 0.0) * row
  return acc


def _tc_head(orig, dest, day, time, mode, day_t, time_t, mode_t,
             wta, wtb, bt, wp1a, wp1b, wp1c, wp1d, bp1,
             wp2, bp2, wp3, bp3, wp4, bp4):
  def body(orig_ref, dest_ref, day_ref, time_ref, mode_ref,
           dayt_ref, timet_ref, modet_ref, wta_ref, wtb_ref, bt_ref,
           wp1a_ref, wp1b_ref, wp1c_ref, wp1d_ref, bp1_ref,
           wp2_ref, bp2_ref, wp3_ref, bp3_ref, wp4_ref, bp4_ref, o_ref):
    day_e = _embed(day_ref[...], dayt_ref, 2)
    time_e = _embed(time_ref[...], timet_ref, 5)
    mode_e = _embed(mode_ref[...], modet_ref, 3)
    dot = functools.partial(jnp.dot, preferred_element_type=jnp.float32)
    t = jnp.maximum(dot(day_e, wta_ref[...]) + dot(time_e, wtb_ref[...])
                    + bt_ref[...], 0.0)
    z = (dot(orig_ref[...], wp1a_ref[...]) + dot(dest_ref[...], wp1b_ref[...])
         + dot(t, wp1c_ref[...]) + dot(mode_e, wp1d_ref[...]) + bp1_ref[...])
    z = jnp.maximum(z, 0.0)
    z = jnp.maximum(dot(z, wp2_ref[...]) + bp2_ref[...], 0.0)
    z = jnp.maximum(dot(z, wp3_ref[...]) + bp3_ref[...], 0.0)
    o_ref[...] = jax.nn.sigmoid(dot(z, wp4_ref[...]) + bp4_ref[...])

  full = lambda shape: pl.BlockSpec(shape, lambda i: tuple(0 for _ in shape))
  blk = lambda cols: pl.BlockSpec((_QB, cols), lambda i: (i, 0))
  return pl.pallas_call(
      body,
      grid=(B // _QB,),
      in_specs=[
          blk(H), blk(H), blk(1), blk(1), blk(1),
          full((8, TP)), full((8, TP)), full((8, TP)),
          full((TP, H)), full((TP, H)), full((1, H)),
          full((H, 2 * H)), full((H, 2 * H)), full((H, 2 * H)),
          full((TP, 2 * H)), full((1, 2 * H)),
          full((2 * H, H)), full((1, H)),
          full((H, H // 2)), full((1, H // 2)),
          full((H // 2, 1)), full((1, 1)),
      ],
      out_specs=blk(1),
      out_shape=jax.ShapeDtypeStruct((B, 1), jnp.float32),
  )(orig, dest, day, time, mode, day_t, time_t, mode_t,
    wta, wtb, bt, wp1a, wp1b, wp1c, wp1d, bp1,
    wp2, bp2, wp3, bp3, wp4, bp4)



def _pad8(t):
  out = jnp.zeros((8, t.shape[1]), t.dtype)
  return out.at[:t.shape[0]].set(t)


def kernel(x, edge_index, origin_ids, destination_ids, day_type_ids,
           time_period_ids, mode_ids, W1, b1, W2, b2, W3, b3,
           day_emb, time_emb, mode_emb, Wt, bt,
           Wp1, bp1, Wp2, bp2, Wp3, bp3, Wp4, bp4):
  src_r = edge_index[0].reshape(NC, NS, ENC, ECH)
  dst_r = edge_index[1].reshape(NC, NS, ENC, ECH)

  degs = _sc_degree(dst_r)
  d0 = degs[0, :N].reshape(N, 1)
  d1 = degs[1, :N].reshape(N, 1)

  g1 = _tc_pre(x, W1, d0, d1)
  s = _sc_scatter(g1, src_r, dst_r)
  g2 = _tc_mid(s, g1, d0, d1, b1.reshape(1, H), W2)
  s = _sc_scatter(g2, src_r, dst_r)
  g3 = _tc_mid(s, g2, d0, d1, b2.reshape(1, H), W3)
  s = _sc_scatter(g3, src_r, dst_r)
  h3 = _tc_post(s, g3, d0, d1, b3.reshape(1, H))

  oi_r = origin_ids.reshape(NC, NS, NGCH, GCH)
  di_r = destination_ids.reshape(NC, NS, NGCH, GCH)
  orig, dest = _sc_gather2(h3, oi_r, di_r)

  score = _tc_head(
      orig, dest,
      day_type_ids.reshape(B, 1), time_period_ids.reshape(B, 1),
      mode_ids.reshape(B, 1),
      _pad8(day_emb), _pad8(time_emb), _pad8(mode_emb),
      Wt[:TP], Wt[TP:], bt.reshape(1, H),
      Wp1[:H], Wp1[H:2 * H], Wp1[2 * H:3 * H], Wp1[3 * H:], bp1.reshape(1, 2 * H),
      Wp2, bp2.reshape(1, H), Wp3, bp3.reshape(1, H // 2),
      Wp4, bp4.reshape(1, 1))
  return score

# --- scband reference (transcript-rebuilt; emitter-appended) ---
"""Pipeline reference for scband-legacy-temporal-transport-gnn-18219251270345 (READ-ONLY COPY).

The authoritative reference and input builder live on the scoring server;
editing this copy changes nothing except your own understanding.
"""

import jax, jax.numpy as jnp
import numpy as np

N_NODES = 10000
N_EDGES = 320000
D_FEAT = 128
HID = 64
TEMP = HID // 2
B = 16384


def _gcn_layer(h, src, dst, W, b, n):
    # PyG GCNConv: x' = D^{-1/2} (A + I) D^{-1/2} X W + b  (self-loops already in src/dst)
    h = h @ W
    ones = jnp.ones(src.shape[0], dtype=h.dtype)
    deg = jnp.zeros((n,), dtype=h.dtype).at[dst].add(ones)
    dis = jnp.where(deg > 0, deg ** -0.5, 0.0)
    norm = dis[src] * dis[dst]
    msg = h[src] * norm[:, None]
    out = jnp.zeros((n, h.shape[1]), dtype=h.dtype).at[dst].add(msg)
    return out + b


def setup_inputs(seed: int = 0):
    key = jax.random.key(seed)
    ks = [jax.random.fold_in(key, i) for i in range(40)]

    def glorot(k, shape):
        scale = (2.0 / (shape[0] + shape[1])) ** 0.5
        return jax.random.normal(k, shape, jnp.float32) * scale

    inp = {}
    inp['x'] = jax.random.normal(ks[0], (N_NODES, D_FEAT), jnp.float32)
    inp['edge_index'] = jax.random.randint(ks[1], (2, N_EDGES), 0, N_NODES, dtype=jnp.int32)
    inp['origin_ids'] = jax.random.randint(ks[2], (B,), 0, N_NODES, dtype=jnp.int32)
    inp['destination_ids'] = jax.random.randint(ks[3], (B,), 0, N_NODES, dtype=jnp.int32)
    inp['day_type_ids'] = jax.random.randint(ks[4], (B,), 0, 2, dtype=jnp.int32)
    inp['time_period_ids'] = jax.random.randint(ks[5], (B,), 0, 5, dtype=jnp.int32)
    inp['mode_ids'] = jax.random.randint(ks[6], (B,), 0, 3, dtype=jnp.int32)
    # GCN weights
    inp['W1'] = glorot(ks[7], (D_FEAT, HID)); inp['b1'] = jnp.zeros((HID,), jnp.float32)
    inp['W2'] = glorot(ks[8], (HID, HID));    inp['b2'] = jnp.zeros((HID,), jnp.float32)
    inp['W3'] = glorot(ks[9], (HID, HID));    inp['b3'] = jnp.zeros((HID,), jnp.float32)
    # embeddings (nn.Embedding default N(0,1))
    inp['day_emb'] = jax.random.normal(ks[10], (2, TEMP), jnp.float32)
    inp['time_emb'] = jax.random.normal(ks[11], (5, TEMP), jnp.float32)
    inp['mode_emb'] = jax.random.normal(ks[12], (3, TEMP), jnp.float32)
    # temporal fusion linear: temp_dim*2 -> hidden
    inp['Wt'] = glorot(ks[13], (TEMP * 2, HID)); inp['bt'] = jnp.zeros((HID,), jnp.float32)
    # prediction head: 2*HID + HID + HID//2 = 224 -> 128 -> 64 -> 32 -> 1
    pin = HID * 2 + HID + HID // 2
    inp['Wp1'] = glorot(ks[14], (pin, HID * 2));   inp['bp1'] = jnp.zeros((HID * 2,), jnp.float32)
    inp['Wp2'] = glorot(ks[15], (HID * 2, HID));   inp['bp2'] = jnp.zeros((HID,), jnp.float32)
    inp['Wp3'] = glorot(ks[16], (HID, HID // 2));  inp['bp3'] = jnp.zeros((HID // 2,), jnp.float32)
    inp['Wp4'] = glorot(ks[17], (HID // 2, 1));    inp['bp4'] = jnp.zeros((1,), jnp.float32)
    return inp


def reference(x, edge_index, origin_ids, destination_ids, day_type_ids, time_period_ids, mode_ids,
              W1, b1, W2, b2, W3, b3, day_emb, time_emb, mode_emb, Wt, bt,
              Wp1, bp1, Wp2, bp2, Wp3, bp3, Wp4, bp4):
    n = x.shape[0]
    loop = jnp.arange(n, dtype=edge_index.dtype)
    src = jnp.concatenate([edge_index[0], loop])
    dst = jnp.concatenate([edge_index[1], loop])
    # encode_locations: 3 GCN layers with relu
    h = jax.nn.relu(_gcn_layer(x, src, dst, W1, b1, n))
    h = jax.nn.relu(_gcn_layer(h, src, dst, W2, b2, n))
    h = jax.nn.relu(_gcn_layer(h, src, dst, W3, b3, n))
    origin = h[origin_ids]
    dest = h[destination_ids]
    route = jnp.concatenate([origin, dest], axis=1)
    # encode_temporal (dropout = identity in eval)
    temporal = jnp.concatenate([day_emb[day_type_ids], time_emb[time_period_ids]], axis=1)
    temporal = jax.nn.relu(temporal @ Wt + bt)
    # encode_mode
    mode = mode_emb[mode_ids]
    comb = jnp.concatenate([route, temporal, mode], axis=1)
    z = jax.nn.relu(comb @ Wp1 + bp1)
    z = jax.nn.relu(z @ Wp2 + bp2)
    z = jax.nn.relu(z @ Wp3 + bp3)
    score = jax.nn.sigmoid(z @ Wp4 + bp4)
    return score

if __name__ == "__main__":
    import jax
    _d = setup_inputs()
    print(jax.jit(kernel)(*tuple(_d.values())))

</pallas_src>

<mosaic_0001>
#map = affine_map<(d0, d1) -> (0, 0)>
#map1 = affine_map<(d0, d1) -> (0, 0, 0, 0)>
#map2 = affine_map<(d0, d1) -> (0, 0, 0)>
module attributes {stable_mosaic.version = 14 : i64} {
  func.func @k(%arg0: i32, %arg1: i32, %arg2: memref<10000x64xf32, #tpu.memory_space<hbm>>, %arg3: memref<2x16x80x125xi32, #tpu.memory_space<hbm>>, %arg4: memref<2x16x80x125xi32, #tpu.memory_space<hbm>>, %arg5: memref<2x10240x64xf32, #tpu.memory_space<hbm>>, %arg6: memref<80x125xi32, #tpu.memory_space<vmem>>, %arg7: memref<80x125xi32, #tpu.memory_space<vmem>>, %arg8: memref<5x125x64xf32, #tpu.memory_space<vmem>>, %arg9: memref<128x64xf32, #tpu.memory_space<vmem>>, %arg10: memref<10240x64xf32, #tpu.memory_space<vmem_shared>>, %arg11: memref<!tpu.dma_semaphore, #tpu.memory_space<semaphore_mem>>, %arg12: memref<!tpu.dma_semaphore, #tpu.memory_space<semaphore_mem>>, %arg13: memref<!tpu.dma_semaphore, #tpu.memory_space<semaphore_mem>>, %arg14: memref<!tpu.dma_semaphore, #tpu.memory_space<semaphore_mem>>, %arg15: memref<!tpu.dma_semaphore, #tpu.memory_space<semaphore_mem>>, %arg16: memref<!tpu.dma_semaphore, #tpu.memory_space<semaphore_mem>>, %arg17: memref<!tpu.dma_semaphore, #tpu.memory_space<semaphore_mem>>, %arg18: memref<!tpu.dma_semaphore, #tpu.memory_space<semaphore_mem>>, %arg19: memref<!tpu.dma_semaphore, #tpu.memory_space<semaphore_mem>>, %arg20: memref<!tpu.dma_semaphore, #tpu.memory_space<semaphore_mem>>) attributes {dimension_semantics = [#tpu.dimension_semantics<core_parallel>, #tpu.dimension_semantics<subcore_parallel>], iteration_bounds = array<i64: 2, 16>, scalar_prefetch = 0 : i64, scratch_operands = 15 : i64, tpu.core_type = #tpu.core_type<sc_vector_subcore>, window_params = [{transform_indices = #map}, {transform_indices = #map1}, {transform_indices = #map1}, {transform_indices = #map2}]} {
    %scan3A = arith.constant 0 : i32
    %scan3A_0 = arith.constant 0 : i32
    %scan3A_1 = arith.constant 128 : i32
    %scan3A_2 = arith.addi %scan3A_0, %scan3A_1 : i32
    %scan3A_3 = arith.constant 1 : i32
    scf.for %scan3A_93 = %scan3A_0 to %scan3A_2 step %scan3A_3  : i32 {
      %broadcast_in_dim3A = arith.constant 0.000000e+00 : f32
      %broadcast_in_dim3A_94 = vector.broadcast %broadcast_in_dim3A : f32 to vector<16xf32>
      %swap3A = arith.index_cast %scan3A_93 : i32 to index
      %swap3A_95 = arith.constant 0 : index
      %swap3A_96 = tpu.vector_load %arg9[%swap3A, %swap3A_95] {strides = array<i32>} : memref<128x64xf32, #tpu.memory_space<vmem>>, vector<1x16xf32>,
      %swap3A_97 = vector.shape_cast %swap3A_96 : vector<1x16xf32> to vector<16xf32>
      %swap3A_98 = vector.shape_cast %broadcast_in_dim3A_94 : vector<16xf32> to vector<1x16xf32>
      tpu.vector_store %arg9[%swap3A, %swap3A_95], %swap3A_98 {strides = array<i32>} : memref<128x64xf32, #tpu.memory_space<vmem>>, vector<1x16xf32>,
      %broadcast_in_dim3A_99 = arith.constant 0.000000e+00 : f32
      %broadcast_in_dim3A_100 = vector.broadcast %broadcast_in_dim3A_99 : f32 to vector<16xf32>
      %swap3A_101 = arith.index_cast %scan3A_93 : i32 to index
      %swap3A_102 = arith.constant 16 : index
      %swap3A_103 = tpu.vector_load %arg9[%swap3A_101, %swap3A_102] {strides = array<i32>} : memref<128x64xf32, #tpu.memory_space<vmem>>, vector<1x16xf32>,
      %swap3A_104 = vector.shape_cast %swap3A_103 : vector<1x16xf32> to vector<16xf32>
      %swap3A_105 = vector.shape_cast %broadcast_in_dim3A_100 : vector<16xf32> to vector<1x16xf32>
      tpu.vector_store %arg9[%swap3A_101, %swap3A_102], %swap3A_105 {strides = array<i32>} : memref<128x64xf32, #tpu.memory_space<vmem>>, vector<1x16xf32>,
      %broadcast_in_dim3A_106 = arith.constant 0.000000e+00 : f32
      %broadcast_in_dim3A_107 = vector.broadcast %broadcast_in_dim3A_106 : f32 to vector<16xf32>
      %swap3A_108 = arith.index_cast %scan3A_93 : i32 to index
      %swap3A_109 = arith.constant 32 : index
      %swap3A_110 = tpu.vector_load %arg9[%swap3A_108, %swap3A_109] {strides = array<i32>} : memref<128x64xf32, #tpu.memory_space<vmem>>, vector<1x16xf32>,
      %swap3A_111 = vector.shape_cast %swap3A_110 : vector<1x16xf32> to vector<16xf32>
      %swap3A_112 = vector.shape_cast %broadcast_in_dim3A_107 : vector<16xf32> to vector<1x16xf32>
      tpu.vector_store %arg9[%swap3A_108, %swap3A_109], %swap3A_112 {strides = array<i32>} : memref<128x64xf32, #tpu.memory_space<vmem>>, vector<1x16xf32>,
      %broadcast_in_dim3A_113 = arith.constant 0.000000e+00 : f32
      %broadcast_in_dim3A_114 = vector.broadcast %broadcast_in_dim3A_113 : f32 to vector<16xf32>
      %swap3A_115 = arith.index_cast %scan3A_93 : i32 to index
      %swap3A_116 = arith.constant 48 : index
      %swap3A_117 = tpu.vector_load %arg9[%swap3A_115, %swap3A_116] {strides = array<i32>} : memref<128x64xf32, #tpu.memory_space<vmem>>, vector<1x16xf32>,
      %swap3A_118 = vector.shape_cast %swap3A_117 : vector<1x16xf32> to vector<16xf32>
      %swap3A_119 = vector.shape_cast %broadcast_in_dim3A_114 : vector<16xf32> to vector<1x16xf32>
      tpu.vector_store %arg9[%swap3A_115, %swap3A_116], %swap3A_119 {strides = array<i32>} : memref<128x64xf32, #tpu.memory_space<vmem>>, vector<1x16xf32>,
    }
    %scan3A_4 = arith.constant 128 : i32
    %mul3A = arith.constant 640 : i32
    %mul3A_5 = arith.muli %arg1, %mul3A : i32
    %add3A = arith.constant 0 : i32
    %add3A_6 = arith.addi %mul3A_5, %add3A : i32
    "tpu.region"() ({
      %run_scoped3A = tpu.sem_alloc : memref<!tpu.dma_semaphore, #tpu.memory_space<semaphore_mem>>
      %dma_start3A_93 = arith.constant 0 : i32
      %dma_start3A_94 = tpu.memref_slice %arg10[%add3A_6, %dma_start3A_93] : memref<10240x64xf32, #tpu.memory_space<vmem_shared>> -> memref<128x64xf32, #tpu.memory_space<vmem_shared>>
      %dma_start3A_95 = arith.constant 0 : i32
      %dma_start3A_96 = tpu.memref_slice %arg10[%add3A_6, %dma_start3A_95] : memref<10240x64xf32, #tpu.memory_space<vmem_shared>> -> memref<128x64xf32, #tpu.memory_space<vmem_shared>>
      tpu.enqueue_dma source(%arg9 : memref<128x64xf32, #tpu.memory_space<vmem>>) target(%dma_start3A_96 : memref<128x64xf32, #tpu.memory_space<vmem_shared>>) target_semaphore(%run_scoped3A : memref<!tpu.dma_semaphore, #tpu.memory_space<semaphore_mem>>)
      %dma_wait3A = arith.constant 0 : i32
      %dma_wait3A_97 = tpu.memref_slice %arg10[%add3A_6, %dma_wait3A] : memref<10240x64xf32, #tpu.memory_space<vmem_shared>> -> memref<128x64xf32, #tpu.memory_space<vmem_shared>>
      %dma_wait3A_98 = arith.constant 0 : i32
      %dma_wait3A_99 = tpu.memref_slice %arg10[%add3A_6, %dma_wait3A_98] : memref<10240x64xf32, #tpu.memory_space<vmem_shared>> -> memref<128x64xf32, #tpu.memory_space<vmem_shared>>
      tpu.wait_dma2 semaphore(%run_scoped3A : memref<!tpu.dma_semaphore, #tpu.memory_space<semaphore_mem>>) src(%arg9 : memref<128x64xf32, #tpu.memory_space<vmem>>) dst(%dma_wait3A_99 : memref<128x64xf32, #tpu.memory_space<vmem_shared>>)
      tpu.yield
    }) : () -> ()
    %mul3A_7 = arith.constant 640 : i32
    %mul3A_8 = arith.muli %arg1, %mul3A_7 : i32
    %add3A_9 = arith.constant 128 : i32
    %add3A_10 = arith.addi %mul3A_8, %add3A_9 : i32
    "tpu.region"() ({
      %run_scoped3A = tpu.sem_alloc : memref<!tpu.dma_semaphore, #tpu.memory_space<semaphore_mem>>
      %dma_start3A_93 = arith.constant 0 : i32
      %dma_start3A_94 = tpu.memref_slice %arg10[%add3A_10, %dma_start3A_93] : memref<10240x64xf32, #tpu.memory_space<vmem_shared>> -> memref<128x64xf32, #tpu.memory_space<vmem_shared>>
      %dma_start3A_95 = arith.constant 0 : i32
      %dma_start3A_96 = tpu.memref_slice %arg10[%add3A_10, %dma_start3A_95] : memref<10240x64xf32, #tpu.memory_space<vmem_shared>> -> memref<128x64xf32, #tpu.memory_space<vmem_shared>>
      tpu.enqueue_dma source(%arg9 : memref<128x64xf32, #tpu.memory_space<vmem>>) target(%dma_start3A_96 : memref<128x64xf32, #tpu.memory_space<vmem_shared>>) target_semaphore(%run_scoped3A : memref<!tpu.dma_semaphore, #tpu.memory_space<semaphore_mem>>)
      %dma_wait3A = arith.constant 0 : i32
      %dma_wait3A_97 = tpu.memref_slice %arg10[%add3A_10, %dma_wait3A] : memref<10240x64xf32, #tpu.memory_space<vmem_shared>> -> memref<128x64xf32, #tpu.memory_space<vmem_shared>>
      %dma_wait3A_98 = arith.constant 0 : i32
      %dma_wait3A_99 = tpu.memref_slice %arg10[%add3A_10, %dma_wait3A_98] : memref<10240x64xf32, #tpu.memory_space<vmem_shared>> -> memref<128x64xf32, #tpu.memory_space<vmem_shared>>
      tpu.wait_dma2 semaphore(%run_scoped3A : memref<!tpu.dma_semaphore, #tpu.memory_space<semaphore_mem>>) src(%arg9 : memref<128x64xf32, #tpu.memory_space<vmem>>) dst(%dma_wait3A_99 : memref<128x64xf32, #tpu.memory_space<vmem_shared>>)
      tpu.yield
    }) : () -> ()
    %mul3A_11 = arith.constant 640 : i32
    %mul3A_12 = arith.muli %arg1, %mul3A_11 : i32
    %add3A_13 = arith.constant 256 : i32
    %add3A_14 = arith.addi %mul3A_12, %add3A_13 : i32
    "tpu.region"() ({
      %run_scoped3A = tpu.sem_alloc : memref<!tpu.dma_semaphore, #tpu.memory_space<semaphore_mem>>
      %dma_start3A_93 = arith.constant 0 : i32
      %dma_start3A_94 = tpu.memref_slice %arg10[%add3A_14, %dma_start3A_93] : memref<10240x64xf32, #tpu.memory_space<vmem_shared>> -> memref<128x64xf32, #tpu.memory_space<vmem_shared>>
      %dma_start3A_95 = arith.constant 0 : i32
      %dma_start3A_96 = tpu.memref_slice %arg10[%add3A_14, %dma_start3A_95] : memref<10240x64xf32, #tpu.memory_space<vmem_shared>> -> memref<128x64xf32, #tpu.memory_space<vmem_shared>>
      tpu.enqueue_dma source(%arg9 : memref<128x64xf32, #tpu.memory_space<vmem>>) target(%dma_start3A_96 : memref<128x64xf32, #tpu.memory_space<vmem_shared>>) target_semaphore(%run_scoped3A : memref<!tpu.dma_semaphore, #tpu.memory_space<semaphore_mem>>)
      %dma_wait3A = arith.constant 0 : i32
      %dma_wait3A_97 = tpu.memref_slice %arg10[%add3A_14, %dma_wait3A] : memref<10240x64xf32, #tpu.memory_space<vmem_shared>> -> memref<128x64xf32, #tpu.memory_space<vmem_shared>>
      %dma_wait3A_98 = arith.constant 0 : i32
      %dma_wait3A_99 = tpu.memref_slice %arg10[%add3A_14, %dma_wait3A_98] : memref<10240x64xf32, #tpu.memory_space<vmem_shared>> -> memref<128x64xf32, #tpu.memory_space<vmem_shared>>
      tpu.wait_dma2 semaphore(%run_scoped3A : memref<!tpu.dma_semaphore, #tpu.memory_space<semaphore_mem>>) src(%arg9 : memref<128x64xf32, #tpu.memory_space<vmem>>) dst(%dma_wait3A_99 : memref<128x64xf32, #tpu.memory_space<vmem_shared>>)
      tpu.yield
    }) : () -> ()
    %mul3A_15 = arith.constant 640 : i32
    %mul3A_16 = arith.muli %arg1, %mul3A_15 : i32
    %add3A_17 = arith.constant 384 : i32
    %add3A_18 = arith.addi %mul3A_16, %add3A_17 : i32
    "tpu.region"() ({
      %run_scoped3A = tpu.sem_alloc : memref<!tpu.dma_semaphore, #tpu.memory_space<semaphore_mem>>
      %dma_start3A_93 = arith.constant 0 : i32
      %dma_start3A_94 = tpu.memref_slice %arg10[%add3A_18, %dma_start3A_93] : memref<10240x64xf32, #tpu.memory_space<vmem_shared>> -> memref<128x64xf32, #tpu.memory_space<vmem_shared>>
      %dma_start3A_95 = arith.constant 0 : i32
      %dma_start3A_96 = tpu.memref_slice %arg10[%add3A_18, %dma_start3A_95] : memref<10240x64xf32, #tpu.memory_space<vmem_shared>> -> memref<128x64xf32, #tpu.memory_space<vmem_shared>>
      tpu.enqueue_dma source(%arg9 : memref<128x64xf32, #tpu.memory_space<vmem>>) target(%dma_start3A_96 : memref<128x64xf32, #tpu.memory_space<vmem_shared>>) target_semaphore(%run_scoped3A : memref<!tpu.dma_semaphore, #tpu.memory_space<semaphore_mem>>)
      %dma_wait3A = arith.constant 0 : i32
      %dma_wait3A_97 = tpu.memref_slice %arg10[%add3A_18, %dma_wait3A] : memref<10240x64xf32, #tpu.memory_space<vmem_shared>> -> memref<128x64xf32, #tpu.memory_space<vmem_shared>>
      %dma_wait3A_98 = arith.constant 0 : i32
      %dma_wait3A_99 = tpu.memref_slice %arg10[%add3A_18, %dma_wait3A_98] : memref<10240x64xf32, #tpu.memory_space<vmem_shared>> -> memref<128x64xf32, #tpu.memory_space<vmem_shared>>
      tpu.wait_dma2 semaphore(%run_scoped3A : memref<!tpu.dma_semaphore, #tpu.memory_space<semaphore_mem>>) src(%arg9 : memref<128x64xf32, #tpu.memory_space<vmem>>) dst(%dma_wait3A_99 : memref<128x64xf32, #tpu.memory_space<vmem_shared>>)
      tpu.yield
    }) : () -> ()
    %mul3A_19 = arith.constant 640 : i32
    %mul3A_20 = arith.muli %arg1, %mul3A_19 : i32
    %add3A_21 = arith.constant 512 : i32
    %add3A_22 = arith.addi %mul3A_20, %add3A_21 : i32
    "tpu.region"() ({
      %run_scoped3A = tpu.sem_alloc : memref<!tpu.dma_semaphore, #tpu.memory_space<semaphore_mem>>
      %dma_start3A_93 = arith.constant 0 : i32
      %dma_start3A_94 = tpu.memref_slice %arg10[%add3A_22, %dma_start3A_93] : memref<10240x64xf32, #tpu.memory_space<vmem_shared>> -> memref<128x64xf32, #tpu.memory_space<vmem_shared>>
      %dma_start3A_95 = arith.constant 0 : i32
      %dma_start3A_96 = tpu.memref_slice %arg10[%add3A_22, %dma_start3A_95] : memref<10240x64xf32, #tpu.memory_space<vmem_shared>> -> memref<128x64xf32, #tpu.memory_space<vmem_shared>>
      tpu.enqueue_dma source(%arg9 : memref<128x64xf32, #tpu.memory_space<vmem>>) target(%dma_start3A_96 : memref<128x64xf32, #tpu.memory_space<vmem_shared>>) target_semaphore(%run_scoped3A : memref<!tpu.dma_semaphore, #tpu.memory_space<semaphore_mem>>)
      %dma_wait3A = arith.constant 0 : i32
      %dma_wait3A_97 = tpu.memref_slice %arg10[%add3A_22, %dma_wait3A] : memref<10240x64xf32, #tpu.memory_space<vmem_shared>> -> memref<128x64xf32, #tpu.memory_space<vmem_shared>>
      %dma_wait3A_98 = arith.constant 0 : i32
      %dma_wait3A_99 = tpu.memref_slice %arg10[%add3A_22, %dma_wait3A_98] : memref<10240x64xf32, #tpu.memory_space<vmem_shared>> -> memref<128x64xf32, #tpu.memory_space<vmem_shared>>
      tpu.wait_dma2 semaphore(%run_scoped3A : memref<!tpu.dma_semaphore, #tpu.memory_space<semaphore_mem>>) src(%arg9 : memref<128x64xf32, #tpu.memory_space<vmem>>) dst(%dma_wait3A_99 : memref<128x64xf32, #tpu.memory_space<vmem_shared>>)
      tpu.yield
    }) : () -> ()
    %barrier3A = arith.constant 0 : index
    tpu.barrier barrier_id(%barrier3A)
    "tpu.region"() ({
      %run_scoped3A = tpu.sem_alloc : memref<!tpu.dma_semaphore, #tpu.memory_space<semaphore_mem>>
      %dma_start3A_93 = arith.constant 0 : i32
      %dma_start3A_94 = arith.constant 0 : i32
      %dma_start3A_95 = tpu.memref_slice %arg3[%arg0, %arg1, %dma_start3A_93, %dma_start3A_94] : memref<2x16x80x125xi32, #tpu.memory_space<hbm>> -> memref<1x1x80x125xi32, #tpu.memory_space<hbm>>
      %dma_start3A_96 = tpu.memref_squeeze %dma_start3A_95 : memref<1x1x80x125xi32, #tpu.memory_space<hbm>> -> memref<80x125xi32, #tpu.memory_space<hbm>>
      %dma_start3A_97 = arith.constant 0 : i32
      %dma_start3A_98 = arith.constant 0 : i32
      %dma_start3A_99 = tpu.memref_slice %arg3[%arg0, %arg1, %dma_start3A_97, %dma_start3A_98] : memref<2x16x80x125xi32, #tpu.memory_space<hbm>> -> memref<1x1x80x125xi32, #tpu.memory_space<hbm>>
      %dma_start3A_100 = tpu.memref_squeeze %dma_start3A_99 : memref<1x1x80x125xi32, #tpu.memory_space<hbm>> -> memref<80x125xi32, #tpu.memory_space<hbm>>
      tpu.enqueue_dma source(%dma_start3A_100 : memref<80x125xi32, #tpu.memory_space<hbm>>) target(%arg6 : memref<80x125xi32, #tpu.memory_space<vmem>>) target_semaphore(%run_scoped3A : memref<!tpu.dma_semaphore, #tpu.memory_space<semaphore_mem>>)
      %dma_wait3A = arith.constant 0 : i32
      %dma_wait3A_101 = arith.constant 0 : i32
      %dma_wait3A_102 = tpu.memref_slice %arg3[%arg0, %arg1, %dma_wait3A, %dma_wait3A_101] : memref<2x16x80x125xi32, #tpu.memory_space<hbm>> -> memref<1x1x80x125xi32, #tpu.memory_space<hbm>>
      %dma_wait3A_103 = tpu.memref_squeeze %dma_wait3A_102 : memref<1x1x80x125xi32, #tpu.memory_space<hbm>> -> memref<80x125xi32, #tpu.memory_space<hbm>>
      %dma_wait3A_104 = arith.constant 0 : i32
      %dma_wait3A_105 = arith.constant 0 : i32
      %dma_wait3A_106 = tpu.memref_slice %arg3[%arg0, %arg1, %dma_wait3A_104, %dma_wait3A_105] : memref<2x16x80x125xi32, #tpu.memory_space<hbm>> -> memref<1x1x80x125xi32, #tpu.memory_space<hbm>>
      %dma_wait3A_107 = tpu.memref_squeeze %dma_wait3A_106 : memref<1x1x80x125xi32, #tpu.memory_space<hbm>> -> memref<80x125xi32, #tpu.memory_space<hbm>>
      tpu.wait_dma2 semaphore(%run_scoped3A : memref<!tpu.dma_semaphore, #tpu.memory_space<semaphore_mem>>) src(%dma_wait3A_107 : memref<80x125xi32, #tpu.memory_space<hbm>>) dst(%arg6 : memref<80x125xi32, #tpu.memory_space<vmem>>)
      tpu.yield
    }) : () -> ()
    "tpu.region"() ({
      %run_scoped3A = tpu.sem_alloc : memref<!tpu.dma_semaphore, #tpu.memory_space<semaphore_mem>>
      %dma_start3A_93 = arith.constant 0 : i32
      %dma_start3A_94 = arith.constant 0 : i32
      %dma_start3A_95 = tpu.memref_slice %arg4[%arg0, %arg1, %dma_start3A_93, %dma_start3A_94] : memref<2x16x80x125xi32, #tpu.memory_space<hbm>> -> memref<1x1x80x125xi32, #tpu.memory_space<hbm>>
      %dma_start3A_96 = tpu.memref_squeeze %dma_start3A_95 : memref<1x1x80x125xi32, #tpu.memory_space<hbm>> -> memref<80x125xi32, #tpu.memory_space<hbm>>
      %dma_start3A_97 = arith.constant 0 : i32
      %dma_start3A_98 = arith.constant 0 : i32
      %dma_start3A_99 = tpu.memref_slice %arg4[%arg0, %arg1, %dma_start3A_97, %dma_start3A_98] : memref<2x16x80x125xi32, #tpu.memory_space<hbm>> -> memref<1x1x80x125xi32, #tpu.memory_space<hbm>>
      %dma_start3A_100 = tpu.memref_squeeze %dma_start3A_99 : memref<1x1x80x125xi32, #tpu.memory_space<hbm>> -> memref<80x125xi32, #tpu.memory_space<hbm>>
      tpu.enqueue_dma source(%dma_start3A_100 : memref<80x125xi32, #tpu.memory_space<hbm>>) target(%arg7 : memref<80x125xi32, #tpu.memory_space<vmem>>) target_semaphore(%run_scoped3A : memref<!tpu.dma_semaphore, #tpu.memory_space<semaphore_mem>>)
      %dma_wait3A = arith.constant 0 : i32
      %dma_wait3A_101 = arith.constant 0 : i32
      %dma_wait3A_102 = tpu.memref_slice %arg4[%arg0, %arg1, %dma_wait3A, %dma_wait3A_101] : memref<2x16x80x125xi32, #tpu.memory_space<hbm>> -> memref<1x1x80x125xi32, #tpu.memory_space<hbm>>
      %dma_wait3A_103 = tpu.memref_squeeze %dma_wait3A_102 : memref<1x1x80x125xi32, #tpu.memory_space<hbm>> -> memref<80x125xi32, #tpu.memory_space<hbm>>
      %dma_wait3A_104 = arith.constant 0 : i32
      %dma_wait3A_105 = arith.constant 0 : i32
      %dma_wait3A_106 = tpu.memref_slice %arg4[%arg0, %arg1, %dma_wait3A_104, %dma_wait3A_105] : memref<2x16x80x125xi32, #tpu.memory_space<hbm>> -> memref<1x1x80x125xi32, #tpu.memory_space<hbm>>
      %dma_wait3A_107 = tpu.memref_squeeze %dma_wait3A_106 : memref<1x1x80x125xi32, #tpu.memory_space<hbm>> -> memref<80x125xi32, #tpu.memory_space<hbm>>
      tpu.wait_dma2 semaphore(%run_scoped3A : memref<!tpu.dma_semaphore, #tpu.memory_space<semaphore_mem>>) src(%dma_wait3A_107 : memref<80x125xi32, #tpu.memory_space<hbm>>) dst(%arg7 : memref<80x125xi32, #tpu.memory_space<vmem>>)
      tpu.yield
    }) : () -> ()
    %dma_start3A = arith.constant 0 : i32
    %dma_start3A_23 = arith.constant 0 : i32
    %dma_start3A_24 = arith.constant 0 : i32
    %dma_start3A_25 = arith.constant 0 : i32
    %dma_start3A_26 = tpu.memref_slice %arg8[%dma_start3A_23, %dma_start3A_24, %dma_start3A_25] : memref<5x125x64xf32, #tpu.memory_space<vmem>> -> memref<1x125x64xf32, #tpu.memory_space<vmem>>
    %dma_start3A_27 = tpu.memref_squeeze %dma_start3A_26 : memref<1x125x64xf32, #tpu.memory_space<vmem>> -> memref<125x64xf32, #tpu.memory_space<vmem>>
    %dma_start3A_28 = arith.constant 0 : i32
    %dma_start3A_29 = tpu.memref_slice %arg6[%dma_start3A, %dma_start3A_28] : memref<80x125xi32, #tpu.memory_space<vmem>> -> memref<1x125xi32, #tpu.memory_space<vmem>>
    %dma_start3A_30 = tpu.memref_squeeze %dma_start3A_29 : memref<1x125xi32, #tpu.memory_space<vmem>> -> memref<125xi32, #tpu.memory_space<vmem>>
    %dma_start3A_31 = arith.constant 0 : i32
    %dma_start3A_32 = arith.constant 0 : i32
    %dma_start3A_33 = tpu.memref_slice %arg2[%dma_start3A_31, %dma_start3A_32] : memref<10000x64xf32, #tpu.memory_space<hbm>> -> memref<10000x64xf32, #tpu.memory_space<hbm>>
    tpu.enqueue_indirect_dma source(%dma_start3A_33 : memref<10000x64xf32, #tpu.memory_space<hbm>>) target(%dma_start3A_27 : memref<125x64xf32, #tpu.memory_space<vmem>>) offsets(%dma_start3A_30 : memref<125xi32, #tpu.memory_space<vmem>>) semaphore(%arg11 : memref<!tpu.dma_semaphore, #tpu.memory_space<semaphore_mem>>)
    %dma_start3A_34 = arith.constant 1 : i32
    %dma_start3A_35 = arith.constant 1 : i32
    %dma_start3A_36 = arith.constant 0 : i32
    %dma_start3A_37 = arith.constant 0 : i32
    %dma_start3A_38 = tpu.memref_slice %arg8[%dma_start3A_35, %dma_start3A_36, %dma_start3A_37] : memref<5x125x64xf32, #tpu.memory_space<vmem>> -> memref<1x125x64xf32, #tpu.memory_space<vmem>>
    %dma_start3A_39 = tpu.memref_squeeze %dma_start3A_38 : memref<1x125x64xf32, #tpu.memory_space<vmem>> -> memref<125x64xf32, #tpu.memory_space<vmem>>
    %dma_start3A_40 = arith.constant 0 : i32
    %dma_start3A_41 = tpu.memref_slice %arg6[%dma_start3A_34, %dma_start3A_40] : memref<80x125xi32, #tpu.memory_space<vmem>> -> memref<1x125xi32, #tpu.memory_space<vmem>>
    %dma_start3A_42 = tpu.memref_squeeze %dma_start3A_41 : memref<1x125xi32, #tpu.memory_space<vmem>> -> memref<125xi32, #tpu.memory_space<vmem>>
    %dma_start3A_43 = arith.constant 0 : i32
    %dma_start3A_44 = arith.constant 0 : i32
    %dma_start3A_45 = tpu.memref_slice %arg2[%dma_start3A_43, %dma_start3A_44] : memref<10000x64xf32, #tpu.memory_space<hbm>> -> memref<10000x64xf32, #tpu.memory_space<hbm>>
    tpu.enqueue_indirect_dma source(%dma_start3A_45 : memref<10000x64xf32, #tpu.memory_space<hbm>>) target(%dma_start3A_39 : memref<125x64xf32, #tpu.memory_space<vmem>>) offsets(%dma_start3A_42 : memref<125xi32, #tpu.memory_space<vmem>>) semaphore(%arg12 : memref<!tpu.dma_semaphore, #tpu.memory_space<semaphore_mem>>)
    %dma_start3A_46 = arith.constant 2 : i32
    %dma_start3A_47 = arith.constant 2 : i32
    %dma_start3A_48 = arith.constant 0 : i32
    %dma_start3A_49 = arith.constant 0 : i32
    %dma_start3A_50 = tpu.memref_slice %arg8[%dma_start3A_47, %dma_start3A_48, %dma_start3A_49] : memref<5x125x64xf32, #tpu.memory_space<vmem>> -> memref<1x125x64xf32, #tpu.memory_space<vmem>>
    %dma_start3A_51 = tpu.memref_squeeze %dma_start3A_50 : memref<1x125x64xf32, #tpu.memory_space<vmem>> -> memref<125x64xf32, #tpu.memory_space<vmem>>
    %dma_start3A_52 = arith.constant 0 : i32
    %dma_start3A_53 = tpu.memref_slice %arg6[%dma_start3A_46, %dma_start3A_52] : memref<80x125xi32, #tpu.memory_space<vmem>> -> memref<1x125xi32, #tpu.memory_space<vmem>>
    %dma_start3A_54 = tpu.memref_squeeze %dma_start3A_53 : memref<1x125xi32, #tpu.memory_space<vmem>> -> memref<125xi32, #tpu.memory_space<vmem>>
    %dma_start3A_55 = arith.constant 0 : i32
    %dma_start3A_56 = arith.constant 0 : i32
    %dma_start3A_57 = tpu.memref_slice %arg2[%dma_start3A_55, %dma_start3A_56] : memref<10000x64xf32, #tpu.memory_space<hbm>> -> memref<10000x64xf32, #tpu.memory_space<hbm>>
    tpu.enqueue_indirect_dma source(%dma_start3A_57 : memref<10000x64xf32, #tpu.memory_space<hbm>>) target(%dma_start3A_51 : memref<125x64xf32, #tpu.memory_space<vmem>>) offsets(%dma_start3A_54 : memref<125xi32, #tpu.memory_space<vmem>>) semaphore(%arg13 : memref<!tpu.dma_semaphore, #tpu.memory_space<semaphore_mem>>)
    %dma_start3A_58 = arith.constant 3 : i32
    %dma_start3A_59 = arith.constant 3 : i32
    %dma_start3A_60 = arith.constant 0 : i32
    %dma_start3A_61 = arith.constant 0 : i32
    %dma_start3A_62 = tpu.memref_slice %arg8[%dma_start3A_59, %dma_start3A_60, %dma_start3A_61] : memref<5x125x64xf32, #tpu.memory_space<vmem>> -> memref<1x125x64xf32, #tpu.memory_space<vmem>>
    %dma_start3A_63 = tpu.memref_squeeze %dma_start3A_62 : memref<1x125x64xf32, #tpu.memory_space<vmem>> -> memref<125x64xf32, #tpu.memory_space<vmem>>
    %dma_start3A_64 = arith.constant 0 : i32
    %dma_start3A_65 = tpu.memref_slice %arg6[%dma_start3A_58, %dma_start3A_64] : memref<80x125xi32, #tpu.memory_space<vmem>> -> memref<1x125xi32, #tpu.memory_space<vmem>>
    %dma_start3A_66 = tpu.memref_squeeze %dma_start3A_65 : memref<1x125xi32, #tpu.memory_space<vmem>> -> memref<125xi32, #tpu.memory_space<vmem>>
    %dma_start3A_67 = arith.constant 0 : i32
    %dma_start3A_68 = arith.constant 0 : i32
    %dma_start3A_69 = tpu.memref_slice %arg2[%dma_start3A_67, %dma_start3A_68] : memref<10000x64xf32, #tpu.memory_space<hbm>> -> memref<10000x64xf32, #tpu.memory_space<hbm>>
    tpu.enqueue_indirect_dma source(%dma_start3A_69 : memref<10000x64xf32, #tpu.memory_space<hbm>>) target(%dma_start3A_63 : memref<125x64xf32, #tpu.memory_space<vmem>>) offsets(%dma_start3A_66 : memref<125xi32, #tpu.memory_space<vmem>>) semaphore(%arg14 : memref<!tpu.dma_semaphore, #tpu.memory_space<semaphore_mem>>)
    %dma_start3A_70 = arith.constant 4 : i32
    %dma_start3A_71 = arith.constant 4 : i32
    %dma_start3A_72 = arith.constant 0 : i32
    %dma_start3A_73 = arith.constant 0 : i32
    %dma_start3A_74 = tpu.memref_slice %arg8[%dma_start3A_71, %dma_start3A_72, %dma_start3A_73] : memref<5x125x64xf32, #tpu.memory_space<vmem>> -> memref<1x125x64xf32, #tpu.memory_space<vmem>>
    %dma_start3A_75 = tpu.memref_squeeze %dma_start3A_74 : memref<1x125x64xf32, #tpu.memory_space<vmem>> -> memref<125x64xf32, #tpu.memory_space<vmem>>
    %dma_start3A_76 = arith.constant 0 : i32
    %dma_start3A_77 = tpu.memref_slice %arg6[%dma_start3A_70, %dma_start3A_76] : memref<80x125xi32, #tpu.memory_space<vmem>> -> memref<1x125xi32, #tpu.memory_space<vmem>>
    %dma_start3A_78 = tpu.memref_squeeze %dma_start3A_77 : memref<1x125xi32, #tpu.memory_space<vmem>> -> memref<125xi32, #tpu.memory_space<vmem>>
    %dma_start3A_79 = arith.constant 0 : i32
    %dma_start3A_80 = arith.constant 0 : i32
    %dma_start3A_81 = tpu.memref_slice %arg2[%dma_start3A_79, %dma_start3A_80] : memref<10000x64xf32, #tpu.memory_space<hbm>> -> memref<10000x64xf32, #tpu.memory_space<hbm>>
    tpu.enqueue_indirect_dma source(%dma_start3A_81 : memref<10000x64xf32, #tpu.memory_space<hbm>>) target(%dma_start3A_75 : memref<125x64xf32, #tpu.memory_space<vmem>>) offsets(%dma_start3A_78 : memref<125xi32, #tpu.memory_space<vmem>>) semaphore(%arg15 : memref<!tpu.dma_semaphore, #tpu.memory_space<semaphore_mem>>)
    %scan3A_82 = arith.constant 0 : i32
    %scan3A_83 = arith.constant 0 : i32
    %scan3A_84 = arith.constant 16 : i32
    %scan3A_85 = arith.addi %scan3A_83, %scan3A_84 : i32
    %scan3A_86 = arith.constant 1 : i32
    scf.for %scan3A_93 = %scan3A_83 to %scan3A_85 step %scan3A_86  : i32 {
      %mul3A_94 = arith.constant 5 : i32
      %mul3A_95 = arith.muli %mul3A_94, %scan3A_93 : i32
      %add3A_96 = arith.constant 0 : i32
      %add3A_97 = arith.addi %mul3A_95, %add3A_96 : i32
      %dma_wait3A = arith.constant 0 : i32
      %dma_wait3A_98 = arith.constant 0 : i32
      %dma_wait3A_99 = arith.constant 0 : i32
      %dma_wait3A_100 = tpu.memref_slice %arg8[%dma_wait3A, %dma_wait3A_98, %dma_wait3A_99] : memref<5x125x64xf32, #tpu.memory_space<vmem>> -> memref<1x125x64xf32, #tpu.memory_space<vmem>>
      %dma_wait3A_101 = tpu.memref_squeeze %dma_wait3A_100 : memref<1x125x64xf32, #tpu.memory_space<vmem>> -> memref<125x64xf32, #tpu.memory_space<vmem>>
      %dma_wait3A_102 = arith.constant 0 : i32
      %dma_wait3A_103 = tpu.memref_slice %arg6[%add3A_97, %dma_wait3A_102] : memref<80x125xi32, #tpu.memory_space<vmem>> -> memref<1x125xi32, #tpu.memory_space<vmem>>
      %dma_wait3A_104 = tpu.memref_squeeze %dma_wait3A_103 : memref<1x125xi32, #tpu.memory_space<vmem>> -> memref<125xi32, #tpu.memory_space<vmem>>
      %dma_wait3A_105 = arith.constant 0 : i32
      %dma_wait3A_106 = arith.constant 0 : i32
      %dma_wait3A_107 = tpu.memref_slice %arg2[%dma_wait3A_105, %dma_wait3A_106] : memref<10000x64xf32, #tpu.memory_space<hbm>> -> memref<10000x64xf32, #tpu.memory_space<hbm>>
      tpu.wait_indirect_dma semaphore(%arg11 : memref<!tpu.dma_semaphore, #tpu.memory_space<semaphore_mem>>) src(%dma_wait3A_107 : memref<10000x64xf32, #tpu.memory_space<hbm>>) dst(%dma_wait3A_101 : memref<125x64xf32, #tpu.memory_space<vmem>>)
      %dma_start3A_108 = arith.constant 0 : i32
      %dma_start3A_109 = arith.constant 0 : i32
      %dma_start3A_110 = arith.constant 0 : i32
      %dma_start3A_111 = tpu.memref_slice %arg8[%dma_start3A_108, %dma_start3A_109, %dma_start3A_110] : memref<5x125x64xf32, #tpu.memory_space<vmem>> -> memref<1x125x64xf32, #tpu.memory_space<vmem>>
      %dma_start3A_112 = tpu.memref_squeeze %dma_start3A_111 : memref<1x125x64xf32, #tpu.memory_space<vmem>> -> memref<125x64xf32, #tpu.memory_space<vmem>>
      %dma_start3A_113 = arith.constant 0 : i32
      %dma_start3A_114 = tpu.memref_slice %arg7[%add3A_97, %dma_start3A_113] : memref<80x125xi32, #tpu.memory_space<vmem>> -> memref<1x125xi32, #tpu.memory_space<vmem>>
      %dma_start3A_115 = tpu.memref_squeeze %dma_start3A_114 : memref<1x125xi32, #tpu.memory_space<vmem>> -> memref<125xi32, #tpu.memory_space<vmem>>
      %dma_start3A_116 = arith.constant 0 : i32
      %dma_start3A_117 = arith.constant 0 : i32
      %dma_start3A_118 = tpu.memref_slice %arg10[%dma_start3A_116, %dma_start3A_117] : memref<10240x64xf32, #tpu.memory_space<vmem_shared>> -> memref<10240x64xf32, #tpu.memory_space<vmem_shared>>
      tpu.enqueue_indirect_dma source(%dma_start3A_112 : memref<125x64xf32, #tpu.memory_space<vmem>>) target(%dma_start3A_118 : memref<10240x64xf32, #tpu.memory_space<vmem_shared>>) offsets(%dma_start3A_115 : memref<125xi32, #tpu.memory_space<vmem>>) semaphore(%arg16 : memref<!tpu.dma_semaphore, #tpu.memory_space<semaphore_mem>>) {add = true}
      %dma_wait3A_119 = arith.constant 0 : i32
      %dma_wait3A_120 = arith.constant 0 : i32
      %dma_wait3A_121 = arith.constant 0 : i32
      %dma_wait3A_122 = tpu.memref_slice %arg8[%dma_wait3A_119, %dma_wait3A_120, %dma_wait3A_121] : memref<5x125x64xf32, #tpu.memory_space<vmem>> -> memref<1x125x64xf32, #tpu.memory_space<vmem>>
      %dma_wait3A_123 = tpu.memref_squeeze %dma_wait3A_122 : memref<1x125x64xf32, #tpu.memory_space<vmem>> -> memref<125x64xf32, #tpu.memory_space<vmem>>
      %dma_wait3A_124 = arith.constant 0 : i32
      %dma_wait3A_125 = tpu.memref_slice %arg6[%add3A_97, %dma_wait3A_124] : memref<80x125xi32, #tpu.memory_space<vmem>> -> memref<1x125xi32, #tpu.memory_space<vmem>>
      %dma_wait3A_126 = tpu.memref_squeeze %dma_wait3A_125 : memref<1x125xi32, #tpu.memory_space<vmem>> -> memref<125xi32, #tpu.memory_space<vmem>>
      %dma_wait3A_127 = arith.constant 0 : i32
      %dma_wait3A_128 = arith.constant 0 : i32
      %dma_wait3A_129 = tpu.memref_slice %arg2[%dma_wait3A_127, %dma_wait3A_128] : memref<10000x64xf32, #tpu.memory_space<hbm>> -> memref<10000x64xf32, #tpu.memory_space<hbm>>
      tpu.wait_indirect_dma semaphore(%arg16 : memref<!tpu.dma_semaphore, #tpu.memory_space<semaphore_mem>>) src(%dma_wait3A_129 : memref<10000x64xf32, #tpu.memory_space<hbm>>) dst(%dma_wait3A_123 : memref<125x64xf32, #tpu.memory_space<vmem>>)
      %add3A_130 = arith.constant 5 : i32
      %add3A_131 = arith.addi %add3A_97, %add3A_130 : i32
      %lt3A = arith.constant 80 : i32
      %lt3A_132 = arith.cmpi slt, %add3A_131, %lt3A : i32
      %convert_element_type3A = arith.extui %lt3A_132 : i1 to i32
      %cond3A = arith.constant 0 : i32
      %cond3A_133 = arith.cmpi ne, %convert_element_type3A, %cond3A : i32
      scf.if %cond3A_133 {
        %add3A_310 = arith.constant 5 : i32
        %add3A_311 = arith.addi %add3A_97, %add3A_310 : i32
        %dma_start3A_312 = arith.constant 0 : i32
        %dma_start3A_313 = arith.constant 0 : i32
        %dma_start3A_314 = arith.constant 0 : i32
        %dma_start3A_315 = tpu.memref_slice %arg8[%dma_start3A_312, %dma_start3A_313, %dma_start3A_314] : memref<5x125x64xf32, #tpu.memory_space<vmem>> -> memref<1x125x64xf32, #tpu.memory_space<vmem>>
        %dma_start3A_316 = tpu.memref_squeeze %dma_start3A_315 : memref<1x125x64xf32, #tpu.memory_space<vmem>> -> memref<125x64xf32, #tpu.memory_space<vmem>>
        %dma_start3A_317 = arith.constant 0 : i32
        %dma_start3A_318 = tpu.memref_slice %arg6[%add3A_311, %dma_start3A_317] : memref<80x125xi32, #tpu.memory_space<vmem>> -> memref<1x125xi32, #tpu.memory_space<vmem>>
        %dma_start3A_319 = tpu.memref_squeeze %dma_start3A_318 : memref<1x125xi32, #tpu.memory_space<vmem>> -> memref<125xi32, #tpu.memory_space<vmem>>
        %dma_start3A_320 = arith.constant 0 : i32
        %dma_start3A_321 = arith.constant 0 : i32
        %dma_start3A_322 = tpu.memref_slice %arg2[%dma_start3A_320, %dma_start3A_321] : memref<10000x64xf32, #tpu.memory_space<hbm>> -> memref<10000x64xf32, #tpu.memory_space<hbm>>
        tpu.enqueue_indirect_dma source(%dma_start3A_322 : memref<10000x64xf32, #tpu.memory_space<hbm>>) target(%dma_start3A_316 : memref<125x64xf32, #tpu.memory_space<vmem>>) offsets(%dma_start3A_319 : memref<125xi32, #tpu.memory_space<vmem>>) semaphore(%arg11 : memref<!tpu.dma_semaphore, #tpu.memory_space<semaphore_mem>>)
      } else {
      }
      %mul3A_134 = arith.constant 5 : i32
      %mul3A_135 = arith.muli %mul3A_134, %scan3A_93 : i32
      %add3A_136 = arith.constant 1 : i32
      %add3A_137 = arith.addi %mul3A_135, %add3A_136 : i32
      %dma_wait3A_138 = arith.constant 1 : i32
      %dma_wait3A_139 = arith.constant 0 : i32
      %dma_wait3A_140 = arith.constant 0 : i32
      %dma_wait3A_141 = tpu.memref_slice %arg8[%dma_wait3A_138, %dma_wait3A_139, %dma_wait3A_140] : memref<5x125x64xf32, #tpu.memory_space<vmem>> -> memref<1x125x64xf32, #tpu.memory_space<vmem>>
      %dma_wait3A_142 = tpu.memref_squeeze %dma_wait3A_141 : memref<1x125x64xf32, #tpu.memory_space<vmem>> -> memref<125x64xf32, #tpu.memory_space<vmem>>
      %dma_wait3A_143 = arith.constant 0 : i32
      %dma_wait3A_144 = tpu.memref_slice %arg6[%add3A_137, %dma_wait3A_143] : memref<80x125xi32, #tpu.memory_space<vmem>> -> memref<1x125xi32, #tpu.memory_space<vmem>>
      %dma_wait3A_145 = tpu.memref_squeeze %dma_wait3A_144 : memref<1x125xi32, #tpu.memory_space<vmem>> -> memref<125xi32, #tpu.memory_space<vmem>>
      %dma_wait3A_146 = arith.constant 0 : i32
      %dma_wait3A_147 = arith.constant 0 : i32
      %dma_wait3A_148 = tpu.memref_slice %arg2[%dma_wait3A_146, %dma_wait3A_147] : memref<10000x64xf32, #tpu.memory_space<hbm>> -> memref<10000x64xf32, #tpu.memory_space<hbm>>
      tpu.wait_indirect_dma semaphore(%arg12 : memref<!tpu.dma_semaphore, #tpu.memory_space<semaphore_mem>>) src(%dma_wait3A_148 : memref<10000x64xf32, #tpu.memory_space<hbm>>) dst(%dma_wait3A_142 : memref<125x64xf32, #tpu.memory_space<vmem>>)
      %dma_start3A_149 = arith.constant 1 : i32
      %dma_start3A_150 = arith.constant 0 : i32
      %dma_start3A_151 = arith.constant 0 : i32
      %dma_start3A_152 = tpu.memref_slice %arg8[%dma_start3A_149, %dma_start3A_150, %dma_start3A_151] : memref<5x125x64xf32, #tpu.memory_space<vmem>> -> memref<1x125x64xf32, #tpu.memory_space<vmem>>
      %dma_start3A_153 = tpu.memref_squeeze %dma_start3A_152 : memref<1x125x64xf32, #tpu.memory_space<vmem>> -> memref<125x64xf32, #tpu.memory_space<vmem>>
      %dma_start3A_154 = arith.constant 0 : i32
      %dma_start3A_155 = tpu.memref_slice %arg7[%add3A_137, %dma_start3A_154] : memref<80x125xi32, #tpu.memory_space<vmem>> -> memref<1x125xi32, #tpu.memory_space<vmem>>
      %dma_start3A_156 = tpu.memref_squeeze %dma_start3A_155 : memref<1x125xi32, #tpu.memory_space<vmem>> -> memref<125xi32, #tpu.memory_space<vmem>>
      %dma_start3A_157 = arith.constant 0 : i32
      %dma_start3A_158 = arith.constant 0 : i32
      %dma_start3A_159 = tpu.memref_slice %arg10[%dma_start3A_157, %dma_start3A_158] : memref<10240x64xf32, #tpu.memory_space<vmem_shared>> -> memref<10240x64xf32, #tpu.memory_space<vmem_shared>>
      tpu.enqueue_indirect_dma source(%dma_start3A_153 : memref<125x64xf32, #tpu.memory_space<vmem>>) target(%dma_start3A_159 : memref<10240x64xf32, #tpu.memory_space<vmem_shared>>) offsets(%dma_start3A_156 : memref<125xi32, #tpu.memory_space<vmem>>) semaphore(%arg17 : memref<!tpu.dma_semaphore, #tpu.memory_space<semaphore_mem>>) {add = true}
      %dma_wait3A_160 = arith.constant 1 : i32
      %dma_wait3A_161 = arith.constant 0 : i32
      %dma_wait3A_162 = arith.constant 0 : i32
      %dma_wait3A_163 = tpu.memref_slice %arg8[%dma_wait3A_160, %dma_wait3A_161, %dma_wait3A_162] : memref<5x125x64xf32, #tpu.memory_space<vmem>> -> memref<1x125x64xf32, #tpu.memory_space<vmem>>
      %dma_wait3A_164 = tpu.memref_squeeze %dma_wait3A_163 : memref<1x125x64xf32, #tpu.memory_space<vmem>> -> memref<125x64xf32, #tpu.memory_space<vmem>>
      %dma_wait3A_165 = arith.constant 0 : i32
      %dma_wait3A_166 = tpu.memref_slice %arg6[%add3A_137, %dma_wait3A_165] : memref<80x125xi32, #tpu.memory_space<vmem>> -> memref<1x125xi32, #tpu.memory_space<vmem>>
      %dma_wait3A_167 = tpu.memref_squeeze %dma_wait3A_166 : memref<1x125xi32, #tpu.memory_space<vmem>> -> memref<125xi32, #tpu.memory_space<vmem>>
      %dma_wait3A_168 = arith.constant 0 : i32
      %dma_wait3A_169 = arith.constant 0 : i32
      %dma_wait3A_170 = tpu.memref_slice %arg2[%dma_wait3A_168, %dma_wait3A_169] : memref<10000x64xf32, #tpu.memory_space<hbm>> -> memref<10000x64xf32, #tpu.memory_space<hbm>>
      tpu.wait_indirect_dma semaphore(%arg17 : memref<!tpu.dma_semaphore, #tpu.memory_space<semaphore_mem>>) src(%dma_wait3A_170 : memref<10000x64xf32, #tpu.memory_space<hbm>>) dst(%dma_wait3A_164 : memref<125x64xf32, #tpu.memory_space<vmem>>)
      %add3A_171 = arith.constant 5 : i32
      %add3A_172 = arith.addi %add3A_137, %add3A_171 : i32
      %lt3A_173 = arith.constant 80 : i32
      %lt3A_174 = arith.cmpi slt, %add3A_172, %lt3A_173 : i32
      %convert_element_type3A_175 = arith.extui %lt3A_174 : i1 to i32
      %cond3A_176 = arith.constant 0 : i32
      %cond3A_177 = arith.cmpi ne, %convert_element_type3A_175, %cond3A_176 : i32
      scf.if %cond3A_177 {
        %add3A_310 = arith.constant 5 : i32
        %add3A_311 = arith.addi %add3A_137, %add3A_310 : i32
        %dma_start3A_312 = arith.constant 1 : i32
        %dma_start3A_313 = arith.constant 0 : i32
        %dma_start3A_314 = arith.constant 0 : i32
        %dma_start3A_315 = tpu.memref_slice %arg8[%dma_start3A_312, %dma_start3A_313, %dma_start3A_314] : memref<5x125x64xf32, #tpu.memory_space<vmem>> -> memref<1x125x64xf32, #tpu.memory_space<vmem>>
        %dma_start3A_316 = tpu.memref_squeeze %dma_start3A_315 : memref<1x125x64xf32, #tpu.memory_space<vmem>> -> memref<125x64xf32, #tpu.memory_space<vmem>>
        %dma_start3A_317 = arith.constant 0 : i32
        %dma_start3A_318 = tpu.memref_slice %arg6[%add3A_311, %dma_start3A_317] : memref<80x125xi32, #tpu.memory_space<vmem>> -> memref<1x125xi32, #tpu.memory_space<vmem>>
        %dma_start3A_319 = tpu.memref_squeeze %dma_start3A_318 : memref<1x125xi32, #tpu.memory_space<vmem>> -> memref<125xi32, #tpu.memory_space<vmem>>
        %dma_start3A_320 = arith.constant 0 : i32
        %dma_start3A_321 = arith.constant 0 : i32
        %dma_start3A_322 = tpu.memref_slice %arg2[%dma_start3A_320, %dma_start3A_321] : memref<10000x64xf32, #tpu.memory_space<hbm>> -> memref<10000x64xf32, #tpu.memory_space<hbm>>
        tpu.enqueue_indirect_dma source(%dma_start3A_322 : memref<10000x64xf32, #tpu.memory_space<hbm>>) target(%dma_start3A_316 : memref<125x64xf32, #tpu.memory_space<vmem>>) offsets(%dma_start3A_319 : memref<125xi32, #tpu.memory_space<vmem>>) semaphore(%arg12 : memref<!tpu.dma_semaphore, #tpu.memory_space<semaphore_mem>>)
      } else {
      }
      %mul3A_178 = arith.constant 5 : i32
      %mul3A_179 = arith.muli %mul3A_178, %scan3A_93 : i32
      %add3A_180 = arith.constant 2 : i32
      %add3A_181 = arith.addi %mul3A_179, %add3A_180 : i32
      %dma_wait3A_182 = arith.constant 2 : i32
      %dma_wait3A_183 = arith.constant 0 : i32
      %dma_wait3A_184 = arith.constant 0 : i32
      %dma_wait3A_185 = tpu.memref_slice %arg8[%dma_wait3A_182, %dma_wait3A_183, %dma_wait3A_184] : memref<5x125x64xf32, #tpu.memory_space<vmem>> -> memref<1x125x64xf32, #tpu.memory_space<vmem>>
      %dma_wait3A_186 = tpu.memref_squeeze %dma_wait3A_185 : memref<1x125x64xf32, #tpu.memory_space<vmem>> -> memref<125x64xf32, #tpu.memory_space<vmem>>
      %dma_wait3A_187 = arith.constant 0 : i32
      %dma_wait3A_188 = tpu.memref_slice %arg6[%add3A_181, %dma_wait3A_187] : memref<80x125xi32, #tpu.memory_space<vmem>> -> memref<1x125xi32, #tpu.memory_space<vmem>>
      %dma_wait3A_189 = tpu.memref_squeeze %dma_wait3A_188 : memref<1x125xi32, #tpu.memory_space<vmem>> -> memref<125xi32, #tpu.memory_space<vmem>>
      %dma_wait3A_190 = arith.constant 0 : i32
      %dma_wait3A_191 = arith.constant 0 : i32
      %dma_wait3A_192 = tpu.memref_slice %arg2[%dma_wait3A_190, %dma_wait3A_191] : memref<10000x64xf32, #tpu.memory_space<hbm>> -> memref<10000x64xf32, #tpu.memory_space<hbm>>
      tpu.wait_indirect_dma semaphore(%arg13 : memref<!tpu.dma_semaphore, #tpu.memory_space<semaphore_mem>>) src(%dma_wait3A_192 : memref<10000x64xf32, #tpu.memory_space<hbm>>) dst(%dma_wait3A_186 : memref<125x64xf32, #tpu.memory_space<vmem>>)
      %dma_start3A_193 = arith.constant 2 : i32
      %dma_start3A_194 = arith.constant 0 : i32
      %dma_start3A_195 = arith.constant 0 : i32
      %dma_start3A_196 = tpu.memref_slice %arg8[%dma_start3A_193, %dma_start3A_194, %dma_start3A_195] : memref<5x125x64xf32, #tpu.memory_space<vmem>> -> memref<1x125x64xf32, #tpu.memory_space<vmem>>
      %dma_start3A_197 = tpu.memref_squeeze %dma_start3A_196 : memref<1x125x64xf32, #tpu.memory_space<vmem>> -> memref<125x64xf32, #tpu.memory_space<vmem>>
      %dma_start3A_198 = arith.constant 0 : i32
      %dma_start3A_199 = tpu.memref_slice %arg7[%add3A_181, %dma_start3A_198] : memref<80x125xi32, #tpu.memory_space<vmem>> -> memref<1x125xi32, #tpu.memory_space<vmem>>
      %dma_start3A_200 = tpu.memref_squeeze %dma_start3A_199 : memref<1x125xi32, #tpu.memory_space<vmem>> -> memref<125xi32, #tpu.memory_space<vmem>>
      %dma_start3A_201 = arith.constant 0 : i32
      %dma_start3A_202 = arith.constant 0 : i32
      %dma_start3A_203 = tpu.memref_slice %arg10[%dma_start3A_201, %dma_start3A_202] : memref<10240x64xf32, #tpu.memory_space<vmem_shared>> -> memref<10240x64xf32, #tpu.memory_space<vmem_shared>>
      tpu.enqueue_indirect_dma source(%dma_start3A_197 : memref<125x64xf32, #tpu.memory_space<vmem>>) target(%dma_start3A_203 : memref<10240x64xf32, #tpu.memory_space<vmem_shared>>) offsets(%dma_start3A_200 : memref<125xi32, #tpu.memory_space<vmem>>) semaphore(%arg18 : memref<!tpu.dma_semaphore, #tpu.memory_space<semaphore_mem>>) {add = true}
      %dma_wait3A_204 = arith.constant 2 : i32
      %dma_wait3A_205 = arith.constant 0 : i32
      %dma_wait3A_206 = arith.constant 0 : i32
      %dma_wait3A_207 = tpu.memref_slice %arg8[%dma_wait3A_204, %dma_wait3A_205, %dma_wait3A_206] : memref<5x125x64xf32, #tpu.memory_space<vmem>> -> memref<1x125x64xf32, #tpu.memory_space<vmem>>
      %dma_wait3A_208 = tpu.memref_squeeze %dma_wait3A_207 : memref<1x125x64xf32, #tpu.memory_space<vmem>> -> memref<125x64xf32, #tpu.memory_space<vmem>>
      %dma_wait3A_209 = arith.constant 0 : i32
      %dma_wait3A_210 = tpu.memref_slice %arg6[%add3A_181, %dma_wait3A_209] : memref<80x125xi32, #tpu.memory_space<vmem>> -> memref<1x125xi32, #tpu.memory_space<vmem>>
      %dma_wait3A_211 = tpu.memref_squeeze %dma_wait3A_210 : memref<1x125xi32, #tpu.memory_space<vmem>> -> memref<125xi32, #tpu.memory_space<vmem>>
      %dma_wait3A_212 = arith.constant 0 : i32
      %dma_wait3A_213 = arith.constant 0 : i32
      %dma_wait3A_214 = tpu.memref_slice %arg2[%dma_wait3A_212, %dma_wait3A_213] : memref<10000x64xf32, #tpu.memory_space<hbm>> -> memref<10000x64xf32, #tpu.memory_space<hbm>>
      tpu.wait_indirect_dma semaphore(%arg18 : memref<!tpu.dma_semaphore, #tpu.memory_space<semaphore_mem>>) src(%dma_wait3A_214 : memref<10000x64xf32, #tpu.memory_space<hbm>>) dst(%dma_wait3A_208 : memref<125x64xf32, #tpu.memory_space<vmem>>)
      %add3A_215 = arith.constant 5 : i32
      %add3A_216 = arith.addi %add3A_181, %add3A_215 : i32
      %lt3A_217 = arith.constant 80 : i32
      %lt3A_218 = arith.cmpi slt, %add3A_216, %lt3A_217 : i32
      %convert_element_type3A_219 = arith.extui %lt3A_218 : i1 to i32
      %cond3A_220 = arith.constant 0 : i32
      %cond3A_221 = arith.cmpi ne, %convert_element_type3A_219, %cond3A_220 : i32
      scf.if %cond3A_221 {
        %add3A_310 = arith.constant 5 : i32
        %add3A_311 = arith.addi %add3A_181, %add3A_310 : i32
        %dma_start3A_312 = arith.constant 2 : i32
        %dma_start3A_313 = arith.constant 0 : i32
        %dma_start3A_314 = arith.constant 0 : i32
        %dma_start3A_315 = tpu.memref_slice %arg8[%dma_start3A_312, %dma_start3A_313, %dma_start3A_314] : memref<5x125x64xf32, #tpu.memory_space<vmem>> -> memref<1x125x64xf32, #tpu.memory_space<vmem>>
        %dma_start3A_316 = tpu.memref_squeeze %dma_start3A_315 : memref<1x125x64xf32, #tpu.memory_space<vmem>> -> memref<125x64xf32, #tpu.memory_space<vmem>>
        %dma_start3A_317 = arith.constant 0 : i32
        %dma_start3A_318 = tpu.memref_slice %arg6[%add3A_311, %dma_start3A_317] : memref<80x125xi32, #tpu.memory_space<vmem>> -> memref<1x125xi32, #tpu.memory_space<vmem>>
        %dma_start3A_319 = tpu.memref_squeeze %dma_start3A_318 : memref<1x125xi32, #tpu.memory_space<vmem>> -> memref<125xi32, #tpu.memory_space<vmem>>
        %dma_start3A_320 = arith.constant 0 : i32
        %dma_start3A_321 = arith.constant 0 : i32
        %dma_start3A_322 = tpu.memref_slice %arg2[%dma_start3A_320, %dma_start3A_321] : memref<10000x64xf32, #tpu.memory_space<hbm>> -> memref<10000x64xf32, #tpu.memory_space<hbm>>
        tpu.enqueue_indirect_dma source(%dma_start3A_322 : memref<10000x64xf32, #tpu.memory_space<hbm>>) target(%dma_start3A_316 : memref<125x64xf32, #tpu.memory_space<vmem>>) offsets(%dma_start3A_319 : memref<125xi32, #tpu.memory_space<vmem>>) semaphore(%arg13 : memref<!tpu.dma_semaphore, #tpu.memory_space<semaphore_mem>>)
      } else {
      }
      %mul3A_222 = arith.constant 5 : i32
      %mul3A_223 = arith.muli %mul3A_222, %scan3A_93 : i32
      %add3A_224 = arith.constant 3 : i32
      %add3A_225 = arith.addi %mul3A_223, %add3A_224 : i32
      %dma_wait3A_226 = arith.constant 3 : i32
      %dma_wait3A_227 = arith.constant 0 : i32
      %dma_wait3A_228 = arith.constant 0 : i32
      %dma_wait3A_229 = tpu.memref_slice %arg8[%dma_wait3A_226, %dma_wait3A_227, %dma_wait3A_228] : memref<5x125x64xf32, #tpu.memory_space<vmem>> -> memref<1x125x64xf32, #tpu.memory_space<vmem>>
      %dma_wait3A_230 = tpu.memref_squeeze %dma_wait3A_229 : memref<1x125x64xf32, #tpu.memory_space<vmem>> -> memref<125x64xf32, #tpu.memory_space<vmem>>
      %dma_wait3A_231 = arith.constant 0 : i32
      %dma_wait3A_232 = tpu.memref_slice %arg6[%add3A_225, %dma_wait3A_231] : memref<80x125xi32, #tpu.memory_space<vmem>> -> memref<1x125xi32, #tpu.memory_space<vmem>>
      %dma_wait3A_233 = tpu.memref_squeeze %dma_wait3A_232 : memref<1x125xi32, #tpu.memory_space<vmem>> -> memref<125xi32, #tpu.memory_space<vmem>>
      %dma_wait3A_234 = arith.constant 0 : i32
      %dma_wait3A_235 = arith.constant 0 : i32
      %dma_wait3A_236 = tpu.memref_slice %arg2[%dma_wait3A_234, %dma_wait3A_235] : memref<10000x64xf32, #tpu.memory_space<hbm>> -> memref<10000x64xf32, #tpu.memory_space<hbm>>
      tpu.wait_indirect_dma semaphore(%arg14 : memref<!tpu.dma_semaphore, #tpu.memory_space<semaphore_mem>>) src(%dma_wait3A_236 : memref<10000x64xf32, #tpu.memory_space<hbm>>) dst(%dma_wait3A_230 : memref<125x64xf32, #tpu.memory_space<vmem>>)
      %dma_start3A_237 = arith.constant 3 : i32
      %dma_start3A_238 = arith.constant 0 : i32
      %dma_start3A_239 = arith.constant 0 : i32
      %dma_start3A_240 = tpu.memref_slice %arg8[%dma_start3A_237, %dma_start3A_238, %dma_start3A_239] : memref<5x125x64xf32, #tpu.memory_space<vmem>> -> memref<1x125x64xf32, #tpu.memory_space<vmem>>
      %dma_start3A_241 = tpu.memref_squeeze %dma_start3A_240 : memref<1x125x64xf32, #tpu.memory_space<vmem>> -> memref<125x64xf32, #tpu.memory_space<vmem>>
      %dma_start3A_242 = arith.constant 0 : i32
      %dma_start3A_243 = tpu.memref_slice %arg7[%add3A_225, %dma_start3A_242] : memref<80x125xi32, #tpu.memory_space<vmem>> -> memref<1x125xi32, #tpu.memory_space<vmem>>
      %dma_start3A_244 = tpu.memref_squeeze %dma_start3A_243 : memref<1x125xi32, #tpu.memory_space<vmem>> -> memref<125xi32, #tpu.memory_space<vmem>>
      %dma_start3A_245 = arith.constant 0 : i32
      %dma_start3A_246 = arith.constant 0 : i32
      %dma_start3A_247 = tpu.memref_slice %arg10[%dma_start3A_245, %dma_start3A_246] : memref<10240x64xf32, #tpu.memory_space<vmem_shared>> -> memref<10240x64xf32, #tpu.memory_space<vmem_shared>>
      tpu.enqueue_indirect_dma source(%dma_start3A_241 : memref<125x64xf32, #tpu.memory_space<vmem>>) target(%dma_start3A_247 : memref<10240x64xf32, #tpu.memory_space<vmem_shared>>) offsets(%dma_start3A_244 : memref<125xi32, #tpu.memory_space<vmem>>) semaphore(%arg19 : memref<!tpu.dma_semaphore, #tpu.memory_space<semaphore_mem>>) {add = true}
      %dma_wait3A_248 = arith.constant 3 : i32
      %dma_wait3A_249 = arith.constant 0 : i32
      %dma_wait3A_250 = arith.constant 0 : i32
      %dma_wait3A_251 = tpu.memref_slice %arg8[%dma_wait3A_248, %dma_wait3A_249, %dma_wait3A_250] : memref<5x125x64xf32, #tpu.memory_space<vmem>> -> memref<1x125x64xf32, #tpu.memory_space<vmem>>
      %dma_wait3A_252 = tpu.memref_squeeze %dma_wait3A_251 : memref<1x125x64xf32, #tpu.memory_space<vmem>> -> memref<125x64xf32, #tpu.memory_space<vmem>>
      %dma_wait3A_253 = arith.constant 0 : i32
      %dma_wait3A_254 = tpu.memref_slice %arg6[%add3A_225, %dma_wait3A_253] : memref<80x125xi32, #tpu.memory_space<vmem>> -> memref<1x125xi32, #tpu.memory_space<vmem>>
      %dma_wait3A_255 = tpu.memref_squeeze %dma_wait3A_254 : memref<1x125xi32, #tpu.memory_space<vmem>> -> memref<125xi32, #tpu.memory_space<vmem>>
      %dma_wait3A_256 = arith.constant 0 : i32
      %dma_wait3A_257 = arith.constant 0 : i32
      %dma_wait3A_258 = tpu.memref_slice %arg2[%dma_wait3A_256, %dma_wait3A_257] : memref<10000x64xf32, #tpu.memory_space<hbm>> -> memref<10000x64xf32, #tpu.memory_space<hbm>>
      tpu.wait_indirect_dma semaphore(%arg19 : memref<!tpu.dma_semaphore, #tpu.memory_space<semaphore_mem>>) src(%dma_wait3A_258 : memref<10000x64xf32, #tpu.memory_space<hbm>>) dst(%dma_wait3A_252 : memref<125x64xf32, #tpu.memory_space<vmem>>)
      %add3A_259 = arith.constant 5 : i32
      %add3A_260 = arith.addi %add3A_225, %add3A_259 : i32
      %lt3A_261 = arith.constant 80 : i32
      %lt3A_262 = arith.cmpi slt, %add3A_260, %lt3A_261 : i32
      %convert_element_type3A_263 = arith.extui %lt3A_262 : i1 to i32
      %cond3A_264 = arith.constant 0 : i32
      %cond3A_265 = arith.cmpi ne, %convert_element_type3A_263, %cond3A_264 : i32
      scf.if %cond3A_265 {
        %add3A_310 = arith.constant 5 : i32
        %add3A_311 = arith.addi %add3A_225, %add3A_310 : i32
        %dma_start3A_312 = arith.constant 3 : i32
        %dma_start3A_313 = arith.constant 0 : i32
        %dma_start3A_314 = arith.constant 0 : i32
        %dma_start3A_315 = tpu.memref_slice %arg8[%dma_start3A_312, %dma_start3A_313, %dma_start3A_314] : memref<5x125x64xf32, #tpu.memory_space<vmem>> -> memref<1x125x64xf32, #tpu.memory_space<vmem>>
        %dma_start3A_316 = tpu.memref_squeeze %dma_start3A_315 : memref<1x125x64xf32, #tpu.memory_space<vmem>> -> memref<125x64xf32, #tpu.memory_space<vmem>>
        %dma_start3A_317 = arith.constant 0 : i32
        %dma_start3A_318 = tpu.memref_slice %arg6[%add3A_311, %dma_start3A_317] : memref<80x125xi32, #tpu.memory_space<vmem>> -> memref<1x125xi32, #tpu.memory_space<vmem>>
        %dma_start3A_319 = tpu.memref_squeeze %dma_start3A_318 : memref<1x125xi32, #tpu.memory_space<vmem>> -> memref<125xi32, #tpu.memory_space<vmem>>
        %dma_start3A_320 = arith.constant 0 : i32
        %dma_start3A_321 = arith.constant 0 : i32
        %dma_start3A_322 = tpu.memref_slice %arg2[%dma_start3A_320, %dma_start3A_321] : memref<10000x64xf32, #tpu.memory_space<hbm>> -> memref<10000x64xf32, #tpu.memory_space<hbm>>
        tpu.enqueue_indirect_dma source(%dma_start3A_322 : memref<10000x64xf32, #tpu.memory_space<hbm>>) target(%dma_start3A_316 : memref<125x64xf32, #tpu.memory_space<vmem>>) offsets(%dma_start3A_319 : memref<125xi32, #tpu.memory_space<vmem>>) semaphore(%arg14 : memref<!tpu.dma_semaphore, #tpu.memory_space<semaphore_mem>>)
      } else {
      }
      %mul3A_266 = arith.constant 5 : i32
      %mul3A_267 = arith.muli %mul3A_266, %scan3A_93 : i32
      %add3A_268 = arith.constant 4 : i32
      %add3A_269 = arith.addi %mul3A_267, %add3A_268 : i32
      %dma_wait3A_270 = arith.constant 4 : i32
      %dma_wait3A_271 = arith.constant 0 : i32
      %dma_wait3A_272 = arith.constant 0 : i32
      %dma_wait3A_273 = tpu.memref_slice %arg8[%dma_wait3A_270, %dma_wait3A_271, %dma_wait3A_272] : memref<5x125x64xf32, #tpu.memory_space<vmem>> -> memref<1x125x64xf32, #tpu.memory_space<vmem>>
      %dma_wait3A_274 = tpu.memref_squeeze %dma_wait3A_273 : memref<1x125x64xf32, #tpu.memory_space<vmem>> -> memref<125x64xf32, #tpu.memory_space<vmem>>
      %dma_wait3A_275 = arith.constant 0 : i32
      %dma_wait3A_276 = tpu.memref_slice %arg6[%add3A_269, %dma_wait3A_275] : memref<80x125xi32, #tpu.memory_space<vmem>> -> memref<1x125xi32, #tpu.memory_space<vmem>>
      %dma_wait3A_277 = tpu.memref_squeeze %dma_wait3A_276 : memref<1x125xi32, #tpu.memory_space<vmem>> -> memref<125xi32, #tpu.memory_space<vmem>>
      %dma_wait3A_278 = arith.constant 0 : i32
      %dma_wait3A_279 = arith.constant 0 : i32
      %dma_wait3A_280 = tpu.memref_slice %arg2[%dma_wait3A_278, %dma_wait3A_279] : memref<10000x64xf32, #tpu.memory_space<hbm>> -> memref<10000x64xf32, #tpu.memory_space<hbm>>
      tpu.wait_indirect_dma semaphore(%arg15 : memref<!tpu.dma_semaphore, #tpu.memory_space<semaphore_mem>>) src(%dma_wait3A_280 : memref<10000x64xf32, #tpu.memory_space<hbm>>) dst(%dma_wait3A_274 : memref<125x64xf32, #tpu.memory_space<vmem>>)
      %dma_start3A_281 = arith.constant 4 : i32
      %dma_start3A_282 = arith.constant 0 : i32
      %dma_start3A_283 = arith.constant 0 : i32
      %dma_start3A_284 = tpu.memref_slice %arg8[%dma_start3A_281, %dma_start3A_282, %dma_start3A_283] : memref<5x125x64xf32, #tpu.memory_space<vmem>> -> memref<1x125x64xf32, #tpu.memory_space<vmem>>
      %dma_start3A_285 = tpu.memref_squeeze %dma_start3A_284 : memref<1x125x64xf32, #tpu.memory_space<vmem>> -> memref<125x64xf32, #tpu.memory_space<vmem>>
      %dma_start3A_286 = arith.constant 0 : i32
      %dma_start3A_287 = tpu.memref_slice %arg7[%add3A_269, %dma_start3A_286] : memref<80x125xi32, #tpu.memory_space<vmem>> -> memref<1x125xi32, #tpu.memory_space<vmem>>
      %dma_start3A_288 = tpu.memref_squeeze %dma_start3A_287 : memref<1x125xi32, #tpu.memory_space<vmem>> -> memref<125xi32, #tpu.memory_space<vmem>>
      %dma_start3A_289 = arith.constant 0 : i32
      %dma_start3A_290 = arith.constant 0 : i32
      %dma_start3A_291 = tpu.memref_slice %arg10[%dma_start3A_289, %dma_start3A_290] : memref<10240x64xf32, #tpu.memory_space<vmem_shared>> -> memref<10240x64xf32, #tpu.memory_space<vmem_shared>>
      tpu.enqueue_indirect_dma source(%dma_start3A_285 : memref<125x64xf32, #tpu.memory_space<vmem>>) target(%dma_start3A_291 : memref<10240x64xf32, #tpu.memory_space<vmem_shared>>) offsets(%dma_start3A_288 : memref<125xi32, #tpu.memory_space<vmem>>) semaphore(%arg20 : memref<!tpu.dma_semaphore, #tpu.memory_space<semaphore_mem>>) {add = true}
      %dma_wait3A_292 = arith.constant 4 : i32
      %dma_wait3A_293 = arith.constant 0 : i32
      %dma_wait3A_294 = arith.constant 0 : i32
      %dma_wait3A_295 = tpu.memref_slice %arg8[%dma_wait3A_292, %dma_wait3A_293, %dma_wait3A_294] : memref<5x125x64xf32, #tpu.memory_space<vmem>> -> memref<1x125x64xf32, #tpu.memory_space<vmem>>
      %dma_wait3A_296 = tpu.memref_squeeze %dma_wait3A_295 : memref<1x125x64xf32, #tpu.memory_space<vmem>> -> memref<125x64xf32, #tpu.memory_space<vmem>>
      %dma_wait3A_297 = arith.constant 0 : i32
      %dma_wait3A_298 = tpu.memref_slice %arg6[%add3A_269, %dma_wait3A_297] : memref<80x125xi32, #tpu.memory_space<vmem>> -> memref<1x125xi32, #tpu.memory_space<vmem>>
      %dma_wait3A_299 = tpu.memref_squeeze %dma_wait3A_298 : memref<1x125xi32, #tpu.memory_space<vmem>> -> memref<125xi32, #tpu.memory_space<vmem>>
      %dma_wait3A_300 = arith.constant 0 : i32
      %dma_wait3A_301 = arith.constant 0 : i32
      %dma_wait3A_302 = tpu.memref_slice %arg2[%dma_wait3A_300, %dma_wait3A_301] : memref<10000x64xf32, #tpu.memory_space<hbm>> -> memref<10000x64xf32, #tpu.memory_space<hbm>>
      tpu.wait_indirect_dma semaphore(%arg20 : memref<!tpu.dma_semaphore, #tpu.memory_space<semaphore_mem>>) src(%dma_wait3A_302 : memref<10000x64xf32, #tpu.memory_space<hbm>>) dst(%dma_wait3A_296 : memref<125x64xf32, #tpu.memory_space<vmem>>)
      %add3A_303 = arith.constant 5 : i32
      %add3A_304 = arith.addi %add3A_269, %add3A_303 : i32
      %lt3A_305 = arith.constant 80 : i32
      %lt3A_306 = arith.cmpi slt, %add3A_304, %lt3A_305 : i32
      %convert_element_type3A_307 = arith.extui %lt3A_306 : i1 to i32
      %cond3A_308 = arith.constant 0 : i32
      %cond3A_309 = arith.cmpi ne, %convert_element_type3A_307, %cond3A_308 : i32
      scf.if %cond3A_309 {
        %add3A_310 = arith.constant 5 : i32
        %add3A_311 = arith.addi %add3A_269, %add3A_310 : i32
        %dma_start3A_312 = arith.constant 4 : i32
        %dma_start3A_313 = arith.constant 0 : i32
        %dma_start3A_314 = arith.constant 0 : i32
        %dma_start3A_315 = tpu.memref_slice %arg8[%dma_start3A_312, %dma_start3A_313, %dma_start3A_314] : memref<5x125x64xf32, #tpu.memory_space<vmem>> -> memref<1x125x64xf32, #tpu.memory_space<vmem>>
        %dma_start3A_316 = tpu.memref_squeeze %dma_start3A_315 : memref<1x125x64xf32, #tpu.memory_space<vmem>> -> memref<125x64xf32, #tpu.memory_space<vmem>>
        %dma_start3A_317 = arith.constant 0 : i32
        %dma_start3A_318 = tpu.memref_slice %arg6[%add3A_311, %dma_start3A_317] : memref<80x125xi32, #tpu.memory_space<vmem>> -> memref<1x125xi32, #tpu.memory_space<vmem>>
        %dma_start3A_319 = tpu.memref_squeeze %dma_start3A_318 : memref<1x125xi32, #tpu.memory_space<vmem>> -> memref<125xi32, #tpu.memory_space<vmem>>
        %dma_start3A_320 = arith.constant 0 : i32
        %dma_start3A_321 = arith.constant 0 : i32
        %dma_start3A_322 = tpu.memref_slice %arg2[%dma_start3A_320, %dma_start3A_321] : memref<10000x64xf32, #tpu.memory_space<hbm>> -> memref<10000x64xf32, #tpu.memory_space<hbm>>
        tpu.enqueue_indirect_dma source(%dma_start3A_322 : memref<10000x64xf32, #tpu.memory_space<hbm>>) target(%dma_start3A_316 : memref<125x64xf32, #tpu.memory_space<vmem>>) offsets(%dma_start3A_319 : memref<125xi32, #tpu.memory_space<vmem>>) semaphore(%arg15 : memref<!tpu.dma_semaphore, #tpu.memory_space<semaphore_mem>>)
      } else {
      }
    }
    %scan3A_87 = arith.constant 16 : i32
    %barrier3A_88 = arith.constant 0 : index
    tpu.barrier barrier_id(%barrier3A_88)
    %mul3A_89 = arith.constant 640 : i32
    %mul3A_90 = arith.muli %arg1, %mul3A_89 : i32
    %mul3A_91 = arith.constant 640 : i32
    %mul3A_92 = arith.muli %arg1, %mul3A_91 : i32
    "tpu.region"() ({
      %run_scoped3A = tpu.sem_alloc : memref<!tpu.dma_semaphore, #tpu.memory_space<semaphore_mem>>
      %dma_start3A_93 = arith.constant 0 : i32
      %dma_start3A_94 = tpu.memref_slice %arg5[%arg0, %mul3A_92, %dma_start3A_93] : memref<2x10240x64xf32, #tpu.memory_space<hbm>> -> memref<1x640x64xf32, #tpu.memory_space<hbm>>
      %dma_start3A_95 = tpu.memref_squeeze %dma_start3A_94 : memref<1x640x64xf32, #tpu.memory_space<hbm>> -> memref<640x64xf32, #tpu.memory_space<hbm>>
      %dma_start3A_96 = arith.constant 0 : i32
      %dma_start3A_97 = tpu.memref_slice %arg10[%mul3A_90, %dma_start3A_96] : memref<10240x64xf32, #tpu.memory_space<vmem_shared>> -> memref<640x64xf32, #tpu.memory_space<vmem_shared>>
      tpu.enqueue_dma source(%dma_start3A_97 : memref<640x64xf32, #tpu.memory_space<vmem_shared>>) target(%dma_start3A_95 : memref<640x64xf32, #tpu.memory_space<hbm>>) target_semaphore(%run_scoped3A : memref<!tpu.dma_semaphore, #tpu.memory_space<semaphore_mem>>)
      %dma_wait3A = arith.constant 0 : i32
      %dma_wait3A_98 = tpu.memref_slice %arg5[%arg0, %mul3A_92, %dma_wait3A] : memref<2x10240x64xf32, #tpu.memory_space<hbm>> -> memref<1x640x64xf32, #tpu.memory_space<hbm>>
      %dma_wait3A_99 = tpu.memref_squeeze %dma_wait3A_98 : memref<1x640x64xf32, #tpu.memory_space<hbm>> -> memref<640x64xf32, #tpu.memory_space<hbm>>
      %dma_wait3A_100 = arith.constant 0 : i32
      %dma_wait3A_101 = tpu.memref_slice %arg10[%mul3A_90, %dma_wait3A_100] : memref<10240x64xf32, #tpu.memory_space<vmem_shared>> -> memref<640x64xf32, #tpu.memory_space<vmem_shared>>
      tpu.wait_dma2 semaphore(%run_scoped3A : memref<!tpu.dma_semaphore, #tpu.memory_space<semaphore_mem>>) src(%dma_wait3A_101 : memref<640x64xf32, #tpu.memory_space<vmem_shared>>) dst(%dma_wait3A_99 : memref<640x64xf32, #tpu.memory_space<hbm>>)
      tpu.yield
    }) : () -> ()
    return
  }
}

#map = affine_map<(d0, d1) -> (0, 0, 0, 0)>
#map1 = affine_map<(d0, d1) -> (0, 0)>
module attributes {stable_mosaic.version = 14 : i64} {
  func.func @k(%arg0: i32, %arg1: i32, %arg2: memref<2x16x80x125xi32, #tpu.memory_space<hbm>>, %arg3: memref<2x10240xf32, #tpu.memory_space<hbm>>, %arg4: memref<80x125xi32, #tpu.memory_space<vmem>>, %arg5: memref<640xf32, #tpu.memory_space<vmem>>, %arg6: memref<128xf32, #tpu.memory_space<vmem>>, %arg7: memref<10240xf32, #tpu.memory_space<vmem_shared>>) attributes {dimension_semantics = [#tpu.dimension_semantics<core_parallel>, #tpu.dimension_semantics<subcore_parallel>], iteration_bounds = array<i64: 2, 16>, scalar_prefetch = 0 : i64, scratch_operands = 4 : i64, tpu.core_type = #tpu.core_type<sc_vector_subcore>, window_params = [{transform_indices = #map}, {transform_indices = #map1}]} {
    %scan3A = arith.constant 0 : i32
    %scan3A_0 = arith.constant 0 : i32
    %scan3A_1 = arith.constant 40 : i32
    %scan3A_2 = arith.addi %scan3A_0, %scan3A_1 : i32
    %scan3A_3 = arith.constant 1 : i32
    scf.for %scan3A_61 = %scan3A_0 to %scan3A_2 step %scan3A_3  : i32 {
      %broadcast_in_dim3A_62 = arith.constant 0.000000e+00 : f32
      %broadcast_in_dim3A_63 = vector.broadcast %broadcast_in_dim3A_62 : f32 to vector<16xf32>
      %mul3A_64 = arith.constant 16 : i32
      %mul3A_65 = arith.muli %scan3A_61, %mul3A_64 : i32
      %swap3A_66 = arith.index_cast %mul3A_65 : i32 to index
      %swap3A_67 = tpu.vector_load %arg5[%swap3A_66] {strides = array<i32>} : memref<640xf32, #tpu.memory_space<vmem>>, vector<16xf32>,
      %swap3A_68 = vector.shape_cast %swap3A_67 : vector<16xf32> to vector<16xf32>
      %swap3A_69 = vector.shape_cast %broadcast_in_dim3A_63 : vector<16xf32> to vector<16xf32>
      tpu.vector_store %arg5[%swap3A_66], %swap3A_69 {strides = array<i32>} : memref<640xf32, #tpu.memory_space<vmem>>, vector<16xf32>,
    }
    %scan3A_4 = arith.constant 40 : i32
    %broadcast_in_dim3A = arith.constant 1.000000e+00 : f32
    %broadcast_in_dim3A_5 = vector.broadcast %broadcast_in_dim3A : f32 to vector<16xf32>
    %swap3A = arith.constant 0 : index
    %swap3A_6 = tpu.vector_load %arg6[%swap3A] {strides = array<i32>} : memref<128xf32, #tpu.memory_space<vmem>>, vector<16xf32>,
    %swap3A_7 = vector.shape_cast %swap3A_6 : vector<16xf32> to vector<16xf32>
    %swap3A_8 = vector.shape_cast %broadcast_in_dim3A_5 : vector<16xf32> to vector<16xf32>
    tpu.vector_store %arg6[%swap3A], %swap3A_8 {strides = array<i32>} : memref<128xf32, #tpu.memory_space<vmem>>, vector<16xf32>,
    %broadcast_in_dim3A_9 = arith.constant 1.000000e+00 : f32
    %broadcast_in_dim3A_10 = vector.broadcast %broadcast_in_dim3A_9 : f32 to vector<16xf32>
    %swap3A_11 = arith.constant 16 : index
    %swap3A_12 = tpu.vector_load %arg6[%swap3A_11] {strides = array<i32>} : memref<128xf32, #tpu.memory_space<vmem>>, vector<16xf32>,
    %swap3A_13 = vector.shape_cast %swap3A_12 : vector<16xf32> to vector<16xf32>
    %swap3A_14 = vector.shape_cast %broadcast_in_dim3A_10 : vector<16xf32> to vector<16xf32>
    tpu.vector_store %arg6[%swap3A_11], %swap3A_14 {strides = array<i32>} : memref<128xf32, #tpu.memory_space<vmem>>, vector<16xf32>,
    %broadcast_in_dim3A_15 = arith.constant 1.000000e+00 : f32
    %broadcast_in_dim3A_16 = vector.broadcast %broadcast_in_dim3A_15 : f32 to vector<16xf32>
    %swap3A_17 = arith.constant 32 : index
    %swap3A_18 = tpu.vector_load %arg6[%swap3A_17] {strides = array<i32>} : memref<128xf32, #tpu.memory_space<vmem>>, vector<16xf32>,
    %swap3A_19 = vector.shape_cast %swap3A_18 : vector<16xf32> to vector<16xf32>
    %swap3A_20 = vector.shape_cast %broadcast_in_dim3A_16 : vector<16xf32> to vector<16xf32>
    tpu.vector_store %arg6[%swap3A_17], %swap3A_20 {strides = array<i32>} : memref<128xf32, #tpu.memory_space<vmem>>, vector<16xf32>,
    %broadcast_in_dim3A_21 = arith.constant 1.000000e+00 : f32
    %broadcast_in_dim3A_22 = vector.broadcast %broadcast_in_dim3A_21 : f32 to vector<16xf32>
    %swap3A_23 = arith.constant 48 : index
    %swap3A_24 = tpu.vector_load %arg6[%swap3A_23] {strides = array<i32>} : memref<128xf32, #tpu.memory_space<vmem>>, vector<16xf32>,
    %swap3A_25 = vector.shape_cast %swap3A_24 : vector<16xf32> to vector<16xf32>
    %swap3A_26 = vector.shape_cast %broadcast_in_dim3A_22 : vector<16xf32> to vector<16xf32>
    tpu.vector_store %arg6[%swap3A_23], %swap3A_26 {strides = array<i32>} : memref<128xf32, #tpu.memory_space<vmem>>, vector<16xf32>,
    %broadcast_in_dim3A_27 = arith.constant 1.000000e+00 : f32
    %broadcast_in_dim3A_28 = vector.broadcast %broadcast_in_dim3A_27 : f32 to vector<16xf32>
    %swap3A_29 = arith.constant 64 : index
    %swap3A_30 = tpu.vector_load %arg6[%swap3A_29] {strides = array<i32>} : memref<128xf32, #tpu.memory_space<vmem>>, vector<16xf32>,
    %swap3A_31 = vector.shape_cast %swap3A_30 : vector<16xf32> to vector<16xf32>
    %swap3A_32 = vector.shape_cast %broadcast_in_dim3A_28 : vector<16xf32> to vector<16xf32>
    tpu.vector_store %arg6[%swap3A_29], %swap3A_32 {strides = array<i32>} : memref<128xf32, #tpu.memory_space<vmem>>, vector<16xf32>,
    %broadcast_in_dim3A_33 = arith.constant 1.000000e+00 : f32
    %broadcast_in_dim3A_34 = vector.broadcast %broadcast_in_dim3A_33 : f32 to vector<16xf32>
    %swap3A_35 = arith.constant 80 : index
    %swap3A_36 = tpu.vector_load %arg6[%swap3A_35] {strides = array<i32>} : memref<128xf32, #tpu.memory_space<vmem>>, vector<16xf32>,
    %swap3A_37 = vector.shape_cast %swap3A_36 : vector<16xf32> to vector<16xf32>
    %swap3A_38 = vector.shape_cast %broadcast_in_dim3A_34 : vector<16xf32> to vector<16xf32>
    tpu.vector_store %arg6[%swap3A_35], %swap3A_38 {strides = array<i32>} : memref<128xf32, #tpu.memory_space<vmem>>, vector<16xf32>,
    %broadcast_in_dim3A_39 = arith.constant 1.000000e+00 : f32
    %broadcast_in_dim3A_40 = vector.broadcast %broadcast_in_dim3A_39 : f32 to vector<16xf32>
    %swap3A_41 = arith.constant 96 : index
    %swap3A_42 = tpu.vector_load %arg6[%swap3A_41] {strides = array<i32>} : memref<128xf32, #tpu.memory_space<vmem>>, vector<16xf32>,
    %swap3A_43 = vector.shape_cast %swap3A_42 : vector<16xf32> to vector<16xf32>
    %swap3A_44 = vector.shape_cast %broadcast_in_dim3A_40 : vector<16xf32> to vector<16xf32>
    tpu.vector_store %arg6[%swap3A_41], %swap3A_44 {strides = array<i32>} : memref<128xf32, #tpu.memory_space<vmem>>, vector<16xf32>,
    %broadcast_in_dim3A_45 = arith.constant 1.000000e+00 : f32
    %broadcast_in_dim3A_46 = vector.broadcast %broadcast_in_dim3A_45 : f32 to vector<16xf32>
    %swap3A_47 = arith.constant 112 : index
    %swap3A_48 = tpu.vector_load %arg6[%swap3A_47] {strides = array<i32>} : memref<128xf32, #tpu.memory_space<vmem>>, vector<16xf32>,
    %swap3A_49 = vector.shape_cast %swap3A_48 : vector<16xf32> to vector<16xf32>
    %swap3A_50 = vector.shape_cast %broadcast_in_dim3A_46 : vector<16xf32> to vector<16xf32>
    tpu.vector_store %arg6[%swap3A_47], %swap3A_50 {strides = array<i32>} : memref<128xf32, #tpu.memory_space<vmem>>, vector<16xf32>,
    %mul3A = arith.constant 640 : i32
    %mul3A_51 = arith.muli %arg1, %mul3A : i32
    "tpu.region"() ({
      %run_scoped3A = tpu.sem_alloc : memref<!tpu.dma_semaphore, #tpu.memory_space<semaphore_mem>>
      %dma_start3A = tpu.memref_slice %arg7[%mul3A_51] : memref<10240xf32, #tpu.memory_space<vmem_shared>> -> memref<640xf32, #tpu.memory_space<vmem_shared>>
      %dma_start3A_61 = tpu.memref_slice %arg7[%mul3A_51] : memref<10240xf32, #tpu.memory_space<vmem_shared>> -> memref<640xf32, #tpu.memory_space<vmem_shared>>
      tpu.enqueue_dma source(%arg5 : memref<640xf32, #tpu.memory_space<vmem>>) target(%dma_start3A_61 : memref<640xf32, #tpu.memory_space<vmem_shared>>) target_semaphore(%run_scoped3A : memref<!tpu.dma_semaphore, #tpu.memory_space<semaphore_mem>>)
      %dma_wait3A = tpu.memref_slice %arg7[%mul3A_51] : memref<10240xf32, #tpu.memory_space<vmem_shared>> -> memref<640xf32, #tpu.memory_space<vmem_shared>>
      %dma_wait3A_62 = tpu.memref_slice %arg7[%mul3A_51] : memref<10240xf32, #tpu.memory_space<vmem_shared>> -> memref<640xf32, #tpu.memory_space<vmem_shared>>
      tpu.wait_dma2 semaphore(%run_scoped3A : memref<!tpu.dma_semaphore, #tpu.memory_space<semaphore_mem>>) src(%arg5 : memref<640xf32, #tpu.memory_space<vmem>>) dst(%dma_wait3A_62 : memref<640xf32, #tpu.memory_space<vmem_shared>>)
      tpu.yield
    }) : () -> ()
    %barrier3A = arith.constant 0 : index
    tpu.barrier barrier_id(%barrier3A)
    "tpu.region"() ({
      %run_scoped3A = tpu.sem_alloc : memref<!tpu.dma_semaphore, #tpu.memory_space<semaphore_mem>>
      %dma_start3A = arith.constant 0 : i32
      %dma_start3A_61 = arith.constant 0 : i32
      %dma_start3A_62 = tpu.memref_slice %arg2[%arg0, %arg1, %dma_start3A, %dma_start3A_61] : memref<2x16x80x125xi32, #tpu.memory_space<hbm>> -> memref<1x1x80x125xi32, #tpu.memory_space<hbm>>
      %dma_start3A_63 = tpu.memref_squeeze %dma_start3A_62 : memref<1x1x80x125xi32, #tpu.memory_space<hbm>> -> memref<80x125xi32, #tpu.memory_space<hbm>>
      %dma_start3A_64 = arith.constant 0 : i32
      %dma_start3A_65 = arith.constant 0 : i32
      %dma_start3A_66 = tpu.memref_slice %arg2[%arg0, %arg1, %dma_start3A_64, %dma_start3A_65] : memref<2x16x80x125xi32, #tpu.memory_space<hbm>> -> memref<1x1x80x125xi32, #tpu.memory_space<hbm>>
      %dma_start3A_67 = tpu.memref_squeeze %dma_start3A_66 : memref<1x1x80x125xi32, #tpu.memory_space<hbm>> -> memref<80x125xi32, #tpu.memory_space<hbm>>
      tpu.enqueue_dma source(%dma_start3A_67 : memref<80x125xi32, #tpu.memory_space<hbm>>) target(%arg4 : memref<80x125xi32, #tpu.memory_space<vmem>>) target_semaphore(%run_scoped3A : memref<!tpu.dma_semaphore, #tpu.memory_space<semaphore_mem>>)
      %dma_wait3A = arith.constant 0 : i32
      %dma_wait3A_68 = arith.constant 0 : i32
      %dma_wait3A_69 = tpu.memref_slice %arg2[%arg0, %arg1, %dma_wait3A, %dma_wait3A_68] : memref<2x16x80x125xi32, #tpu.memory_space<hbm>> -> memref<1x1x80x125xi32, #tpu.memory_space<hbm>>
      %dma_wait3A_70 = tpu.memref_squeeze %dma_wait3A_69 : memref<1x1x80x125xi32, #tpu.memory_space<hbm>> -> memref<80x125xi32, #tpu.memory_space<hbm>>
      %dma_wait3A_71 = arith.constant 0 : i32
      %dma_wait3A_72 = arith.constant 0 : i32
      %dma_wait3A_73 = tpu.memref_slice %arg2[%arg0, %arg1, %dma_wait3A_71, %dma_wait3A_72] : memref<2x16x80x125xi32, #tpu.memory_space<hbm>> -> memref<1x1x80x125xi32, #tpu.memory_space<hbm>>
      %dma_wait3A_74 = tpu.memref_squeeze %dma_wait3A_73 : memref<1x1x80x125xi32, #tpu.memory_space<hbm>> -> memref<80x125xi32, #tpu.memory_space<hbm>>
      tpu.wait_dma2 semaphore(%run_scoped3A : memref<!tpu.dma_semaphore, #tpu.memory_space<semaphore_mem>>) src(%dma_wait3A_74 : memref<80x125xi32, #tpu.memory_space<hbm>>) dst(%arg4 : memref<80x125xi32, #tpu.memory_space<vmem>>)
      tpu.yield
    }) : () -> ()
    %scan3A_52 = arith.constant 0 : i32
    %scan3A_53 = arith.constant 0 : i32
    %scan3A_54 = arith.constant 80 : i32
    %scan3A_55 = arith.addi %scan3A_53, %scan3A_54 : i32
    %scan3A_56 = arith.constant 1 : i32
    scf.for %scan3A_61 = %scan3A_53 to %scan3A_55 step %scan3A_56  : i32 {
      "tpu.region"() ({
        %run_scoped3A = tpu.sem_alloc : memref<!tpu.dma_semaphore, #tpu.memory_space<semaphore_mem>>
        %dma_start3A = arith.constant 0 : i32
        %dma_start3A_62 = tpu.memref_slice %arg6[%dma_start3A] : memref<128xf32, #tpu.memory_space<vmem>> -> memref<125xf32, #tpu.memory_space<vmem>>
        %dma_start3A_63 = arith.constant 0 : i32
        %dma_start3A_64 = tpu.memref_slice %arg4[%scan3A_61, %dma_start3A_63] : memref<80x125xi32, #tpu.memory_space<vmem>> -> memref<1x125xi32, #tpu.memory_space<vmem>>
        %dma_start3A_65 = tpu.memref_squeeze %dma_start3A_64 : memref<1x125xi32, #tpu.memory_space<vmem>> -> memref<125xi32, #tpu.memory_space<vmem>>
        %dma_start3A_66 = arith.constant 0 : i32
        %dma_start3A_67 = tpu.memref_slice %arg7[%dma_start3A_66] : memref<10240xf32, #tpu.memory_space<vmem_shared>> -> memref<10240xf32, #tpu.memory_space<vmem_shared>>
        tpu.enqueue_indirect_dma source(%dma_start3A_62 : memref<125xf32, #tpu.memory_space<vmem>>) target(%dma_start3A_67 : memref<10240xf32, #tpu.memory_space<vmem_shared>>) offsets(%dma_start3A_65 : memref<125xi32, #tpu.memory_space<vmem>>) semaphore(%run_scoped3A : memref<!tpu.dma_semaphore, #tpu.memory_space<semaphore_mem>>) {add = true}
        %dma_wait3A = arith.constant 0 : i32
        %dma_wait3A_68 = tpu.memref_slice %arg6[%dma_wait3A] : memref<128xf32, #tpu.memory_space<vmem>> -> memref<125xf32, #tpu.memory_space<vmem>>
        %dma_wait3A_69 = arith.constant 0 : i32
        %dma_wait3A_70 = tpu.memref_slice %arg4[%scan3A_61, %dma_wait3A_69] : memref<80x125xi32, #tpu.memory_space<vmem>> -> memref<1x125xi32, #tpu.memory_space<vmem>>
        %dma_wait3A_71 = tpu.memref_squeeze %dma_wait3A_70 : memref<1x125xi32, #tpu.memory_space<vmem>> -> memref<125xi32, #tpu.memory_space<vmem>>
        %dma_wait3A_72 = arith.constant 0 : i32
        %dma_wait3A_73 = tpu.memref_slice %arg7[%dma_wait3A_72] : memref<10240xf32, #tpu.memory_space<vmem_shared>> -> memref<10240xf32, #tpu.memory_space<vmem_shared>>
        tpu.wait_indirect_dma semaphore(%run_scoped3A : memref<!tpu.dma_semaphore, #tpu.memory_space<semaphore_mem>>) src(%dma_wait3A_68 : memref<125xf32, #tpu.memory_space<vmem>>) dst(%dma_wait3A_73 : memref<10240xf32, #tpu.memory_space<vmem_shared>>)
        tpu.yield
      }) : () -> ()
    }
    %scan3A_57 = arith.constant 80 : i32
    %barrier3A_58 = arith.constant 0 : index
    tpu.barrier barrier_id(%barrier3A_58)
    %eq3A = arith.constant 0 : i32
    %eq3A_59 = arith.cmpi eq, %arg1, %eq3A : i32
    %convert_element_type3A = arith.extui %eq3A_59 : i1 to i32
    %cond3A = arith.constant 0 : i32
    %cond3A_60 = arith.cmpi ne, %convert_element_type3A, %cond3A : i32
    scf.if %cond3A_60 {
      "tpu.region"() ({
        %run_scoped3A = tpu.sem_alloc : memref<!tpu.dma_semaphore, #tpu.memory_space<semaphore_mem>>
        %dma_start3A = arith.constant 0 : i32
        %dma_start3A_61 = tpu.memref_slice %arg3[%arg0, %dma_start3A] : memref<2x10240xf32, #tpu.memory_space<hbm>> -> memref<1x10240xf32, #tpu.memory_space<hbm>>
        %dma_start3A_62 = tpu.memref_squeeze %dma_start3A_61 : memref<1x10240xf32, #tpu.memory_space<hbm>> -> memref<10240xf32, #tpu.memory_space<hbm>>
        tpu.enqueue_dma source(%arg7 : memref<10240xf32, #tpu.memory_space<vmem_shared>>) target(%dma_start3A_62 : memref<10240xf32, #tpu.memory_space<hbm>>) target_semaphore(%run_scoped3A : memref<!tpu.dma_semaphore, #tpu.memory_space<semaphore_mem>>)
        %dma_wait3A = arith.constant 0 : i32
        %dma_wait3A_63 = tpu.memref_slice %arg3[%arg0, %dma_wait3A] : memref<2x10240xf32, #tpu.memory_space<hbm>> -> memref<1x10240xf32, #tpu.memory_space<hbm>>
        %dma_wait3A_64 = tpu.memref_squeeze %dma_wait3A_63 : memref<1x10240xf32, #tpu.memory_space<hbm>> -> memref<10240xf32, #tpu.memory_space<hbm>>
        tpu.wait_dma2 semaphore(%run_scoped3A : memref<!tpu.dma_semaphore, #tpu.memory_space<semaphore_mem>>) src(%arg7 : memref<10240xf32, #tpu.memory_space<vmem_shared>>) dst(%dma_wait3A_64 : memref<10240xf32, #tpu.memory_space<hbm>>)
        tpu.yield
      }) : () -> ()
    } else {
    }
    return
  }
}

#map = affine_map<(d0, d1) -> (0, 0)>
#map1 = affine_map<(d0, d1) -> (0, 0, 0, 0)>
#map2 = affine_map<(d0, d1) -> (0, 0, 0)>
module attributes {stable_mosaic.version = 14 : i64} {
  func.func @k(%arg0: i32, %arg1: i32, %arg2: memref<10000x64xf32, #tpu.memory_space<hbm>>, %arg3: memref<2x16x80x125xi32, #tpu.memory_space<hbm>>, %arg4: memref<2x16x80x125xi32, #tpu.memory_space<hbm>>, %arg5: memref<2x10240x64xf32, #tpu.memory_space<hbm>>, %arg6: memref<80x125xi32, #tpu.memory_space<vmem>>, %arg7: memref<80x125xi32, #tpu.memory_space<vmem>>, %arg8: memref<5x125x64xf32, #tpu.memory_space<vmem>>, %arg9: memref<128x64xf32, #tpu.memory_space<vmem>>, %arg10: memref<10240x64xf32, #tpu.memory_space<vmem_shared>>, %arg11: memref<!tpu.dma_semaphore, #tpu.memory_space<semaphore_mem>>, %arg12: memref<!tpu.dma_semaphore, #tpu.memory_space<semaphore_mem>>, %arg13: memref<!tpu.dma_semaphore, #tpu.memory_space<semaphore_mem>>, %arg14: memref<!tpu.dma_semaphore, #tpu.memory_space<semaphore_mem>>, %arg15: memref<!tpu.dma_semaphore, #tpu.memory_space<semaphore_mem>>, %arg16: memref<!tpu.dma_semaphore, #tpu.memory_space<semaphore_mem>>, %arg17: memref<!tpu.dma_semaphore, #tpu.memory_space<semaphore_mem>>, %arg18: memref<!tpu.dma_semaphore, #tpu.memory_space<semaphore_mem>>, %arg19: memref<!tpu.dma_semaphore, #tpu.memory_space<semaphore_mem>>, %arg20: memref<!tpu.dma_semaphore, #tpu.memory_space<semaphore_mem>>) attributes {dimension_semantics = [#tpu.dimension_semantics<core_parallel>, #tpu.dimension_semantics<subcore_parallel>], iteration_bounds = array<i64: 2, 16>, scalar_prefetch = 0 : i64, scratch_operands = 15 : i64, tpu.core_type = #tpu.core_type<sc_vector_subcore>, window_params = [{transform_indices = #map}, {transform_indices = #map1}, {transform_indices = #map1}, {transform_indices = #map2}]} {
    %scan3A = arith.constant 0 : i32
    %scan3A_0 = arith.constant 0 : i32
    %scan3A_1 = arith.constant 128 : i32
    %scan3A_2 = arith.addi %scan3A_0, %scan3A_1 : i32
    %scan3A_3 = arith.constant 1 : i32
    scf.for %scan3A_93 = %scan3A_0 to %scan3A_2 step %scan3A_3  : i32 {
      %broadcast_in_dim3A = arith.constant 0.000000e+00 : f32
      %broadcast_in_dim3A_94 = vector.broadcast %broadcast_in_dim3A : f32 to vector<16xf32>
      %swap3A = arith.index_cast %scan3A_93 : i32 to index
      %swap3A_95 = arith.constant 0 : index
      %swap3A_96 = tpu.vector_load %arg9[%swap3A, %swap3A_95] {strides = array<i32>} : memref<128x64xf32, #tpu.memory_space<vmem>>, vector<1x16xf32>,
      %swap3A_97 = vector.shape_cast %swap3A_96 : vector<1x16xf32> to vector<16xf32>
      %swap3A_98 = vector.shape_cast %broadcast_in_dim3A_94 : vector<16xf32> to vector<1x16xf32>
      tpu.vector_store %arg9[%swap3A, %swap3A_95], %swap3A_98 {strides = array<i32>} : memref<128x64xf32, #tpu.memory_space<vmem>>, vector<1x16xf32>,
      %broadcast_in_dim3A_99 = arith.constant 0.000000e+00 : f32
      %broadcast_in_dim3A_100 = vector.broadcast %broadcast_in_dim3A_99 : f32 to vector<16xf32>
      %swap3A_101 = arith.index_cast %scan3A_93 : i32 to index
      %swap3A_102 = arith.constant 16 : index
      %swap3A_103 = tpu.vector_load %arg9[%swap3A_101, %swap3A_102] {strides = array<i32>} : memref<128x64xf32, #tpu.memory_space<vmem>>, vector<1x16xf32>,
      %swap3A_104 = vector.shape_cast %swap3A_103 : vector<1x16xf32> to vector<16xf32>
      %swap3A_105 = vector.shape_cast %broadcast_in_dim3A_100 : vector<16xf32> to vector<1x16xf32>
      tpu.vector_store %arg9[%swap3A_101, %swap3A_102], %swap3A_105 {strides = array<i32>} : memref<128x64xf32, #tpu.memory_space<vmem>>, vector<1x16xf32>,
      %broadcast_in_dim3A_106 = arith.constant 0.000000e+00 : f32
      %broadcast_in_dim3A_107 = vector.broadcast %broadcast_in_dim3A_106 : f32 to vector<16xf32>
      %swap3A_108 = arith.index_cast %scan3A_93 : i32 to index
      %swap3A_109 = arith.constant 32 : index
      %swap3A_110 = tpu.vector_load %arg9[%swap3A_108, %swap3A_109] {strides = array<i32>} : memref<128x64xf32, #tpu.memory_space<vmem>>, vector<1x16xf32>,
      %swap3A_111 = vector.shape_cast %swap3A_110 : vector<1x16xf32> to vector<16xf32>
      %swap3A_112 = vector.shape_cast %broadcast_in_dim3A_107 : vector<16xf32> to vector<1x16xf32>
      tpu.vector_store %arg9[%swap3A_108, %swap3A_109], %swap3A_112 {strides = array<i32>} : memref<128x64xf32, #tpu.memory_space<vmem>>, vector<1x16xf32>,
      %broadcast_in_dim3A_113 = arith.constant 0.000000e+00 : f32
      %broadcast_in_dim3A_114 = vector.broadcast %broadcast_in_dim3A_113 : f32 to vector<16xf32>
      %swap3A_115 = arith.index_cast %scan3A_93 : i32 to index
      %swap3A_116 = arith.constant 48 : index
      %swap3A_117 = tpu.vector_load %arg9[%swap3A_115, %swap3A_116] {strides = array<i32>} : memref<128x64xf32, #tpu.memory_space<vmem>>, vector<1x16xf32>,
      %swap3A_118 = vector.shape_cast %swap3A_117 : vector<1x16xf32> to vector<16xf32>
      %swap3A_119 = vector.shape_cast %broadcast_in_dim3A_114 : vector<16xf32> to vector<1x16xf32>
      tpu.vector_store %arg9[%swap3A_115, %swap3A_116], %swap3A_119 {strides = array<i32>} : memref<128x64xf32, #tpu.memory_space<vmem>>, vector<1x16xf32>,
    }
    %scan3A_4 = arith.constant 128 : i32
    %mul3A = arith.constant 640 : i32
    %mul3A_5 = arith.muli %arg1, %mul3A : i32
    %add3A = arith.constant 0 : i32
    %add3A_6 = arith.addi %mul3A_5, %add3A : i32
    "tpu.region"() ({
      %run_scoped3A = tpu.sem_alloc : memref<!tpu.dma_semaphore, #tpu.memory_space<semaphore_mem>>
      %dma_start3A_93 = arith.constant 0 : i32
      %dma_start3A_94 = tpu.memref_slice %arg10[%add3A_6, %dma_start3A_93] : memref<10240x64xf32, #tpu.memory_space<vmem_shared>> -> memref<128x64xf32, #tpu.memory_space<vmem_shared>>
      %dma_start3A_95 = arith.constant 0 : i32
      %dma_start3A_96 = tpu.memref_slice %arg10[%add3A_6, %dma_start3A_95] : memref<10240x64xf32, #tpu.memory_space<vmem_shared>> -> memref<128x64xf32, #tpu.memory_space<vmem_shared>>
      tpu.enqueue_dma source(%arg9 : memref<128x64xf32, #tpu.memory_space<vmem>>) target(%dma_start3A_96 : memref<128x64xf32, #tpu.memory_space<vmem_shared>>) target_semaphore(%run_scoped3A : memref<!tpu.dma_semaphore, #tpu.memory_space<semaphore_mem>>)
      %dma_wait3A = arith.constant 0 : i32
      %dma_wait3A_97 = tpu.memref_slice %arg10[%add3A_6, %dma_wait3A] : memref<10240x64xf32, #tpu.memory_space<vmem_shared>> -> memref<128x64xf32, #tpu.memory_space<vmem_shared>>
      %dma_wait3A_98 = arith.constant 0 : i32
      %dma_wait3A_99 = tpu.memref_slice %arg10[%add3A_6, %dma_wait3A_98] : memref<10240x64xf32, #tpu.memory_space<vmem_shared>> -> memref<128x64xf32, #tpu.memory_space<vmem_shared>>
      tpu.wait_dma2 semaphore(%run_scoped3A : memref<!tpu.dma_semaphore, #tpu.memory_space<semaphore_mem>>) src(%arg9 : memref<128x64xf32, #tpu.memory_space<vmem>>) dst(%dma_wait3A_99 : memref<128x64xf32, #tpu.memory_space<vmem_shared>>)
      tpu.yield
    }) : () -> ()
    %mul3A_7 = arith.constant 640 : i32
    %mul3A_8 = arith.muli %arg1, %mul3A_7 : i32
    %add3A_9 = arith.constant 128 : i32
    %add3A_10 = arith.addi %mul3A_8, %add3A_9 : i32
    "tpu.region"() ({
      %run_scoped3A = tpu.sem_alloc : memref<!tpu.dma_semaphore, #tpu.memory_space<semaphore_mem>>
      %dma_start3A_93 = arith.constant 0 : i32
      %dma_start3A_94 = tpu.memref_slice %arg10[%add3A_10, %dma_start3A_93] : memref<10240x64xf32, #tpu.memory_space<vmem_shared>> -> memref<128x64xf32, #tpu.memory_space<vmem_shared>>
      %dma_start3A_95 = arith.constant 0 : i32
      %dma_start3A_96 = tpu.memref_slice %arg10[%add3A_10, %dma_start3A_95] : memref<10240x64xf32, #tpu.memory_space<vmem_shared>> -> memref<128x64xf32, #tpu.memory_space<vmem_shared>>
      tpu.enqueue_dma source(%arg9 : memref<128x64xf32, #tpu.memory_space<vmem>>) target(%dma_start3A_96 : memref<128x64xf32, #tpu.memory_space<vmem_shared>>) target_semaphore(%run_scoped3A : memref<!tpu.dma_semaphore, #tpu.memory_space<semaphore_mem>>)
      %dma_wait3A = arith.constant 0 : i32
      %dma_wait3A_97 = tpu.memref_slice %arg10[%add3A_10, %dma_wait3A] : memref<10240x64xf32, #tpu.memory_space<vmem_shared>> -> memref<128x64xf32, #tpu.memory_space<vmem_shared>>
      %dma_wait3A_98 = arith.constant 0 : i32
      %dma_wait3A_99 = tpu.memref_slice %arg10[%add3A_10, %dma_wait3A_98] : memref<10240x64xf32, #tpu.memory_space<vmem_shared>> -> memref<128x64xf32, #tpu.memory_space<vmem_shared>>
      tpu.wait_dma2 semaphore(%run_scoped3A : memref<!tpu.dma_semaphore, #tpu.memory_space<semaphore_mem>>) src(%arg9 : memref<128x64xf32, #tpu.memory_space<vmem>>) dst(%dma_wait3A_99 : memref<128x64xf32, #tpu.memory_space<vmem_shared>>)
      tpu.yield
    }) : () -> ()
    %mul3A_11 = arith.constant 640 : i32
    %mul3A_12 = arith.muli %arg1, %mul3A_11 : i32
    %add3A_13 = arith.constant 256 : i32
    %add3A_14 = arith.addi %mul3A_12, %add3A_13 : i32
    "tpu.region"() ({
      %run_scoped3A = tpu.sem_alloc : memref<!tpu.dma_semaphore, #tpu.memory_space<semaphore_mem>>
      %dma_start3A_93 = arith.constant 0 : i32
      %dma_start3A_94 = tpu.memref_slice %arg10[%add3A_14, %dma_start3A_93] : memref<10240x64xf32, #tpu.memory_space<vmem_shared>> -> memref<128x64xf32, #tpu.memory_space<vmem_shared>>
      %dma_start3A_95 = arith.constant 0 : i32
      %dma_start3A_96 = tpu.memref_slice %arg10[%add3A_14, %dma_start3A_95] : memref<10240x64xf32, #tpu.memory_space<vmem_shared>> -> memref<128x64xf32, #tpu.memory_space<vmem_shared>>
      tpu.enqueue_dma source(%arg9 : memref<128x64xf32, #tpu.memory_space<vmem>>) target(%dma_start3A_96 : memref<128x64xf32, #tpu.memory_space<vmem_shared>>) target_semaphore(%run_scoped3A : memref<!tpu.dma_semaphore, #tpu.memory_space<semaphore_mem>>)
      %dma_wait3A = arith.constant 0 : i32
      %dma_wait3A_97 = tpu.memref_slice %arg10[%add3A_14, %dma_wait3A] : memref<10240x64xf32, #tpu.memory_space<vmem_shared>> -> memref<128x64xf32, #tpu.memory_space<vmem_shared>>
      %dma_wait3A_98 = arith.constant 0 : i32
      %dma_wait3A_99 = tpu.memref_slice %arg10[%add3A_14, %dma_wait3A_98] : memref<10240x64xf32, #tpu.memory_space<vmem_shared>> -> memref<128x64xf32, #tpu.memory_space<vmem_shared>>
      tpu.wait_dma2 semaphore(%run_scoped3A : memref<!tpu.dma_semaphore, #tpu.memory_space<semaphore_mem>>) src(%arg9 : memref<128x64xf32, #tpu.memory_space<vmem>>) dst(%dma_wait3A_99 : memref<128x64xf32, #tpu.memory_space<vmem_shared>>)
      tpu.yield
    }) : () -> ()
    %mul3A_15 = arith.constant 640 : i32
    %mul3A_16 = arith.muli %arg1, %mul3A_15 : i32
    %add3A_17 = arith.constant 384 : i32
    %add3A_18 = arith.addi %mul3A_16, %add3A_17 : i32
    "tpu.region"() ({
      %run_scoped3A = tpu.sem_alloc : memref<!tpu.dma_semaphore, #tpu.memory_space<semaphore_mem>>
      %dma_start3A_93 = arith.constant 0 : i32
      %dma_start3A_94 = tpu.memref_slice %arg10[%add3A_18, %dma_start3A_93] : memref<10240x64xf32, #tpu.memory_space<vmem_shared>> -> memref<128x64xf32, #tpu.memory_space<vmem_shared>>
      %dma_start3A_95 = arith.constant 0 : i32
      %dma_start3A_96 = tpu.memref_slice %arg10[%add3A_18, %dma_start3A_95] : memref<10240x64xf32, #tpu.memory_space<vmem_shared>> -> memref<128x64xf32, #tpu.memory_space<vmem_shared>>
      tpu.enqueue_dma source(%arg9 : memref<128x64xf32, #tpu.memory_space<vmem>>) target(%dma_start3A_96 : memref<128x64xf32, #tpu.memory_space<vmem_shared>>) target_semaphore(%run_scoped3A : memref<!tpu.dma_semaphore, #tpu.memory_space<semaphore_mem>>)
      %dma_wait3A = arith.constant 0 : i32
      %dma_wait3A_97 = tpu.memref_slice %arg10[%add3A_18, %dma_wait3A] : memref<10240x64xf32, #tpu.memory_space<vmem_shared>> -> memref<128x64xf32, #tpu.memory_space<vmem_shared>>
      %dma_wait3A_98 = arith.constant 0 : i32
      %dma_wait3A_99 = tpu.memref_slice %arg10[%add3A_18, %dma_wait3A_98] : memref<10240x64xf32, #tpu.memory_space<vmem_shared>> -> memref<128x64xf32, #tpu.memory_space<vmem_shared>>
      tpu.wait_dma2 semaphore(%run_scoped3A : memref<!tpu.dma_semaphore, #tpu.memory_space<semaphore_mem>>) src(%arg9 : memref<128x64xf32, #tpu.memory_space<vmem>>) dst(%dma_wait3A_99 : memref<128x64xf32, #tpu.memory_space<vmem_shared>>)
      tpu.yield
    }) : () -> ()
    %mul3A_19 = arith.constant 640 : i32
    %mul3A_20 = arith.muli %arg1, %mul3A_19 : i32
    %add3A_21 = arith.constant 512 : i32
    %add3A_22 = arith.addi %mul3A_20, %add3A_21 : i32
    "tpu.region"() ({
      %run_scoped3A = tpu.sem_alloc : memref<!tpu.dma_semaphore, #tpu.memory_space<semaphore_mem>>
      %dma_start3A_93 = arith.constant 0 : i32
      %dma_start3A_94 = tpu.memref_slice %arg10[%add3A_22, %dma_start3A_93] : memref<10240x64xf32, #tpu.memory_space<vmem_shared>> -> memref<128x64xf32, #tpu.memory_space<vmem_shared>>
      %dma_start3A_95 = arith.constant 0 : i32
      %dma_start3A_96 = tpu.memref_slice %arg10[%add3A_22, %dma_start3A_95] : memref<10240x64xf32, #tpu.memory_space<vmem_shared>> -> memref<128x64xf32, #tpu.memory_space<vmem_shared>>
      tpu.enqueue_dma source(%arg9 : memref<128x64xf32, #tpu.memory_space<vmem>>) target(%dma_start3A_96 : memref<128x64xf32, #tpu.memory_space<vmem_shared>>) target_semaphore(%run_scoped3A : memref<!tpu.dma_semaphore, #tpu.memory_space<semaphore_mem>>)
      %dma_wait3A = arith.constant 0 : i32
      %dma_wait3A_97 = tpu.memref_slice %arg10[%add3A_22, %dma_wait3A] : memref<10240x64xf32, #tpu.memory_space<vmem_shared>> -> memref<128x64xf32, #tpu.memory_space<vmem_shared>>
      %dma_wait3A_98 = arith.constant 0 : i32
      %dma_wait3A_99 = tpu.memref_slice %arg10[%add3A_22, %dma_wait3A_98] : memref<10240x64xf32, #tpu.memory_space<vmem_shared>> -> memref<128x64xf32, #tpu.memory_space<vmem_shared>>
      tpu.wait_dma2 semaphore(%run_scoped3A : memref<!tpu.dma_semaphore, #tpu.memory_space<semaphore_mem>>) src(%arg9 : memref<128x64xf32, #tpu.memory_space<vmem>>) dst(%dma_wait3A_99 : memref<128x64xf32, #tpu.memory_space<vmem_shared>>)
      tpu.yield
    }) : () -> ()
    %barrier3A = arith.constant 0 : index
    tpu.barrier barrier_id(%barrier3A)
    "tpu.region"() ({
      %run_scoped3A = tpu.sem_alloc : memref<!tpu.dma_semaphore, #tpu.memory_space<semaphore_mem>>
      %dma_start3A_93 = arith.constant 0 : i32
      %dma_start3A_94 = arith.constant 0 : i32
      %dma_start3A_95 = tpu.memref_slice %arg3[%arg0, %arg1, %dma_start3A_93, %dma_start3A_94] : memref<2x16x80x125xi32, #tpu.memory_space<hbm>> -> memref<1x1x80x125xi32, #tpu.memory_space<hbm>>
      %dma_start3A_96 = tpu.memref_squeeze %dma_start3A_95 : memref<1x1x80x125xi32, #tpu.memory_space<hbm>> -> memref<80x125xi32, #tpu.memory_space<hbm>>
      %dma_start3A_97 = arith.constant 0 : i32
      %dma_start3A_98 = arith.constant 0 : i32
      %dma_start3A_99 = tpu.memref_slice %arg3[%arg0, %arg1, %dma_start3A_97, %dma_start3A_98] : memref<2x16x80x125xi32, #tpu.memory_space<hbm>> -> memref<1x1x80x125xi32, #tpu.memory_space<hbm>>
      %dma_start3A_100 = tpu.memref_squeeze %dma_start3A_99 : memref<1x1x80x125xi32, #tpu.memory_space<hbm>> -> memref<80x125xi32, #tpu.memory_space<hbm>>
      tpu.enqueue_dma source(%dma_start3A_100 : memref<80x125xi32, #tpu.memory_space<hbm>>) target(%arg6 : memref<80x125xi32, #tpu.memory_space<vmem>>) target_semaphore(%run_scoped3A : memref<!tpu.dma_semaphore, #tpu.memory_space<semaphore_mem>>)
      %dma_wait3A = arith.constant 0 : i32
      %dma_wait3A_101 = arith.constant 0 : i32
      %dma_wait3A_102 = tpu.memref_slice %arg3[%arg0, %arg1, %dma_wait3A, %dma_wait3A_101] : memref<2x16x80x125xi32, #tpu.memory_space<hbm>> -> memref<1x1x80x125xi32, #tpu.memory_space<hbm>>
      %dma_wait3A_103 = tpu.memref_squeeze %dma_wait3A_102 : memref<1x1x80x125xi32, #tpu.memory_space<hbm>> -> memref<80x125xi32, #tpu.memory_space<hbm>>
      %dma_wait3A_104 = arith.constant 0 : i32
      %dma_wait3A_105 = arith.constant 0 : i32
      %dma_wait3A_106 = tpu.memref_slice %arg3[%arg0, %arg1, %dma_wait3A_104, %dma_wait3A_105] : memref<2x16x80x125xi32, #tpu.memory_space<hbm>> -> memref<1x1x80x125xi32, #tpu.memory_space<hbm>>
      %dma_wait3A_107 = tpu.memref_squeeze %dma_wait3A_106 : memref<1x1x80x125xi32, #tpu.memory_space<hbm>> -> memref<80x125xi32, #tpu.memory_space<hbm>>
      tpu.wait_dma2 semaphore(%run_scoped3A : memref<!tpu.dma_semaphore, #tpu.memory_space<semaphore_mem>>) src(%dma_wait3A_107 : memref<80x125xi32, #tpu.memory_space<hbm>>) dst(%arg6 : memref<80x125xi32, #tpu.memory_space<vmem>>)
      tpu.yield
    }) : () -> ()
    "tpu.region"() ({
      %run_scoped3A = tpu.sem_alloc : memref<!tpu.dma_semaphore, #tpu.memory_space<semaphore_mem>>
      %dma_start3A_93 = arith.constant 0 : i32
      %dma_start3A_94 = arith.constant 0 : i32
      %dma_start3A_95 = tpu.memref_slice %arg4[%arg0, %arg1, %dma_start3A_93, %dma_start3A_94] : memref<2x16x80x125xi32, #tpu.memory_space<hbm>> -> memref<1x1x80x125xi32, #tpu.memory_space<hbm>>
      %dma_start3A_96 = tpu.memref_squeeze %dma_start3A_95 : memref<1x1x80x125xi32, #tpu.memory_space<hbm>> -> memref<80x125xi32, #tpu.memory_space<hbm>>
      %dma_start3A_97 = arith.constant 0 : i32
      %dma_start3A_98 = arith.constant 0 : i32
      %dma_start3A_99 = tpu.memref_slice %arg4[%arg0, %arg1, %dma_start3A_97, %dma_start3A_98] : memref<2x16x80x125xi32, #tpu.memory_space<hbm>> -> memref<1x1x80x125xi32, #tpu.memory_space<hbm>>
      %dma_start3A_100 = tpu.memref_squeeze %dma_start3A_99 : memref<1x1x80x125xi32, #tpu.memory_space<hbm>> -> memref<80x125xi32, #tpu.memory_space<hbm>>
      tpu.enqueue_dma source(%dma_start3A_100 : memref<80x125xi32, #tpu.memory_space<hbm>>) target(%arg7 : memref<80x125xi32, #tpu.memory_space<vmem>>) target_semaphore(%run_scoped3A : memref<!tpu.dma_semaphore, #tpu.memory_space<semaphore_mem>>)
      %dma_wait3A = arith.constant 0 : i32
      %dma_wait3A_101 = arith.constant 0 : i32
      %dma_wait3A_102 = tpu.memref_slice %arg4[%arg0, %arg1, %dma_wait3A, %dma_wait3A_101] : memref<2x16x80x125xi32, #tpu.memory_space<hbm>> -> memref<1x1x80x125xi32, #tpu.memory_space<hbm>>
      %dma_wait3A_103 = tpu.memref_squeeze %dma_wait3A_102 : memref<1x1x80x125xi32, #tpu.memory_space<hbm>> -> memref<80x125xi32, #tpu.memory_space<hbm>>
      %dma_wait3A_104 = arith.constant 0 : i32
      %dma_wait3A_105 = arith.constant 0 : i32
      %dma_wait3A_106 = tpu.memref_slice %arg4[%arg0, %arg1, %dma_wait3A_104, %dma_wait3A_105] : memref<2x16x80x125xi32, #tpu.memory_space<hbm>> -> memref<1x1x80x125xi32, #tpu.memory_space<hbm>>
      %dma_wait3A_107 = tpu.memref_squeeze %dma_wait3A_106 : memref<1x1x80x125xi32, #tpu.memory_space<hbm>> -> memref<80x125xi32, #tpu.memory_space<hbm>>
      tpu.wait_dma2 semaphore(%run_scoped3A : memref<!tpu.dma_semaphore, #tpu.memory_space<semaphore_mem>>) src(%dma_wait3A_107 : memref<80x125xi32, #tpu.memory_space<hbm>>) dst(%arg7 : memref<80x125xi32, #tpu.memory_space<vmem>>)
      tpu.yield
    }) : () -> ()
    %dma_start3A = arith.constant 0 : i32
    %dma_start3A_23 = arith.constant 0 : i32
    %dma_start3A_24 = arith.constant 0 : i32
    %dma_start3A_25 = arith.constant 0 : i32
    %dma_start3A_26 = tpu.memref_slice %arg8[%dma_start3A_23, %dma_start3A_24, %dma_start3A_25] : memref<5x125x64xf32, #tpu.memory_space<vmem>> -> memref<1x125x64xf32, #tpu.memory_space<vmem>>
    %dma_start3A_27 = tpu.memref_squeeze %dma_start3A_26 : memref<1x125x64xf32, #tpu.memory_space<vmem>> -> memref<125x64xf32, #tpu.memory_space<vmem>>
    %dma_start3A_28 = arith.constant 0 : i32
    %dma_start3A_29 = tpu.memref_slice %arg6[%dma_start3A, %dma_start3A_28] : memref<80x125xi32, #tpu.memory_space<vmem>> -> memref<1x125xi32, #tpu.memory_space<vmem>>
    %dma_start3A_30 = tpu.memref_squeeze %dma_start3A_29 : memref<1x125xi32, #tpu.memory_space<vmem>> -> memref<125xi32, #tpu.memory_space<vmem>>
    %dma_start3A_31 = arith.constant 0 : i32
    %dma_start3A_32 = arith.constant 0 : i32
    %dma_start3A_33 = tpu.memref_slice %arg2[%dma_start3A_31, %dma_start3A_32] : memref<10000x64xf32, #tpu.memory_space<hbm>> -> memref<10000x64xf32, #tpu.memory_space<hbm>>
    tpu.enqueue_indirect_dma source(%dma_start3A_33 : memref<10000x64xf32, #tpu.memory_space<hbm>>) target(%dma_start3A_27 : memref<125x64xf32, #tpu.memory_space<vmem>>) offsets(%dma_start3A_30 : memref<125xi32, #tpu.memory_space<vmem>>) semaphore(%arg11 : memref<!tpu.dma_semaphore, #tpu.memory_space<semaphore_mem>>)
    %dma_start3A_34 = arith.constant 1 : i32
    %dma_start3A_35 = arith.constant 1 : i32
    %dma_start3A_36 = arith.constant 0 : i32
    %dma_start3A_37 = arith.constant 0 : i32
    %dma_start3A_38 = tpu.memref_slice %arg8[%dma_start3A_35, %dma_start3A_36, %dma_start3A_37] : memref<5x125x64xf32, #tpu.memory_space<vmem>> -> memref<1x125x64xf32, #tpu.memory_space<vmem>>
    %dma_start3A_39 = tpu.memref_squeeze %dma_start3A_38 : memref<1x125x64xf32, #tpu.memory_space<vmem>> -> memref<125x64xf32, #tpu.memory_space<vmem>>
    %dma_start3A_40 = arith.constant 0 : i32
    %dma_start3A_41 = tpu.memref_slice %arg6[%dma_start3A_34, %dma_start3A_40] : memref<80x125xi32, #tpu.memory_space<vmem>> -> memref<1x125xi32, #tpu.memory_space<vmem>>
    %dma_start3A_42 = tpu.memref_squeeze %dma_start3A_41 : memref<1x125xi32, #tpu.memory_space<vmem>> -> memref<125xi32, #tpu.memory_space<vmem>>
    %dma_start3A_43 = arith.constant 0 : i32
    %dma_start3A_44 = arith.constant 0 : i32
    %dma_start3A_45 = tpu.memref_slice %arg2[%dma_start3A_43, %dma_start3A_44] : memref<10000x64xf32, #tpu.memory_space<hbm>> -> memref<10000x64xf32, #tpu.memory_space<hbm>>
    tpu.enqueue_indirect_dma source(%dma_start3A_45 : memref<10000x64xf32, #tpu.memory_space<hbm>>) target(%dma_start3A_39 : memref<125x64xf32, #tpu.memory_space<vmem>>) offsets(%dma_start3A_42 : memref<125xi32, #tpu.memory_space<vmem>>) semaphore(%arg12 : memref<!tpu.dma_semaphore, #tpu.memory_space<semaphore_mem>>)
    %dma_start3A_46 = arith.constant 2 : i32
    %dma_start3A_47 = arith.constant 2 : i32
    %dma_start3A_48 = arith.constant 0 : i32
    %dma_start3A_49 = arith.constant 0 : i32
    %dma_start3A_50 = tpu.memref_slice %arg8[%dma_start3A_47, %dma_start3A_48, %dma_start3A_49] : memref<5x125x64xf32, #tpu.memory_space<vmem>> -> memref<1x125x64xf32, #tpu.memory_space<vmem>>
    %dma_start3A_51 = tpu.memref_squeeze %dma_start3A_50 : memref<1x125x64xf32, #tpu.memory_space<vmem>> -> memref<125x64xf32, #tpu.memory_space<vmem>>
    %dma_start3A_52 = arith.constant 0 : i32
    %dma_start3A_53 = tpu.memref_slice %arg6[%dma_start3A_46, %dma_start3A_52] : memref<80x125xi32, #tpu.memory_space<vmem>> -> memref<1x125xi32, #tpu.memory_space<vmem>>
    %dma_start3A_54 = tpu.memref_squeeze %dma_start3A_53 : memref<1x125xi32, #tpu.memory_space<vmem>> -> memref<125xi32, #tpu.memory_space<vmem>>
    %dma_start3A_55 = arith.constant 0 : i32
    %dma_start3A_56 = arith.constant 0 : i32
    %dma_start3A_57 = tpu.memref_slice %arg2[%dma_start3A_55, %dma_start3A_56] : memref<10000x64xf32, #tpu.memory_space<hbm>> -> memref<10000x64xf32, #tpu.memory_space<hbm>>
    tpu.enqueue_indirect_dma source(%dma_start3A_57 : memref<10000x64xf32, #tpu.memory_space<hbm>>) target(%dma_start3A_51 : memref<125x64xf32, #tpu.memory_space<vmem>>) offsets(%dma_start3A_54 : memref<125xi32, #tpu.memory_space<vmem>>) semaphore(%arg13 : memref<!tpu.dma_semaphore, #tpu.memory_space<semaphore_mem>>)
    %dma_start3A_58 = arith.constant 3 : i32
    %dma_start3A_59 = arith.constant 3 : i32
    %dma_start3A_60 = arith.constant 0 : i32
    %dma_start3A_61 = arith.constant 0 : i32
    %dma_start3A_62 = tpu.memref_slice %arg8[%dma_start3A_59, %dma_start3A_60, %dma_start3A_61] : memref<5x125x64xf32, #tpu.memory_space<vmem>> -> memref<1x125x64xf32, #tpu.memory_space<vmem>>
    %dma_start3A_63 = tpu.memref_squeeze %dma_start3A_62 : memref<1x125x64xf32, #tpu.memory_space<vmem>> -> memref<125x64xf32, #tpu.memory_space<vmem>>
    %dma_start3A_64 = arith.constant 0 : i32
    %dma_start3A_65 = tpu.memref_slice %arg6[%dma_start3A_58, %dma_start3A_64] : memref<80x125xi32, #tpu.memory_space<vmem>> -> memref<1x125xi32, #tpu.memory_space<vmem>>
    %dma_start3A_66 = tpu.memref_squeeze %dma_start3A_65 : memref<1x125xi32, #tpu.memory_space<vmem>> -> memref<125xi32, #tpu.memory_space<vmem>>
    %dma_start3A_67 = arith.constant 0 : i32
    %dma_start3A_68 = arith.constant 0 : i32
    %dma_start3A_69 = tpu.memref_slice %arg2[%dma_start3A_67, %dma_start3A_68] : memref<10000x64xf32, #tpu.memory_space<hbm>> -> memref<10000x64xf32, #tpu.memory_space<hbm>>
    tpu.enqueue_indirect_dma source(%dma_start3A_69 : memref<10000x64xf32, #tpu.memory_space<hbm>>) target(%dma_start3A_63 : memref<125x64xf32, #tpu.memory_space<vmem>>) offsets(%dma_start3A_66 : memref<125xi32, #tpu.memory_space<vmem>>) semaphore(%arg14 : memref<!tpu.dma_semaphore, #tpu.memory_space<semaphore_mem>>)
    %dma_start3A_70 = arith.constant 4 : i32
    %dma_start3A_71 = arith.constant 4 : i32
    %dma_start3A_72 = arith.constant 0 : i32
    %dma_start3A_73 = arith.constant 0 : i32
    %dma_start3A_74 = tpu.memref_slice %arg8[%dma_start3A_71, %dma_start3A_72, %dma_start3A_73] : memref<5x125x64xf32, #tpu.memory_space<vmem>> -> memref<1x125x64xf32, #tpu.memory_space<vmem>>
    %dma_start3A_75 = tpu.memref_squeeze %dma_start3A_74 : memref<1x125x64xf32, #tpu.memory_space<vmem>> -> memref<125x64xf32, #tpu.memory_space<vmem>>
    %dma_start3A_76 = arith.constant 0 : i32
    %dma_start3A_77 = tpu.memref_slice %arg6[%dma_start3A_70, %dma_start3A_76] : memref<80x125xi32, #tpu.memory_space<vmem>> -> memref<1x125xi32, #tpu.memory_space<vmem>>
    %dma_start3A_78 = tpu.memref_squeeze %dma_start3A_77 : memref<1x125xi32, #tpu.memory_space<vmem>> -> memref<125xi32, #tpu.memory_space<vmem>>
    %dma_start3A_79 = arith.constant 0 : i32
    %dma_start3A_80 = arith.constant 0 : i32
    %dma_start3A_81 = tpu.memref_slice %arg2[%dma_start3A_79, %dma_start3A_80] : memref<10000x64xf32, #tpu.memory_space<hbm>> -> memref<10000x64xf32, #tpu.memory_space<hbm>>
    tpu.enqueue_indirect_dma source(%dma_start3A_81 : memref<10000x64xf32, #tpu.memory_space<hbm>>) target(%dma_start3A_75 : memref<125x64xf32, #tpu.memory_space<vmem>>) offsets(%dma_start3A_78 : memref<125xi32, #tpu.memory_space<vmem>>) semaphore(%arg15 : memref<!tpu.dma_semaphore, #tpu.memory_space<semaphore_mem>>)
    %scan3A_82 = arith.constant 0 : i32
    %scan3A_83 = arith.constant 0 : i32
    %scan3A_84 = arith.constant 16 : i32
    %scan3A_85 = arith.addi %scan3A_83, %scan3A_84 : i32
    %scan3A_86 = arith.constant 1 : i32
    scf.for %scan3A_93 = %scan3A_83 to %scan3A_85 step %scan3A_86  : i32 {
      %mul3A_94 = arith.constant 5 : i32
      %mul3A_95 = arith.muli %mul3A_94, %scan3A_93 : i32
      %add3A_96 = arith.constant 0 : i32
      %add3A_97 = arith.addi %mul3A_95, %add3A_96 : i32
      %dma_wait3A = arith.constant 0 : i32
      %dma_wait3A_98 = arith.constant 0 : i32
      %dma_wait3A_99 = arith.constant 0 : i32
      %dma_wait3A_100 = tpu.memref_slice %arg8[%dma_wait3A, %dma_wait3A_98, %dma_wait3A_99] : memref<5x125x64xf32, #tpu.memory_space<vmem>> -> memref<1x125x64xf32, #tpu.memory_space<vmem>>
      %dma_wait3A_101 = tpu.memref_squeeze %dma_wait3A_100 : memref<1x125x64xf32, #tpu.memory_space<vmem>> -> memref<125x64xf32, #tpu.memory_space<vmem>>
      %dma_wait3A_102 = arith.constant 0 : i32
      %dma_wait3A_103 = tpu.memref_slice %arg6[%add3A_97, %dma_wait3A_102] : memref<80x125xi32, #tpu.memory_space<vmem>> -> memref<1x125xi32, #tpu.memory_space<vmem>>
      %dma_wait3A_104 = tpu.memref_squeeze %dma_wait3A_103 : memref<1x125xi32, #tpu.memory_space<vmem>> -> memref<125xi32, #tpu.memory_space<vmem>>
      %dma_wait3A_105 = arith.constant 0 : i32
      %dma_wait3A_106 = arith.constant 0 : i32
      %dma_wait3A_107 = tpu.memref_slice %arg2[%dma_wait3A_105, %dma_wait3A_106] : memref<10000x64xf32, #tpu.memory_space<hbm>> -> memref<10000x64xf32, #tpu.memory_space<hbm>>
      tpu.wait_indirect_dma semaphore(%arg11 : memref<!tpu.dma_semaphore, #tpu.memory_space<semaphore_mem>>) src(%dma_wait3A_107 : memref<10000x64xf32, #tpu.memory_space<hbm>>) dst(%dma_wait3A_101 : memref<125x64xf32, #tpu.memory_space<vmem>>)
      %dma_start3A_108 = arith.constant 0 : i32
      %dma_start3A_109 = arith.constant 0 : i32
      %dma_start3A_110 = arith.constant 0 : i32
      %dma_start3A_111 = tpu.memref_slice %arg8[%dma_start3A_108, %dma_start3A_109, %dma_start3A_110] : memref<5x125x64xf32, #tpu.memory_space<vmem>> -> memref<1x125x64xf32, #tpu.memory_space<vmem>>
      %dma_start3A_112 = tpu.memref_squeeze %dma_start3A_111 : memref<1x125x64xf32, #tpu.memory_space<vmem>> -> memref<125x64xf32, #tpu.memory_space<vmem>>
      %dma_start3A_113 = arith.constant 0 : i32
      %dma_start3A_114 = tpu.memref_slice %arg7[%add3A_97, %dma_start3A_113] : memref<80x125xi32, #tpu.memory_space<vmem>> -> memref<1x125xi32, #tpu.memory_space<vmem>>
      %dma_start3A_115 = tpu.memref_squeeze %dma_start3A_114 : memref<1x125xi32, #tpu.memory_space<vmem>> -> memref<125xi32, #tpu.memory_space<vmem>>
      %dma_start3A_116 = arith.constant 0 : i32
      %dma_start3A_117 = arith.constant 0 : i32
      %dma_start3A_118 = tpu.memref_slice %arg10[%dma_start3A_116, %dma_start3A_117] : memref<10240x64xf32, #tpu.memory_space<vmem_shared>> -> memref<10240x64xf32, #tpu.memory_space<vmem_shared>>
      tpu.enqueue_indirect_dma source(%dma_start3A_112 : memref<125x64xf32, #tpu.memory_space<vmem>>) target(%dma_start3A_118 : memref<10240x64xf32, #tpu.memory_space<vmem_shared>>) offsets(%dma_start3A_115 : memref<125xi32, #tpu.memory_space<vmem>>) semaphore(%arg16 : memref<!tpu.dma_semaphore, #tpu.memory_space<semaphore_mem>>) {add = true}
      %dma_wait3A_119 = arith.constant 0 : i32
      %dma_wait3A_120 = arith.constant 0 : i32
      %dma_wait3A_121 = arith.constant 0 : i32
      %dma_wait3A_122 = tpu.memref_slice %arg8[%dma_wait3A_119, %dma_wait3A_120, %dma_wait3A_121] : memref<5x125x64xf32, #tpu.memory_space<vmem>> -> memref<1x125x64xf32, #tpu.memory_space<vmem>>
      %dma_wait3A_123 = tpu.memref_squeeze %dma_wait3A_122 : memref<1x125x64xf32, #tpu.memory_space<vmem>> -> memref<125x64xf32, #tpu.memory_space<vmem>>
      %dma_wait3A_124 = arith.constant 0 : i32
      %dma_wait3A_125 = tpu.memref_slice %arg6[%add3A_97, %dma_wait3A_124] : memref<80x125xi32, #tpu.memory_space<vmem>> -> memref<1x125xi32, #tpu.memory_space<vmem>>
      %dma_wait3A_126 = tpu.memref_squeeze %dma_wait3A_125 : memref<1x125xi32, #tpu.memory_space<vmem>> -> memref<125xi32, #tpu.memory_space<vmem>>
      %dma_wait3A_127 = arith.constant 0 : i32
      %dma_wait3A_128 = arith.constant 0 : i32
      %dma_wait3A_129 = tpu.memref_slice %arg2[%dma_wait3A_127, %dma_wait3A_128] : memref<10000x64xf32, #tpu.memory_space<hbm>> -> memref<10000x64xf32, #tpu.memory_space<hbm>>
      tpu.wait_indirect_dma semaphore(%arg16 : memref<!tpu.dma_semaphore, #tpu.memory_space<semaphore_mem>>) src(%dma_wait3A_129 : memref<10000x64xf32, #tpu.memory_space<hbm>>) dst(%dma_wait3A_123 : memref<125x64xf32, #tpu.memory_space<vmem>>)
      %add3A_130 = arith.constant 5 : i32
      %add3A_131 = arith.addi %add3A_97, %add3A_130 : i32
      %lt3A = arith.constant 80 : i32
      %lt3A_132 = arith.cmpi slt, %add3A_131, %lt3A : i32
      %convert_element_type3A = arith.extui %lt3A_132 : i1 to i32
      %cond3A = arith.constant 0 : i32
      %cond3A_133 = arith.cmpi ne, %convert_element_type3A, %cond3A : i32
      scf.if %cond3A_133 {
        %add3A_310 = arith.constant 5 : i32
        %add3A_311 = arith.addi %add3A_97, %add3A_310 : i32
        %dma_start3A_312 = arith.constant 0 : i32
        %dma_start3A_313 = arith.constant 0 : i32
        %dma_start3A_314 = arith.constant 0 : i32
        %dma_start3A_315 = tpu.memref_slice %arg8[%dma_start3A_312, %dma_start3A_313, %dma_start3A_314] : memref<5x125x64xf32, #tpu.memory_space<vmem>> -> memref<1x125x64xf32, #tpu.memory_space<vmem>>
        %dma_start3A_316 = tpu.memref_squeeze %dma_start3A_315 : memref<1x125x64xf32, #tpu.memory_space<vmem>> -> memref<125x64xf32, #tpu.memory_space<vmem>>
        %dma_start3A_317 = arith.constant 0 : i32
        %dma_start3A_318 = tpu.memref_slice %arg6[%add3A_311, %dma_start3A_317] : memref<80x125xi32, #tpu.memory_space<vmem>> -> memref<1x125xi32, #tpu.memory_space<vmem>>
        %dma_start3A_319 = tpu.memref_squeeze %dma_start3A_318 : memref<1x125xi32, #tpu.memory_space<vmem>> -> memref<125xi32, #tpu.memory_space<vmem>>
        %dma_start3A_320 = arith.constant 0 : i32
        %dma_start3A_321 = arith.constant 0 : i32
        %dma_start3A_322 = tpu.memref_slice %arg2[%dma_start3A_320, %dma_start3A_321] : memref<10000x64xf32, #tpu.memory_space<hbm>> -> memref<10000x64xf32, #tpu.memory_space<hbm>>
        tpu.enqueue_indirect_dma source(%dma_start3A_322 : memref<10000x64xf32, #tpu.memory_space<hbm>>) target(%dma_start3A_316 : memref<125x64xf32, #tpu.memory_space<vmem>>) offsets(%dma_start3A_319 : memref<125xi32, #tpu.memory_space<vmem>>) semaphore(%arg11 : memref<!tpu.dma_semaphore, #tpu.memory_space<semaphore_mem>>)
      } else {
      }
      %mul3A_134 = arith.constant 5 : i32
      %mul3A_135 = arith.muli %mul3A_134, %scan3A_93 : i32
      %add3A_136 = arith.constant 1 : i32
      %add3A_137 = arith.addi %mul3A_135, %add3A_136 : i32
      %dma_wait3A_138 = arith.constant 1 : i32
      %dma_wait3A_139 = arith.constant 0 : i32
      %dma_wait3A_140 = arith.constant 0 : i32
      %dma_wait3A_141 = tpu.memref_slice %arg8[%dma_wait3A_138, %dma_wait3A_139, %dma_wait3A_140] : memref<5x125x64xf32, #tpu.memory_space<vmem>> -> memref<1x125x64xf32, #tpu.memory_space<vmem>>
      %dma_wait3A_142 = tpu.memref_squeeze %dma_wait3A_141 : memref<1x125x64xf32, #tpu.memory_space<vmem>> -> memref<125x64xf32, #tpu.memory_space<vmem>>
      %dma_wait3A_143 = arith.constant 0 : i32
      %dma_wait3A_144 = tpu.memref_slice %arg6[%add3A_137, %dma_wait3A_143] : memref<80x125xi32, #tpu.memory_space<vmem>> -> memref<1x125xi32, #tpu.memory_space<vmem>>
      %dma_wait3A_145 = tpu.memref_squeeze %dma_wait3A_144 : memref<1x125xi32, #tpu.memory_space<vmem>> -> memref<125xi32, #tpu.memory_space<vmem>>
      %dma_wait3A_146 = arith.constant 0 : i32
      %dma_wait3A_147 = arith.constant 0 : i32
      %dma_wait3A_148 = tpu.memref_slice %arg2[%dma_wait3A_146, %dma_wait3A_147] : memref<10000x64xf32, #tpu.memory_space<hbm>> -> memref<10000x64xf32, #tpu.memory_space<hbm>>
      tpu.wait_indirect_dma semaphore(%arg12 : memref<!tpu.dma_semaphore, #tpu.memory_space<semaphore_mem>>) src(%dma_wait3A_148 : memref<10000x64xf32, #tpu.memory_space<hbm>>) dst(%dma_wait3A_142 : memref<125x64xf32, #tpu.memory_space<vmem>>)
      %dma_start3A_149 = arith.constant 1 : i32
      %dma_start3A_150 = arith.constant 0 : i32
      %dma_start3A_151 = arith.constant 0 : i32
      %dma_start3A_152 = tpu.memref_slice %arg8[%dma_start3A_149, %dma_start3A_150, %dma_start3A_151] : memref<5x125x64xf32, #tpu.memory_space<vmem>> -> memref<1x125x64xf32, #tpu.memory_space<vmem>>
      %dma_start3A_153 = tpu.memref_squeeze %dma_start3A_152 : memref<1x125x64xf32, #tpu.memory_space<vmem>> -> memref<125x64xf32, #tpu.memory_space<vmem>>
      %dma_start3A_154 = arith.constant 0 : i32
      %dma_start3A_155 = tpu.memref_slice %arg7[%add3A_137, %dma_start3A_154] : memref<80x125xi32, #tpu.memory_space<vmem>> -> memref<1x125xi32, #tpu.memory_space<vmem>>
      %dma_start3A_156 = tpu.memref_squeeze %dma_start3A_155 : memref<1x125xi32, #tpu.memory_space<vmem>> -> memref<125xi32, #tpu.memory_space<vmem>>
      %dma_start3A_157 = arith.constant 0 : i32
      %dma_start3A_158 = arith.constant 0 : i32
      %dma_start3A_159 = tpu.memref_slice %arg10[%dma_start3A_157, %dma_start3A_158] : memref<10240x64xf32, #tpu.memory_space<vmem_shared>> -> memref<10240x64xf32, #tpu.memory_space<vmem_shared>>
      tpu.enqueue_indirect_dma source(%dma_start3A_153 : memref<125x64xf32, #tpu.memory_space<vmem>>) target(%dma_start3A_159 : memref<10240x64xf32, #tpu.memory_space<vmem_shared>>) offsets(%dma_start3A_156 : memref<125xi32, #tpu.memory_space<vmem>>) semaphore(%arg17 : memref<!tpu.dma_semaphore, #tpu.memory_space<semaphore_mem>>) {add = true}
      %dma_wait3A_160 = arith.constant 1 : i32
      %dma_wait3A_161 = arith.constant 0 : i32
      %dma_wait3A_162 = arith.constant 0 : i32
      %dma_wait3A_163 = tpu.memref_slice %arg8[%dma_wait3A_160, %dma_wait3A_161, %dma_wait3A_162] : memref<5x125x64xf32, #tpu.memory_space<vmem>> -> memref<1x125x64xf32, #tpu.memory_space<vmem>>
      %dma_wait3A_164 = tpu.memref_squeeze %dma_wait3A_163 : memref<1x125x64xf32, #tpu.memory_space<vmem>> -> memref<125x64xf32, #tpu.memory_space<vmem>>
      %dma_wait3A_165 = arith.constant 0 : i32
      %dma_wait3A_166 = tpu.memref_slice %arg6[%add3A_137, %dma_wait3A_165] : memref<80x125xi32, #tpu.memory_space<vmem>> -> memref<1x125xi32, #tpu.memory_space<vmem>>
      %dma_wait3A_167 = tpu.memref_squeeze %dma_wait3A_166 : memref<1x125xi32, #tpu.memory_space<vmem>> -> memref<125xi32, #tpu.memory_space<vmem>>
      %dma_wait3A_168 = arith.constant 0 : i32
      %dma_wait3A_169 = arith.constant 0 : i32
      %dma_wait3A_170 = tpu.memref_slice %arg2[%dma_wait3A_168, %dma_wait3A_169] : memref<10000x64xf32, #tpu.memory_space<hbm>> -> memref<10000x64xf32, #tpu.memory_space<hbm>>
      tpu.wait_indirect_dma semaphore(%arg17 : memref<!tpu.dma_semaphore, #tpu.memory_space<semaphore_mem>>) src(%dma_wait3A_170 : memref<10000x64xf32, #tpu.memory_space<hbm>>) dst(%dma_wait3A_164 : memref<125x64xf32, #tpu.memory_space<vmem>>)
      %add3A_171 = arith.constant 5 : i32
      %add3A_172 = arith.addi %add3A_137, %add3A_171 : i32
      %lt3A_173 = arith.constant 80 : i32
      %lt3A_174 = arith.cmpi slt, %add3A_172, %lt3A_173 : i32
      %convert_element_type3A_175 = arith.extui %lt3A_174 : i1 to i32
      %cond3A_176 = arith.constant 0 : i32
      %cond3A_177 = arith.cmpi ne, %convert_element_type3A_175, %cond3A_176 : i32
      scf.if %cond3A_177 {
        %add3A_310 = arith.constant 5 : i32
        %add3A_311 = arith.addi %add3A_137, %add3A_310 : i32
        %dma_start3A_312 = arith.constant 1 : i32
        %dma_start3A_313 = arith.constant 0 : i32
        %dma_start3A_314 = arith.constant 0 : i32
        %dma_start3A_315 = tpu.memref_slice %arg8[%dma_start3A_312, %dma_start3A_313, %dma_start3A_314] : memref<5x125x64xf32, #tpu.memory_space<vmem>> -> memref<1x125x64xf32, #tpu.memory_space<vmem>>
        %dma_start3A_316 = tpu.memref_squeeze %dma_start3A_315 : memref<1x125x64xf32, #tpu.memory_space<vmem>> -> memref<125x64xf32, #tpu.memory_space<vmem>>
        %dma_start3A_317 = arith.constant 0 : i32
        %dma_start3A_318 = tpu.memref_slice %arg6[%add3A_311, %dma_start3A_317] : memref<80x125xi32, #tpu.memory_space<vmem>> -> memref<1x125xi32, #tpu.memory_space<vmem>>
        %dma_start3A_319 = tpu.memref_squeeze %dma_start3A_318 : memref<1x125xi32, #tpu.memory_space<vmem>> -> memref<125xi32, #tpu.memory_space<vmem>>
        %dma_start3A_320 = arith.constant 0 : i32
        %dma_start3A_321 = arith.constant 0 : i32
        %dma_start3A_322 = tpu.memref_slice %arg2[%dma_start3A_320, %dma_start3A_321] : memref<10000x64xf32, #tpu.memory_space<hbm>> -> memref<10000x64xf32, #tpu.memory_space<hbm>>
        tpu.enqueue_indirect_dma source(%dma_start3A_322 : memref<10000x64xf32, #tpu.memory_space<hbm>>) target(%dma_start3A_316 : memref<125x64xf32, #tpu.memory_space<vmem>>) offsets(%dma_start3A_319 : memref<125xi32, #tpu.memory_space<vmem>>) semaphore(%arg12 : memref<!tpu.dma_semaphore, #tpu.memory_space<semaphore_mem>>)
      } else {
      }
      %mul3A_178 = arith.constant 5 : i32
      %mul3A_179 = arith.muli %mul3A_178, %scan3A_93 : i32
      %add3A_180 = arith.constant 2 : i32
      %add3A_181 = arith.addi %mul3A_179, %add3A_180 : i32
      %dma_wait3A_182 = arith.constant 2 : i32
      %dma_wait3A_183 = arith.constant 0 : i32
      %dma_wait3A_184 = arith.constant 0 : i32
      %dma_wait3A_185 = tpu.memref_slice %arg8[%dma_wait3A_182, %dma_wait3A_183, %dma_wait3A_184] : memref<5x125x64xf32, #tpu.memory_space<vmem>> -> memref<1x125x64xf32, #tpu.memory_space<vmem>>
      %dma_wait3A_186 = tpu.memref_squeeze %dma_wait3A_185 : memref<1x125x64xf32, #tpu.memory_space<vmem>> -> memref<125x64xf32, #tpu.memory_space<vmem>>
      %dma_wait3A_187 = arith.constant 0 : i32
      %dma_wait3A_188 = tpu.memref_slice %arg6[%add3A_181, %dma_wait3A_187] : memref<80x125xi32, #tpu.memory_space<vmem>> -> memref<1x125xi32, #tpu.memory_space<vmem>>
      %dma_wait3A_189 = tpu.memref_squeeze %dma_wait3A_188 : memref<1x125xi32, #tpu.memory_space<vmem>> -> memref<125xi32, #tpu.memory_space<vmem>>
      %dma_wait3A_190 = arith.constant 0 : i32
      %dma_wait3A_191 = arith.constant 0 : i32
      %dma_wait3A_192 = tpu.memref_slice %arg2[%dma_wait3A_190, %dma_wait3A_191] : memref<10000x64xf32, #tpu.memory_space<hbm>> -> memref<10000x64xf32, #tpu.memory_space<hbm>>
      tpu.wait_indirect_dma semaphore(%arg13 : memref<!tpu.dma_semaphore, #tpu.memory_space<semaphore_mem>>) src(%dma_wait3A_192 : memref<10000x64xf32, #tpu.memory_space<hbm>>) dst(%dma_wait3A_186 : memref<125x64xf32, #tpu.memory_space<vmem>>)
      %dma_start3A_193 = arith.constant 2 : i32
      %dma_start3A_194 = arith.constant 0 : i32
      %dma_start3A_195 = arith.constant 0 : i32
      %dma_start3A_196 = tpu.memref_slice %arg8[%dma_start3A_193, %dma_start3A_194, %dma_start3A_195] : memref<5x125x64xf32, #tpu.memory_space<vmem>> -> memref<1x125x64xf32, #tpu.memory_space<vmem>>
      %dma_start3A_197 = tpu.memref_squeeze %dma_start3A_196 : memref<1x125x64xf32, #tpu.memory_space<vmem>> -> memref<125x64xf32, #tpu.memory_space<vmem>>
      %dma_start3A_198 = arith.constant 0 : i32
      %dma_start3A_199 = tpu.memref_slice %arg7[%add3A_181, %dma_start3A_198] : memref<80x125xi32, #tpu.memory_space<vmem>> -> memref<1x125xi32, #tpu.memory_space<vmem>>
      %dma_start3A_200 = tpu.memref_squeeze %dma_start3A_199 : memref<1x125xi32, #tpu.memory_space<vmem>> -> memref<125xi32, #tpu.memory_space<vmem>>
      %dma_start3A_201 = arith.constant 0 : i32
      %dma_start3A_202 = arith.constant 0 : i32
      %dma_start3A_203 = tpu.memref_slice %arg10[%dma_start3A_201, %dma_start3A_202] : memref<10240x64xf32, #tpu.memory_space<vmem_shared>> -> memref<10240x64xf32, #tpu.memory_space<vmem_shared>>
      tpu.enqueue_indirect_dma source(%dma_start3A_197 : memref<125x64xf32, #tpu.memory_space<vmem>>) target(%dma_start3A_203 : memref<10240x64xf32, #tpu.memory_space<vmem_shared>>) offsets(%dma_start3A_200 : memref<125xi32, #tpu.memory_space<vmem>>) semaphore(%arg18 : memref<!tpu.dma_semaphore, #tpu.memory_space<semaphore_mem>>) {add = true}
      %dma_wait3A_204 = arith.constant 2 : i32
      %dma_wait3A_205 = arith.constant 0 : i32
      %dma_wait3A_206 = arith.constant 0 : i32
      %dma_wait3A_207 = tpu.memref_slice %arg8[%dma_wait3A_204, %dma_wait3A_205, %dma_wait3A_206] : memref<5x125x64xf32, #tpu.memory_space<vmem>> -> memref<1x125x64xf32, #tpu.memory_space<vmem>>
      %dma_wait3A_208 = tpu.memref_squeeze %dma_wait3A_207 : memref<1x125x64xf32, #tpu.memory_space<vmem>> -> memref<125x64xf32, #tpu.memory_space<vmem>>
      %dma_wait3A_209 = arith.constant 0 : i32
      %dma_wait3A_210 = tpu.memref_slice %arg6[%add3A_181, %dma_wait3A_209] : memref<80x125xi32, #tpu.memory_space<vmem>> -> memref<1x125xi32, #tpu.memory_space<vmem>>
      %dma_wait3A_211 = tpu.memref_squeeze %dma_wait3A_210 : memref<1x125xi32, #tpu.memory_space<vmem>> -> memref<125xi32, #tpu.memory_space<vmem>>
      %dma_wait3A_212 = arith.constant 0 : i32
      %dma_wait3A_213 = arith.constant 0 : i32
      %dma_wait3A_214 = tpu.memref_slice %arg2[%dma_wait3A_212, %dma_wait3A_213] : memref<10000x64xf32, #tpu.memory_space<hbm>> -> memref<10000x64xf32, #tpu.memory_space<hbm>>
      tpu.wait_indirect_dma semaphore(%arg18 : memref<!tpu.dma_semaphore, #tpu.memory_space<semaphore_mem>>) src(%dma_wait3A_214 : memref<10000x64xf32, #tpu.memory_space<hbm>>) dst(%dma_wait3A_208 : memref<125x64xf32, #tpu.memory_space<vmem>>)
      %add3A_215 = arith.constant 5 : i32
      %add3A_216 = arith.addi %add3A_181, %add3A_215 : i32
      %lt3A_217 = arith.constant 80 : i32
      %lt3A_218 = arith.cmpi slt, %add3A_216, %lt3A_217 : i32
      %convert_element_type3A_219 = arith.extui %lt3A_218 : i1 to i32
      %cond3A_220 = arith.constant 0 : i32
      %cond3A_221 = arith.cmpi ne, %convert_element_type3A_219, %cond3A_220 : i32
      scf.if %cond3A_221 {
        %add3A_310 = arith.constant 5 : i32
        %add3A_311 = arith.addi %add3A_181, %add3A_310 : i32
        %dma_start3A_312 = arith.constant 2 : i32
        %dma_start3A_313 = arith.constant 0 : i32
        %dma_start3A_314 = arith.constant 0 : i32
        %dma_start3A_315 = tpu.memref_slice %arg8[%dma_start3A_312, %dma_start3A_313, %dma_start3A_314] : memref<5x125x64xf32, #tpu.memory_space<vmem>> -> memref<1x125x64xf32, #tpu.memory_space<vmem>>
        %dma_start3A_316 = tpu.memref_squeeze %dma_start3A_315 : memref<1x125x64xf32, #tpu.memory_space<vmem>> -> memref<125x64xf32, #tpu.memory_space<vmem>>
        %dma_start3A_317 = arith.constant 0 : i32
        %dma_start3A_318 = tpu.memref_slice %arg6[%add3A_311, %dma_start3A_317] : memref<80x125xi32, #tpu.memory_space<vmem>> -> memref<1x125xi32, #tpu.memory_space<vmem>>
        %dma_start3A_319 = tpu.memref_squeeze %dma_start3A_318 : memref<1x125xi32, #tpu.memory_space<vmem>> -> memref<125xi32, #tpu.memory_space<vmem>>
        %dma_start3A_320 = arith.constant 0 : i32
        %dma_start3A_321 = arith.constant 0 : i32
        %dma_start3A_322 = tpu.memref_slice %arg2[%dma_start3A_320, %dma_start3A_321] : memref<10000x64xf32, #tpu.memory_space<hbm>> -> memref<10000x64xf32, #tpu.memory_space<hbm>>
        tpu.enqueue_indirect_dma source(%dma_start3A_322 : memref<10000x64xf32, #tpu.memory_space<hbm>>) target(%dma_start3A_316 : memref<125x64xf32, #tpu.memory_space<vmem>>) offsets(%dma_start3A_319 : memref<125xi32, #tpu.memory_space<vmem>>) semaphore(%arg13 : memref<!tpu.dma_semaphore, #tpu.memory_space<semaphore_mem>>)
      } else {
      }
      %mul3A_222 = arith.constant 5 : i32
      %mul3A_223 = arith.muli %mul3A_222, %scan3A_93 : i32
      %add3A_224 = arith.constant 3 : i32
      %add3A_225 = arith.addi %mul3A_223, %add3A_224 : i32
      %dma_wait3A_226 = arith.constant 3 : i32
      %dma_wait3A_227 = arith.constant 0 : i32
      %dma_wait3A_228 = arith.constant 0 : i32
      %dma_wait3A_229 = tpu.memref_slice %arg8[%dma_wait3A_226, %dma_wait3A_227, %dma_wait3A_228] : memref<5x125x64xf32, #tpu.memory_space<vmem>> -> memref<1x125x64xf32, #tpu.memory_space<vmem>>
      %dma_wait3A_230 = tpu.memref_squeeze %dma_wait3A_229 : memref<1x125x64xf32, #tpu.memory_space<vmem>> -> memref<125x64xf32, #tpu.memory_space<vmem>>
      %dma_wait3A_231 = arith.constant 0 : i32
      %dma_wait3A_232 = tpu.memref_slice %arg6[%add3A_225, %dma_wait3A_231] : memref<80x125xi32, #tpu.memory_space<vmem>> -> memref<1x125xi32, #tpu.memory_space<vmem>>
      %dma_wait3A_233 = tpu.memref_squeeze %dma_wait3A_232 : memref<1x125xi32, #tpu.memory_space<vmem>> -> memref<125xi32, #tpu.memory_space<vmem>>
      %dma_wait3A_234 = arith.constant 0 : i32
      %dma_wait3A_235 = arith.constant 0 : i32
      %dma_wait3A_236 = tpu.memref_slice %arg2[%dma_wait3A_234, %dma_wait3A_235] : memref<10000x64xf32, #tpu.memory_space<hbm>> -> memref<10000x64xf32, #tpu.memory_space<hbm>>
      tpu.wait_indirect_dma semaphore(%arg14 : memref<!tpu.dma_semaphore, #tpu.memory_space<semaphore_mem>>) src(%dma_wait3A_236 : memref<10000x64xf32, #tpu.memory_space<hbm>>) dst(%dma_wait3A_230 : memref<125x64xf32, #tpu.memory_space<vmem>>)
      %dma_start3A_237 = arith.constant 3 : i32
      %dma_start3A_238 = arith.constant 0 : i32
      %dma_start3A_239 = arith.constant 0 : i32
      %dma_start3A_240 = tpu.memref_slice %arg8[%dma_start3A_237, %dma_start3A_238, %dma_start3A_239] : memref<5x125x64xf32, #tpu.memory_space<vmem>> -> memref<1x125x64xf32, #tpu.memory_space<vmem>>
      %dma_start3A_241 = tpu.memref_squeeze %dma_start3A_240 : memref<1x125x64xf32, #tpu.memory_space<vmem>> -> memref<125x64xf32, #tpu.memory_space<vmem>>
      %dma_start3A_242 = arith.constant 0 : i32
      %dma_start3A_243 = tpu.memref_slice %arg7[%add3A_225, %dma_start3A_242] : memref<80x125xi32, #tpu.memory_space<vmem>> -> memref<1x125xi32, #tpu.memory_space<vmem>>
      %dma_start3A_244 = tpu.memref_squeeze %dma_start3A_243 : memref<1x125xi32, #tpu.memory_space<vmem>> -> memref<125xi32, #tpu.memory_space<vmem>>
      %dma_start3A_245 = arith.constant 0 : i32
      %dma_start3A_246 = arith.constant 0 : i32
      %dma_start3A_247 = tpu.memref_slice %arg10[%dma_start3A_245, %dma_start3A_246] : memref<10240x64xf32, #tpu.memory_space<vmem_shared>> -> memref<10240x64xf32, #tpu.memory_space<vmem_shared>>
      tpu.enqueue_indirect_dma source(%dma_start3A_241 : memref<125x64xf32, #tpu.memory_space<vmem>>) target(%dma_start3A_247 : memref<10240x64xf32, #tpu.memory_space<vmem_shared>>) offsets(%dma_start3A_244 : memref<125xi32, #tpu.memory_space<vmem>>) semaphore(%arg19 : memref<!tpu.dma_semaphore, #tpu.memory_space<semaphore_mem>>) {add = true}
      %dma_wait3A_248 = arith.constant 3 : i32
      %dma_wait3A_249 = arith.constant 0 : i32
      %dma_wait3A_250 = arith.constant 0 : i32
      %dma_wait3A_251 = tpu.memref_slice %arg8[%dma_wait3A_248, %dma_wait3A_249, %dma_wait3A_250] : memref<5x125x64xf32, #tpu.memory_space<vmem>> -> memref<1x125x64xf32, #tpu.memory_space<vmem>>
      %dma_wait3A_252 = tpu.memref_squeeze %dma_wait3A_251 : memref<1x125x64xf32, #tpu.memory_space<vmem>> -> memref<125x64xf32, #tpu.memory_space<vmem>>
      %dma_wait3A_253 = arith.constant 0 : i32
      %dma_wait3A_254 = tpu.memref_slice %arg6[%add3A_225, %dma_wait3A_253] : memref<80x125xi32, #tpu.memory_space<vmem>> -> memref<1x125xi32, #tpu.memory_space<vmem>>
      %dma_wait3A_255 = tpu.memref_squeeze %dma_wait3A_254 : memref<1x125xi32, #tpu.memory_space<vmem>> -> memref<125xi32, #tpu.memory_space<vmem>>
      %dma_wait3A_256 = arith.constant 0 : i32
      %dma_wait3A_257 = arith.constant 0 : i32
      %dma_wait3A_258 = tpu.memref_slice %arg2[%dma_wait3A_256, %dma_wait3A_257] : memref<10000x64xf32, #tpu.memory_space<hbm>> -> memref<10000x64xf32, #tpu.memory_space<hbm>>
      tpu.wait_indirect_dma semaphore(%arg19 : memref<!tpu.dma_semaphore, #tpu.memory_space<semaphore_mem>>) src(%dma_wait3A_258 : memref<10000x64xf32, #tpu.memory_space<hbm>>) dst(%dma_wait3A_252 : memref<125x64xf32, #tpu.memory_space<vmem>>)
      %add3A_259 = arith.constant 5 : i32
      %add3A_260 = arith.addi %add3A_225, %add3A_259 : i32
      %lt3A_261 = arith.constant 80 : i32
      %lt3A_262 = arith.cmpi slt, %add3A_260, %lt3A_261 : i32
      %convert_element_type3A_263 = arith.extui %lt3A_262 : i1 to i32
      %cond3A_264 = arith.constant 0 : i32
      %cond3A_265 = arith.cmpi ne, %convert_element_type3A_263, %cond3A_264 : i32
      scf.if %cond3A_265 {
        %add3A_310 = arith.constant 5 : i32
        %add3A_311 = arith.addi %add3A_225, %add3A_310 : i32
        %dma_start3A_312 = arith.constant 3 : i32
        %dma_start3A_313 = arith.constant 0 : i32
        %dma_start3A_314 = arith.constant 0 : i32
        %dma_start3A_315 = tpu.memref_slice %arg8[%dma_start3A_312, %dma_start3A_313, %dma_start3A_314] : memref<5x125x64xf32, #tpu.memory_space<vmem>> -> memref<1x125x64xf32, #tpu.memory_space<vmem>>
        %dma_start3A_316 = tpu.memref_squeeze %dma_start3A_315 : memref<1x125x64xf32, #tpu.memory_space<vmem>> -> memref<125x64xf32, #tpu.memory_space<vmem>>
        %dma_start3A_317 = arith.constant 0 : i32
        %dma_start3A_318 = tpu.memref_slice %arg6[%add3A_311, %dma_start3A_317] : memref<80x125xi32, #tpu.memory_space<vmem>> -> memref<1x125xi32, #tpu.memory_space<vmem>>
        %dma_start3A_319 = tpu.memref_squeeze %dma_start3A_318 : memref<1x125xi32, #tpu.memory_space<vmem>> -> memref<125xi32, #tpu.memory_space<vmem>>
        %dma_start3A_320 = arith.constant 0 : i32
        %dma_start3A_321 = arith.constant 0 : i32
        %dma_start3A_322 = tpu.memref_slice %arg2[%dma_start3A_320, %dma_start3A_321] : memref<10000x64xf32, #tpu.memory_space<hbm>> -> memref<10000x64xf32, #tpu.memory_space<hbm>>
        tpu.enqueue_indirect_dma source(%dma_start3A_322 : memref<10000x64xf32, #tpu.memory_space<hbm>>) target(%dma_start3A_316 : memref<125x64xf32, #tpu.memory_space<vmem>>) offsets(%dma_start3A_319 : memref<125xi32, #tpu.memory_space<vmem>>) semaphore(%arg14 : memref<!tpu.dma_semaphore, #tpu.memory_space<semaphore_mem>>)
      } else {
      }
      %mul3A_266 = arith.constant 5 : i32
      %mul3A_267 = arith.muli %mul3A_266, %scan3A_93 : i32
      %add3A_268 = arith.constant 4 : i32
      %add3A_269 = arith.addi %mul3A_267, %add3A_268 : i32
      %dma_wait3A_270 = arith.constant 4 : i32
      %dma_wait3A_271 = arith.constant 0 : i32
      %dma_wait3A_272 = arith.constant 0 : i32
      %dma_wait3A_273 = tpu.memref_slice %arg8[%dma_wait3A_270, %dma_wait3A_271, %dma_wait3A_272] : memref<5x125x64xf32, #tpu.memory_space<vmem>> -> memref<1x125x64xf32, #tpu.memory_space<vmem>>
      %dma_wait3A_274 = tpu.memref_squeeze %dma_wait3A_273 : memref<1x125x64xf32, #tpu.memory_space<vmem>> -> memref<125x64xf32, #tpu.memory_space<vmem>>
      %dma_wait3A_275 = arith.constant 0 : i32
      %dma_wait3A_276 = tpu.memref_slice %arg6[%add3A_269, %dma_wait3A_275] : memref<80x125xi32, #tpu.memory_space<vmem>> -> memref<1x125xi32, #tpu.memory_space<vmem>>
      %dma_wait3A_277 = tpu.memref_squeeze %dma_wait3A_276 : memref<1x125xi32, #tpu.memory_space<vmem>> -> memref<125xi32, #tpu.memory_space<vmem>>
      %dma_wait3A_278 = arith.constant 0 : i32
      %dma_wait3A_279 = arith.constant 0 : i32
      %dma_wait3A_280 = tpu.memref_slice %arg2[%dma_wait3A_278, %dma_wait3A_279] : memref<10000x64xf32, #tpu.memory_space<hbm>> -> memref<10000x64xf32, #tpu.memory_space<hbm>>
      tpu.wait_indirect_dma semaphore(%arg15 : memref<!tpu.dma_semaphore, #tpu.memory_space<semaphore_mem>>) src(%dma_wait3A_280 : memref<10000x64xf32, #tpu.memory_space<hbm>>) dst(%dma_wait3A_274 : memref<125x64xf32, #tpu.memory_space<vmem>>)
      %dma_start3A_281 = arith.constant 4 : i32
      %dma_start3A_282 = arith.constant 0 : i32
      %dma_start3A_283 = arith.constant 0 : i32
      %dma_start3A_284 = tpu.memref_slice %arg8[%dma_start3A_281, %dma_start3A_282, %dma_start3A_283] : memref<5x125x64xf32, #tpu.memory_space<vmem>> -> memref<1x125x64xf32, #tpu.memory_space<vmem>>
      %dma_start3A_285 = tpu.memref_squeeze %dma_start3A_284 : memref<1x125x64xf32, #tpu.memory_space<vmem>> -> memref<125x64xf32, #tpu.memory_space<vmem>>
      %dma_start3A_286 = arith.constant 0 : i32
      %dma_start3A_287 = tpu.memref_slice %arg7[%add3A_269, %dma_start3A_286] : memref<80x125xi32, #tpu.memory_space<vmem>> -> memref<1x125xi32, #tpu.memory_space<vmem>>
      %dma_start3A_288 = tpu.memref_squeeze %dma_start3A_287 : memref<1x125xi32, #tpu.memory_space<vmem>> -> memref<125xi32, #tpu.memory_space<vmem>>
      %dma_start3A_289 = arith.constant 0 : i32
      %dma_start3A_290 = arith.constant 0 : i32
      %dma_start3A_291 = tpu.memref_slice %arg10[%dma_start3A_289, %dma_start3A_290] : memref<10240x64xf32, #tpu.memory_space<vmem_shared>> -> memref<10240x64xf32, #tpu.memory_space<vmem_shared>>
      tpu.enqueue_indirect_dma source(%dma_start3A_285 : memref<125x64xf32, #tpu.memory_space<vmem>>) target(%dma_start3A_291 : memref<10240x64xf32, #tpu.memory_space<vmem_shared>>) offsets(%dma_start3A_288 : memref<125xi32, #tpu.memory_space<vmem>>) semaphore(%arg20 : memref<!tpu.dma_semaphore, #tpu.memory_space<semaphore_mem>>) {add = true}
      %dma_wait3A_292 = arith.constant 4 : i32
      %dma_wait3A_293 = arith.constant 0 : i32
      %dma_wait3A_294 = arith.constant 0 : i32
      %dma_wait3A_295 = tpu.memref_slice %arg8[%dma_wait3A_292, %dma_wait3A_293, %dma_wait3A_294] : memref<5x125x64xf32, #tpu.memory_space<vmem>> -> memref<1x125x64xf32, #tpu.memory_space<vmem>>
      %dma_wait3A_296 = tpu.memref_squeeze %dma_wait3A_295 : memref<1x125x64xf32, #tpu.memory_space<vmem>> -> memref<125x64xf32, #tpu.memory_space<vmem>>
      %dma_wait3A_297 = arith.constant 0 : i32
      %dma_wait3A_298 = tpu.memref_slice %arg6[%add3A_269, %dma_wait3A_297] : memref<80x125xi32, #tpu.memory_space<vmem>> -> memref<1x125xi32, #tpu.memory_space<vmem>>
      %dma_wait3A_299 = tpu.memref_squeeze %dma_wait3A_298 : memref<1x125xi32, #tpu.memory_space<vmem>> -> memref<125xi32, #tpu.memory_space<vmem>>
      %dma_wait3A_300 = arith.constant 0 : i32
      %dma_wait3A_301 = arith.constant 0 : i32
      %dma_wait3A_302 = tpu.memref_slice %arg2[%dma_wait3A_300, %dma_wait3A_301] : memref<10000x64xf32, #tpu.memory_space<hbm>> -> memref<10000x64xf32, #tpu.memory_space<hbm>>
      tpu.wait_indirect_dma semaphore(%arg20 : memref<!tpu.dma_semaphore, #tpu.memory_space<semaphore_mem>>) src(%dma_wait3A_302 : memref<10000x64xf32, #tpu.memory_space<hbm>>) dst(%dma_wait3A_296 : memref<125x64xf32, #tpu.memory_space<vmem>>)
      %add3A_303 = arith.constant 5 : i32
      %add3A_304 = arith.addi %add3A_269, %add3A_303 : i32
      %lt3A_305 = arith.constant 80 : i32
      %lt3A_306 = arith.cmpi slt, %add3A_304, %lt3A_305 : i32
      %convert_element_type3A_307 = arith.extui %lt3A_306 : i1 to i32
      %cond3A_308 = arith.constant 0 : i32
      %cond3A_309 = arith.cmpi ne, %convert_element_type3A_307, %cond3A_308 : i32
      scf.if %cond3A_309 {
        %add3A_310 = arith.constant 5 : i32
        %add3A_311 = arith.addi %add3A_269, %add3A_310 : i32
        %dma_start3A_312 = arith.constant 4 : i32
        %dma_start3A_313 = arith.constant 0 : i32
        %dma_start3A_314 = arith.constant 0 : i32
        %dma_start3A_315 = tpu.memref_slice %arg8[%dma_start3A_312, %dma_start3A_313, %dma_start3A_314] : memref<5x125x64xf32, #tpu.memory_space<vmem>> -> memref<1x125x64xf32, #tpu.memory_space<vmem>>
        %dma_start3A_316 = tpu.memref_squeeze %dma_start3A_315 : memref<1x125x64xf32, #tpu.memory_space<vmem>> -> memref<125x64xf32, #tpu.memory_space<vmem>>
        %dma_start3A_317 = arith.constant 0 : i32
        %dma_start3A_318 = tpu.memref_slice %arg6[%add3A_311, %dma_start3A_317] : memref<80x125xi32, #tpu.memory_space<vmem>> -> memref<1x125xi32, #tpu.memory_space<vmem>>
        %dma_start3A_319 = tpu.memref_squeeze %dma_start3A_318 : memref<1x125xi32, #tpu.memory_space<vmem>> -> memref<125xi32, #tpu.memory_space<vmem>>
        %dma_start3A_320 = arith.constant 0 : i32
        %dma_start3A_321 = arith.constant 0 : i32
        %dma_start3A_322 = tpu.memref_slice %arg2[%dma_start3A_320, %dma_start3A_321] : memref<10000x64xf32, #tpu.memory_space<hbm>> -> memref<10000x64xf32, #tpu.memory_space<hbm>>
        tpu.enqueue_indirect_dma source(%dma_start3A_322 : memref<10000x64xf32, #tpu.memory_space<hbm>>) target(%dma_start3A_316 : memref<125x64xf32, #tpu.memory_space<vmem>>) offsets(%dma_start3A_319 : memref<125xi32, #tpu.memory_space<vmem>>) semaphore(%arg15 : memref<!tpu.dma_semaphore, #tpu.memory_space<semaphore_mem>>)
      } else {
      }
    }
    %scan3A_87 = arith.constant 16 : i32
    %barrier3A_88 = arith.constant 0 : index
    tpu.barrier barrier_id(%barrier3A_88)
    %mul3A_89 = arith.constant 640 : i32
    %mul3A_90 = arith.muli %arg1, %mul3A_89 : i32
    %mul3A_91 = arith.constant 640 : i32
    %mul3A_92 = arith.muli %arg1, %mul3A_91 : i32
    "tpu.region"() ({
      %run_scoped3A = tpu.sem_alloc : memref<!tpu.dma_semaphore, #tpu.memory_space<semaphore_mem>>
      %dma_start3A_93 = arith.constant 0 : i32
      %dma_start3A_94 = tpu.memref_slice %arg5[%arg0, %mul3A_92, %dma_start3A_93] : memref<2x10240x64xf32, #tpu.memory_space<hbm>> -> memref<1x640x64xf32, #tpu.memory_space<hbm>>
      %dma_start3A_95 = tpu.memref_squeeze %dma_start3A_94 : memref<1x640x64xf32, #tpu.memory_space<hbm>> -> memref<640x64xf32, #tpu.memory_space<hbm>>
      %dma_start3A_96 = arith.constant 0 : i32
      %dma_start3A_97 = tpu.memref_slice %arg10[%mul3A_90, %dma_start3A_96] : memref<10240x64xf32, #tpu.memory_space<vmem_shared>> -> memref<640x64xf32, #tpu.memory_space<vmem_shared>>
      tpu.enqueue_dma source(%dma_start3A_97 : memref<640x64xf32, #tpu.memory_space<vmem_shared>>) target(%dma_start3A_95 : memref<640x64xf32, #tpu.memory_space<hbm>>) target_semaphore(%run_scoped3A : memref<!tpu.dma_semaphore, #tpu.memory_space<semaphore_mem>>)
      %dma_wait3A = arith.constant 0 : i32
      %dma_wait3A_98 = tpu.memref_slice %arg5[%arg0, %mul3A_92, %dma_wait3A] : memref<2x10240x64xf32, #tpu.memory_space<hbm>> -> memref<1x640x64xf32, #tpu.memory_space<hbm>>
      %dma_wait3A_99 = tpu.memref_squeeze %dma_wait3A_98 : memref<1x640x64xf32, #tpu.memory_space<hbm>> -> memref<640x64xf32, #tpu.memory_space<hbm>>
      %dma_wait3A_100 = arith.constant 0 : i32
      %dma_wait3A_101 = tpu.memref_slice %arg10[%mul3A_90, %dma_wait3A_100] : memref<10240x64xf32, #tpu.memory_space<vmem_shared>> -> memref<640x64xf32, #tpu.memory_space<vmem_shared>>
      tpu.wait_dma2 semaphore(%run_scoped3A : memref<!tpu.dma_semaphore, #tpu.memory_space<semaphore_mem>>) src(%dma_wait3A_101 : memref<640x64xf32, #tpu.memory_space<vmem_shared>>) dst(%dma_wait3A_99 : memref<640x64xf32, #tpu.memory_space<hbm>>)
      tpu.yield
    }) : () -> ()
    return
  }
}

#map = affine_map<(d0, d1) -> (0, 0)>
#map1 = affine_map<(d0, d1) -> (0, 0, 0, 0)>
#map2 = affine_map<(d0, d1) -> (0, 0, 0)>
module attributes {stable_mosaic.version = 14 : i64} {
  func.func @k(%arg0: i32, %arg1: i32, %arg2: memref<10000x64xf32, #tpu.memory_space<hbm>>, %arg3: memref<2x16x80x125xi32, #tpu.memory_space<hbm>>, %arg4: memref<2x16x80x125xi32, #tpu.memory_space<hbm>>, %arg5: memref<2x10240x64xf32, #tpu.memory_space<hbm>>, %arg6: memref<80x125xi32, #tpu.memory_space<vmem>>, %arg7: memref<80x125xi32, #tpu.memory_space<vmem>>, %arg8: memref<5x125x64xf32, #tpu.memory_space<vmem>>, %arg9: memref<128x64xf32, #tpu.memory_space<vmem>>, %arg10: memref<10240x64xf32, #tpu.memory_space<vmem_shared>>, %arg11: memref<!tpu.dma_semaphore, #tpu.memory_space<semaphore_mem>>, %arg12: memref<!tpu.dma_semaphore, #tpu.memory_space<semaphore_mem>>, %arg13: memref<!tpu.dma_semaphore, #tpu.memory_space<semaphore_mem>>, %arg14: memref<!tpu.dma_semaphore, #tpu.memory_space<semaphore_mem>>, %arg15: memref<!tpu.dma_semaphore, #tpu.memory_space<semaphore_mem>>, %arg16: memref<!tpu.dma_semaphore, #tpu.memory_space<semaphore_mem>>, %arg17: memref<!tpu.dma_semaphore, #tpu.memory_space<semaphore_mem>>, %arg18: memref<!tpu.dma_semaphore, #tpu.memory_space<semaphore_mem>>, %arg19: memref<!tpu.dma_semaphore, #tpu.memory_space<semaphore_mem>>, %arg20: memref<!tpu.dma_semaphore, #tpu.memory_space<semaphore_mem>>) attributes {dimension_semantics = [#tpu.dimension_semantics<core_parallel>, #tpu.dimension_semantics<subcore_parallel>], iteration_bounds = array<i64: 2, 16>, scalar_prefetch = 0 : i64, scratch_operands = 15 : i64, tpu.core_type = #tpu.core_type<sc_vector_subcore>, window_params = [{transform_indices = #map}, {transform_indices = #map1}, {transform_indices = #map1}, {transform_indices = #map2}]} {
    %scan3A = arith.constant 0 : i32
    %scan3A_0 = arith.constant 0 : i32
    %scan3A_1 = arith.constant 128 : i32
    %scan3A_2 = arith.addi %scan3A_0, %scan3A_1 : i32
    %scan3A_3 = arith.constant 1 : i32
    scf.for %scan3A_93 = %scan3A_0 to %scan3A_2 step %scan3A_3  : i32 {
      %broadcast_in_dim3A = arith.constant 0.000000e+00 : f32
      %broadcast_in_dim3A_94 = vector.broadcast %broadcast_in_dim3A : f32 to vector<16xf32>
      %swap3A = arith.index_cast %scan3A_93 : i32 to index
      %swap3A_95 = arith.constant 0 : index
      %swap3A_96 = tpu.vector_load %arg9[%swap3A, %swap3A_95] {strides = array<i32>} : memref<128x64xf32, #tpu.memory_space<vmem>>, vector<1x16xf32>,
      %swap3A_97 = vector.shape_cast %swap3A_96 : vector<1x16xf32> to vector<16xf32>
      %swap3A_98 = vector.shape_cast %broadcast_in_dim3A_94 : vector<16xf32> to vector<1x16xf32>
      tpu.vector_store %arg9[%swap3A, %swap3A_95], %swap3A_98 {strides = array<i32>} : memref<128x64xf32, #tpu.memory_space<vmem>>, vector<1x16xf32>,
      %broadcast_in_dim3A_99 = arith.constant 0.000000e+00 : f32
      %broadcast_in_dim3A_100 = vector.broadcast %broadcast_in_dim3A_99 : f32 to vector<16xf32>
      %swap3A_101 = arith.index_cast %scan3A_93 : i32 to index
      %swap3A_102 = arith.constant 16 : index
      %swap3A_103 = tpu.vector_load %arg9[%swap3A_101, %swap3A_102] {strides = array<i32>} : memref<128x64xf32, #tpu.memory_space<vmem>>, vector<1x16xf32>,
      %swap3A_104 = vector.shape_cast %swap3A_103 : vector<1x16xf32> to vector<16xf32>
      %swap3A_105 = vector.shape_cast %broadcast_in_dim3A_100 : vector<16xf32> to vector<1x16xf32>
      tpu.vector_store %arg9[%swap3A_101, %swap3A_102], %swap3A_105 {strides = array<i32>} : memref<128x64xf32, #tpu.memory_space<vmem>>, vector<1x16xf32>,
      %broadcast_in_dim3A_106 = arith.constant 0.000000e+00 : f32
      %broadcast_in_dim3A_107 = vector.broadcast %broadcast_in_dim3A_106 : f32 to vector<16xf32>
      %swap3A_108 = arith.index_cast %scan3A_93 : i32 to index
      %swap3A_109 = arith.constant 32 : index
      %swap3A_110 = tpu.vector_load %arg9[%swap3A_108, %swap3A_109] {strides = array<i32>} : memref<128x64xf32, #tpu.memory_space<vmem>>, vector<1x16xf32>,
      %swap3A_111 = vector.shape_cast %swap3A_110 : vector<1x16xf32> to vector<16xf32>
      %swap3A_112 = vector.shape_cast %broadcast_in_dim3A_107 : vector<16xf32> to vector<1x16xf32>
      tpu.vector_store %arg9[%swap3A_108, %swap3A_109], %swap3A_112 {strides = array<i32>} : memref<128x64xf32, #tpu.memory_space<vmem>>, vector<1x16xf32>,
      %broadcast_in_dim3A_113 = arith.constant 0.000000e+00 : f32
      %broadcast_in_dim3A_114 = vector.broadcast %broadcast_in_dim3A_113 : f32 to vector<16xf32>
      %swap3A_115 = arith.index_cast %scan3A_93 : i32 to index
      %swap3A_116 = arith.constant 48 : index
      %swap3A_117 = tpu.vector_load %arg9[%swap3A_115, %swap3A_116] {strides = array<i32>} : memref<128x64xf32, #tpu.memory_space<vmem>>, vector<1x16xf32>,
      %swap3A_118 = vector.shape_cast %swap3A_117 : vector<1x16xf32> to vector<16xf32>
      %swap3A_119 = vector.shape_cast %broadcast_in_dim3A_114 : vector<16xf32> to vector<1x16xf32>
      tpu.vector_store %arg9[%swap3A_115, %swap3A_116], %swap3A_119 {strides = array<i32>} : memref<128x64xf32, #tpu.memory_space<vmem>>, vector<1x16xf32>,
    }
    %scan3A_4 = arith.constant 128 : i32
    %mul3A = arith.constant 640 : i32
    %mul3A_5 = arith.muli %arg1, %mul3A : i32
    %add3A = arith.constant 0 : i32
    %add3A_6 = arith.addi %mul3A_5, %add3A : i32
    "tpu.region"() ({
      %run_scoped3A = tpu.sem_alloc : memref<!tpu.dma_semaphore, #tpu.memory_space<semaphore_mem>>
      %dma_start3A_93 = arith.constant 0 : i32
      %dma_start3A_94 = tpu.memref_slice %arg10[%add3A_6, %dma_start3A_93] : memref<10240x64xf32, #tpu.memory_space<vmem_shared>> -> memref<128x64xf32, #tpu.memory_space<vmem_shared>>
      %dma_start3A_95 = arith.constant 0 : i32
      %dma_start3A_96 = tpu.memref_slice %arg10[%add3A_6, %dma_start3A_95] : memref<10240x64xf32, #tpu.memory_space<vmem_shared>> -> memref<128x64xf32, #tpu.memory_space<vmem_shared>>
      tpu.enqueue_dma source(%arg9 : memref<128x64xf32, #tpu.memory_space<vmem>>) target(%dma_start3A_96 : memref<128x64xf32, #tpu.memory_space<vmem_shared>>) target_semaphore(%run_scoped3A : memref<!tpu.dma_semaphore, #tpu.memory_space<semaphore_mem>>)
      %dma_wait3A = arith.constant 0 : i32
      %dma_wait3A_97 = tpu.memref_slice %arg10[%add3A_6, %dma_wait3A] : memref<10240x64xf32, #tpu.memory_space<vmem_shared>> -> memref<128x64xf32, #tpu.memory_space<vmem_shared>>
      %dma_wait3A_98 = arith.constant 0 : i32
      %dma_wait3A_99 = tpu.memref_slice %arg10[%add3A_6, %dma_wait3A_98] : memref<10240x64xf32, #tpu.memory_space<vmem_shared>> -> memref<128x64xf32, #tpu.memory_space<vmem_shared>>
      tpu.wait_dma2 semaphore(%run_scoped3A : memref<!tpu.dma_semaphore, #tpu.memory_space<semaphore_mem>>) src(%arg9 : memref<128x64xf32, #tpu.memory_space<vmem>>) dst(%dma_wait3A_99 : memref<128x64xf32, #tpu.memory_space<vmem_shared>>)
      tpu.yield
    }) : () -> ()
    %mul3A_7 = arith.constant 640 : i32
    %mul3A_8 = arith.muli %arg1, %mul3A_7 : i32
    %add3A_9 = arith.constant 128 : i32
    %add3A_10 = arith.addi %mul3A_8, %add3A_9 : i32
    "tpu.region"() ({
      %run_scoped3A = tpu.sem_alloc : memref<!tpu.dma_semaphore, #tpu.memory_space<semaphore_mem>>
      %dma_start3A_93 = arith.constant 0 : i32
      %dma_start3A_94 = tpu.memref_slice %arg10[%add3A_10, %dma_start3A_93] : memref<10240x64xf32, #tpu.memory_space<vmem_shared>> -> memref<128x64xf32, #tpu.memory_space<vmem_shared>>
      %dma_start3A_95 = arith.constant 0 : i32
      %dma_start3A_96 = tpu.memref_slice %arg10[%add3A_10, %dma_start3A_95] : memref<10240x64xf32, #tpu.memory_space<vmem_shared>> -> memref<128x64xf32, #tpu.memory_space<vmem_shared>>
      tpu.enqueue_dma source(%arg9 : memref<128x64xf32, #tpu.memory_space<vmem>>) target(%dma_start3A_96 : memref<128x64xf32, #tpu.memory_space<vmem_shared>>) target_semaphore(%run_scoped3A : memref<!tpu.dma_semaphore, #tpu.memory_space<semaphore_mem>>)
      %dma_wait3A = arith.constant 0 : i32
      %dma_wait3A_97 = tpu.memref_slice %arg10[%add3A_10, %dma_wait3A] : memref<10240x64xf32, #tpu.memory_space<vmem_shared>> -> memref<128x64xf32, #tpu.memory_space<vmem_shared>>
      %dma_wait3A_98 = arith.constant 0 : i32
      %dma_wait3A_99 = tpu.memref_slice %arg10[%add3A_10, %dma_wait3A_98] : memref<10240x64xf32, #tpu.memory_space<vmem_shared>> -> memref<128x64xf32, #tpu.memory_space<vmem_shared>>
      tpu.wait_dma2 semaphore(%run_scoped3A : memref<!tpu.dma_semaphore, #tpu.memory_space<semaphore_mem>>) src(%arg9 : memref<128x64xf32, #tpu.memory_space<vmem>>) dst(%dma_wait3A_99 : memref<128x64xf32, #tpu.memory_space<vmem_shared>>)
      tpu.yield
    }) : () -> ()
    %mul3A_11 = arith.constant 640 : i32
    %mul3A_12 = arith.muli %arg1, %mul3A_11 : i32
    %add3A_13 = arith.constant 256 : i32
    %add3A_14 = arith.addi %mul3A_12, %add3A_13 : i32
    "tpu.region"() ({
      %run_scoped3A = tpu.sem_alloc : memref<!tpu.dma_semaphore, #tpu.memory_space<semaphore_mem>>
      %dma_start3A_93 = arith.constant 0 : i32
      %dma_start3A_94 = tpu.memref_slice %arg10[%add3A_14, %dma_start3A_93] : memref<10240x64xf32, #tpu.memory_space<vmem_shared>> -> memref<128x64xf32, #tpu.memory_space<vmem_shared>>
      %dma_start3A_95 = arith.constant 0 : i32
      %dma_start3A_96 = tpu.memref_slice %arg10[%add3A_14, %dma_start3A_95] : memref<10240x64xf32, #tpu.memory_space<vmem_shared>> -> memref<128x64xf32, #tpu.memory_space<vmem_shared>>
      tpu.enqueue_dma source(%arg9 : memref<128x64xf32, #tpu.memory_space<vmem>>) target(%dma_start3A_96 : memref<128x64xf32, #tpu.memory_space<vmem_shared>>) target_semaphore(%run_scoped3A : memref<!tpu.dma_semaphore, #tpu.memory_space<semaphore_mem>>)
      %dma_wait3A = arith.constant 0 : i32
      %dma_wait3A_97 = tpu.memref_slice %arg10[%add3A_14, %dma_wait3A] : memref<10240x64xf32, #tpu.memory_space<vmem_shared>> -> memref<128x64xf32, #tpu.memory_space<vmem_shared>>
      %dma_wait3A_98 = arith.constant 0 : i32
      %dma_wait3A_99 = tpu.memref_slice %arg10[%add3A_14, %dma_wait3A_98] : memref<10240x64xf32, #tpu.memory_space<vmem_shared>> -> memref<128x64xf32, #tpu.memory_space<vmem_shared>>
      tpu.wait_dma2 semaphore(%run_scoped3A : memref<!tpu.dma_semaphore, #tpu.memory_space<semaphore_mem>>) src(%arg9 : memref<128x64xf32, #tpu.memory_space<vmem>>) dst(%dma_wait3A_99 : memref<128x64xf32, #tpu.memory_space<vmem_shared>>)
      tpu.yield
    }) : () -> ()
    %mul3A_15 = arith.constant 640 : i32
    %mul3A_16 = arith.muli %arg1, %mul3A_15 : i32
    %add3A_17 = arith.constant 384 : i32
    %add3A_18 = arith.addi %mul3A_16, %add3A_17 : i32
    "tpu.region"() ({
      %run_scoped3A = tpu.sem_alloc : memref<!tpu.dma_semaphore, #tpu.memory_space<semaphore_mem>>
      %dma_start3A_93 = arith.constant 0 : i32
      %dma_start3A_94 = tpu.memref_slice %arg10[%add3A_18, %dma_start3A_93] : memref<10240x64xf32, #tpu.memory_space<vmem_shared>> -> memref<128x64xf32, #tpu.memory_space<vmem_shared>>
      %dma_start3A_95 = arith.constant 0 : i32
      %dma_start3A_96 = tpu.memref_slice %arg10[%add3A_18, %dma_start3A_95] : memref<10240x64xf32, #tpu.memory_space<vmem_shared>> -> memref<128x64xf32, #tpu.memory_space<vmem_shared>>
      tpu.enqueue_dma source(%arg9 : memref<128x64xf32, #tpu.memory_space<vmem>>) target(%dma_start3A_96 : memref<128x64xf32, #tpu.memory_space<vmem_shared>>) target_semaphore(%run_scoped3A : memref<!tpu.dma_semaphore, #tpu.memory_space<semaphore_mem>>)
      %dma_wait3A = arith.constant 0 : i32
      %dma_wait3A_97 = tpu.memref_slice %arg10[%add3A_18, %dma_wait3A] : memref<10240x64xf32, #tpu.memory_space<vmem_shared>> -> memref<128x64xf32, #tpu.memory_space<vmem_shared>>
      %dma_wait3A_98 = arith.constant 0 : i32
      %dma_wait3A_99 = tpu.memref_slice %arg10[%add3A_18, %dma_wait3A_98] : memref<10240x64xf32, #tpu.memory_space<vmem_shared>> -> memref<128x64xf32, #tpu.memory_space<vmem_shared>>
      tpu.wait_dma2 semaphore(%run_scoped3A : memref<!tpu.dma_semaphore, #tpu.memory_space<semaphore_mem>>) src(%arg9 : memref<128x64xf32, #tpu.memory_space<vmem>>) dst(%dma_wait3A_99 : memref<128x64xf32, #tpu.memory_space<vmem_shared>>)
      tpu.yield
    }) : () -> ()
    %mul3A_19 = arith.constant 640 : i32
    %mul3A_20 = arith.muli %arg1, %mul3A_19 : i32
    %add3A_21 = arith.constant 512 : i32
    %add3A_22 = arith.addi %mul3A_20, %add3A_21 : i32
    "tpu.region"() ({
      %run_scoped3A = tpu.sem_alloc : memref<!tpu.dma_semaphore, #tpu.memory_space<semaphore_mem>>
      %dma_start3A_93 = arith.constant 0 : i32
      %dma_start3A_94 = tpu.memref_slice %arg10[%add3A_22, %dma_start3A_93] : memref<10240x64xf32, #tpu.memory_space<vmem_shared>> -> memref<128x64xf32, #tpu.memory_space<vmem_shared>>
      %dma_start3A_95 = arith.constant 0 : i32
      %dma_start3A_96 = tpu.memref_slice %arg10[%add3A_22, %dma_start3A_95] : memref<10240x64xf32, #tpu.memory_space<vmem_shared>> -> memref<128x64xf32, #tpu.memory_space<vmem_shared>>
      tpu.enqueue_dma source(%arg9 : memref<128x64xf32, #tpu.memory_space<vmem>>) target(%dma_start3A_96 : memref<128x64xf32, #tpu.memory_space<vmem_shared>>) target_semaphore(%run_scoped3A : memref<!tpu.dma_semaphore, #tpu.memory_space<semaphore_mem>>)
      %dma_wait3A = arith.constant 0 : i32
      %dma_wait3A_97 = tpu.memref_slice %arg10[%add3A_22, %dma_wait3A] : memref<10240x64xf32, #tpu.memory_space<vmem_shared>> -> memref<128x64xf32, #tpu.memory_space<vmem_shared>>
      %dma_wait3A_98 = arith.constant 0 : i32
      %dma_wait3A_99 = tpu.memref_slice %arg10[%add3A_22, %dma_wait3A_98] : memref<10240x64xf32, #tpu.memory_space<vmem_shared>> -> memref<128x64xf32, #tpu.memory_space<vmem_shared>>
      tpu.wait_dma2 semaphore(%run_scoped3A : memref<!tpu.dma_semaphore, #tpu.memory_space<semaphore_mem>>) src(%arg9 : memref<128x64xf32, #tpu.memory_space<vmem>>) dst(%dma_wait3A_99 : memref<128x64xf32, #tpu.memory_space<vmem_shared>>)
      tpu.yield
    }) : () -> ()
    %barrier3A = arith.constant 0 : index
    tpu.barrier barrier_id(%barrier3A)
    "tpu.region"() ({
      %run_scoped3A = tpu.sem_alloc : memref<!tpu.dma_semaphore, #tpu.memory_space<semaphore_mem>>
      %dma_start3A_93 = arith.constant 0 : i32
      %dma_start3A_94 = arith.constant 0 : i32
      %dma_start3A_95 = tpu.memref_slice %arg3[%arg0, %arg1, %dma_start3A_93, %dma_start3A_94] : memref<2x16x80x125xi32, #tpu.memory_space<hbm>> -> memref<1x1x80x125xi32, #tpu.memory_space<hbm>>
      %dma_start3A_96 = tpu.memref_squeeze %dma_start3A_95 : memref<1x1x80x125xi32, #tpu.memory_space<hbm>> -> memref<80x125xi32, #tpu.memory_space<hbm>>
      %dma_start3A_97 = arith.constant 0 : i32
      %dma_start3A_98 = arith.constant 0 : i32
      %dma_start3A_99 = tpu.memref_slice %arg3[%arg0, %arg1, %dma_start3A_97, %dma_start3A_98] : memref<2x16x80x125xi32, #tpu.memory_space<hbm>> -> memref<1x1x80x125xi32, #tpu.memory_space<hbm>>
      %dma_start3A_100 = tpu.memref_squeeze %dma_start3A_99 : memref<1x1x80x125xi32, #tpu.memory_space<hbm>> -> memref<80x125xi32, #tpu.memory_space<hbm>>
      tpu.enqueue_dma source(%dma_start3A_100 : memref<80x125xi32, #tpu.memory_space<hbm>>) target(%arg6 : memref<80x125xi32, #tpu.memory_space<vmem>>) target_semaphore(%run_scoped3A : memref<!tpu.dma_semaphore, #tpu.memory_space<semaphore_mem>>)
      %dma_wait3A = arith.constant 0 : i32
      %dma_wait3A_101 = arith.constant 0 : i32
      %dma_wait3A_102 = tpu.memref_slice %arg3[%arg0, %arg1, %dma_wait3A, %dma_wait3A_101] : memref<2x16x80x125xi32, #tpu.memory_space<hbm>> -> memref<1x1x80x125xi32, #tpu.memory_space<hbm>>
      %dma_wait3A_103 = tpu.memref_squeeze %dma_wait3A_102 : memref<1x1x80x125xi32, #tpu.memory_space<hbm>> -> memref<80x125xi32, #tpu.memory_space<hbm>>
      %dma_wait3A_104 = arith.constant 0 : i32
      %dma_wait3A_105 = arith.constant 0 : i32
      %dma_wait3A_106 = tpu.memref_slice %arg3[%arg0, %arg1, %dma_wait3A_104, %dma_wait3A_105] : memref<2x16x80x125xi32, #tpu.memory_space<hbm>> -> memref<1x1x80x125xi32, #tpu.memory_space<hbm>>
      %dma_wait3A_107 = tpu.memref_squeeze %dma_wait3A_106 : memref<1x1x80x125xi32, #tpu.memory_space<hbm>> -> memref<80x125xi32, #tpu.memory_space<hbm>>
      tpu.wait_dma2 semaphore(%run_scoped3A : memref<!tpu.dma_semaphore, #tpu.memory_space<semaphore_mem>>) src(%dma_wait3A_107 : memref<80x125xi32, #tpu.memory_space<hbm>>) dst(%arg6 : memref<80x125xi32, #tpu.memory_space<vmem>>)
      tpu.yield
    }) : () -> ()
    "tpu.region"() ({
      %run_scoped3A = tpu.sem_alloc : memref<!tpu.dma_semaphore, #tpu.memory_space<semaphore_mem>>
      %dma_start3A_93 = arith.constant 0 : i32
      %dma_start3A_94 = arith.constant 0 : i32
      %dma_start3A_95 = tpu.memref_slice %arg4[%arg0, %arg1, %dma_start3A_93, %dma_start3A_94] : memref<2x16x80x125xi32, #tpu.memory_space<hbm>> -> memref<1x1x80x125xi32, #tpu.memory_space<hbm>>
      %dma_start3A_96 = tpu.memref_squeeze %dma_start3A_95 : memref<1x1x80x125xi32, #tpu.memory_space<hbm>> -> memref<80x125xi32, #tpu.memory_space<hbm>>
      %dma_start3A_97 = arith.constant 0 : i32
      %dma_start3A_98 = arith.constant 0 : i32
      %dma_start3A_99 = tpu.memref_slice %arg4[%arg0, %arg1, %dma_start3A_97, %dma_start3A_98] : memref<2x16x80x125xi32, #tpu.memory_space<hbm>> -> memref<1x1x80x125xi32, #tpu.memory_space<hbm>>
      %dma_start3A_100 = tpu.memref_squeeze %dma_start3A_99 : memref<1x1x80x125xi32, #tpu.memory_space<hbm>> -> memref<80x125xi32, #tpu.memory_space<hbm>>
      tpu.enqueue_dma source(%dma_start3A_100 : memref<80x125xi32, #tpu.memory_space<hbm>>) target(%arg7 : memref<80x125xi32, #tpu.memory_space<vmem>>) target_semaphore(%run_scoped3A : memref<!tpu.dma_semaphore, #tpu.memory_space<semaphore_mem>>)
      %dma_wait3A = arith.constant 0 : i32
      %dma_wait3A_101 = arith.constant 0 : i32
      %dma_wait3A_102 = tpu.memref_slice %arg4[%arg0, %arg1, %dma_wait3A, %dma_wait3A_101] : memref<2x16x80x125xi32, #tpu.memory_space<hbm>> -> memref<1x1x80x125xi32, #tpu.memory_space<hbm>>
      %dma_wait3A_103 = tpu.memref_squeeze %dma_wait3A_102 : memref<1x1x80x125xi32, #tpu.memory_space<hbm>> -> memref<80x125xi32, #tpu.memory_space<hbm>>
      %dma_wait3A_104 = arith.constant 0 : i32
      %dma_wait3A_105 = arith.constant 0 : i32
      %dma_wait3A_106 = tpu.memref_slice %arg4[%arg0, %arg1, %dma_wait3A_104, %dma_wait3A_105] : memref<2x16x80x125xi32, #tpu.memory_space<hbm>> -> memref<1x1x80x125xi32, #tpu.memory_space<hbm>>
      %dma_wait3A_107 = tpu.memref_squeeze %dma_wait3A_106 : memref<1x1x80x125xi32, #tpu.memory_space<hbm>> -> memref<80x125xi32, #tpu.memory_space<hbm>>
      tpu.wait_dma2 semaphore(%run_scoped3A : memref<!tpu.dma_semaphore, #tpu.memory_space<semaphore_mem>>) src(%dma_wait3A_107 : memref<80x125xi32, #tpu.memory_space<hbm>>) dst(%arg7 : memref<80x125xi32, #tpu.memory_space<vmem>>)
      tpu.yield
    }) : () -> ()
    %dma_start3A = arith.constant 0 : i32
    %dma_start3A_23 = arith.constant 0 : i32
    %dma_start3A_24 = arith.constant 0 : i32
    %dma_start3A_25 = arith.constant 0 : i32
    %dma_start3A_26 = tpu.memref_slice %arg8[%dma_start3A_23, %dma_start3A_24, %dma_start3A_25] : memref<5x125x64xf32, #tpu.memory_space<vmem>> -> memref<1x125x64xf32, #tpu.memory_space<vmem>>
    %dma_start3A_27 = tpu.memref_squeeze %dma_start3A_26 : memref<1x125x64xf32, #tpu.memory_space<vmem>> -> memref<125x64xf32, #tpu.memory_space<vmem>>
    %dma_start3A_28 = arith.constant 0 : i32
    %dma_start3A_29 = tpu.memref_slice %arg6[%dma_start3A, %dma_start3A_28] : memref<80x125xi32, #tpu.memory_space<vmem>> -> memref<1x125xi32, #tpu.memory_space<vmem>>
    %dma_start3A_30 = tpu.memref_squeeze %dma_start3A_29 : memref<1x125xi32, #tpu.memory_space<vmem>> -> memref<125xi32, #tpu.memory_space<vmem>>
    %dma_start3A_31 = arith.constant 0 : i32
    %dma_start3A_32 = arith.constant 0 : i32
    %dma_start3A_33 = tpu.memref_slice %arg2[%dma_start3A_31, %dma_start3A_32] : memref<10000x64xf32, #tpu.memory_space<hbm>> -> memref<10000x64xf32, #tpu.memory_space<hbm>>
    tpu.enqueue_indirect_dma source(%dma_start3A_33 : memref<10000x64xf32, #tpu.memory_space<hbm>>) target(%dma_start3A_27 : memref<125x64xf32, #tpu.memory_space<vmem>>) offsets(%dma_start3A_30 : memref<125xi32, #tpu.memory_space<vmem>>) semaphore(%arg11 : memref<!tpu.dma_semaphore, #tpu.memory_space<semaphore_mem>>)
    %dma_start3A_34 = arith.constant 1 : i32
    %dma_start3A_35 = arith.constant 1 : i32
    %dma_start3A_36 = arith.constant 0 : i32
    %dma_start3A_37 = arith.constant 0 : i32
    %dma_start3A_38 = tpu.memref_slice %arg8[%dma_start3A_35, %dma_start3A_36, %dma_start3A_37] : memref<5x125x64xf32, #tpu.memory_space<vmem>> -> memref<1x125x64xf32, #tpu.memory_space<vmem>>
    %dma_start3A_39 = tpu.memref_squeeze %dma_start3A_38 : memref<1x125x64xf32, #tpu.memory_space<vmem>> -> memref<125x64xf32, #tpu.memory_space<vmem>>
    %dma_start3A_40 = arith.constant 0 : i32
    %dma_start3A_41 = tpu.memref_slice %arg6[%dma_start3A_34, %dma_start3A_40] : memref<80x125xi32, #tpu.memory_space<vmem>> -> memref<1x125xi32, #tpu.memory_space<vmem>>
    %dma_start3A_42 = tpu.memref_squeeze %dma_start3A_41 : memref<1x125xi32, #tpu.memory_space<vmem>> -> memref<125xi32, #tpu.memory_space<vmem>>
    %dma_start3A_43 = arith.constant 0 : i32
    %dma_start3A_44 = arith.constant 0 : i32
    %dma_start3A_45 = tpu.memref_slice %arg2[%dma_start3A_43, %dma_start3A_44] : memref<10000x64xf32, #tpu.memory_space<hbm>> -> memref<10000x64xf32, #tpu.memory_space<hbm>>
    tpu.enqueue_indirect_dma source(%dma_start3A_45 : memref<10000x64xf32, #tpu.memory_space<hbm>>) target(%dma_start3A_39 : memref<125x64xf32, #tpu.memory_space<vmem>>) offsets(%dma_start3A_42 : memref<125xi32, #tpu.memory_space<vmem>>) semaphore(%arg12 : memref<!tpu.dma_semaphore, #tpu.memory_space<semaphore_mem>>)
    %dma_start3A_46 = arith.constant 2 : i32
    %dma_start3A_47 = arith.constant 2 : i32
    %dma_start3A_48 = arith.constant 0 : i32
    %dma_start3A_49 = arith.constant 0 : i32
    %dma_start3A_50 = tpu.memref_slice %arg8[%dma_start3A_47, %dma_start3A_48, %dma_start3A_49] : memref<5x125x64xf32, #tpu.memory_space<vmem>> -> memref<1x125x64xf32, #tpu.memory_space<vmem>>
    %dma_start3A_51 = tpu.memref_squeeze %dma_start3A_50 : memref<1x125x64xf32, #tpu.memory_space<vmem>> -> memref<125x64xf32, #tpu.memory_space<vmem>>
    %dma_start3A_52 = arith.constant 0 : i32
    %dma_start3A_53 = tpu.memref_slice %arg6[%dma_start3A_46, %dma_start3A_52] : memref<80x125xi32, #tpu.memory_space<vmem>> -> memref<1x125xi32, #tpu.memory_space<vmem>>
    %dma_start3A_54 = tpu.memref_squeeze %dma_start3A_53 : memref<1x125xi32, #tpu.memory_space<vmem>> -> memref<125xi32, #tpu.memory_space<vmem>>
    %dma_start3A_55 = arith.constant 0 : i32
    %dma_start3A_56 = arith.constant 0 : i32
    %dma_start3A_57 = tpu.memref_slice %arg2[%dma_start3A_55, %dma_start3A_56] : memref<10000x64xf32, #tpu.memory_space<hbm>> -> memref<10000x64xf32, #tpu.memory_space<hbm>>
    tpu.enqueue_indirect_dma source(%dma_start3A_57 : memref<10000x64xf32, #tpu.memory_space<hbm>>) target(%dma_start3A_51 : memref<125x64xf32, #tpu.memory_space<vmem>>) offsets(%dma_start3A_54 : memref<125xi32, #tpu.memory_space<vmem>>) semaphore(%arg13 : memref<!tpu.dma_semaphore, #tpu.memory_space<semaphore_mem>>)
    %dma_start3A_58 = arith.constant 3 : i32
    %dma_start3A_59 = arith.constant 3 : i32
    %dma_start3A_60 = arith.constant 0 : i32
    %dma_start3A_61 = arith.constant 0 : i32
    %dma_start3A_62 = tpu.memref_slice %arg8[%dma_start3A_59, %dma_start3A_60, %dma_start3A_61] : memref<5x125x64xf32, #tpu.memory_space<vmem>> -> memref<1x125x64xf32, #tpu.memory_space<vmem>>
    %dma_start3A_63 = tpu.memref_squeeze %dma_start3A_62 : memref<1x125x64xf32, #tpu.memory_space<vmem>> -> memref<125x64xf32, #tpu.memory_space<vmem>>
    %dma_start3A_64 = arith.constant 0 : i32
    %dma_start3A_65 = tpu.memref_slice %arg6[%dma_start3A_58, %dma_start3A_64] : memref<80x125xi32, #tpu.memory_space<vmem>> -> memref<1x125xi32, #tpu.memory_space<vmem>>
    %dma_start3A_66 = tpu.memref_squeeze %dma_start3A_65 : memref<1x125xi32, #tpu.memory_space<vmem>> -> memref<125xi32, #tpu.memory_space<vmem>>
    %dma_start3A_67 = arith.constant 0 : i32
    %dma_start3A_68 = arith.constant 0 : i32
    %dma_start3A_69 = tpu.memref_slice %arg2[%dma_start3A_67, %dma_start3A_68] : memref<10000x64xf32, #tpu.memory_space<hbm>> -> memref<10000x64xf32, #tpu.memory_space<hbm>>
    tpu.enqueue_indirect_dma source(%dma_start3A_69 : memref<10000x64xf32, #tpu.memory_space<hbm>>) target(%dma_start3A_63 : memref<125x64xf32, #tpu.memory_space<vmem>>) offsets(%dma_start3A_66 : memref<125xi32, #tpu.memory_space<vmem>>) semaphore(%arg14 : memref<!tpu.dma_semaphore, #tpu.memory_space<semaphore_mem>>)
    %dma_start3A_70 = arith.constant 4 : i32
    %dma_start3A_71 = arith.constant 4 : i32
    %dma_start3A_72 = arith.constant 0 : i32
    %dma_start3A_73 = arith.constant 0 : i32
    %dma_start3A_74 = tpu.memref_slice %arg8[%dma_start3A_71, %dma_start3A_72, %dma_start3A_73] : memref<5x125x64xf32, #tpu.memory_space<vmem>> -> memref<1x125x64xf32, #tpu.memory_space<vmem>>
    %dma_start3A_75 = tpu.memref_squeeze %dma_start3A_74 : memref<1x125x64xf32, #tpu.memory_space<vmem>> -> memref<125x64xf32, #tpu.memory_space<vmem>>
    %dma_start3A_76 = arith.constant 0 : i32
    %dma_start3A_77 = tpu.memref_slice %arg6[%dma_start3A_70, %dma_start3A_76] : memref<80x125xi32, #tpu.memory_space<vmem>> -> memref<1x125xi32, #tpu.memory_space<vmem>>
    %dma_start3A_78 = tpu.memref_squeeze %dma_start3A_77 : memref<1x125xi32, #tpu.memory_space<vmem>> -> memref<125xi32, #tpu.memory_space<vmem>>
    %dma_start3A_79 = arith.constant 0 : i32
    %dma_start3A_80 = arith.constant 0 : i32
    %dma_start3A_81 = tpu.memref_slice %arg2[%dma_start3A_79, %dma_start3A_80] : memref<10000x64xf32, #tpu.memory_space<hbm>> -> memref<10000x64xf32, #tpu.memory_space<hbm>>
    tpu.enqueue_indirect_dma source(%dma_start3A_81 : memref<10000x64xf32, #tpu.memory_space<hbm>>) target(%dma_start3A_75 : memref<125x64xf32, #tpu.memory_space<vmem>>) offsets(%dma_start3A_78 : memref<125xi32, #tpu.memory_space<vmem>>) semaphore(%arg15 : memref<!tpu.dma_semaphore, #tpu.memory_space<semaphore_mem>>)
    %scan3A_82 = arith.constant 0 : i32
    %scan3A_83 = arith.constant 0 : i32
    %scan3A_84 = arith.constant 16 : i32
    %scan3A_85 = arith.addi %scan3A_83, %scan3A_84 : i32
    %scan3A_86 = arith.constant 1 : i32
    scf.for %scan3A_93 = %scan3A_83 to %scan3A_85 step %scan3A_86  : i32 {
      %mul3A_94 = arith.constant 5 : i32
      %mul3A_95 = arith.muli %mul3A_94, %scan3A_93 : i32
      %add3A_96 = arith.constant 0 : i32
      %add3A_97 = arith.addi %mul3A_95, %add3A_96 : i32
      %dma_wait3A = arith.constant 0 : i32
      %dma_wait3A_98 = arith.constant 0 : i32
      %dma_wait3A_99 = arith.constant 0 : i32
      %dma_wait3A_100 = tpu.memref_slice %arg8[%dma_wait3A, %dma_wait3A_98, %dma_wait3A_99] : memref<5x125x64xf32, #tpu.memory_space<vmem>> -> memref<1x125x64xf32, #tpu.memory_space<vmem>>
      %dma_wait3A_101 = tpu.memref_squeeze %dma_wait3A_100 : memref<1x125x64xf32, #tpu.memory_space<vmem>> -> memref<125x64xf32, #tpu.memory_space<vmem>>
      %dma_wait3A_102 = arith.constant 0 : i32
      %dma_wait3A_103 = tpu.memref_slice %arg6[%add3A_97, %dma_wait3A_102] : memref<80x125xi32, #tpu.memory_space<vmem>> -> memref<1x125xi32, #tpu.memory_space<vmem>>
      %dma_wait3A_104 = tpu.memref_squeeze %dma_wait3A_103 : memref<1x125xi32, #tpu.memory_space<vmem>> -> memref<125xi32, #tpu.memory_space<vmem>>
      %dma_wait3A_105 = arith.constant 0 : i32
      %dma_wait3A_106 = arith.constant 0 : i32
      %dma_wait3A_107 = tpu.memref_slice %arg2[%dma_wait3A_105, %dma_wait3A_106] : memref<10000x64xf32, #tpu.memory_space<hbm>> -> memref<10000x64xf32, #tpu.memory_space<hbm>>
      tpu.wait_indirect_dma semaphore(%arg11 : memref<!tpu.dma_semaphore, #tpu.memory_space<semaphore_mem>>) src(%dma_wait3A_107 : memref<10000x64xf32, #tpu.memory_space<hbm>>) dst(%dma_wait3A_101 : memref<125x64xf32, #tpu.memory_space<vmem>>)
      %dma_start3A_108 = arith.constant 0 : i32
      %dma_start3A_109 = arith.constant 0 : i32
      %dma_start3A_110 = arith.constant 0 : i32
      %dma_start3A_111 = tpu.memref_slice %arg8[%dma_start3A_108, %dma_start3A_109, %dma_start3A_110] : memref<5x125x64xf32, #tpu.memory_space<vmem>> -> memref<1x125x64xf32, #tpu.memory_space<vmem>>
      %dma_start3A_112 = tpu.memref_squeeze %dma_start3A_111 : memref<1x125x64xf32, #tpu.memory_space<vmem>> -> memref<125x64xf32, #tpu.memory_space<vmem>>
      %dma_start3A_113 = arith.constant 0 : i32
      %dma_start3A_114 = tpu.memref_slice %arg7[%add3A_97, %dma_start3A_113] : memref<80x125xi32, #tpu.memory_space<vmem>> -> memref<1x125xi32, #tpu.memory_space<vmem>>
      %dma_start3A_115 = tpu.memref_squeeze %dma_start3A_114 : memref<1x125xi32, #tpu.memory_space<vmem>> -> memref<125xi32, #tpu.memory_space<vmem>>
      %dma_start3A_116 = arith.constant 0 : i32
      %dma_start3A_117 = arith.constant 0 : i32
      %dma_start3A_118 = tpu.memref_slice %arg10[%dma_start3A_116, %dma_start3A_117] : memref<10240x64xf32, #tpu.memory_space<vmem_shared>> -> memref<10240x64xf32, #tpu.memory_space<vmem_shared>>
      tpu.enqueue_indirect_dma source(%dma_start3A_112 : memref<125x64xf32, #tpu.memory_space<vmem>>) target(%dma_start3A_118 : memref<10240x64xf32, #tpu.memory_space<vmem_shared>>) offsets(%dma_start3A_115 : memref<125xi32, #tpu.memory_space<vmem>>) semaphore(%arg16 : memref<!tpu.dma_semaphore, #tpu.memory_space<semaphore_mem>>) {add = true}
      %dma_wait3A_119 = arith.constant 0 : i32
      %dma_wait3A_120 = arith.constant 0 : i32
      %dma_wait3A_121 = arith.constant 0 : i32
      %dma_wait3A_122 = tpu.memref_slice %arg8[%dma_wait3A_119, %dma_wait3A_120, %dma_wait3A_121] : memref<5x125x64xf32, #tpu.memory_space<vmem>> -> memref<1x125x64xf32, #tpu.memory_space<vmem>>
      %dma_wait3A_123 = tpu.memref_squeeze %dma_wait3A_122 : memref<1x125x64xf32, #tpu.memory_space<vmem>> -> memref<125x64xf32, #tpu.memory_space<vmem>>
      %dma_wait3A_124 = arith.constant 0 : i32
      %dma_wait3A_125 = tpu.memref_slice %arg6[%add3A_97, %dma_wait3A_124] : memref<80x125xi32, #tpu.memory_space<vmem>> -> memref<1x125xi32, #tpu.memory_space<vmem>>
      %dma_wait3A_126 = tpu.memref_squeeze %dma_wait3A_125 : memref<1x125xi32, #tpu.memory_space<vmem>> -> memref<125xi32, #tpu.memory_space<vmem>>
      %dma_wait3A_127 = arith.constant 0 : i32
      %dma_wait3A_128 = arith.constant 0 : i32
      %dma_wait3A_129 = tpu.memref_slice %arg2[%dma_wait3A_127, %dma_wait3A_128] : memref<10000x64xf32, #tpu.memory_space<hbm>> -> memref<10000x64xf32, #tpu.memory_space<hbm>>
      tpu.wait_indirect_dma semaphore(%arg16 : memref<!tpu.dma_semaphore, #tpu.memory_space<semaphore_mem>>) src(%dma_wait3A_129 : memref<10000x64xf32, #tpu.memory_space<hbm>>) dst(%dma_wait3A_123 : memref<125x64xf32, #tpu.memory_space<vmem>>)
      %add3A_130 = arith.constant 5 : i32
      %add3A_131 = arith.addi %add3A_97, %add3A_130 : i32
      %lt3A = arith.constant 80 : i32
      %lt3A_132 = arith.cmpi slt, %add3A_131, %lt3A : i32
      %convert_element_type3A = arith.extui %lt3A_132 : i1 to i32
      %cond3A = arith.constant 0 : i32
      %cond3A_133 = arith.cmpi ne, %convert_element_type3A, %cond3A : i32
      scf.if %cond3A_133 {
        %add3A_310 = arith.constant 5 : i32
        %add3A_311 = arith.addi %add3A_97, %add3A_310 : i32
        %dma_start3A_312 = arith.constant 0 : i32
        %dma_start3A_313 = arith.constant 0 : i32
        %dma_start3A_314 = arith.constant 0 : i32
        %dma_start3A_315 = tpu.memref_slice %arg8[%dma_start3A_312, %dma_start3A_313, %dma_start3A_314] : memref<5x125x64xf32, #tpu.memory_space<vmem>> -> memref<1x125x64xf32, #tpu.memory_space<vmem>>
        %dma_start3A_316 = tpu.memref_squeeze %dma_start3A_315 : memref<1x125x64xf32, #tpu.memory_space<vmem>> -> memref<125x64xf32, #tpu.memory_space<vmem>>
        %dma_start3A_317 = arith.constant 0 : i32
        %dma_start3A_318 = tpu.memref_slice %arg6[%add3A_311, %dma_start3A_317] : memref<80x125xi32, #tpu.memory_space<vmem>> -> memref<1x125xi32, #tpu.memory_space<vmem>>
        %dma_start3A_319 = tpu.memref_squeeze %dma_start3A_318 : memref<1x125xi32, #tpu.memory_space<vmem>> -> memref<125xi32, #tpu.memory_space<vmem>>
        %dma_start3A_320 = arith.constant 0 : i32
        %dma_start3A_321 = arith.constant 0 : i32
        %dma_start3A_322 = tpu.memref_slice %arg2[%dma_start3A_320, %dma_start3A_321] : memref<10000x64xf32, #tpu.memory_space<hbm>> -> memref<10000x64xf32, #tpu.memory_space<hbm>>
        tpu.enqueue_indirect_dma source(%dma_start3A_322 : memref<10000x64xf32, #tpu.memory_space<hbm>>) target(%dma_start3A_316 : memref<125x64xf32, #tpu.memory_space<vmem>>) offsets(%dma_start3A_319 : memref<125xi32, #tpu.memory_space<vmem>>) semaphore(%arg11 : memref<!tpu.dma_semaphore, #tpu.memory_space<semaphore_mem>>)
      } else {
      }
      %mul3A_134 = arith.constant 5 : i32
      %mul3A_135 = arith.muli %mul3A_134, %scan3A_93 : i32
      %add3A_136 = arith.constant 1 : i32
      %add3A_137 = arith.addi %mul3A_135, %add3A_136 : i32
      %dma_wait3A_138 = arith.constant 1 : i32
      %dma_wait3A_139 = arith.constant 0 : i32
      %dma_wait3A_140 = arith.constant 0 : i32
      %dma_wait3A_141 = tpu.memref_slice %arg8[%dma_wait3A_138, %dma_wait3A_139, %dma_wait3A_140] : memref<5x125x64xf32, #tpu.memory_space<vmem>> -> memref<1x125x64xf32, #tpu.memory_space<vmem>>
      %dma_wait3A_142 = tpu.memref_squeeze %dma_wait3A_141 : memref<1x125x64xf32, #tpu.memory_space<vmem>> -> memref<125x64xf32, #tpu.memory_space<vmem>>
      %dma_wait3A_143 = arith.constant 0 : i32
      %dma_wait3A_144 = tpu.memref_slice %arg6[%add3A_137, %dma_wait3A_143] : memref<80x125xi32, #tpu.memory_space<vmem>> -> memref<1x125xi32, #tpu.memory_space<vmem>>
      %dma_wait3A_145 = tpu.memref_squeeze %dma_wait3A_144 : memref<1x125xi32, #tpu.memory_space<vmem>> -> memref<125xi32, #tpu.memory_space<vmem>>
      %dma_wait3A_146 = arith.constant 0 : i32
      %dma_wait3A_147 = arith.constant 0 : i32
      %dma_wait3A_148 = tpu.memref_slice %arg2[%dma_wait3A_146, %dma_wait3A_147] : memref<10000x64xf32, #tpu.memory_space<hbm>> -> memref<10000x64xf32, #tpu.memory_space<hbm>>
      tpu.wait_indirect_dma semaphore(%arg12 : memref<!tpu.dma_semaphore, #tpu.memory_space<semaphore_mem>>) src(%dma_wait3A_148 : memref<10000x64xf32, #tpu.memory_space<hbm>>) dst(%dma_wait3A_142 : memref<125x64xf32, #tpu.memory_space<vmem>>)
      %dma_start3A_149 = arith.constant 1 : i32
      %dma_start3A_150 = arith.constant 0 : i32
      %dma_start3A_151 = arith.constant 0 : i32
      %dma_start3A_152 = tpu.memref_slice %arg8[%dma_start3A_149, %dma_start3A_150, %dma_start3A_151] : memref<5x125x64xf32, #tpu.memory_space<vmem>> -> memref<1x125x64xf32, #tpu.memory_space<vmem>>
      %dma_start3A_153 = tpu.memref_squeeze %dma_start3A_152 : memref<1x125x64xf32, #tpu.memory_space<vmem>> -> memref<125x64xf32, #tpu.memory_space<vmem>>
      %dma_start3A_154 = arith.constant 0 : i32
      %dma_start3A_155 = tpu.memref_slice %arg7[%add3A_137, %dma_start3A_154] : memref<80x125xi32, #tpu.memory_space<vmem>> -> memref<1x125xi32, #tpu.memory_space<vmem>>
      %dma_start3A_156 = tpu.memref_squeeze %dma_start3A_155 : memref<1x125xi32, #tpu.memory_space<vmem>> -> memref<125xi32, #tpu.memory_space<vmem>>
      %dma_start3A_157 = arith.constant 0 : i32
      %dma_start3A_158 = arith.constant 0 : i32
      %dma_start3A_159 = tpu.memref_slice %arg10[%dma_start3A_157, %dma_start3A_158] : memref<10240x64xf32, #tpu.memory_space<vmem_shared>> -> memref<10240x64xf32, #tpu.memory_space<vmem_shared>>
      tpu.enqueue_indirect_dma source(%dma_start3A_153 : memref<125x64xf32, #tpu.memory_space<vmem>>) target(%dma_start3A_159 : memref<10240x64xf32, #tpu.memory_space<vmem_shared>>) offsets(%dma_start3A_156 : memref<125xi32, #tpu.memory_space<vmem>>) semaphore(%arg17 : memref<!tpu.dma_semaphore, #tpu.memory_space<semaphore_mem>>) {add = true}
      %dma_wait3A_160 = arith.constant 1 : i32
      %dma_wait3A_161 = arith.constant 0 : i32
      %dma_wait3A_162 = arith.constant 0 : i32
      %dma_wait3A_163 = tpu.memref_slice %arg8[%dma_wait3A_160, %dma_wait3A_161, %dma_wait3A_162] : memref<5x125x64xf32, #tpu.memory_space<vmem>> -> memref<1x125x64xf32, #tpu.memory_space<vmem>>
      %dma_wait3A_164 = tpu.memref_squeeze %dma_wait3A_163 : memref<1x125x64xf32, #tpu.memory_space<vmem>> -> memref<125x64xf32, #tpu.memory_space<vmem>>
      %dma_wait3A_165 = arith.constant 0 : i32
      %dma_wait3A_166 = tpu.memref_slice %arg6[%add3A_137, %dma_wait3A_165] : memref<80x125xi32, #tpu.memory_space<vmem>> -> memref<1x125xi32, #tpu.memory_space<vmem>>
      %dma_wait3A_167 = tpu.memref_squeeze %dma_wait3A_166 : memref<1x125xi32, #tpu.memory_space<vmem>> -> memref<125xi32, #tpu.memory_space<vmem>>
      %dma_wait3A_168 = arith.constant 0 : i32
      %dma_wait3A_169 = arith.constant 0 : i32
      %dma_wait3A_170 = tpu.memref_slice %arg2[%dma_wait3A_168, %dma_wait3A_169] : memref<10000x64xf32, #tpu.memory_space<hbm>> -> memref<10000x64xf32, #tpu.memory_space<hbm>>
      tpu.wait_indirect_dma semaphore(%arg17 : memref<!tpu.dma_semaphore, #tpu.memory_space<semaphore_mem>>) src(%dma_wait3A_170 : memref<10000x64xf32, #tpu.memory_space<hbm>>) dst(%dma_wait3A_164 : memref<125x64xf32, #tpu.memory_space<vmem>>)
      %add3A_171 = arith.constant 5 : i32
      %add3A_172 = arith.addi %add3A_137, %add3A_171 : i32
      %lt3A_173 = arith.constant 80 : i32
      %lt3A_174 = arith.cmpi slt, %add3A_172, %lt3A_173 : i32
      %convert_element_type3A_175 = arith.extui %lt3A_174 : i1 to i32
      %cond3A_176 = arith.constant 0 : i32
      %cond3A_177 = arith.cmpi ne, %convert_element_type3A_175, %cond3A_176 : i32
      scf.if %cond3A_177 {
        %add3A_310 = arith.constant 5 : i32
        %add3A_311 = arith.addi %add3A_137, %add3A_310 : i32
        %dma_start3A_312 = arith.constant 1 : i32
        %dma_start3A_313 = arith.constant 0 : i32
        %dma_start3A_314 = arith.constant 0 : i32
        %dma_start3A_315 = tpu.memref_slice %arg8[%dma_start3A_312, %dma_start3A_313, %dma_start3A_314] : memref<5x125x64xf32, #tpu.memory_space<vmem>> -> memref<1x125x64xf32, #tpu.memory_space<vmem>>
        %dma_start3A_316 = tpu.memref_squeeze %dma_start3A_315 : memref<1x125x64xf32, #tpu.memory_space<vmem>> -> memref<125x64xf32, #tpu.memory_space<vmem>>
        %dma_start3A_317 = arith.constant 0 : i32
        %dma_start3A_318 = tpu.memref_slice %arg6[%add3A_311, %dma_start3A_317] : memref<80x125xi32, #tpu.memory_space<vmem>> -> memref<1x125xi32, #tpu.memory_space<vmem>>
        %dma_start3A_319 = tpu.memref_squeeze %dma_start3A_318 : memref<1x125xi32, #tpu.memory_space<vmem>> -> memref<125xi32, #tpu.memory_space<vmem>>
        %dma_start3A_320 = arith.constant 0 : i32
        %dma_start3A_321 = arith.constant 0 : i32
        %dma_start3A_322 = tpu.memref_slice %arg2[%dma_start3A_320, %dma_start3A_321] : memref<10000x64xf32, #tpu.memory_space<hbm>> -> memref<10000x64xf32, #tpu.memory_space<hbm>>
        tpu.enqueue_indirect_dma source(%dma_start3A_322 : memref<10000x64xf32, #tpu.memory_space<hbm>>) target(%dma_start3A_316 : memref<125x64xf32, #tpu.memory_space<vmem>>) offsets(%dma_start3A_319 : memref<125xi32, #tpu.memory_space<vmem>>) semaphore(%arg12 : memref<!tpu.dma_semaphore, #tpu.memory_space<semaphore_mem>>)
      } else {
      }
      %mul3A_178 = arith.constant 5 : i32
      %mul3A_179 = arith.muli %mul3A_178, %scan3A_93 : i32
      %add3A_180 = arith.constant 2 : i32
      %add3A_181 = arith.addi %mul3A_179, %add3A_180 : i32
      %dma_wait3A_182 = arith.constant 2 : i32
      %dma_wait3A_183 = arith.constant 0 : i32
      %dma_wait3A_184 = arith.constant 0 : i32
      %dma_wait3A_185 = tpu.memref_slice %arg8[%dma_wait3A_182, %dma_wait3A_183, %dma_wait3A_184] : memref<5x125x64xf32, #tpu.memory_space<vmem>> -> memref<1x125x64xf32, #tpu.memory_space<vmem>>
      %dma_wait3A_186 = tpu.memref_squeeze %dma_wait3A_185 : memref<1x125x64xf32, #tpu.memory_space<vmem>> -> memref<125x64xf32, #tpu.memory_space<vmem>>
      %dma_wait3A_187 = arith.constant 0 : i32
      %dma_wait3A_188 = tpu.memref_slice %arg6[%add3A_181, %dma_wait3A_187] : memref<80x125xi32, #tpu.memory_space<vmem>> -> memref<1x125xi32, #tpu.memory_space<vmem>>
      %dma_wait3A_189 = tpu.memref_squeeze %dma_wait3A_188 : memref<1x125xi32, #tpu.memory_space<vmem>> -> memref<125xi32, #tpu.memory_space<vmem>>
      %dma_wait3A_190 = arith.constant 0 : i32
      %dma_wait3A_191 = arith.constant 0 : i32
      %dma_wait3A_192 = tpu.memref_slice %arg2[%dma_wait3A_190, %dma_wait3A_191] : memref<10000x64xf32, #tpu.memory_space<hbm>> -> memref<10000x64xf32, #tpu.memory_space<hbm>>
      tpu.wait_indirect_dma semaphore(%arg13 : memref<!tpu.dma_semaphore, #tpu.memory_space<semaphore_mem>>) src(%dma_wait3A_192 : memref<10000x64xf32, #tpu.memory_space<hbm>>) dst(%dma_wait3A_186 : memref<125x64xf32, #tpu.memory_space<vmem>>)
      %dma_start3A_193 = arith.constant 2 : i32
      %dma_start3A_194 = arith.constant 0 : i32
      %dma_start3A_195 = arith.constant 0 : i32
      %dma_start3A_196 = tpu.memref_slice %arg8[%dma_start3A_193, %dma_start3A_194, %dma_start3A_195] : memref<5x125x64xf32, #tpu.memory_space<vmem>> -> memref<1x125x64xf32, #tpu.memory_space<vmem>>
      %dma_start3A_197 = tpu.memref_squeeze %dma_start3A_196 : memref<1x125x64xf32, #tpu.memory_space<vmem>> -> memref<125x64xf32, #tpu.memory_space<vmem>>
      %dma_start3A_198 = arith.constant 0 : i32
      %dma_start3A_199 = tpu.memref_slice %arg7[%add3A_181, %dma_start3A_198] : memref<80x125xi32, #tpu.memory_space<vmem>> -> memref<1x125xi32, #tpu.memory_space<vmem>>
      %dma_start3A_200 = tpu.memref_squeeze %dma_start3A_199 : memref<1x125xi32, #tpu.memory_space<vmem>> -> memref<125xi32, #tpu.memory_space<vmem>>
      %dma_start3A_201 = arith.constant 0 : i32
      %dma_start3A_202 = arith.constant 0 : i32
      %dma_start3A_203 = tpu.memref_slice %arg10[%dma_start3A_201, %dma_start3A_202] : memref<10240x64xf32, #tpu.memory_space<vmem_shared>> -> memref<10240x64xf32, #tpu.memory_space<vmem_shared>>
      tpu.enqueue_indirect_dma source(%dma_start3A_197 : memref<125x64xf32, #tpu.memory_space<vmem>>) target(%dma_start3A_203 : memref<10240x64xf32, #tpu.memory_space<vmem_shared>>) offsets(%dma_start3A_200 : memref<125xi32, #tpu.memory_space<vmem>>) semaphore(%arg18 : memref<!tpu.dma_semaphore, #tpu.memory_space<semaphore_mem>>) {add = true}
      %dma_wait3A_204 = arith.constant 2 : i32
      %dma_wait3A_205 = arith.constant 0 : i32
      %dma_wait3A_206 = arith.constant 0 : i32
      %dma_wait3A_207 = tpu.memref_slice %arg8[%dma_wait3A_204, %dma_wait3A_205, %dma_wait3A_206] : memref<5x125x64xf32, #tpu.memory_space<vmem>> -> memref<1x125x64xf32, #tpu.memory_space<vmem>>
      %dma_wait3A_208 = tpu.memref_squeeze %dma_wait3A_207 : memref<1x125x64xf32, #tpu.memory_space<vmem>> -> memref<125x64xf32, #tpu.memory_space<vmem>>
      %dma_wait3A_209 = arith.constant 0 : i32
      %dma_wait3A_210 = tpu.memref_slice %arg6[%add3A_181, %dma_wait3A_209] : memref<80x125xi32, #tpu.memory_space<vmem>> -> memref<1x125xi32, #tpu.memory_space<vmem>>
      %dma_wait3A_211 = tpu.memref_squeeze %dma_wait3A_210 : memref<1x125xi32, #tpu.memory_space<vmem>> -> memref<125xi32, #tpu.memory_space<vmem>>
      %dma_wait3A_212 = arith.constant 0 : i32
      %dma_wait3A_213 = arith.constant 0 : i32
      %dma_wait3A_214 = tpu.memref_slice %arg2[%dma_wait3A_212, %dma_wait3A_213] : memref<10000x64xf32, #tpu.memory_space<hbm>> -> memref<10000x64xf32, #tpu.memory_space<hbm>>
      tpu.wait_indirect_dma semaphore(%arg18 : memref<!tpu.dma_semaphore, #tpu.memory_space<semaphore_mem>>) src(%dma_wait3A_214 : memref<10000x64xf32, #tpu.memory_space<hbm>>) dst(%dma_wait3A_208 : memref<125x64xf32, #tpu.memory_space<vmem>>)
      %add3A_215 = arith.constant 5 : i32
      %add3A_216 = arith.addi %add3A_181, %add3A_215 : i32
      %lt3A_217 = arith.constant 80 : i32
      %lt3A_218 = arith.cmpi slt, %add3A_216, %lt3A_217 : i32
      %convert_element_type3A_219 = arith.extui %lt3A_218 : i1 to i32
      %cond3A_220 = arith.constant 0 : i32
      %cond3A_221 = arith.cmpi ne, %convert_element_type3A_219, %cond3A_220 : i32
      scf.if %cond3A_221 {
        %add3A_310 = arith.constant 5 : i32
        %add3A_311 = arith.addi %add3A_181, %add3A_310 : i32
        %dma_start3A_312 = arith.constant 2 : i32
        %dma_start3A_313 = arith.constant 0 : i32
        %dma_start3A_314 = arith.constant 0 : i32
        %dma_start3A_315 = tpu.memref_slice %arg8[%dma_start3A_312, %dma_start3A_313, %dma_start3A_314] : memref<5x125x64xf32, #tpu.memory_space<vmem>> -> memref<1x125x64xf32, #tpu.memory_space<vmem>>
        %dma_start3A_316 = tpu.memref_squeeze %dma_start3A_315 : memref<1x125x64xf32, #tpu.memory_space<vmem>> -> memref<125x64xf32, #tpu.memory_space<vmem>>
        %dma_start3A_317 = arith.constant 0 : i32
        %dma_start3A_318 = tpu.memref_slice %arg6[%add3A_311, %dma_start3A_317] : memref<80x125xi32, #tpu.memory_space<vmem>> -> memref<1x125xi32, #tpu.memory_space<vmem>>
        %dma_start3A_319 = tpu.memref_squeeze %dma_start3A_318 : memref<1x125xi32, #tpu.memory_space<vmem>> -> memref<125xi32, #tpu.memory_space<vmem>>
        %dma_start3A_320 = arith.constant 0 : i32
        %dma_start3A_321 = arith.constant 0 : i32
        %dma_start3A_322 = tpu.memref_slice %arg2[%dma_start3A_320, %dma_start3A_321] : memref<10000x64xf32, #tpu.memory_space<hbm>> -> memref<10000x64xf32, #tpu.memory_space<hbm>>
        tpu.enqueue_indirect_dma source(%dma_start3A_322 : memref<10000x64xf32, #tpu.memory_space<hbm>>) target(%dma_start3A_316 : memref<125x64xf32, #tpu.memory_space<vmem>>) offsets(%dma_start3A_319 : memref<125xi32, #tpu.memory_space<vmem>>) semaphore(%arg13 : memref<!tpu.dma_semaphore, #tpu.memory_space<semaphore_mem>>)
      } else {
      }
      %mul3A_222 = arith.constant 5 : i32
      %mul3A_223 = arith.muli %mul3A_222, %scan3A_93 : i32
      %add3A_224 = arith.constant 3 : i32
      %add3A_225 = arith.addi %mul3A_223, %add3A_224 : i32
      %dma_wait3A_226 = arith.constant 3 : i32
      %dma_wait3A_227 = arith.constant 0 : i32
      %dma_wait3A_228 = arith.constant 0 : i32
      %dma_wait3A_229 = tpu.memref_slice %arg8[%dma_wait3A_226, %dma_wait3A_227, %dma_wait3A_228] : memref<5x125x64xf32, #tpu.memory_space<vmem>> -> memref<1x125x64xf32, #tpu.memory_space<vmem>>
      %dma_wait3A_230 = tpu.memref_squeeze %dma_wait3A_229 : memref<1x125x64xf32, #tpu.memory_space<vmem>> -> memref<125x64xf32, #tpu.memory_space<vmem>>
      %dma_wait3A_231 = arith.constant 0 : i32
      %dma_wait3A_232 = tpu.memref_slice %arg6[%add3A_225, %dma_wait3A_231] : memref<80x125xi32, #tpu.memory_space<vmem>> -> memref<1x125xi32, #tpu.memory_space<vmem>>
      %dma_wait3A_233 = tpu.memref_squeeze %dma_wait3A_232 : memref<1x125xi32, #tpu.memory_space<vmem>> -> memref<125xi32, #tpu.memory_space<vmem>>
      %dma_wait3A_234 = arith.constant 0 : i32
      %dma_wait3A_235 = arith.constant 0 : i32
      %dma_wait3A_236 = tpu.memref_slice %arg2[%dma_wait3A_234, %dma_wait3A_235] : memref<10000x64xf32, #tpu.memory_space<hbm>> -> memref<10000x64xf32, #tpu.memory_space<hbm>>
      tpu.wait_indirect_dma semaphore(%arg14 : memref<!tpu.dma_semaphore, #tpu.memory_space<semaphore_mem>>) src(%dma_wait3A_236 : memref<10000x64xf32, #tpu.memory_space<hbm>>) dst(%dma_wait3A_230 : memref<125x64xf32, #tpu.memory_space<vmem>>)
      %dma_start3A_237 = arith.constant 3 : i32
      %dma_start3A_238 = arith.constant 0 : i32
      %dma_start3A_239 = arith.constant 0 : i32
      %dma_start3A_240 = tpu.memref_slice %arg8[%dma_start3A_237, %dma_start3A_238, %dma_start3A_239] : memref<5x125x64xf32, #tpu.memory_space<vmem>> -> memref<1x125x64xf32, #tpu.memory_space<vmem>>
      %dma_start3A_241 = tpu.memref_squeeze %dma_start3A_240 : memref<1x125x64xf32, #tpu.memory_space<vmem>> -> memref<125x64xf32, #tpu.memory_space<vmem>>
      %dma_start3A_242 = arith.constant 0 : i32
      %dma_start3A_243 = tpu.memref_slice %arg7[%add3A_225, %dma_start3A_242] : memref<80x125xi32, #tpu.memory_space<vmem>> -> memref<1x125xi32, #tpu.memory_space<vmem>>
      %dma_start3A_244 = tpu.memref_squeeze %dma_start3A_243 : memref<1x125xi32, #tpu.memory_space<vmem>> -> memref<125xi32, #tpu.memory_space<vmem>>
      %dma_start3A_245 = arith.constant 0 : i32
      %dma_start3A_246 = arith.constant 0 : i32
      %dma_start3A_247 = tpu.memref_slice %arg10[%dma_start3A_245, %dma_start3A_246] : memref<10240x64xf32, #tpu.memory_space<vmem_shared>> -> memref<10240x64xf32, #tpu.memory_space<vmem_shared>>
      tpu.enqueue_indirect_dma source(%dma_start3A_241 : memref<125x64xf32, #tpu.memory_space<vmem>>) target(%dma_start3A_247 : memref<10240x64xf32, #tpu.memory_space<vmem_shared>>) offsets(%dma_start3A_244 : memref<125xi32, #tpu.memory_space<vmem>>) semaphore(%arg19 : memref<!tpu.dma_semaphore, #tpu.memory_space<semaphore_mem>>) {add = true}
      %dma_wait3A_248 = arith.constant 3 : i32
      %dma_wait3A_249 = arith.constant 0 : i32
      %dma_wait3A_250 = arith.constant 0 : i32
      %dma_wait3A_251 = tpu.memref_slice %arg8[%dma_wait3A_248, %dma_wait3A_249, %dma_wait3A_250] : memref<5x125x64xf32, #tpu.memory_space<vmem>> -> memref<1x125x64xf32, #tpu.memory_space<vmem>>
      %dma_wait3A_252 = tpu.memref_squeeze %dma_wait3A_251 : memref<1x125x64xf32, #tpu.memory_space<vmem>> -> memref<125x64xf32, #tpu.memory_space<vmem>>
      %dma_wait3A_253 = arith.constant 0 : i32
      %dma_wait3A_254 = tpu.memref_slice %arg6[%add3A_225, %dma_wait3A_253] : memref<80x125xi32, #tpu.memory_space<vmem>> -> memref<1x125xi32, #tpu.memory_space<vmem>>
      %dma_wait3A_255 = tpu.memref_squeeze %dma_wait3A_254 : memref<1x125xi32, #tpu.memory_space<vmem>> -> memref<125xi32, #tpu.memory_space<vmem>>
      %dma_wait3A_256 = arith.constant 0 : i32
      %dma_wait3A_257 = arith.constant 0 : i32
      %dma_wait3A_258 = tpu.memref_slice %arg2[%dma_wait3A_256, %dma_wait3A_257] : memref<10000x64xf32, #tpu.memory_space<hbm>> -> memref<10000x64xf32, #tpu.memory_space<hbm>>
      tpu.wait_indirect_dma semaphore(%arg19 : memref<!tpu.dma_semaphore, #tpu.memory_space<semaphore_mem>>) src(%dma_wait3A_258 : memref<10000x64xf32, #tpu.memory_space<hbm>>) dst(%dma_wait3A_252 : memref<125x64xf32, #tpu.memory_space<vmem>>)
      %add3A_259 = arith.constant 5 : i32
      %add3A_260 = arith.addi %add3A_225, %add3A_259 : i32
      %lt3A_261 = arith.constant 80 : i32
      %lt3A_262 = arith.cmpi slt, %add3A_260, %lt3A_261 : i32
      %convert_element_type3A_263 = arith.extui %lt3A_262 : i1 to i32
      %cond3A_264 = arith.constant 0 : i32
      %cond3A_265 = arith.cmpi ne, %convert_element_type3A_263, %cond3A_264 : i32
      scf.if %cond3A_265 {
        %add3A_310 = arith.constant 5 : i32
        %add3A_311 = arith.addi %add3A_225, %add3A_310 : i32
        %dma_start3A_312 = arith.constant 3 : i32
        %dma_start3A_313 = arith.constant 0 : i32
        %dma_start3A_314 = arith.constant 0 : i32
        %dma_start3A_315 = tpu.memref_slice %arg8[%dma_start3A_312, %dma_start3A_313, %dma_start3A_314] : memref<5x125x64xf32, #tpu.memory_space<vmem>> -> memref<1x125x64xf32, #tpu.memory_space<vmem>>
        %dma_start3A_316 = tpu.memref_squeeze %dma_start3A_315 : memref<1x125x64xf32, #tpu.memory_space<vmem>> -> memref<125x64xf32, #tpu.memory_space<vmem>>
        %dma_start3A_317 = arith.constant 0 : i32
        %dma_start3A_318 = tpu.memref_slice %arg6[%add3A_311, %dma_start3A_317] : memref<80x125xi32, #tpu.memory_space<vmem>> -> memref<1x125xi32, #tpu.memory_space<vmem>>
        %dma_start3A_319 = tpu.memref_squeeze %dma_start3A_318 : memref<1x125xi32, #tpu.memory_space<vmem>> -> memref<125xi32, #tpu.memory_space<vmem>>
        %dma_start3A_320 = arith.constant 0 : i32
        %dma_start3A_321 = arith.constant 0 : i32
        %dma_start3A_322 = tpu.memref_slice %arg2[%dma_start3A_320, %dma_start3A_321] : memref<10000x64xf32, #tpu.memory_space<hbm>> -> memref<10000x64xf32, #tpu.memory_space<hbm>>
        tpu.enqueue_indirect_dma source(%dma_start3A_322 : memref<10000x64xf32, #tpu.memory_space<hbm>>) target(%dma_start3A_316 : memref<125x64xf32, #tpu.memory_space<vmem>>) offsets(%dma_start3A_319 : memref<125xi32, #tpu.memory_space<vmem>>) semaphore(%arg14 : memref<!tpu.dma_semaphore, #tpu.memory_space<semaphore_mem>>)
      } else {
      }
      %mul3A_266 = arith.constant 5 : i32
      %mul3A_267 = arith.muli %mul3A_266, %scan3A_93 : i32
      %add3A_268 = arith.constant 4 : i32
      %add3A_269 = arith.addi %mul3A_267, %add3A_268 : i32
      %dma_wait3A_270 = arith.constant 4 : i32
      %dma_wait3A_271 = arith.constant 0 : i32
      %dma_wait3A_272 = arith.constant 0 : i32
      %dma_wait3A_273 = tpu.memref_slice %arg8[%dma_wait3A_270, %dma_wait3A_271, %dma_wait3A_272] : memref<5x125x64xf32, #tpu.memory_space<vmem>> -> memref<1x125x64xf32, #tpu.memory_space<vmem>>
      %dma_wait3A_274 = tpu.memref_squeeze %dma_wait3A_273 : memref<1x125x64xf32, #tpu.memory_space<vmem>> -> memref<125x64xf32, #tpu.memory_space<vmem>>
      %dma_wait3A_275 = arith.constant 0 : i32
      %dma_wait3A_276 = tpu.memref_slice %arg6[%add3A_269, %dma_wait3A_275] : memref<80x125xi32, #tpu.memory_space<vmem>> -> memref<1x125xi32, #tpu.memory_space<vmem>>
      %dma_wait3A_277 = tpu.memref_squeeze %dma_wait3A_276 : memref<1x125xi32, #tpu.memory_space<vmem>> -> memref<125xi32, #tpu.memory_space<vmem>>
      %dma_wait3A_278 = arith.constant 0 : i32
      %dma_wait3A_279 = arith.constant 0 : i32
      %dma_wait3A_280 = tpu.memref_slice %arg2[%dma_wait3A_278, %dma_wait3A_279] : memref<10000x64xf32, #tpu.memory_space<hbm>> -> memref<10000x64xf32, #tpu.memory_space<hbm>>
      tpu.wait_indirect_dma semaphore(%arg15 : memref<!tpu.dma_semaphore, #tpu.memory_space<semaphore_mem>>) src(%dma_wait3A_280 : memref<10000x64xf32, #tpu.memory_space<hbm>>) dst(%dma_wait3A_274 : memref<125x64xf32, #tpu.memory_space<vmem>>)
      %dma_start3A_281 = arith.constant 4 : i32
      %dma_start3A_282 = arith.constant 0 : i32
      %dma_start3A_283 = arith.constant 0 : i32
      %dma_start3A_284 = tpu.memref_slice %arg8[%dma_start3A_281, %dma_start3A_282, %dma_start3A_283] : memref<5x125x64xf32, #tpu.memory_space<vmem>> -> memref<1x125x64xf32, #tpu.memory_space<vmem>>
      %dma_start3A_285 = tpu.memref_squeeze %dma_start3A_284 : memref<1x125x64xf32, #tpu.memory_space<vmem>> -> memref<125x64xf32, #tpu.memory_space<vmem>>
      %dma_start3A_286 = arith.constant 0 : i32
      %dma_start3A_287 = tpu.memref_slice %arg7[%add3A_269, %dma_start3A_286] : memref<80x125xi32, #tpu.memory_space<vmem>> -> memref<1x125xi32, #tpu.memory_space<vmem>>
      %dma_start3A_288 = tpu.memref_squeeze %dma_start3A_287 : memref<1x125xi32, #tpu.memory_space<vmem>> -> memref<125xi32, #tpu.memory_space<vmem>>
      %dma_start3A_289 = arith.constant 0 : i32
      %dma_start3A_290 = arith.constant 0 : i32
      %dma_start3A_291 = tpu.memref_slice %arg10[%dma_start3A_289, %dma_start3A_290] : memref<10240x64xf32, #tpu.memory_space<vmem_shared>> -> memref<10240x64xf32, #tpu.memory_space<vmem_shared>>
      tpu.enqueue_indirect_dma source(%dma_start3A_285 : memref<125x64xf32, #tpu.memory_space<vmem>>) target(%dma_start3A_291 : memref<10240x64xf32, #tpu.memory_space<vmem_shared>>) offsets(%dma_start3A_288 : memref<125xi32, #tpu.memory_space<vmem>>) semaphore(%arg20 : memref<!tpu.dma_semaphore, #tpu.memory_space<semaphore_mem>>) {add = true}
      %dma_wait3A_292 = arith.constant 4 : i32
      %dma_wait3A_293 = arith.constant 0 : i32
      %dma_wait3A_294 = arith.constant 0 : i32
      %dma_wait3A_295 = tpu.memref_slice %arg8[%dma_wait3A_292, %dma_wait3A_293, %dma_wait3A_294] : memref<5x125x64xf32, #tpu.memory_space<vmem>> -> memref<1x125x64xf32, #tpu.memory_space<vmem>>
      %dma_wait3A_296 = tpu.memref_squeeze %dma_wait3A_295 : memref<1x125x64xf32, #tpu.memory_space<vmem>> -> memref<125x64xf32, #tpu.memory_space<vmem>>
      %dma_wait3A_297 = arith.constant 0 : i32
      %dma_wait3A_298 = tpu.memref_slice %arg6[%add3A_269, %dma_wait3A_297] : memref<80x125xi32, #tpu.memory_space<vmem>> -> memref<1x125xi32, #tpu.memory_space<vmem>>
      %dma_wait3A_299 = tpu.memref_squeeze %dma_wait3A_298 : memref<1x125xi32, #tpu.memory_space<vmem>> -> memref<125xi32, #tpu.memory_space<vmem>>
      %dma_wait3A_300 = arith.constant 0 : i32
      %dma_wait3A_301 = arith.constant 0 : i32
      %dma_wait3A_302 = tpu.memref_slice %arg2[%dma_wait3A_300, %dma_wait3A_301] : memref<10000x64xf32, #tpu.memory_space<hbm>> -> memref<10000x64xf32, #tpu.memory_space<hbm>>
      tpu.wait_indirect_dma semaphore(%arg20 : memref<!tpu.dma_semaphore, #tpu.memory_space<semaphore_mem>>) src(%dma_wait3A_302 : memref<10000x64xf32, #tpu.memory_space<hbm>>) dst(%dma_wait3A_296 : memref<125x64xf32, #tpu.memory_space<vmem>>)
      %add3A_303 = arith.constant 5 : i32
      %add3A_304 = arith.addi %add3A_269, %add3A_303 : i32
      %lt3A_305 = arith.constant 80 : i32
      %lt3A_306 = arith.cmpi slt, %add3A_304, %lt3A_305 : i32
      %convert_element_type3A_307 = arith.extui %lt3A_306 : i1 to i32
      %cond3A_308 = arith.constant 0 : i32
      %cond3A_309 = arith.cmpi ne, %convert_element_type3A_307, %cond3A_308 : i32
      scf.if %cond3A_309 {
        %add3A_310 = arith.constant 5 : i32
        %add3A_311 = arith.addi %add3A_269, %add3A_310 : i32
        %dma_start3A_312 = arith.constant 4 : i32
        %dma_start3A_313 = arith.constant 0 : i32
        %dma_start3A_314 = arith.constant 0 : i32
        %dma_start3A_315 = tpu.memref_slice %arg8[%dma_start3A_312, %dma_start3A_313, %dma_start3A_314] : memref<5x125x64xf32, #tpu.memory_space<vmem>> -> memref<1x125x64xf32, #tpu.memory_space<vmem>>
        %dma_start3A_316 = tpu.memref_squeeze %dma_start3A_315 : memref<1x125x64xf32, #tpu.memory_space<vmem>> -> memref<125x64xf32, #tpu.memory_space<vmem>>
        %dma_start3A_317 = arith.constant 0 : i32
        %dma_start3A_318 = tpu.memref_slice %arg6[%add3A_311, %dma_start3A_317] : memref<80x125xi32, #tpu.memory_space<vmem>> -> memref<1x125xi32, #tpu.memory_space<vmem>>
        %dma_start3A_319 = tpu.memref_squeeze %dma_start3A_318 : memref<1x125xi32, #tpu.memory_space<vmem>> -> memref<125xi32, #tpu.memory_space<vmem>>
        %dma_start3A_320 = arith.constant 0 : i32
        %dma_start3A_321 = arith.constant 0 : i32
        %dma_start3A_322 = tpu.memref_slice %arg2[%dma_start3A_320, %dma_start3A_321] : memref<10000x64xf32, #tpu.memory_space<hbm>> -> memref<10000x64xf32, #tpu.memory_space<hbm>>
        tpu.enqueue_indirect_dma source(%dma_start3A_322 : memref<10000x64xf32, #tpu.memory_space<hbm>>) target(%dma_start3A_316 : memref<125x64xf32, #tpu.memory_space<vmem>>) offsets(%dma_start3A_319 : memref<125xi32, #tpu.memory_space<vmem>>) semaphore(%arg15 : memref<!tpu.dma_semaphore, #tpu.memory_space<semaphore_mem>>)
      } else {
      }
    }
    %scan3A_87 = arith.constant 16 : i32
    %barrier3A_88 = arith.constant 0 : index
    tpu.barrier barrier_id(%barrier3A_88)
    %mul3A_89 = arith.constant 640 : i32
    %mul3A_90 = arith.muli %arg1, %mul3A_89 : i32
    %mul3A_91 = arith.constant 640 : i32
    %mul3A_92 = arith.muli %arg1, %mul3A_91 : i32
    "tpu.region"() ({
      %run_scoped3A = tpu.sem_alloc : memref<!tpu.dma_semaphore, #tpu.memory_space<semaphore_mem>>
      %dma_start3A_93 = arith.constant 0 : i32
      %dma_start3A_94 = tpu.memref_slice %arg5[%arg0, %mul3A_92, %dma_start3A_93] : memref<2x10240x64xf32, #tpu.memory_space<hbm>> -> memref<1x640x64xf32, #tpu.memory_space<hbm>>
      %dma_start3A_95 = tpu.memref_squeeze %dma_start3A_94 : memref<1x640x64xf32, #tpu.memory_space<hbm>> -> memref<640x64xf32, #tpu.memory_space<hbm>>
      %dma_start3A_96 = arith.constant 0 : i32
      %dma_start3A_97 = tpu.memref_slice %arg10[%mul3A_90, %dma_start3A_96] : memref<10240x64xf32, #tpu.memory_space<vmem_shared>> -> memref<640x64xf32, #tpu.memory_space<vmem_shared>>
      tpu.enqueue_dma source(%dma_start3A_97 : memref<640x64xf32, #tpu.memory_space<vmem_shared>>) target(%dma_start3A_95 : memref<640x64xf32, #tpu.memory_space<hbm>>) target_semaphore(%run_scoped3A : memref<!tpu.dma_semaphore, #tpu.memory_space<semaphore_mem>>)
      %dma_wait3A = arith.constant 0 : i32
      %dma_wait3A_98 = tpu.memref_slice %arg5[%arg0, %mul3A_92, %dma_wait3A] : memref<2x10240x64xf32, #tpu.memory_space<hbm>> -> memref<1x640x64xf32, #tpu.memory_space<hbm>>
      %dma_wait3A_99 = tpu.memref_squeeze %dma_wait3A_98 : memref<1x640x64xf32, #tpu.memory_space<hbm>> -> memref<640x64xf32, #tpu.memory_space<hbm>>
      %dma_wait3A_100 = arith.constant 0 : i32
      %dma_wait3A_101 = tpu.memref_slice %arg10[%mul3A_90, %dma_wait3A_100] : memref<10240x64xf32, #tpu.memory_space<vmem_shared>> -> memref<640x64xf32, #tpu.memory_space<vmem_shared>>
      tpu.wait_dma2 semaphore(%run_scoped3A : memref<!tpu.dma_semaphore, #tpu.memory_space<semaphore_mem>>) src(%dma_wait3A_101 : memref<640x64xf32, #tpu.memory_space<vmem_shared>>) dst(%dma_wait3A_99 : memref<640x64xf32, #tpu.memory_space<hbm>>)
      tpu.yield
    }) : () -> ()
    return
  }
}

#map = affine_map<(d0, d1) -> (0, 0)>
#map1 = affine_map<(d0, d1) -> (0, 0, 0, 0)>
module attributes {stable_mosaic.version = 14 : i64} {
  func.func @k(%arg0: i32, %arg1: i32, %arg2: memref<10000x64xf32, #tpu.memory_space<hbm>>, %arg3: memref<2x16x4x128xi32, #tpu.memory_space<hbm>>, %arg4: memref<2x16x4x128xi32, #tpu.memory_space<hbm>>, %arg5: memref<16384x64xf32, #tpu.memory_space<hbm>>, %arg6: memref<16384x64xf32, #tpu.memory_space<hbm>>, %arg7: memref<4x128xi32, #tpu.memory_space<vmem>>, %arg8: memref<4x128xi32, #tpu.memory_space<vmem>>, %arg9: memref<128x64xf32, #tpu.memory_space<vmem>>, %arg10: memref<128x64xf32, #tpu.memory_space<vmem>>, %arg11: memref<!tpu.dma_semaphore, #tpu.memory_space<semaphore_mem>>, %arg12: memref<!tpu.dma_semaphore, #tpu.memory_space<semaphore_mem>>) attributes {dimension_semantics = [#tpu.dimension_semantics<core_parallel>, #tpu.dimension_semantics<subcore_parallel>], iteration_bounds = array<i64: 2, 16>, scalar_prefetch = 0 : i64, scratch_operands = 6 : i64, tpu.core_type = #tpu.core_type<sc_vector_subcore>, window_params = [{transform_indices = #map}, {transform_indices = #map1}, {transform_indices = #map1}, {transform_indices = #map}, {transform_indices = #map}]} {
    %mul3A = arith.constant 16 : i32
    %mul3A_0 = arith.muli %arg0, %mul3A : i32
    %add3A = arith.addi %mul3A_0, %arg1 : i32
    %mul3A_1 = arith.constant 512 : i32
    %mul3A_2 = arith.muli %add3A, %mul3A_1 : i32
    "tpu.region"() ({
      %run_scoped3A = tpu.sem_alloc : memref<!tpu.dma_semaphore, #tpu.memory_space<semaphore_mem>>
      %dma_start3A_129 = arith.constant 0 : i32
      %dma_start3A_130 = arith.constant 0 : i32
      %dma_start3A_131 = tpu.memref_slice %arg3[%arg0, %arg1, %dma_start3A_129, %dma_start3A_130] : memref<2x16x4x128xi32, #tpu.memory_space<hbm>> -> memref<1x1x4x128xi32, #tpu.memory_space<hbm>>
      %dma_start3A_132 = tpu.memref_squeeze %dma_start3A_131 : memref<1x1x4x128xi32, #tpu.memory_space<hbm>> -> memref<4x128xi32, #tpu.memory_space<hbm>>
      %dma_start3A_133 = arith.constant 0 : i32
      %dma_start3A_134 = arith.constant 0 : i32
      %dma_start3A_135 = tpu.memref_slice %arg3[%arg0, %arg1, %dma_start3A_133, %dma_start3A_134] : memref<2x16x4x128xi32, #tpu.memory_space<hbm>> -> memref<1x1x4x128xi32, #tpu.memory_space<hbm>>
      %dma_start3A_136 = tpu.memref_squeeze %dma_start3A_135 : memref<1x1x4x128xi32, #tpu.memory_space<hbm>> -> memref<4x128xi32, #tpu.memory_space<hbm>>
      tpu.enqueue_dma source(%dma_start3A_136 : memref<4x128xi32, #tpu.memory_space<hbm>>) target(%arg7 : memref<4x128xi32, #tpu.memory_space<vmem>>) target_semaphore(%run_scoped3A : memref<!tpu.dma_semaphore, #tpu.memory_space<semaphore_mem>>)
      %dma_wait3A_137 = arith.constant 0 : i32
      %dma_wait3A_138 = arith.constant 0 : i32
      %dma_wait3A_139 = tpu.memref_slice %arg3[%arg0, %arg1, %dma_wait3A_137, %dma_wait3A_138] : memref<2x16x4x128xi32, #tpu.memory_space<hbm>> -> memref<1x1x4x128xi32, #tpu.memory_space<hbm>>
      %dma_wait3A_140 = tpu.memref_squeeze %dma_wait3A_139 : memref<1x1x4x128xi32, #tpu.memory_space<hbm>> -> memref<4x128xi32, #tpu.memory_space<hbm>>
      %dma_wait3A_141 = arith.constant 0 : i32
      %dma_wait3A_142 = arith.constant 0 : i32
      %dma_wait3A_143 = tpu.memref_slice %arg3[%arg0, %arg1, %dma_wait3A_141, %dma_wait3A_142] : memref<2x16x4x128xi32, #tpu.memory_space<hbm>> -> memref<1x1x4x128xi32, #tpu.memory_space<hbm>>
      %dma_wait3A_144 = tpu.memref_squeeze %dma_wait3A_143 : memref<1x1x4x128xi32, #tpu.memory_space<hbm>> -> memref<4x128xi32, #tpu.memory_space<hbm>>
      tpu.wait_dma2 semaphore(%run_scoped3A : memref<!tpu.dma_semaphore, #tpu.memory_space<semaphore_mem>>) src(%dma_wait3A_144 : memref<4x128xi32, #tpu.memory_space<hbm>>) dst(%arg7 : memref<4x128xi32, #tpu.memory_space<vmem>>)
      tpu.yield
    }) : () -> ()
    "tpu.region"() ({
      %run_scoped3A = tpu.sem_alloc : memref<!tpu.dma_semaphore, #tpu.memory_space<semaphore_mem>>
      %dma_start3A_129 = arith.constant 0 : i32
      %dma_start3A_130 = arith.constant 0 : i32
      %dma_start3A_131 = tpu.memref_slice %arg4[%arg0, %arg1, %dma_start3A_129, %dma_start3A_130] : memref<2x16x4x128xi32, #tpu.memory_space<hbm>> -> memref<1x1x4x128xi32, #tpu.memory_space<hbm>>
      %dma_start3A_132 = tpu.memref_squeeze %dma_start3A_131 : memref<1x1x4x128xi32, #tpu.memory_space<hbm>> -> memref<4x128xi32, #tpu.memory_space<hbm>>
      %dma_start3A_133 = arith.constant 0 : i32
      %dma_start3A_134 = arith.constant 0 : i32
      %dma_start3A_135 = tpu.memref_slice %arg4[%arg0, %arg1, %dma_start3A_133, %dma_start3A_134] : memref<2x16x4x128xi32, #tpu.memory_space<hbm>> -> memref<1x1x4x128xi32, #tpu.memory_space<hbm>>
      %dma_start3A_136 = tpu.memref_squeeze %dma_start3A_135 : memref<1x1x4x128xi32, #tpu.memory_space<hbm>> -> memref<4x128xi32, #tpu.memory_space<hbm>>
      tpu.enqueue_dma source(%dma_start3A_136 : memref<4x128xi32, #tpu.memory_space<hbm>>) target(%arg8 : memref<4x128xi32, #tpu.memory_space<vmem>>) target_semaphore(%run_scoped3A : memref<!tpu.dma_semaphore, #tpu.memory_space<semaphore_mem>>)
      %dma_wait3A_137 = arith.constant 0 : i32
      %dma_wait3A_138 = arith.constant 0 : i32
      %dma_wait3A_139 = tpu.memref_slice %arg4[%arg0, %arg1, %dma_wait3A_137, %dma_wait3A_138] : memref<2x16x4x128xi32, #tpu.memory_space<hbm>> -> memref<1x1x4x128xi32, #tpu.memory_space<hbm>>
      %dma_wait3A_140 = tpu.memref_squeeze %dma_wait3A_139 : memref<1x1x4x128xi32, #tpu.memory_space<hbm>> -> memref<4x128xi32, #tpu.memory_space<hbm>>
      %dma_wait3A_141 = arith.constant 0 : i32
      %dma_wait3A_142 = arith.constant 0 : i32
      %dma_wait3A_143 = tpu.memref_slice %arg4[%arg0, %arg1, %dma_wait3A_141, %dma_wait3A_142] : memref<2x16x4x128xi32, #tpu.memory_space<hbm>> -> memref<1x1x4x128xi32, #tpu.memory_space<hbm>>
      %dma_wait3A_144 = tpu.memref_squeeze %dma_wait3A_143 : memref<1x1x4x128xi32, #tpu.memory_space<hbm>> -> memref<4x128xi32, #tpu.memory_space<hbm>>
      tpu.wait_dma2 semaphore(%run_scoped3A : memref<!tpu.dma_semaphore, #tpu.memory_space<semaphore_mem>>) src(%dma_wait3A_144 : memref<4x128xi32, #tpu.memory_space<hbm>>) dst(%arg8 : memref<4x128xi32, #tpu.memory_space<vmem>>)
      tpu.yield
    }) : () -> ()
    %dma_start3A = arith.constant 0 : i32
    %dma_start3A_3 = arith.constant 0 : i32
    %dma_start3A_4 = tpu.memref_slice %arg7[%dma_start3A, %dma_start3A_3] : memref<4x128xi32, #tpu.memory_space<vmem>> -> memref<1x128xi32, #tpu.memory_space<vmem>>
    %dma_start3A_5 = tpu.memref_squeeze %dma_start3A_4 : memref<1x128xi32, #tpu.memory_space<vmem>> -> memref<128xi32, #tpu.memory_space<vmem>>
    %dma_start3A_6 = arith.constant 0 : i32
    %dma_start3A_7 = arith.constant 0 : i32
    %dma_start3A_8 = tpu.memref_slice %arg2[%dma_start3A_6, %dma_start3A_7] : memref<10000x64xf32, #tpu.memory_space<hbm>> -> memref<10000x64xf32, #tpu.memory_space<hbm>>
    tpu.enqueue_indirect_dma source(%dma_start3A_8 : memref<10000x64xf32, #tpu.memory_space<hbm>>) target(%arg9 : memref<128x64xf32, #tpu.memory_space<vmem>>) offsets(%dma_start3A_5 : memref<128xi32, #tpu.memory_space<vmem>>) semaphore(%arg11 : memref<!tpu.dma_semaphore, #tpu.memory_space<semaphore_mem>>)
    %dma_start3A_9 = arith.constant 1 : i32
    %dma_start3A_10 = arith.constant 0 : i32
    %dma_start3A_11 = tpu.memref_slice %arg7[%dma_start3A_9, %dma_start3A_10] : memref<4x128xi32, #tpu.memory_space<vmem>> -> memref<1x128xi32, #tpu.memory_space<vmem>>
    %dma_start3A_12 = tpu.memref_squeeze %dma_start3A_11 : memref<1x128xi32, #tpu.memory_space<vmem>> -> memref<128xi32, #tpu.memory_space<vmem>>
    %dma_start3A_13 = arith.constant 0 : i32
    %dma_start3A_14 = arith.constant 0 : i32
    %dma_start3A_15 = tpu.memref_slice %arg2[%dma_start3A_13, %dma_start3A_14] : memref<10000x64xf32, #tpu.memory_space<hbm>> -> memref<10000x64xf32, #tpu.memory_space<hbm>>
    tpu.enqueue_indirect_dma source(%dma_start3A_15 : memref<10000x64xf32, #tpu.memory_space<hbm>>) target(%arg10 : memref<128x64xf32, #tpu.memory_space<vmem>>) offsets(%dma_start3A_12 : memref<128xi32, #tpu.memory_space<vmem>>) semaphore(%arg12 : memref<!tpu.dma_semaphore, #tpu.memory_space<semaphore_mem>>)
    %dma_wait3A = arith.constant 0 : i32
    %dma_wait3A_16 = arith.constant 0 : i32
    %dma_wait3A_17 = tpu.memref_slice %arg7[%dma_wait3A, %dma_wait3A_16] : memref<4x128xi32, #tpu.memory_space<vmem>> -> memref<1x128xi32, #tpu.memory_space<vmem>>
    %dma_wait3A_18 = tpu.memref_squeeze %dma_wait3A_17 : memref<1x128xi32, #tpu.memory_space<vmem>> -> memref<128xi32, #tpu.memory_space<vmem>>
    %dma_wait3A_19 = arith.constant 0 : i32
    %dma_wait3A_20 = arith.constant 0 : i32
    %dma_wait3A_21 = tpu.memref_slice %arg2[%dma_wait3A_19, %dma_wait3A_20] : memref<10000x64xf32, #tpu.memory_space<hbm>> -> memref<10000x64xf32, #tpu.memory_space<hbm>>
    tpu.wait_indirect_dma semaphore(%arg11 : memref<!tpu.dma_semaphore, #tpu.memory_space<semaphore_mem>>) src(%dma_wait3A_21 : memref<10000x64xf32, #tpu.memory_space<hbm>>) dst(%arg9 : memref<128x64xf32, #tpu.memory_space<vmem>>)
    %add3A_22 = arith.constant 0 : i32
    %add3A_23 = arith.addi %mul3A_2, %add3A_22 : i32
    "tpu.region"() ({
      %run_scoped3A = tpu.sem_alloc : memref<!tpu.dma_semaphore, #tpu.memory_space<semaphore_mem>>
      %dma_start3A_129 = arith.constant 0 : i32
      %dma_start3A_130 = tpu.memref_slice %arg5[%add3A_23, %dma_start3A_129] : memref<16384x64xf32, #tpu.memory_space<hbm>> -> memref<128x64xf32, #tpu.memory_space<hbm>>
      %dma_start3A_131 = arith.constant 0 : i32
      %dma_start3A_132 = tpu.memref_slice %arg5[%add3A_23, %dma_start3A_131] : memref<16384x64xf32, #tpu.memory_space<hbm>> -> memref<128x64xf32, #tpu.memory_space<hbm>>
      tpu.enqueue_dma source(%arg9 : memref<128x64xf32, #tpu.memory_space<vmem>>) target(%dma_start3A_132 : memref<128x64xf32, #tpu.memory_space<hbm>>) target_semaphore(%run_scoped3A : memref<!tpu.dma_semaphore, #tpu.memory_space<semaphore_mem>>)
      %dma_wait3A_133 = arith.constant 0 : i32
      %dma_wait3A_134 = tpu.memref_slice %arg5[%add3A_23, %dma_wait3A_133] : memref<16384x64xf32, #tpu.memory_space<hbm>> -> memref<128x64xf32, #tpu.memory_space<hbm>>
      %dma_wait3A_135 = arith.constant 0 : i32
      %dma_wait3A_136 = tpu.memref_slice %arg5[%add3A_23, %dma_wait3A_135] : memref<16384x64xf32, #tpu.memory_space<hbm>> -> memref<128x64xf32, #tpu.memory_space<hbm>>
      tpu.wait_dma2 semaphore(%run_scoped3A : memref<!tpu.dma_semaphore, #tpu.memory_space<semaphore_mem>>) src(%arg9 : memref<128x64xf32, #tpu.memory_space<vmem>>) dst(%dma_wait3A_136 : memref<128x64xf32, #tpu.memory_space<hbm>>)
      tpu.yield
    }) : () -> ()
    %dma_start3A_24 = arith.constant 2 : i32
    %dma_start3A_25 = arith.constant 0 : i32
    %dma_start3A_26 = tpu.memref_slice %arg7[%dma_start3A_24, %dma_start3A_25] : memref<4x128xi32, #tpu.memory_space<vmem>> -> memref<1x128xi32, #tpu.memory_space<vmem>>
    %dma_start3A_27 = tpu.memref_squeeze %dma_start3A_26 : memref<1x128xi32, #tpu.memory_space<vmem>> -> memref<128xi32, #tpu.memory_space<vmem>>
    %dma_start3A_28 = arith.constant 0 : i32
    %dma_start3A_29 = arith.constant 0 : i32
    %dma_start3A_30 = tpu.memref_slice %arg2[%dma_start3A_28, %dma_start3A_29] : memref<10000x64xf32, #tpu.memory_space<hbm>> -> memref<10000x64xf32, #tpu.memory_space<hbm>>
    tpu.enqueue_indirect_dma source(%dma_start3A_30 : memref<10000x64xf32, #tpu.memory_space<hbm>>) target(%arg9 : memref<128x64xf32, #tpu.memory_space<vmem>>) offsets(%dma_start3A_27 : memref<128xi32, #tpu.memory_space<vmem>>) semaphore(%arg11 : memref<!tpu.dma_semaphore, #tpu.memory_space<semaphore_mem>>)
    %dma_wait3A_31 = arith.constant 1 : i32
    %dma_wait3A_32 = arith.constant 0 : i32
    %dma_wait3A_33 = tpu.memref_slice %arg7[%dma_wait3A_31, %dma_wait3A_32] : memref<4x128xi32, #tpu.memory_space<vmem>> -> memref<1x128xi32, #tpu.memory_space<vmem>>
    %dma_wait3A_34 = tpu.memref_squeeze %dma_wait3A_33 : memref<1x128xi32, #tpu.memory_space<vmem>> -> memref<128xi32, #tpu.memory_space<vmem>>
    %dma_wait3A_35 = arith.constant 0 : i32
    %dma_wait3A_36 = arith.constant 0 : i32
    %dma_wait3A_37 = tpu.memref_slice %arg2[%dma_wait3A_35, %dma_wait3A_36] : memref<10000x64xf32, #tpu.memory_space<hbm>> -> memref<10000x64xf32, #tpu.memory_space<hbm>>
    tpu.wait_indirect_dma semaphore(%arg12 : memref<!tpu.dma_semaphore, #tpu.memory_space<semaphore_mem>>) src(%dma_wait3A_37 : memref<10000x64xf32, #tpu.memory_space<hbm>>) dst(%arg10 : memref<128x64xf32, #tpu.memory_space<vmem>>)
    %add3A_38 = arith.constant 128 : i32
    %add3A_39 = arith.addi %mul3A_2, %add3A_38 : i32
    "tpu.region"() ({
      %run_scoped3A = tpu.sem_alloc : memref<!tpu.dma_semaphore, #tpu.memory_space<semaphore_mem>>
      %dma_start3A_129 = arith.constant 0 : i32
      %dma_start3A_130 = tpu.memref_slice %arg5[%add3A_39, %dma_start3A_129] : memref<16384x64xf32, #tpu.memory_space<hbm>> -> memref<128x64xf32, #tpu.memory_space<hbm>>
      %dma_start3A_131 = arith.constant 0 : i32
      %dma_start3A_132 = tpu.memref_slice %arg5[%add3A_39, %dma_start3A_131] : memref<16384x64xf32, #tpu.memory_space<hbm>> -> memref<128x64xf32, #tpu.memory_space<hbm>>
      tpu.enqueue_dma source(%arg10 : memref<128x64xf32, #tpu.memory_space<vmem>>) target(%dma_start3A_132 : memref<128x64xf32, #tpu.memory_space<hbm>>) target_semaphore(%run_scoped3A : memref<!tpu.dma_semaphore, #tpu.memory_space<semaphore_mem>>)
      %dma_wait3A_133 = arith.constant 0 : i32
      %dma_wait3A_134 = tpu.memref_slice %arg5[%add3A_39, %dma_wait3A_133] : memref<16384x64xf32, #tpu.memory_space<hbm>> -> memref<128x64xf32, #tpu.memory_space<hbm>>
      %dma_wait3A_135 = arith.constant 0 : i32
      %dma_wait3A_136 = tpu.memref_slice %arg5[%add3A_39, %dma_wait3A_135] : memref<16384x64xf32, #tpu.memory_space<hbm>> -> memref<128x64xf32, #tpu.memory_space<hbm>>
      tpu.wait_dma2 semaphore(%run_scoped3A : memref<!tpu.dma_semaphore, #tpu.memory_space<semaphore_mem>>) src(%arg10 : memref<128x64xf32, #tpu.memory_space<vmem>>) dst(%dma_wait3A_136 : memref<128x64xf32, #tpu.memory_space<hbm>>)
      tpu.yield
    }) : () -> ()
    %dma_start3A_40 = arith.constant 3 : i32
    %dma_start3A_41 = arith.constant 0 : i32
    %dma_start3A_42 = tpu.memref_slice %arg7[%dma_start3A_40, %dma_start3A_41] : memref<4x128xi32, #tpu.memory_space<vmem>> -> memref<1x128xi32, #tpu.memory_space<vmem>>
    %dma_start3A_43 = tpu.memref_squeeze %dma_start3A_42 : memref<1x128xi32, #tpu.memory_space<vmem>> -> memref<128xi32, #tpu.memory_space<vmem>>
    %dma_start3A_44 = arith.constant 0 : i32
    %dma_start3A_45 = arith.constant 0 : i32
    %dma_start3A_46 = tpu.memref_slice %arg2[%dma_start3A_44, %dma_start3A_45] : memref<10000x64xf32, #tpu.memory_space<hbm>> -> memref<10000x64xf32, #tpu.memory_space<hbm>>
    tpu.enqueue_indirect_dma source(%dma_start3A_46 : memref<10000x64xf32, #tpu.memory_space<hbm>>) target(%arg10 : memref<128x64xf32, #tpu.memory_space<vmem>>) offsets(%dma_start3A_43 : memref<128xi32, #tpu.memory_space<vmem>>) semaphore(%arg12 : memref<!tpu.dma_semaphore, #tpu.memory_space<semaphore_mem>>)
    %dma_wait3A_47 = arith.constant 2 : i32
    %dma_wait3A_48 = arith.constant 0 : i32
    %dma_wait3A_49 = tpu.memref_slice %arg7[%dma_wait3A_47, %dma_wait3A_48] : memref<4x128xi32, #tpu.memory_space<vmem>> -> memref<1x128xi32, #tpu.memory_space<vmem>>
    %dma_wait3A_50 = tpu.memref_squeeze %dma_wait3A_49 : memref<1x128xi32, #tpu.memory_space<vmem>> -> memref<128xi32, #tpu.memory_space<vmem>>
    %dma_wait3A_51 = arith.constant 0 : i32
    %dma_wait3A_52 = arith.constant 0 : i32
    %dma_wait3A_53 = tpu.memref_slice %arg2[%dma_wait3A_51, %dma_wait3A_52] : memref<10000x64xf32, #tpu.memory_space<hbm>> -> memref<10000x64xf32, #tpu.memory_space<hbm>>
    tpu.wait_indirect_dma semaphore(%arg11 : memref<!tpu.dma_semaphore, #tpu.memory_space<semaphore_mem>>) src(%dma_wait3A_53 : memref<10000x64xf32, #tpu.memory_space<hbm>>) dst(%arg9 : memref<128x64xf32, #tpu.memory_space<vmem>>)
    %add3A_54 = arith.constant 256 : i32
    %add3A_55 = arith.addi %mul3A_2, %add3A_54 : i32
    "tpu.region"() ({
      %run_scoped3A = tpu.sem_alloc : memref<!tpu.dma_semaphore, #tpu.memory_space<semaphore_mem>>
      %dma_start3A_129 = arith.constant 0 : i32
      %dma_start3A_130 = tpu.memref_slice %arg5[%add3A_55, %dma_start3A_129] : memref<16384x64xf32, #tpu.memory_space<hbm>> -> memref<128x64xf32, #tpu.memory_space<hbm>>
      %dma_start3A_131 = arith.constant 0 : i32
      %dma_start3A_132 = tpu.memref_slice %arg5[%add3A_55, %dma_start3A_131] : memref<16384x64xf32, #tpu.memory_space<hbm>> -> memref<128x64xf32, #tpu.memory_space<hbm>>
      tpu.enqueue_dma source(%arg9 : memref<128x64xf32, #tpu.memory_space<vmem>>) target(%dma_start3A_132 : memref<128x64xf32, #tpu.memory_space<hbm>>) target_semaphore(%run_scoped3A : memref<!tpu.dma_semaphore, #tpu.memory_space<semaphore_mem>>)
      %dma_wait3A_133 = arith.constant 0 : i32
      %dma_wait3A_134 = tpu.memref_slice %arg5[%add3A_55, %dma_wait3A_133] : memref<16384x64xf32, #tpu.memory_space<hbm>> -> memref<128x64xf32, #tpu.memory_space<hbm>>
      %dma_wait3A_135 = arith.constant 0 : i32
      %dma_wait3A_136 = tpu.memref_slice %arg5[%add3A_55, %dma_wait3A_135] : memref<16384x64xf32, #tpu.memory_space<hbm>> -> memref<128x64xf32, #tpu.memory_space<hbm>>
      tpu.wait_dma2 semaphore(%run_scoped3A : memref<!tpu.dma_semaphore, #tpu.memory_space<semaphore_mem>>) src(%arg9 : memref<128x64xf32, #tpu.memory_space<vmem>>) dst(%dma_wait3A_136 : memref<128x64xf32, #tpu.memory_space<hbm>>)
      tpu.yield
    }) : () -> ()
    %dma_start3A_56 = arith.constant 0 : i32
    %dma_start3A_57 = arith.constant 0 : i32
    %dma_start3A_58 = tpu.memref_slice %arg8[%dma_start3A_56, %dma_start3A_57] : memref<4x128xi32, #tpu.memory_space<vmem>> -> memref<1x128xi32, #tpu.memory_space<vmem>>
    %dma_start3A_59 = tpu.memref_squeeze %dma_start3A_58 : memref<1x128xi32, #tpu.memory_space<vmem>> -> memref<128xi32, #tpu.memory_space<vmem>>
    %dma_start3A_60 = arith.constant 0 : i32
    %dma_start3A_61 = arith.constant 0 : i32
    %dma_start3A_62 = tpu.memref_slice %arg2[%dma_start3A_60, %dma_start3A_61] : memref<10000x64xf32, #tpu.memory_space<hbm>> -> memref<10000x64xf32, #tpu.memory_space<hbm>>
    tpu.enqueue_indirect_dma source(%dma_start3A_62 : memref<10000x64xf32, #tpu.memory_space<hbm>>) target(%arg9 : memref<128x64xf32, #tpu.memory_space<vmem>>) offsets(%dma_start3A_59 : memref<128xi32, #tpu.memory_space<vmem>>) semaphore(%arg11 : memref<!tpu.dma_semaphore, #tpu.memory_space<semaphore_mem>>)
    %dma_wait3A_63 = arith.constant 3 : i32
    %dma_wait3A_64 = arith.constant 0 : i32
    %dma_wait3A_65 = tpu.memref_slice %arg7[%dma_wait3A_63, %dma_wait3A_64] : memref<4x128xi32, #tpu.memory_space<vmem>> -> memref<1x128xi32, #tpu.memory_space<vmem>>
    %dma_wait3A_66 = tpu.memref_squeeze %dma_wait3A_65 : memref<1x128xi32, #tpu.memory_space<vmem>> -> memref<128xi32, #tpu.memory_space<vmem>>
    %dma_wait3A_67 = arith.constant 0 : i32
    %dma_wait3A_68 = arith.constant 0 : i32
    %dma_wait3A_69 = tpu.memref_slice %arg2[%dma_wait3A_67, %dma_wait3A_68] : memref<10000x64xf32, #tpu.memory_space<hbm>> -> memref<10000x64xf32, #tpu.memory_space<hbm>>
    tpu.wait_indirect_dma semaphore(%arg12 : memref<!tpu.dma_semaphore, #tpu.memory_space<semaphore_mem>>) src(%dma_wait3A_69 : memref<10000x64xf32, #tpu.memory_space<hbm>>) dst(%arg10 : memref<128x64xf32, #tpu.memory_space<vmem>>)
    %add3A_70 = arith.constant 384 : i32
    %add3A_71 = arith.addi %mul3A_2, %add3A_70 : i32
    "tpu.region"() ({
      %run_scoped3A = tpu.sem_alloc : memref<!tpu.dma_semaphore, #tpu.memory_space<semaphore_mem>>
      %dma_start3A_129 = arith.constant 0 : i32
      %dma_start3A_130 = tpu.memref_slice %arg5[%add3A_71, %dma_start3A_129] : memref<16384x64xf32, #tpu.memory_space<hbm>> -> memref<128x64xf32, #tpu.memory_space<hbm>>
      %dma_start3A_131 = arith.constant 0 : i32
      %dma_start3A_132 = tpu.memref_slice %arg5[%add3A_71, %dma_start3A_131] : memref<16384x64xf32, #tpu.memory_space<hbm>> -> memref<128x64xf32, #tpu.memory_space<hbm>>
      tpu.enqueue_dma source(%arg10 : memref<128x64xf32, #tpu.memory_space<vmem>>) target(%dma_start3A_132 : memref<128x64xf32, #tpu.memory_space<hbm>>) target_semaphore(%run_scoped3A : memref<!tpu.dma_semaphore, #tpu.memory_space<semaphore_mem>>)
      %dma_wait3A_133 = arith.constant 0 : i32
      %dma_wait3A_134 = tpu.memref_slice %arg5[%add3A_71, %dma_wait3A_133] : memref<16384x64xf32, #tpu.memory_space<hbm>> -> memref<128x64xf32, #tpu.memory_space<hbm>>
      %dma_wait3A_135 = arith.constant 0 : i32
      %dma_wait3A_136 = tpu.memref_slice %arg5[%add3A_71, %dma_wait3A_135] : memref<16384x64xf32, #tpu.memory_space<hbm>> -> memref<128x64xf32, #tpu.memory_space<hbm>>
      tpu.wait_dma2 semaphore(%run_scoped3A : memref<!tpu.dma_semaphore, #tpu.memory_space<semaphore_mem>>) src(%arg10 : memref<128x64xf32, #tpu.memory_space<vmem>>) dst(%dma_wait3A_136 : memref<128x64xf32, #tpu.memory_space<hbm>>)
      tpu.yield
    }) : () -> ()
    %dma_start3A_72 = arith.constant 1 : i32
    %dma_start3A_73 = arith.constant 0 : i32
    %dma_start3A_74 = tpu.memref_slice %arg8[%dma_start3A_72, %dma_start3A_73] : memref<4x128xi32, #tpu.memory_space<vmem>> -> memref<1x128xi32, #tpu.memory_space<vmem>>
    %dma_start3A_75 = tpu.memref_squeeze %dma_start3A_74 : memref<1x128xi32, #tpu.memory_space<vmem>> -> memref<128xi32, #tpu.memory_space<vmem>>
    %dma_start3A_76 = arith.constant 0 : i32
    %dma_start3A_77 = arith.constant 0 : i32
    %dma_start3A_78 = tpu.memref_slice %arg2[%dma_start3A_76, %dma_start3A_77] : memref<10000x64xf32, #tpu.memory_space<hbm>> -> memref<10000x64xf32, #tpu.memory_space<hbm>>
    tpu.enqueue_indirect_dma source(%dma_start3A_78 : memref<10000x64xf32, #tpu.memory_space<hbm>>) target(%arg10 : memref<128x64xf32, #tpu.memory_space<vmem>>) offsets(%dma_start3A_75 : memref<128xi32, #tpu.memory_space<vmem>>) semaphore(%arg12 : memref<!tpu.dma_semaphore, #tpu.memory_space<semaphore_mem>>)
    %dma_wait3A_79 = arith.constant 0 : i32
    %dma_wait3A_80 = arith.constant 0 : i32
    %dma_wait3A_81 = tpu.memref_slice %arg8[%dma_wait3A_79, %dma_wait3A_80] : memref<4x128xi32, #tpu.memory_space<vmem>> -> memref<1x128xi32, #tpu.memory_space<vmem>>
    %dma_wait3A_82 = tpu.memref_squeeze %dma_wait3A_81 : memref<1x128xi32, #tpu.memory_space<vmem>> -> memref<128xi32, #tpu.memory_space<vmem>>
    %dma_wait3A_83 = arith.constant 0 : i32
    %dma_wait3A_84 = arith.constant 0 : i32
    %dma_wait3A_85 = tpu.memref_slice %arg2[%dma_wait3A_83, %dma_wait3A_84] : memref<10000x64xf32, #tpu.memory_space<hbm>> -> memref<10000x64xf32, #tpu.memory_space<hbm>>
    tpu.wait_indirect_dma semaphore(%arg11 : memref<!tpu.dma_semaphore, #tpu.memory_space<semaphore_mem>>) src(%dma_wait3A_85 : memref<10000x64xf32, #tpu.memory_space<hbm>>) dst(%arg9 : memref<128x64xf32, #tpu.memory_space<vmem>>)
    %add3A_86 = arith.constant 0 : i32
    %add3A_87 = arith.addi %mul3A_2, %add3A_86 : i32
    "tpu.region"() ({
      %run_scoped3A = tpu.sem_alloc : memref<!tpu.dma_semaphore, #tpu.memory_space<semaphore_mem>>
      %dma_start3A_129 = arith.constant 0 : i32
      %dma_start3A_130 = tpu.memref_slice %arg6[%add3A_87, %dma_start3A_129] : memref<16384x64xf32, #tpu.memory_space<hbm>> -> memref<128x64xf32, #tpu.memory_space<hbm>>
      %dma_start3A_131 = arith.constant 0 : i32
      %dma_start3A_132 = tpu.memref_slice %arg6[%add3A_87, %dma_start3A_131] : memref<16384x64xf32, #tpu.memory_space<hbm>> -> memref<128x64xf32, #tpu.memory_space<hbm>>
      tpu.enqueue_dma source(%arg9 : memref<128x64xf32, #tpu.memory_space<vmem>>) target(%dma_start3A_132 : memref<128x64xf32, #tpu.memory_space<hbm>>) target_semaphore(%run_scoped3A : memref<!tpu.dma_semaphore, #tpu.memory_space<semaphore_mem>>)
      %dma_wait3A_133 = arith.constant 0 : i32
      %dma_wait3A_134 = tpu.memref_slice %arg6[%add3A_87, %dma_wait3A_133] : memref<16384x64xf32, #tpu.memory_space<hbm>> -> memref<128x64xf32, #tpu.memory_space<hbm>>
      %dma_wait3A_135 = arith.constant 0 : i32
      %dma_wait3A_136 = tpu.memref_slice %arg6[%add3A_87, %dma_wait3A_135] : memref<16384x64xf32, #tpu.memory_space<hbm>> -> memref<128x64xf32, #tpu.memory_space<hbm>>
      tpu.wait_dma2 semaphore(%run_scoped3A : memref<!tpu.dma_semaphore, #tpu.memory_space<semaphore_mem>>) src(%arg9 : memref<128x64xf32, #tpu.memory_space<vmem>>) dst(%dma_wait3A_136 : memref<128x64xf32, #tpu.memory_space<hbm>>)
      tpu.yield
    }) : () -> ()
    %dma_start3A_88 = arith.constant 2 : i32
    %dma_start3A_89 = arith.constant 0 : i32
    %dma_start3A_90 = tpu.memref_slice %arg8[%dma_start3A_88, %dma_start3A_89] : memref<4x128xi32, #tpu.memory_space<vmem>> -> memref<1x128xi32, #tpu.memory_space<vmem>>
    %dma_start3A_91 = tpu.memref_squeeze %dma_start3A_90 : memref<1x128xi32, #tpu.memory_space<vmem>> -> memref<128xi32, #tpu.memory_space<vmem>>
    %dma_start3A_92 = arith.constant 0 : i32
    %dma_start3A_93 = arith.constant 0 : i32
    %dma_start3A_94 = tpu.memref_slice %arg2[%dma_start3A_92, %dma_start3A_93] : memref<10000x64xf32, #tpu.memory_space<hbm>> -> memref<10000x64xf32, #tpu.memory_space<hbm>>
    tpu.enqueue_indirect_dma source(%dma_start3A_94 : memref<10000x64xf32, #tpu.memory_space<hbm>>) target(%arg9 : memref<128x64xf32, #tpu.memory_space<vmem>>) offsets(%dma_start3A_91 : memref<128xi32, #tpu.memory_space<vmem>>) semaphore(%arg11 : memref<!tpu.dma_semaphore, #tpu.memory_space<semaphore_mem>>)
    %dma_wait3A_95 = arith.constant 1 : i32
    %dma_wait3A_96 = arith.constant 0 : i32
    %dma_wait3A_97 = tpu.memref_slice %arg8[%dma_wait3A_95, %dma_wait3A_96] : memref<4x128xi32, #tpu.memory_space<vmem>> -> memref<1x128xi32, #tpu.memory_space<vmem>>
    %dma_wait3A_98 = tpu.memref_squeeze %dma_wait3A_97 : memref<1x128xi32, #tpu.memory_space<vmem>> -> memref<128xi32, #tpu.memory_space<vmem>>
    %dma_wait3A_99 = arith.constant 0 : i32
    %dma_wait3A_100 = arith.constant 0 : i32
    %dma_wait3A_101 = tpu.memref_slice %arg2[%dma_wait3A_99, %dma_wait3A_100] : memref<10000x64xf32, #tpu.memory_space<hbm>> -> memref<10000x64xf32, #tpu.memory_space<hbm>>
    tpu.wait_indirect_dma semaphore(%arg12 : memref<!tpu.dma_semaphore, #tpu.memory_space<semaphore_mem>>) src(%dma_wait3A_101 : memref<10000x64xf32, #tpu.memory_space<hbm>>) dst(%arg10 : memref<128x64xf32, #tpu.memory_space<vmem>>)
    %add3A_102 = arith.constant 128 : i32
    %add3A_103 = arith.addi %mul3A_2, %add3A_102 : i32
    "tpu.region"() ({
      %run_scoped3A = tpu.sem_alloc : memref<!tpu.dma_semaphore, #tpu.memory_space<semaphore_mem>>
      %dma_start3A_129 = arith.constant 0 : i32
      %dma_start3A_130 = tpu.memref_slice %arg6[%add3A_103, %dma_start3A_129] : memref<16384x64xf32, #tpu.memory_space<hbm>> -> memref<128x64xf32, #tpu.memory_space<hbm>>
      %dma_start3A_131 = arith.constant 0 : i32
      %dma_start3A_132 = tpu.memref_slice %arg6[%add3A_103, %dma_start3A_131] : memref<16384x64xf32, #tpu.memory_space<hbm>> -> memref<128x64xf32, #tpu.memory_space<hbm>>
      tpu.enqueue_dma source(%arg10 : memref<128x64xf32, #tpu.memory_space<vmem>>) target(%dma_start3A_132 : memref<128x64xf32, #tpu.memory_space<hbm>>) target_semaphore(%run_scoped3A : memref<!tpu.dma_semaphore, #tpu.memory_space<semaphore_mem>>)
      %dma_wait3A_133 = arith.constant 0 : i32
      %dma_wait3A_134 = tpu.memref_slice %arg6[%add3A_103, %dma_wait3A_133] : memref<16384x64xf32, #tpu.memory_space<hbm>> -> memref<128x64xf32, #tpu.memory_space<hbm>>
      %dma_wait3A_135 = arith.constant 0 : i32
      %dma_wait3A_136 = tpu.memref_slice %arg6[%add3A_103, %dma_wait3A_135] : memref<16384x64xf32, #tpu.memory_space<hbm>> -> memref<128x64xf32, #tpu.memory_space<hbm>>
      tpu.wait_dma2 semaphore(%run_scoped3A : memref<!tpu.dma_semaphore, #tpu.memory_space<semaphore_mem>>) src(%arg10 : memref<128x64xf32, #tpu.memory_space<vmem>>) dst(%dma_wait3A_136 : memref<128x64xf32, #tpu.memory_space<hbm>>)
      tpu.yield
    }) : () -> ()
    %dma_start3A_104 = arith.constant 3 : i32
    %dma_start3A_105 = arith.constant 0 : i32
    %dma_start3A_106 = tpu.memref_slice %arg8[%dma_start3A_104, %dma_start3A_105] : memref<4x128xi32, #tpu.memory_space<vmem>> -> memref<1x128xi32, #tpu.memory_space<vmem>>
    %dma_start3A_107 = tpu.memref_squeeze %dma_start3A_106 : memref<1x128xi32, #tpu.memory_space<vmem>> -> memref<128xi32, #tpu.memory_space<vmem>>
    %dma_start3A_108 = arith.constant 0 : i32
    %dma_start3A_109 = arith.constant 0 : i32
    %dma_start3A_110 = tpu.memref_slice %arg2[%dma_start3A_108, %dma_start3A_109] : memref<10000x64xf32, #tpu.memory_space<hbm>> -> memref<10000x64xf32, #tpu.memory_space<hbm>>
    tpu.enqueue_indirect_dma source(%dma_start3A_110 : memref<10000x64xf32, #tpu.memory_space<hbm>>) target(%arg10 : memref<128x64xf32, #tpu.memory_space<vmem>>) offsets(%dma_start3A_107 : memref<128xi32, #tpu.memory_space<vmem>>) semaphore(%arg12 : memref<!tpu.dma_semaphore, #tpu.memory_space<semaphore_mem>>)
    %dma_wait3A_111 = arith.constant 2 : i32
    %dma_wait3A_112 = arith.constant 0 : i32
    %dma_wait3A_113 = tpu.memref_slice %arg8[%dma_wait3A_111, %dma_wait3A_112] : memref<4x128xi32, #tpu.memory_space<vmem>> -> memref<1x128xi32, #tpu.memory_space<vmem>>
    %dma_wait3A_114 = tpu.memref_squeeze %dma_wait3A_113 : memref<1x128xi32, #tpu.memory_space<vmem>> -> memref<128xi32, #tpu.memory_space<vmem>>
    %dma_wait3A_115 = arith.constant 0 : i32
    %dma_wait3A_116 = arith.constant 0 : i32
    %dma_wait3A_117 = tpu.memref_slice %arg2[%dma_wait3A_115, %dma_wait3A_116] : memref<10000x64xf32, #tpu.memory_space<hbm>> -> memref<10000x64xf32, #tpu.memory_space<hbm>>
    tpu.wait_indirect_dma semaphore(%arg11 : memref<!tpu.dma_semaphore, #tpu.memory_space<semaphore_mem>>) src(%dma_wait3A_117 : memref<10000x64xf32, #tpu.memory_space<hbm>>) dst(%arg9 : memref<128x64xf32, #tpu.memory_space<vmem>>)
    %add3A_118 = arith.constant 256 : i32
    %add3A_119 = arith.addi %mul3A_2, %add3A_118 : i32
    "tpu.region"() ({
      %run_scoped3A = tpu.sem_alloc : memref<!tpu.dma_semaphore, #tpu.memory_space<semaphore_mem>>
      %dma_start3A_129 = arith.constant 0 : i32
      %dma_start3A_130 = tpu.memref_slice %arg6[%add3A_119, %dma_start3A_129] : memref<16384x64xf32, #tpu.memory_space<hbm>> -> memref<128x64xf32, #tpu.memory_space<hbm>>
      %dma_start3A_131 = arith.constant 0 : i32
      %dma_start3A_132 = tpu.memref_slice %arg6[%add3A_119, %dma_start3A_131] : memref<16384x64xf32, #tpu.memory_space<hbm>> -> memref<128x64xf32, #tpu.memory_space<hbm>>
      tpu.enqueue_dma source(%arg9 : memref<128x64xf32, #tpu.memory_space<vmem>>) target(%dma_start3A_132 : memref<128x64xf32, #tpu.memory_space<hbm>>) target_semaphore(%run_scoped3A : memref<!tpu.dma_semaphore, #tpu.memory_space<semaphore_mem>>)
      %dma_wait3A_133 = arith.constant 0 : i32
      %dma_wait3A_134 = tpu.memref_slice %arg6[%add3A_119, %dma_wait3A_133] : memref<16384x64xf32, #tpu.memory_space<hbm>> -> memref<128x64xf32, #tpu.memory_space<hbm>>
      %dma_wait3A_135 = arith.constant 0 : i32
      %dma_wait3A_136 = tpu.memref_slice %arg6[%add3A_119, %dma_wait3A_135] : memref<16384x64xf32, #tpu.memory_space<hbm>> -> memref<128x64xf32, #tpu.memory_space<hbm>>
      tpu.wait_dma2 semaphore(%run_scoped3A : memref<!tpu.dma_semaphore, #tpu.memory_space<semaphore_mem>>) src(%arg9 : memref<128x64xf32, #tpu.memory_space<vmem>>) dst(%dma_wait3A_136 : memref<128x64xf32, #tpu.memory_space<hbm>>)
      tpu.yield
    }) : () -> ()
    %dma_wait3A_120 = arith.constant 3 : i32
    %dma_wait3A_121 = arith.constant 0 : i32
    %dma_wait3A_122 = tpu.memref_slice %arg8[%dma_wait3A_120, %dma_wait3A_121] : memref<4x128xi32, #tpu.memory_space<vmem>> -> memref<1x128xi32, #tpu.memory_space<vmem>>
    %dma_wait3A_123 = tpu.memref_squeeze %dma_wait3A_122 : memref<1x128xi32, #tpu.memory_space<vmem>> -> memref<128xi32, #tpu.memory_space<vmem>>
    %dma_wait3A_124 = arith.constant 0 : i32
    %dma_wait3A_125 = arith.constant 0 : i32
    %dma_wait3A_126 = tpu.memref_slice %arg2[%dma_wait3A_124, %dma_wait3A_125] : memref<10000x64xf32, #tpu.memory_space<hbm>> -> memref<10000x64xf32, #tpu.memory_space<hbm>>
    tpu.wait_indirect_dma semaphore(%arg12 : memref<!tpu.dma_semaphore, #tpu.memory_space<semaphore_mem>>) src(%dma_wait3A_126 : memref<10000x64xf32, #tpu.memory_space<hbm>>) dst(%arg10 : memref<128x64xf32, #tpu.memory_space<vmem>>)
    %add3A_127 = arith.constant 384 : i32
    %add3A_128 = arith.addi %mul3A_2, %add3A_127 : i32
    "tpu.region"() ({
      %run_scoped3A = tpu.sem_alloc : memref<!tpu.dma_semaphore, #tpu.memory_space<semaphore_mem>>
      %dma_start3A_129 = arith.constant 0 : i32
      %dma_start3A_130 = tpu.memref_slice %arg6[%add3A_128, %dma_start3A_129] : memref<16384x64xf32, #tpu.memory_space<hbm>> -> memref<128x64xf32, #tpu.memory_space<hbm>>
      %dma_start3A_131 = arith.constant 0 : i32
      %dma_start3A_132 = tpu.memref_slice %arg6[%add3A_128, %dma_start3A_131] : memref<16384x64xf32, #tpu.memory_space<hbm>> -> memref<128x64xf32, #tpu.memory_space<hbm>>
      tpu.enqueue_dma source(%arg10 : memref<128x64xf32, #tpu.memory_space<vmem>>) target(%dma_start3A_132 : memref<128x64xf32, #tpu.memory_space<hbm>>) target_semaphore(%run_scoped3A : memref<!tpu.dma_semaphore, #tpu.memory_space<semaphore_mem>>)
      %dma_wait3A_133 = arith.constant 0 : i32
      %dma_wait3A_134 = tpu.memref_slice %arg6[%add3A_128, %dma_wait3A_133] : memref<16384x64xf32, #tpu.memory_space<hbm>> -> memref<128x64xf32, #tpu.memory_space<hbm>>
      %dma_wait3A_135 = arith.constant 0 : i32
      %dma_wait3A_136 = tpu.memref_slice %arg6[%add3A_128, %dma_wait3A_135] : memref<16384x64xf32, #tpu.memory_space<hbm>> -> memref<128x64xf32, #tpu.memory_space<hbm>>
      tpu.wait_dma2 semaphore(%run_scoped3A : memref<!tpu.dma_semaphore, #tpu.memory_space<semaphore_mem>>) src(%arg10 : memref<128x64xf32, #tpu.memory_space<vmem>>) dst(%dma_wait3A_136 : memref<128x64xf32, #tpu.memory_space<hbm>>)
      tpu.yield
    }) : () -> ()
    return
  }
}

module attributes {stable_mosaic.version = 14 : i64} {
  func.func @body(%arg0: i32, %arg1: memref<2000x128xf32, #tpu.memory_space<vmem>>, %arg2: memref<128x64xf32, #tpu.memory_space<vmem>>, %arg3: memref<2000x1xf32, #tpu.memory_space<vmem>>, %arg4: memref<2000x1xf32, #tpu.memory_space<vmem>>, %arg5: memref<2000x64xf32, #tpu.memory_space<vmem>>) attributes {dimension_semantics = [#tpu.dimension_semantics<arbitrary>], iteration_bounds = array<i64: 5>, scalar_prefetch = 0 : i64, scratch_operands = 0 : i64, tpu.core_type = #tpu.core_type<tc>, window_params = [{transform_indices = @transform_0, window_bounds = array<i64: 2000, 128>}, {pipeline_mode = #tpu.pipeline_mode<synchronous>, transform_indices = @transform_1, window_bounds = array<i64: 128, 64>}, {transform_indices = @transform_2, window_bounds = array<i64: 2000, 1>}, {transform_indices = @transform_3, window_bounds = array<i64: 2000, 1>}, {transform_indices = @transform_4, window_bounds = array<i64: 2000, 64>}]} {
    %get3A = arith.constant 0 : index
    %get3A_0 = arith.constant 0 : index
    %get3A_1 = vector.load %arg3[%get3A, %get3A_0] : memref<2000x1xf32, #tpu.memory_space<vmem>>, vector<2000x1xf32>
    %get3A_2 = arith.constant 0 : index
    %get3A_3 = arith.constant 0 : index
    %get3A_4 = vector.load %arg4[%get3A_2, %get3A_3] : memref<2000x1xf32, #tpu.memory_space<vmem>>, vector<2000x1xf32>
    %add3A = arith.addf %get3A_1, %get3A_4 : vector<2000x1xf32>
    %add3A_5 = arith.constant 1.000000e+00 : f32
    %add3A_6 = vector.broadcast %add3A_5 : f32 to vector<2000x1xf32>
    %add3A_7 = arith.addf %add3A, %add3A_6 : vector<2000x1xf32>
    %rsqrt3A = math.rsqrt %add3A_7 : vector<2000x1xf32>
    %get3A_8 = arith.constant 0 : index
    %get3A_9 = arith.constant 0 : index
    %get3A_10 = vector.load %arg1[%get3A_8, %get3A_9] : memref<2000x128xf32, #tpu.memory_space<vmem>>, vector<2000x128xf32>
    %get3A_11 = arith.constant 0 : index
    %get3A_12 = arith.constant 0 : index
    %get3A_13 = vector.load %arg2[%get3A_11, %get3A_12] : memref<128x64xf32, #tpu.memory_space<vmem>>, vector<128x64xf32>
    %dot_general3A = arith.constant dense<0.000000e+00> : vector<2000x64xf32>
    %dot_general3A_14 = tpu.matmul %get3A_10, %get3A_13, %dot_general3A {dimension_numbers = #tpu.dot_dimension_numbers<[1], [0], [0], [1], [0, 0, 1, 1], [], []>, transpose_lhs_hint = false} : vector<2000x128xf32>, vector<128x64xf32>, vector<2000x64xf32> -> vector<2000x64xf32>
    %mul3A = vector.broadcast %rsqrt3A : vector<2000x1xf32> to vector<2000x64xf32>
    %mul3A_15 = arith.mulf %mul3A, %dot_general3A_14 : vector<2000x64xf32>
    %swap3A = arith.constant 0 : index
    %swap3A_16 = arith.constant 0 : index
    %swap3A_17 = vector.load %arg5[%swap3A, %swap3A_16] : memref<2000x64xf32, #tpu.memory_space<vmem>>, vector<2000x64xf32>
    tpu.vector_store %arg5[%swap3A, %swap3A_16], %mul3A_15 {strides = array<i32>} : memref<2000x64xf32, #tpu.memory_space<vmem>>, vector<2000x64xf32>,
    return
  }
  func.func @transform_0(%arg0: i32) -> (i32, i32) {
    %c0_i32 = arith.constant 0 : i32
    %c0_i32_0 = arith.constant 0 : i32
    return %arg0, %c0_i32 : i32, i32
  }
  func.func @transform_1(%arg0: i32) -> (i32, i32) {
    %c0_i32 = arith.constant 0 : i32
    %c0_i32_0 = arith.constant 0 : i32
    %c0_i32_1 = arith.constant 0 : i32
    return %c0_i32, %c0_i32_0 : i32, i32
  }
  func.func @transform_2(%arg0: i32) -> (i32, i32) {
    %c0_i32 = arith.constant 0 : i32
    %c0_i32_0 = arith.constant 0 : i32
    return %arg0, %c0_i32 : i32, i32
  }
  func.func @transform_3(%arg0: i32) -> (i32, i32) {
    %c0_i32 = arith.constant 0 : i32
    %c0_i32_0 = arith.constant 0 : i32
    return %arg0, %c0_i32 : i32, i32
  }
  func.func @transform_4(%arg0: i32) -> (i32, i32) {
    %c0_i32 = arith.constant 0 : i32
    %c0_i32_0 = arith.constant 0 : i32
    return %arg0, %c0_i32 : i32, i32
  }
}

module attributes {stable_mosaic.version = 14 : i64} {
  func.func @body(%arg0: i32, %arg1: memref<1x2000x64xf32, #tpu.memory_space<vmem>>, %arg2: memref<1x2000x64xf32, #tpu.memory_space<vmem>>, %arg3: memref<2000x64xf32, #tpu.memory_space<vmem>>, %arg4: memref<2000x1xf32, #tpu.memory_space<vmem>>, %arg5: memref<2000x1xf32, #tpu.memory_space<vmem>>, %arg6: memref<1x64xf32, #tpu.memory_space<vmem>>, %arg7: memref<64x64xf32, #tpu.memory_space<vmem>>, %arg8: memref<2000x64xf32, #tpu.memory_space<vmem>>) attributes {dimension_semantics = [#tpu.dimension_semantics<arbitrary>], iteration_bounds = array<i64: 5>, scalar_prefetch = 0 : i64, scratch_operands = 0 : i64, tpu.core_type = #tpu.core_type<tc>, window_params = [{transform_indices = @transform_0, window_bounds = array<i64: 1, 2000, 64>}, {transform_indices = @transform_1, window_bounds = array<i64: 1, 2000, 64>}, {transform_indices = @transform_2, window_bounds = array<i64: 2000, 64>}, {transform_indices = @transform_3, window_bounds = array<i64: 2000, 1>}, {transform_indices = @transform_4, window_bounds = array<i64: 2000, 1>}, {pipeline_mode = #tpu.pipeline_mode<synchronous>, transform_indices = @transform_5, window_bounds = array<i64: 1, 64>}, {pipeline_mode = #tpu.pipeline_mode<synchronous>, transform_indices = @transform_6, window_bounds = array<i64: 64, 64>}, {transform_indices = @transform_7, window_bounds = array<i64: 2000, 64>}]} {
    %get3A = arith.constant 0 : index
    %get3A_0 = arith.constant 0 : index
    %get3A_1 = vector.load %arg4[%get3A, %get3A_0] : memref<2000x1xf32, #tpu.memory_space<vmem>>, vector<2000x1xf32>
    %get3A_2 = arith.constant 0 : index
    %get3A_3 = arith.constant 0 : index
    %get3A_4 = vector.load %arg5[%get3A_2, %get3A_3] : memref<2000x1xf32, #tpu.memory_space<vmem>>, vector<2000x1xf32>
    %add3A = arith.addf %get3A_1, %get3A_4 : vector<2000x1xf32>
    %add3A_5 = arith.constant 1.000000e+00 : f32
    %add3A_6 = vector.broadcast %add3A_5 : f32 to vector<2000x1xf32>
    %add3A_7 = arith.addf %add3A, %add3A_6 : vector<2000x1xf32>
    %rsqrt3A = math.rsqrt %add3A_7 : vector<2000x1xf32>
    %get3A_8 = arith.constant 0 : index
    %get3A_9 = arith.constant 0 : index
    %get3A_10 = arith.constant 0 : index
    %get3A_11 = vector.load %arg1[%get3A_8, %get3A_9, %get3A_10] : memref<1x2000x64xf32, #tpu.memory_space<vmem>>, vector<1x2000x64xf32>
    %get3A_12 = vector.shape_cast %get3A_11 : vector<1x2000x64xf32> to vector<2000x64xf32>
    %get3A_13 = arith.constant 0 : index
    %get3A_14 = arith.constant 0 : index
    %get3A_15 = arith.constant 0 : index
    %get3A_16 = vector.load %arg2[%get3A_13, %get3A_14, %get3A_15] : memref<1x2000x64xf32, #tpu.memory_space<vmem>>, vector<1x2000x64xf32>
    %get3A_17 = vector.shape_cast %get3A_16 : vector<1x2000x64xf32> to vector<2000x64xf32>
    %add3A_18 = arith.addf %get3A_12, %get3A_17 : vector<2000x64xf32>
    %get3A_19 = arith.constant 0 : index
    %get3A_20 = arith.constant 0 : index
    %get3A_21 = vector.load %arg3[%get3A_19, %get3A_20] : memref<2000x64xf32, #tpu.memory_space<vmem>>, vector<2000x64xf32>
    %add3A_22 = arith.addf %add3A_18, %get3A_21 : vector<2000x64xf32>
    %mul3A = vector.broadcast %rsqrt3A : vector<2000x1xf32> to vector<2000x64xf32>
    %mul3A_23 = arith.mulf %mul3A, %add3A_22 : vector<2000x64xf32>
    %get3A_24 = arith.constant 0 : index
    %get3A_25 = arith.constant 0 : index
    %get3A_26 = vector.load %arg6[%get3A_24, %get3A_25] : memref<1x64xf32, #tpu.memory_space<vmem>>, vector<1x64xf32>
    %add3A_27 = vector.broadcast %get3A_26 : vector<1x64xf32> to vector<2000x64xf32>
    %add3A_28 = arith.addf %mul3A_23, %add3A_27 : vector<2000x64xf32>
    %max3A = arith.constant 0.000000e+00 : f32
    %max3A_29 = vector.broadcast %max3A : f32 to vector<2000x64xf32>
    %max3A_30 = arith.maximumf %add3A_28, %max3A_29 : vector<2000x64xf32>
    %get3A_31 = arith.constant 0 : index
    %get3A_32 = arith.constant 0 : index
    %get3A_33 = vector.load %arg7[%get3A_31, %get3A_32] : memref<64x64xf32, #tpu.memory_space<vmem>>, vector<64x64xf32>
    %dot_general3A = arith.constant dense<0.000000e+00> : vector<2000x64xf32>
    %dot_general3A_34 = tpu.matmul %max3A_30, %get3A_33, %dot_general3A {dimension_numbers = #tpu.dot_dimension_numbers<[1], [0], [0], [1], [0, 0, 1, 1], [], []>, transpose_lhs_hint = false} : vector<2000x64xf32>, vector<64x64xf32>, vector<2000x64xf32> -> vector<2000x64xf32>
    %mul3A_35 = vector.broadcast %rsqrt3A : vector<2000x1xf32> to vector<2000x64xf32>
    %mul3A_36 = arith.mulf %mul3A_35, %dot_general3A_34 : vector<2000x64xf32>
    %swap3A = arith.constant 0 : index
    %swap3A_37 = arith.constant 0 : index
    %swap3A_38 = vector.load %arg8[%swap3A, %swap3A_37] : memref<2000x64xf32, #tpu.memory_space<vmem>>, vector<2000x64xf32>
    tpu.vector_store %arg8[%swap3A, %swap3A_37], %mul3A_36 {strides = array<i32>} : memref<2000x64xf32, #tpu.memory_space<vmem>>, vector<2000x64xf32>,
    return
  }
  func.func @transform_0(%arg0: i32) -> (i32, i32, i32) {
    %c0_i32 = arith.constant 0 : i32
    %c0_i32_0 = arith.constant 0 : i32
    %c0_i32_1 = arith.constant 0 : i32
    return %c0_i32, %arg0, %c0_i32_0 : i32, i32, i32
  }
  func.func @transform_1(%arg0: i32) -> (i32, i32, i32) {
    %c1_i32 = arith.constant 1 : i32
    %c0_i32 = arith.constant 0 : i32
    %c0_i32_0 = arith.constant 0 : i32
    return %c1_i32, %arg0, %c0_i32 : i32, i32, i32
  }
  func.func @transform_2(%arg0: i32) -> (i32, i32) {
    %c0_i32 = arith.constant 0 : i32
    %c0_i32_0 = arith.constant 0 : i32
    return %arg0, %c0_i32 : i32, i32
  }
  func.func @transform_3(%arg0: i32) -> (i32, i32) {
    %c0_i32 = arith.constant 0 : i32
    %c0_i32_0 = arith.constant 0 : i32
    return %arg0, %c0_i32 : i32, i32
  }
  func.func @transform_4(%arg0: i32) -> (i32, i32) {
    %c0_i32 = arith.constant 0 : i32
    %c0_i32_0 = arith.constant 0 : i32
    return %arg0, %c0_i32 : i32, i32
  }
  func.func @transform_5(%arg0: i32) -> (i32, i32) {
    %c0_i32 = arith.constant 0 : i32
    %c0_i32_0 = arith.constant 0 : i32
    %c0_i32_1 = arith.constant 0 : i32
    return %c0_i32, %c0_i32_0 : i32, i32
  }
  func.func @transform_6(%arg0: i32) -> (i32, i32) {
    %c0_i32 = arith.constant 0 : i32
    %c0_i32_0 = arith.constant 0 : i32
    %c0_i32_1 = arith.constant 0 : i32
    return %c0_i32, %c0_i32_0 : i32, i32
  }
  func.func @transform_7(%arg0: i32) -> (i32, i32) {
    %c0_i32 = arith.constant 0 : i32
    %c0_i32_0 = arith.constant 0 : i32
    return %arg0, %c0_i32 : i32, i32
  }
}

module attributes {stable_mosaic.version = 14 : i64} {
  func.func @body(%arg0: i32, %arg1: memref<1x2000x64xf32, #tpu.memory_space<vmem>>, %arg2: memref<1x2000x64xf32, #tpu.memory_space<vmem>>, %arg3: memref<2000x64xf32, #tpu.memory_space<vmem>>, %arg4: memref<2000x1xf32, #tpu.memory_space<vmem>>, %arg5: memref<2000x1xf32, #tpu.memory_space<vmem>>, %arg6: memref<1x64xf32, #tpu.memory_space<vmem>>, %arg7: memref<2000x64xf32, #tpu.memory_space<vmem>>) attributes {dimension_semantics = [#tpu.dimension_semantics<arbitrary>], iteration_bounds = array<i64: 5>, scalar_prefetch = 0 : i64, scratch_operands = 0 : i64, tpu.core_type = #tpu.core_type<tc>, window_params = [{transform_indices = @transform_0, window_bounds = array<i64: 1, 2000, 64>}, {transform_indices = @transform_1, window_bounds = array<i64: 1, 2000, 64>}, {transform_indices = @transform_2, window_bounds = array<i64: 2000, 64>}, {transform_indices = @transform_3, window_bounds = array<i64: 2000, 1>}, {transform_indices = @transform_4, window_bounds = array<i64: 2000, 1>}, {pipeline_mode = #tpu.pipeline_mode<synchronous>, transform_indices = @transform_5, window_bounds = array<i64: 1, 64>}, {transform_indices = @transform_6, window_bounds = array<i64: 2000, 64>}]} {
    %get3A = arith.constant 0 : index
    %get3A_0 = arith.constant 0 : index
    %get3A_1 = vector.load %arg4[%get3A, %get3A_0] : memref<2000x1xf32, #tpu.memory_space<vmem>>, vector<2000x1xf32>
    %get3A_2 = arith.constant 0 : index
    %get3A_3 = arith.constant 0 : index
    %get3A_4 = vector.load %arg5[%get3A_2, %get3A_3] : memref<2000x1xf32, #tpu.memory_space<vmem>>, vector<2000x1xf32>
    %add3A = arith.addf %get3A_1, %get3A_4 : vector<2000x1xf32>
    %add3A_5 = arith.constant 1.000000e+00 : f32
    %add3A_6 = vector.broadcast %add3A_5 : f32 to vector<2000x1xf32>
    %add3A_7 = arith.addf %add3A, %add3A_6 : vector<2000x1xf32>
    %rsqrt3A = math.rsqrt %add3A_7 : vector<2000x1xf32>
    %get3A_8 = arith.constant 0 : index
    %get3A_9 = arith.constant 0 : index
    %get3A_10 = arith.constant 0 : index
    %get3A_11 = vector.load %arg1[%get3A_8, %get3A_9, %get3A_10] : memref<1x2000x64xf32, #tpu.memory_space<vmem>>, vector<1x2000x64xf32>
    %get3A_12 = vector.shape_cast %get3A_11 : vector<1x2000x64xf32> to vector<2000x64xf32>
    %get3A_13 = arith.constant 0 : index
    %get3A_14 = arith.constant 0 : index
    %get3A_15 = arith.constant 0 : index
    %get3A_16 = vector.load %arg2[%get3A_13, %get3A_14, %get3A_15] : memref<1x2000x64xf32, #tpu.memory_space<vmem>>, vector<1x2000x64xf32>
    %get3A_17 = vector.shape_cast %get3A_16 : vector<1x2000x64xf32> to vector<2000x64xf32>
    %add3A_18 = arith.addf %get3A_12, %get3A_17 : vector<2000x64xf32>
    %get3A_19 = arith.constant 0 : index
    %get3A_20 = arith.constant 0 : index
    %get3A_21 = vector.load %arg3[%get3A_19, %get3A_20] : memref<2000x64xf32, #tpu.memory_space<vmem>>, vector<2000x64xf32>
    %add3A_22 = arith.addf %add3A_18, %get3A_21 : vector<2000x64xf32>
    %mul3A = vector.broadcast %rsqrt3A : vector<2000x1xf32> to vector<2000x64xf32>
    %mul3A_23 = arith.mulf %mul3A, %add3A_22 : vector<2000x64xf32>
    %get3A_24 = arith.constant 0 : index
    %get3A_25 = arith.constant 0 : index
    %get3A_26 = vector.load %arg6[%get3A_24, %get3A_25] : memref<1x64xf32, #tpu.memory_space<vmem>>, vector<1x64xf32>
    %add3A_27 = vector.broadcast %get3A_26 : vector<1x64xf32> to vector<2000x64xf32>
    %add3A_28 = arith.addf %mul3A_23, %add3A_27 : vector<2000x64xf32>
    %max3A = arith.constant 0.000000e+00 : f32
    %max3A_29 = vector.broadcast %max3A : f32 to vector<2000x64xf32>
    %max3A_30 = arith.maximumf %add3A_28, %max3A_29 : vector<2000x64xf32>
    %swap3A = arith.constant 0 : index
    %swap3A_31 = arith.constant 0 : index
    %swap3A_32 = vector.load %arg7[%swap3A, %swap3A_31] : memref<2000x64xf32, #tpu.memory_space<vmem>>, vector<2000x64xf32>
    tpu.vector_store %arg7[%swap3A, %swap3A_31], %max3A_30 {strides = array<i32>} : memref<2000x64xf32, #tpu.memory_space<vmem>>, vector<2000x64xf32>,
    return
  }
  func.func @transform_0(%arg0: i32) -> (i32, i32, i32) {
    %c0_i32 = arith.constant 0 : i32
    %c0_i32_0 = arith.constant 0 : i32
    %c0_i32_1 = arith.constant 0 : i32
    return %c0_i32, %arg0, %c0_i32_0 : i32, i32, i32
  }
  func.func @transform_1(%arg0: i32) -> (i32, i32, i32) {
    %c1_i32 = arith.constant 1 : i32
    %c0_i32 = arith.constant 0 : i32
    %c0_i32_0 = arith.constant 0 : i32
    return %c1_i32, %arg0, %c0_i32 : i32, i32, i32
  }
  func.func @transform_2(%arg0: i32) -> (i32, i32) {
    %c0_i32 = arith.constant 0 : i32
    %c0_i32_0 = arith.constant 0 : i32
    return %arg0, %c0_i32 : i32, i32
  }
  func.func @transform_3(%arg0: i32) -> (i32, i32) {
    %c0_i32 = arith.constant 0 : i32
    %c0_i32_0 = arith.constant 0 : i32
    return %arg0, %c0_i32 : i32, i32
  }
  func.func @transform_4(%arg0: i32) -> (i32, i32) {
    %c0_i32 = arith.constant 0 : i32
    %c0_i32_0 = arith.constant 0 : i32
    return %arg0, %c0_i32 : i32, i32
  }
  func.func @transform_5(%arg0: i32) -> (i32, i32) {
    %c0_i32 = arith.constant 0 : i32
    %c0_i32_0 = arith.constant 0 : i32
    %c0_i32_1 = arith.constant 0 : i32
    return %c0_i32, %c0_i32_0 : i32, i32
  }
  func.func @transform_6(%arg0: i32) -> (i32, i32) {
    %c0_i32 = arith.constant 0 : i32
    %c0_i32_0 = arith.constant 0 : i32
    return %arg0, %c0_i32 : i32, i32
  }
}

module attributes {stable_mosaic.version = 14 : i64} {
  func.func @body(%arg0: i32, %arg1: memref<2048x64xf32, #tpu.memory_space<vmem>>, %arg2: memref<2048x64xf32, #tpu.memory_space<vmem>>, %arg3: memref<2048x1xi32, #tpu.memory_space<vmem>>, %arg4: memref<2048x1xi32, #tpu.memory_space<vmem>>, %arg5: memref<2048x1xi32, #tpu.memory_space<vmem>>, %arg6: memref<8x32xf32, #tpu.memory_space<vmem>>, %arg7: memref<8x32xf32, #tpu.memory_space<vmem>>, %arg8: memref<8x32xf32, #tpu.memory_space<vmem>>, %arg9: memref<32x64xf32, #tpu.memory_space<vmem>>, %arg10: memref<32x64xf32, #tpu.memory_space<vmem>>, %arg11: memref<1x64xf32, #tpu.memory_space<vmem>>, %arg12: memref<64x128xf32, #tpu.memory_space<vmem>>, %arg13: memref<64x128xf32, #tpu.memory_space<vmem>>, %arg14: memref<64x128xf32, #tpu.memory_space<vmem>>, %arg15: memref<32x128xf32, #tpu.memory_space<vmem>>, %arg16: memref<1x128xf32, #tpu.memory_space<vmem>>, %arg17: memref<128x64xf32, #tpu.memory_space<vmem>>, %arg18: memref<1x64xf32, #tpu.memory_space<vmem>>, %arg19: memref<64x32xf32, #tpu.memory_space<vmem>>, %arg20: memref<1x32xf32, #tpu.memory_space<vmem>>, %arg21: memref<32x1xf32, #tpu.memory_space<vmem>>, %arg22: memref<1x1xf32, #tpu.memory_space<vmem>>, %arg23: memref<2048x1xf32, #tpu.memory_space<vmem>>) attributes {dimension_semantics = [#tpu.dimension_semantics<arbitrary>], iteration_bounds = array<i64: 8>, scalar_prefetch = 0 : i64, scratch_operands = 0 : i64, tpu.core_type = #tpu.core_type<tc>, window_params = [{transform_indices = @transform_0, window_bounds = array<i64: 2048, 64>}, {transform_indices = @transform_1, window_bounds = array<i64: 2048, 64>}, {transform_indices = @transform_2, window_bounds = array<i64: 2048, 1>}, {transform_indices = @transform_3, window_bounds = array<i64: 2048, 1>}, {transform_indices = @transform_4, window_bounds = array<i64: 2048, 1>}, {pipeline_mode = #tpu.pipeline_mode<synchronous>, transform_indices = @transform_5, window_bounds = array<i64: 8, 32>}, {pipeline_mode = #tpu.pipeline_mode<synchronous>, transform_indices = @transform_6, window_bounds = array<i64: 8, 32>}, {pipeline_mode = #tpu.pipeline_mode<synchronous>, transform_indices = @transform_7, window_bounds = array<i64: 8, 32>}, {pipeline_mode = #tpu.pipeline_mode<synchronous>, transform_indices = @transform_8, window_bounds = array<i64: 32, 64>}, {pipeline_mode = #tpu.pipeline_mode<synchronous>, transform_indices = @transform_9, window_bounds = array<i64: 32, 64>}, {pipeline_mode = #tpu.pipeline_mode<synchronous>, transform_indices = @transform_10, window_bounds = array<i64: 1, 64>}, {pipeline_mode = #tpu.pipeline_mode<synchronous>, transform_indices = @transform_11, window_bounds = array<i64: 64, 128>}, {pipeline_mode = #tpu.pipeline_mode<synchronous>, transform_indices = @transform_12, window_bounds = array<i64: 64, 128>}, {pipeline_mode = #tpu.pipeline_mode<synchronous>, transform_indices = @transform_13, window_bounds = array<i64: 64, 128>}, {pipeline_mode = #tpu.pipeline_mode<synchronous>, transform_indices = @transform_14, window_bounds = array<i64: 32, 128>}, {pipeline_mode = #tpu.pipeline_mode<synchronous>, transform_indices = @transform_15, window_bounds = array<i64: 1, 128>}, {pipeline_mode = #tpu.pipeline_mode<synchronous>, transform_indices = @transform_16, window_bounds = array<i64: 128, 64>}, {pipeline_mode = #tpu.pipeline_mode<synchronous>, transform_indices = @transform_17, window_bounds = array<i64: 1, 64>}, {pipeline_mode = #tpu.pipeline_mode<synchronous>, transform_indices = @transform_18, window_bounds = array<i64: 64, 32>}, {pipeline_mode = #tpu.pipeline_mode<synchronous>, transform_indices = @transform_19, window_bounds = array<i64: 1, 32>}, {pipeline_mode = #tpu.pipeline_mode<synchronous>, transform_indices = @transform_20, window_bounds = array<i64: 32, 1>}, {pipeline_mode = #tpu.pipeline_mode<synchronous>, transform_indices = @transform_21, window_bounds = array<i64: 1, 1>}, {transform_indices = @transform_22, window_bounds = array<i64: 2048, 1>}]} {
    %get3A = arith.constant 0 : index
    %get3A_0 = arith.constant 0 : index
    %get3A_1 = vector.load %arg3[%get3A, %get3A_0] : memref<2048x1xi32, #tpu.memory_space<vmem>>, vector<2048x1xi32>
    %broadcast_in_dim3A = arith.constant 0.000000e+00 : f32
    %broadcast_in_dim3A_2 = vector.broadcast %broadcast_in_dim3A : f32 to vector<2048x32xf32>
    %get3A_3 = arith.constant 0 : index
    %get3A_4 = arith.constant 0 : index
    %get3A_5 = vector.load %arg6[%get3A_3, %get3A_4] : memref<8x32xf32, #tpu.memory_space<vmem>>, vector<1x32xf32>
    %eq3A = arith.constant 0 : i32
    %eq3A_6 = vector.broadcast %eq3A : i32 to vector<2048x1xi32>
    %eq3A_7 = arith.cmpi eq, %get3A_1, %eq3A_6 : vector<2048x1xi32>
    %jit3A = arith.constant 1.000000e+00 : f32
    %jit3A_8 = arith.constant 0.000000e+00 : f32
    %broadcast_in_dim3A_9 = vector.broadcast %jit3A : f32 to vector<2048x1xf32>
    %broadcast_in_dim3A_10 = vector.broadcast %jit3A_8 : f32 to vector<2048x1xf32>
    %select_n3A = arith.select %eq3A_7, %broadcast_in_dim3A_9, %broadcast_in_dim3A_10 : vector<2048x1xi1>, vector<2048x1xf32>
    %mul3A = vector.broadcast %select_n3A : vector<2048x1xf32> to vector<2048x32xf32>
    %mul3A_11 = vector.broadcast %get3A_5 : vector<1x32xf32> to vector<2048x32xf32>
    %mul3A_12 = arith.mulf %mul3A, %mul3A_11 : vector<2048x32xf32>
    %add3A = arith.addf %broadcast_in_dim3A_2, %mul3A_12 : vector<2048x32xf32>
    %get3A_13 = arith.constant 1 : index
    %get3A_14 = arith.constant 0 : index
    %get3A_15 = vector.load %arg6[%get3A_13, %get3A_14] : memref<8x32xf32, #tpu.memory_space<vmem>>, vector<1x32xf32>
    %eq3A_16 = arith.constant 1 : i32
    %eq3A_17 = vector.broadcast %eq3A_16 : i32 to vector<2048x1xi32>
    %eq3A_18 = arith.cmpi eq, %get3A_1, %eq3A_17 : vector<2048x1xi32>
    %jit3A_19 = arith.constant 1.000000e+00 : f32
    %jit3A_20 = arith.constant 0.000000e+00 : f32
    %broadcast_in_dim3A_21 = vector.broadcast %jit3A_19 : f32 to vector<2048x1xf32>
    %broadcast_in_dim3A_22 = vector.broadcast %jit3A_20 : f32 to vector<2048x1xf32>
    %select_n3A_23 = arith.select %eq3A_18, %broadcast_in_dim3A_21, %broadcast_in_dim3A_22 : vector<2048x1xi1>, vector<2048x1xf32>
    %mul3A_24 = vector.broadcast %select_n3A_23 : vector<2048x1xf32> to vector<2048x32xf32>
    %mul3A_25 = vector.broadcast %get3A_15 : vector<1x32xf32> to vector<2048x32xf32>
    %mul3A_26 = arith.mulf %mul3A_24, %mul3A_25 : vector<2048x32xf32>
    %add3A_27 = arith.addf %add3A, %mul3A_26 : vector<2048x32xf32>
    %get3A_28 = arith.constant 0 : index
    %get3A_29 = arith.constant 0 : index
    %get3A_30 = vector.load %arg4[%get3A_28, %get3A_29] : memref<2048x1xi32, #tpu.memory_space<vmem>>, vector<2048x1xi32>
    %broadcast_in_dim3A_31 = arith.constant 0.000000e+00 : f32
    %broadcast_in_dim3A_32 = vector.broadcast %broadcast_in_dim3A_31 : f32 to vector<2048x32xf32>
    %get3A_33 = arith.constant 0 : index
    %get3A_34 = arith.constant 0 : index
    %get3A_35 = vector.load %arg7[%get3A_33, %get3A_34] : memref<8x32xf32, #tpu.memory_space<vmem>>, vector<1x32xf32>
    %eq3A_36 = arith.constant 0 : i32
    %eq3A_37 = vector.broadcast %eq3A_36 : i32 to vector<2048x1xi32>
    %eq3A_38 = arith.cmpi eq, %get3A_30, %eq3A_37 : vector<2048x1xi32>
    %jit3A_39 = arith.constant 1.000000e+00 : f32
    %jit3A_40 = arith.constant 0.000000e+00 : f32
    %broadcast_in_dim3A_41 = vector.broadcast %jit3A_39 : f32 to vector<2048x1xf32>
    %broadcast_in_dim3A_42 = vector.broadcast %jit3A_40 : f32 to vector<2048x1xf32>
    %select_n3A_43 = arith.select %eq3A_38, %broadcast_in_dim3A_41, %broadcast_in_dim3A_42 : vector<2048x1xi1>, vector<2048x1xf32>
    %mul3A_44 = vector.broadcast %select_n3A_43 : vector<2048x1xf32> to vector<2048x32xf32>
    %mul3A_45 = vector.broadcast %get3A_35 : vector<1x32xf32> to vector<2048x32xf32>
    %mul3A_46 = arith.mulf %mul3A_44, %mul3A_45 : vector<2048x32xf32>
    %add3A_47 = arith.addf %broadcast_in_dim3A_32, %mul3A_46 : vector<2048x32xf32>
    %get3A_48 = arith.constant 1 : index
    %get3A_49 = arith.constant 0 : index
    %get3A_50 = vector.load %arg7[%get3A_48, %get3A_49] : memref<8x32xf32, #tpu.memory_space<vmem>>, vector<1x32xf32>
    %eq3A_51 = arith.constant 1 : i32
    %eq3A_52 = vector.broadcast %eq3A_51 : i32 to vector<2048x1xi32>
    %eq3A_53 = arith.cmpi eq, %get3A_30, %eq3A_52 : vector<2048x1xi32>
    %jit3A_54 = arith.constant 1.000000e+00 : f32
    %jit3A_55 = arith.constant 0.000000e+00 : f32
    %broadcast_in_dim3A_56 = vector.broadcast %jit3A_54 : f32 to vector<2048x1xf32>
    %broadcast_in_dim3A_57 = vector.broadcast %jit3A_55 : f32 to vector<2048x1xf32>
    %select_n3A_58 = arith.select %eq3A_53, %broadcast_in_dim3A_56, %broadcast_in_dim3A_57 : vector<2048x1xi1>, vector<2048x1xf32>
    %mul3A_59 = vector.broadcast %select_n3A_58 : vector<2048x1xf32> to vector<2048x32xf32>
    %mul3A_60 = vector.broadcast %get3A_50 : vector<1x32xf32> to vector<2048x32xf32>
    %mul3A_61 = arith.mulf %mul3A_59, %mul3A_60 : vector<2048x32xf32>
    %add3A_62 = arith.addf %add3A_47, %mul3A_61 : vector<2048x32xf32>
    %get3A_63 = arith.constant 2 : index
    %get3A_64 = arith.constant 0 : index
    %get3A_65 = vector.load %arg7[%get3A_63, %get3A_64] : memref<8x32xf32, #tpu.memory_space<vmem>>, vector<1x32xf32>
    %eq3A_66 = arith.constant 2 : i32
    %eq3A_67 = vector.broadcast %eq3A_66 : i32 to vector<2048x1xi32>
    %eq3A_68 = arith.cmpi eq, %get3A_30, %eq3A_67 : vector<2048x1xi32>
    %jit3A_69 = arith.constant 1.000000e+00 : f32
    %jit3A_70 = arith.constant 0.000000e+00 : f32
    %broadcast_in_dim3A_71 = vector.broadcast %jit3A_69 : f32 to vector<2048x1xf32>
    %broadcast_in_dim3A_72 = vector.broadcast %jit3A_70 : f32 to vector<2048x1xf32>
    %select_n3A_73 = arith.select %eq3A_68, %broadcast_in_dim3A_71, %broadcast_in_dim3A_72 : vector<2048x1xi1>, vector<2048x1xf32>
    %mul3A_74 = vector.broadcast %select_n3A_73 : vector<2048x1xf32> to vector<2048x32xf32>
    %mul3A_75 = vector.broadcast %get3A_65 : vector<1x32xf32> to vector<2048x32xf32>
    %mul3A_76 = arith.mulf %mul3A_74, %mul3A_75 : vector<2048x32xf32>
    %add3A_77 = arith.addf %add3A_62, %mul3A_76 : vector<2048x32xf32>
    %get3A_78 = arith.constant 3 : index
    %get3A_79 = arith.constant 0 : index
    %get3A_80 = vector.load %arg7[%get3A_78, %get3A_79] : memref<8x32xf32, #tpu.memory_space<vmem>>, vector<1x32xf32>
    %eq3A_81 = arith.constant 3 : i32
    %eq3A_82 = vector.broadcast %eq3A_81 : i32 to vector<2048x1xi32>
    %eq3A_83 = arith.cmpi eq, %get3A_30, %eq3A_82 : vector<2048x1xi32>
    %jit3A_84 = arith.constant 1.000000e+00 : f32
    %jit3A_85 = arith.constant 0.000000e+00 : f32
    %broadcast_in_dim3A_86 = vector.broadcast %jit3A_84 : f32 to vector<2048x1xf32>
    %broadcast_in_dim3A_87 = vector.broadcast %jit3A_85 : f32 to vector<2048x1xf32>
    %select_n3A_88 = arith.select %eq3A_83, %broadcast_in_dim3A_86, %broadcast_in_dim3A_87 : vector<2048x1xi1>, vector<2048x1xf32>
    %mul3A_89 = vector.broadcast %select_n3A_88 : vector<2048x1xf32> to vector<2048x32xf32>
    %mul3A_90 = vector.broadcast %get3A_80 : vector<1x32xf32> to vector<2048x32xf32>
    %mul3A_91 = arith.mulf %mul3A_89, %mul3A_90 : vector<2048x32xf32>
    %add3A_92 = arith.addf %add3A_77, %mul3A_91 : vector<2048x32xf32>
    %get3A_93 = arith.constant 4 : index
    %get3A_94 = arith.constant 0 : index
    %get3A_95 = vector.load %arg7[%get3A_93, %get3A_94] : memref<8x32xf32, #tpu.memory_space<vmem>>, vector<1x32xf32>
    %eq3A_96 = arith.constant 4 : i32
    %eq3A_97 = vector.broadcast %eq3A_96 : i32 to vector<2048x1xi32>
    %eq3A_98 = arith.cmpi eq, %get3A_30, %eq3A_97 : vector<2048x1xi32>
    %jit3A_99 = arith.constant 1.000000e+00 : f32
    %jit3A_100 = arith.constant 0.000000e+00 : f32
    %broadcast_in_dim3A_101 = vector.broadcast %jit3A_99 : f32 to vector<2048x1xf32>
    %broadcast_in_dim3A_102 = vector.broadcast %jit3A_100 : f32 to vector<2048x1xf32>
    %select_n3A_103 = arith.select %eq3A_98, %broadcast_in_dim3A_101, %broadcast_in_dim3A_102 : vector<2048x1xi1>, vector<2048x1xf32>
    %mul3A_104 = vector.broadcast %select_n3A_103 : vector<2048x1xf32> to vector<2048x32xf32>
    %mul3A_105 = vector.broadcast %get3A_95 : vector<1x32xf32> to vector<2048x32xf32>
    %mul3A_106 = arith.mulf %mul3A_104, %mul3A_105 : vector<2048x32xf32>
    %add3A_107 = arith.addf %add3A_92, %mul3A_106 : vector<2048x32xf32>
    %get3A_108 = arith.constant 0 : index
    %get3A_109 = arith.constant 0 : index
    %get3A_110 = vector.load %arg5[%get3A_108, %get3A_109] : memref<2048x1xi32, #tpu.memory_space<vmem>>, vector<2048x1xi32>
    %broadcast_in_dim3A_111 = arith.constant 0.000000e+00 : f32
    %broadcast_in_dim3A_112 = vector.broadcast %broadcast_in_dim3A_111 : f32 to vector<2048x32xf32>
    %get3A_113 = arith.constant 0 : index
    %get3A_114 = arith.constant 0 : index
    %get3A_115 = vector.load %arg8[%get3A_113, %get3A_114] : memref<8x32xf32, #tpu.memory_space<vmem>>, vector<1x32xf32>
    %eq3A_116 = arith.constant 0 : i32
    %eq3A_117 = vector.broadcast %eq3A_116 : i32 to vector<2048x1xi32>
    %eq3A_118 = arith.cmpi eq, %get3A_110, %eq3A_117 : vector<2048x1xi32>
    %jit3A_119 = arith.constant 1.000000e+00 : f32
    %jit3A_120 = arith.constant 0.000000e+00 : f32
    %broadcast_in_dim3A_121 = vector.broadcast %jit3A_119 : f32 to vector<2048x1xf32>
    %broadcast_in_dim3A_122 = vector.broadcast %jit3A_120 : f32 to vector<2048x1xf32>
    %select_n3A_123 = arith.select %eq3A_118, %broadcast_in_dim3A_121, %broadcast_in_dim3A_122 : vector<2048x1xi1>, vector<2048x1xf32>
    %mul3A_124 = vector.broadcast %select_n3A_123 : vector<2048x1xf32> to vector<2048x32xf32>
    %mul3A_125 = vector.broadcast %get3A_115 : vector<1x32xf32> to vector<2048x32xf32>
    %mul3A_126 = arith.mulf %mul3A_124, %mul3A_125 : vector<2048x32xf32>
    %add3A_127 = arith.addf %broadcast_in_dim3A_112, %mul3A_126 : vector<2048x32xf32>
    %get3A_128 = arith.constant 1 : index
    %get3A_129 = arith.constant 0 : index
    %get3A_130 = vector.load %arg8[%get3A_128, %get3A_129] : memref<8x32xf32, #tpu.memory_space<vmem>>, vector<1x32xf32>
    %eq3A_131 = arith.constant 1 : i32
    %eq3A_132 = vector.broadcast %eq3A_131 : i32 to vector<2048x1xi32>
    %eq3A_133 = arith.cmpi eq, %get3A_110, %eq3A_132 : vector<2048x1xi32>
    %jit3A_134 = arith.constant 1.000000e+00 : f32
    %jit3A_135 = arith.constant 0.000000e+00 : f32
    %broadcast_in_dim3A_136 = vector.broadcast %jit3A_134 : f32 to vector<2048x1xf32>
    %broadcast_in_dim3A_137 = vector.broadcast %jit3A_135 : f32 to vector<2048x1xf32>
    %select_n3A_138 = arith.select %eq3A_133, %broadcast_in_dim3A_136, %broadcast_in_dim3A_137 : vector<2048x1xi1>, vector<2048x1xf32>
    %mul3A_139 = vector.broadcast %select_n3A_138 : vector<2048x1xf32> to vector<2048x32xf32>
    %mul3A_140 = vector.broadcast %get3A_130 : vector<1x32xf32> to vector<2048x32xf32>
    %mul3A_141 = arith.mulf %mul3A_139, %mul3A_140 : vector<2048x32xf32>
    %add3A_142 = arith.addf %add3A_127, %mul3A_141 : vector<2048x32xf32>
    %get3A_143 = arith.constant 2 : index
    %get3A_144 = arith.constant 0 : index
    %get3A_145 = vector.load %arg8[%get3A_143, %get3A_144] : memref<8x32xf32, #tpu.memory_space<vmem>>, vector<1x32xf32>
    %eq3A_146 = arith.constant 2 : i32
    %eq3A_147 = vector.broadcast %eq3A_146 : i32 to vector<2048x1xi32>
    %eq3A_148 = arith.cmpi eq, %get3A_110, %eq3A_147 : vector<2048x1xi32>
    %jit3A_149 = arith.constant 1.000000e+00 : f32
    %jit3A_150 = arith.constant 0.000000e+00 : f32
    %broadcast_in_dim3A_151 = vector.broadcast %jit3A_149 : f32 to vector<2048x1xf32>
    %broadcast_in_dim3A_152 = vector.broadcast %jit3A_150 : f32 to vector<2048x1xf32>
    %select_n3A_153 = arith.select %eq3A_148, %broadcast_in_dim3A_151, %broadcast_in_dim3A_152 : vector<2048x1xi1>, vector<2048x1xf32>
    %mul3A_154 = vector.broadcast %select_n3A_153 : vector<2048x1xf32> to vector<2048x32xf32>
    %mul3A_155 = vector.broadcast %get3A_145 : vector<1x32xf32> to vector<2048x32xf32>
    %mul3A_156 = arith.mulf %mul3A_154, %mul3A_155 : vector<2048x32xf32>
    %add3A_157 = arith.addf %add3A_142, %mul3A_156 : vector<2048x32xf32>
    %get3A_158 = arith.constant 0 : index
    %get3A_159 = arith.constant 0 : index
    %get3A_160 = vector.load %arg9[%get3A_158, %get3A_159] : memref<32x64xf32, #tpu.memory_space<vmem>>, vector<32x64xf32>
    %dot_general3A = arith.constant dense<0.000000e+00> : vector<2048x64xf32>
    %dot_general3A_161 = tpu.matmul %add3A_27, %get3A_160, %dot_general3A {dimension_numbers = #tpu.dot_dimension_numbers<[1], [0], [0], [1], [0, 0, 1, 1], [], []>, transpose_lhs_hint = false} : vector<2048x32xf32>, vector<32x64xf32>, vector<2048x64xf32> -> vector<2048x64xf32>
    %get3A_162 = arith.constant 0 : index
    %get3A_163 = arith.constant 0 : index
    %get3A_164 = vector.load %arg10[%get3A_162, %get3A_163] : memref<32x64xf32, #tpu.memory_space<vmem>>, vector<32x64xf32>
    %dot_general3A_165 = arith.constant dense<0.000000e+00> : vector<2048x64xf32>
    %dot_general3A_166 = tpu.matmul %add3A_107, %get3A_164, %dot_general3A_165 {dimension_numbers = #tpu.dot_dimension_numbers<[1], [0], [0], [1], [0, 0, 1, 1], [], []>, transpose_lhs_hint = false} : vector<2048x32xf32>, vector<32x64xf32>, vector<2048x64xf32> -> vector<2048x64xf32>
    %add3A_167 = arith.addf %dot_general3A_161, %dot_general3A_166 : vector<2048x64xf32>
    %get3A_168 = arith.constant 0 : index
    %get3A_169 = arith.constant 0 : index
    %get3A_170 = vector.load %arg11[%get3A_168, %get3A_169] : memref<1x64xf32, #tpu.memory_space<vmem>>, vector<1x64xf32>
    %add3A_171 = vector.broadcast %get3A_170 : vector<1x64xf32> to vector<2048x64xf32>
    %add3A_172 = arith.addf %add3A_167, %add3A_171 : vector<2048x64xf32>
    %max3A = arith.constant 0.000000e+00 : f32
    %max3A_173 = vector.broadcast %max3A : f32 to vector<2048x64xf32>
    %max3A_174 = arith.maximumf %add3A_172, %max3A_173 : vector<2048x64xf32>
    %get3A_175 = arith.constant 0 : index
    %get3A_176 = arith.constant 0 : index
    %get3A_177 = vector.load %arg1[%get3A_175, %get3A_176] : memref<2048x64xf32, #tpu.memory_space<vmem>>, vector<2048x64xf32>
    %get3A_178 = arith.constant 0 : index
    %get3A_179 = arith.constant 0 : index
    %get3A_180 = vector.load %arg12[%get3A_178, %get3A_179] : memref<64x128xf32, #tpu.memory_space<vmem>>, vector<64x128xf32>
    %dot_general3A_181 = arith.constant dense<0.000000e+00> : vector<2048x128xf32>
    %dot_general3A_182 = tpu.matmul %get3A_177, %get3A_180, %dot_general3A_181 {dimension_numbers = #tpu.dot_dimension_numbers<[1], [0], [0], [1], [0, 0, 1, 1], [], []>, transpose_lhs_hint = false} : vector<2048x64xf32>, vector<64x128xf32>, vector<2048x128xf32> -> vector<2048x128xf32>
    %get3A_183 = arith.constant 0 : index
    %get3A_184 = arith.constant 0 : index
    %get3A_185 = vector.load %arg2[%get3A_183, %get3A_184] : memref<2048x64xf32, #tpu.memory_space<vmem>>, vector<2048x64xf32>
    %get3A_186 = arith.constant 0 : index
    %get3A_187 = arith.constant 0 : index
    %get3A_188 = vector.load %arg13[%get3A_186, %get3A_187] : memref<64x128xf32, #tpu.memory_space<vmem>>, vector<64x128xf32>
    %dot_general3A_189 = arith.constant dense<0.000000e+00> : vector<2048x128xf32>
    %dot_general3A_190 = tpu.matmul %get3A_185, %get3A_188, %dot_general3A_189 {dimension_numbers = #tpu.dot_dimension_numbers<[1], [0], [0], [1], [0, 0, 1, 1], [], []>, transpose_lhs_hint = false} : vector<2048x64xf32>, vector<64x128xf32>, vector<2048x128xf32> -> vector<2048x128xf32>
    %add3A_191 = arith.addf %dot_general3A_182, %dot_general3A_190 : vector<2048x128xf32>
    %get3A_192 = arith.constant 0 : index
    %get3A_193 = arith.constant 0 : index
    %get3A_194 = vector.load %arg14[%get3A_192, %get3A_193] : memref<64x128xf32, #tpu.memory_space<vmem>>, vector<64x128xf32>
    %dot_general3A_195 = arith.constant dense<0.000000e+00> : vector<2048x128xf32>
    %dot_general3A_196 = tpu.matmul %max3A_174, %get3A_194, %dot_general3A_195 {dimension_numbers = #tpu.dot_dimension_numbers<[1], [0], [0], [1], [0, 0, 1, 1], [], []>, transpose_lhs_hint = false} : vector<2048x64xf32>, vector<64x128xf32>, vector<2048x128xf32> -> vector<2048x128xf32>
    %add3A_197 = arith.addf %add3A_191, %dot_general3A_196 : vector<2048x128xf32>
    %get3A_198 = arith.constant 0 : index
    %get3A_199 = arith.constant 0 : index
    %get3A_200 = vector.load %arg15[%get3A_198, %get3A_199] : memref<32x128xf32, #tpu.memory_space<vmem>>, vector<32x128xf32>
    %dot_general3A_201 = arith.constant dense<0.000000e+00> : vector<2048x128xf32>
    %dot_general3A_202 = tpu.matmul %add3A_157, %get3A_200, %dot_general3A_201 {dimension_numbers = #tpu.dot_dimension_numbers<[1], [0], [0], [1], [0, 0, 1, 1], [], []>, transpose_lhs_hint = false} : vector<2048x32xf32>, vector<32x128xf32>, vector<2048x128xf32> -> vector<2048x128xf32>
    %add3A_203 = arith.addf %add3A_197, %dot_general3A_202 : vector<2048x128xf32>
    %get3A_204 = arith.constant 0 : index
    %get3A_205 = arith.constant 0 : index
    %get3A_206 = vector.load %arg16[%get3A_204, %get3A_205] : memref<1x128xf32, #tpu.memory_space<vmem>>, vector<1x128xf32>
    %add3A_207 = vector.broadcast %get3A_206 : vector<1x128xf32> to vector<2048x128xf32>
    %add3A_208 = arith.addf %add3A_203, %add3A_207 : vector<2048x128xf32>
    %max3A_209 = arith.constant 0.000000e+00 : f32
    %max3A_210 = vector.broadcast %max3A_209 : f32 to vector<2048x128xf32>
    %max3A_211 = arith.maximumf %add3A_208, %max3A_210 : vector<2048x128xf32>
    %get3A_212 = arith.constant 0 : index
    %get3A_213 = arith.constant 0 : index
    %get3A_214 = vector.load %arg17[%get3A_212, %get3A_213] : memref<128x64xf32, #tpu.memory_space<vmem>>, vector<128x64xf32>
    %dot_general3A_215 = arith.constant dense<0.000000e+00> : vector<2048x64xf32>
    %dot_general3A_216 = tpu.matmul %max3A_211, %get3A_214, %dot_general3A_215 {dimension_numbers = #tpu.dot_dimension_numbers<[1], [0], [0], [1], [0, 0, 1, 1], [], []>, transpose_lhs_hint = false} : vector<2048x128xf32>, vector<128x64xf32>, vector<2048x64xf32> -> vector<2048x64xf32>
    %get3A_217 = arith.constant 0 : index
    %get3A_218 = arith.constant 0 : index
    %get3A_219 = vector.load %arg18[%get3A_217, %get3A_218] : memref<1x64xf32, #tpu.memory_space<vmem>>, vector<1x64xf32>
    %add3A_220 = vector.broadcast %get3A_219 : vector<1x64xf32> to vector<2048x64xf32>
    %add3A_221 = arith.addf %dot_general3A_216, %add3A_220 : vector<2048x64xf32>
    %max3A_222 = arith.constant 0.000000e+00 : f32
    %max3A_223 = vector.broadcast %max3A_222 : f32 to vector<2048x64xf32>
    %max3A_224 = arith.maximumf %add3A_221, %max3A_223 : vector<2048x64xf32>
    %get3A_225 = arith.constant 0 : index
    %get3A_226 = arith.constant 0 : index
    %get3A_227 = vector.load %arg19[%get3A_225, %get3A_226] : memref<64x32xf32, #tpu.memory_space<vmem>>, vector<64x32xf32>
    %dot_general3A_228 = arith.constant dense<0.000000e+00> : vector<2048x32xf32>
    %dot_general3A_229 = tpu.matmul %max3A_224, %get3A_227, %dot_general3A_228 {dimension_numbers = #tpu.dot_dimension_numbers<[1], [0], [0], [1], [0, 0, 1, 1], [], []>, transpose_lhs_hint = false} : vector<2048x64xf32>, vector<64x32xf32>, vector<2048x32xf32> -> vector<2048x32xf32>
    %get3A_230 = arith.constant 0 : index
    %get3A_231 = arith.constant 0 : index
    %get3A_232 = vector.load %arg20[%get3A_230, %get3A_231] : memref<1x32xf32, #tpu.memory_space<vmem>>, vector<1x32xf32>
    %add3A_233 = vector.broadcast %get3A_232 : vector<1x32xf32> to vector<2048x32xf32>
    %add3A_234 = arith.addf %dot_general3A_229, %add3A_233 : vector<2048x32xf32>
    %max3A_235 = arith.constant 0.000000e+00 : f32
    %max3A_236 = vector.broadcast %max3A_235 : f32 to vector<2048x32xf32>
    %max3A_237 = arith.maximumf %add3A_234, %max3A_236 : vector<2048x32xf32>
    %get3A_238 = arith.constant 0 : index
    %get3A_239 = arith.constant 0 : index
    %get3A_240 = vector.load %arg21[%get3A_238, %get3A_239] : memref<32x1xf32, #tpu.memory_space<vmem>>, vector<32x1xf32>
    %dot_general3A_241 = arith.constant dense<0.000000e+00> : vector<2048x1xf32>
    %dot_general3A_242 = tpu.matmul %max3A_237, %get3A_240, %dot_general3A_241 {dimension_numbers = #tpu.dot_dimension_numbers<[1], [0], [0], [1], [0, 0, 1, 1], [], []>, transpose_lhs_hint = false} : vector<2048x32xf32>, vector<32x1xf32>, vector<2048x1xf32> -> vector<2048x1xf32>
    %get3A_243 = arith.constant 0 : index
    %get3A_244 = arith.constant 0 : index
    %get3A_245 = vector.load %arg22[%get3A_243, %get3A_244] : memref<1x1xf32, #tpu.memory_space<vmem>>, vector<1x1xf32>
    %add3A_246 = vector.broadcast %get3A_245 : vector<1x1xf32> to vector<2048x1xf32>
    %add3A_247 = arith.addf %dot_general3A_242, %add3A_246 : vector<2048x1xf32>
    %logistic3A = arith.negf %add3A_247 : vector<2048x1xf32>
    %logistic3A_248 = math.exp %logistic3A : vector<2048x1xf32>
    %logistic3A_249 = arith.constant 1.000000e+00 : f32
    %logistic3A_250 = vector.broadcast %logistic3A_249 : f32 to vector<2048x1xf32>
    %logistic3A_251 = arith.addf %logistic3A_250, %logistic3A_248 : vector<2048x1xf32>
    %logistic3A_252 = arith.divf %logistic3A_250, %logistic3A_251 : vector<2048x1xf32>
    %swap3A = arith.constant 0 : index
    %swap3A_253 = arith.constant 0 : index
    %swap3A_254 = vector.load %arg23[%swap3A, %swap3A_253] : memref<2048x1xf32, #tpu.memory_space<vmem>>, vector<2048x1xf32>
    tpu.vector_store %arg23[%swap3A, %swap3A_253], %logistic3A_252 {strides = array<i32>} : memref<2048x1xf32, #tpu.memory_space<vmem>>, vector<2048x1xf32>,
    return
  }
  func.func @transform_0(%arg0: i32) -> (i32, i32) {
    %c0_i32 = arith.constant 0 : i32
    %c0_i32_0 = arith.constant 0 : i32
    return %arg0, %c0_i32 : i32, i32
  }
  func.func @transform_1(%arg0: i32) -> (i32, i32) {
    %c0_i32 = arith.constant 0 : i32
    %c0_i32_0 = arith.constant 0 : i32
    return %arg0, %c0_i32 : i32, i32
  }
  func.func @transform_2(%arg0: i32) -> (i32, i32) {
    %c0_i32 = arith.constant 0 : i32
    %c0_i32_0 = arith.constant 0 : i32
    return %arg0, %c0_i32 : i32, i32
  }
  func.func @transform_3(%arg0: i32) -> (i32, i32) {
    %c0_i32 = arith.constant 0 : i32
    %c0_i32_0 = arith.constant 0 : i32
    return %arg0, %c0_i32 : i32, i32
  }
  func.func @transform_4(%arg0: i32) -> (i32, i32) {
    %c0_i32 = arith.constant 0 : i32
    %c0_i32_0 = arith.constant 0 : i32
    return %arg0, %c0_i32 : i32, i32
  }
  func.func @transform_5(%arg0: i32) -> (i32, i32) {
    %c0_i32 = arith.constant 0 : i32
    %c0_i32_0 = arith.constant 0 : i32
    %c0_i32_1 = arith.constant 0 : i32
    return %c0_i32, %c0_i32_0 : i32, i32
  }
  func.func @transform_6(%arg0: i32) -> (i32, i32) {
    %c0_i32 = arith.constant 0 : i32
    %c0_i32_0 = arith.constant 0 : i32
    %c0_i32_1 = arith.constant 0 : i32
    return %c0_i32, %c0_i32_0 : i32, i32
  }
  func.func @transform_7(%arg0: i32) -> (i32, i32) {
    %c0_i32 = arith.constant 0 : i32
    %c0_i32_0 = arith.constant 0 : i32
    %c0_i32_1 = arith.constant 0 : i32
    return %c0_i32, %c0_i32_0 : i32, i32
  }
  func.func @transform_8(%arg0: i32) -> (i32, i32) {
    %c0_i32 = arith.constant 0 : i32
    %c0_i32_0 = arith.constant 0 : i32
    %c0_i32_1 = arith.constant 0 : i32
    return %c0_i32, %c0_i32_0 : i32, i32
  }
  func.func @transform_9(%arg0: i32) -> (i32, i32) {
    %c0_i32 = arith.constant 0 : i32
    %c0_i32_0 = arith.constant 0 : i32
    %c0_i32_1 = arith.constant 0 : i32
    return %c0_i32, %c0_i32_0 : i32, i32
  }
  func.func @transform_10(%arg0: i32) -> (i32, i32) {
    %c0_i32 = arith.constant 0 : i32
    %c0_i32_0 = arith.constant 0 : i32
    %c0_i32_1 = arith.constant 0 : i32
    return %c0_i32, %c0_i32_0 : i32, i32
  }
  func.func @transform_11(%arg0: i32) -> (i32, i32) {
    %c0_i32 = arith.constant 0 : i32
    %c0_i32_0 = arith.constant 0 : i32
    %c0_i32_1 = arith.constant 0 : i32
    return %c0_i32, %c0_i32_0 : i32, i32
  }
  func.func @transform_12(%arg0: i32) -> (i32, i32) {
    %c0_i32 = arith.constant 0 : i32
    %c0_i32_0 = arith.constant 0 : i32
    %c0_i32_1 = arith.constant 0 : i32
    return %c0_i32, %c0_i32_0 : i32, i32
  }
  func.func @transform_13(%arg0: i32) -> (i32, i32) {
    %c0_i32 = arith.constant 0 : i32
    %c0_i32_0 = arith.constant 0 : i32
    %c0_i32_1 = arith.constant 0 : i32
    return %c0_i32, %c0_i32_0 : i32, i32
  }
  func.func @transform_14(%arg0: i32) -> (i32, i32) {
    %c0_i32 = arith.constant 0 : i32
    %c0_i32_0 = arith.constant 0 : i32
    %c0_i32_1 = arith.constant 0 : i32
    return %c0_i32, %c0_i32_0 : i32, i32
  }
  func.func @transform_15(%arg0: i32) -> (i32, i32) {
    %c0_i32 = arith.constant 0 : i32
    %c0_i32_0 = arith.constant 0 : i32
    %c0_i32_1 = arith.constant 0 : i32
    return %c0_i32, %c0_i32_0 : i32, i32
  }
  func.func @transform_16(%arg0: i32) -> (i32, i32) {
    %c0_i32 = arith.constant 0 : i32
    %c0_i32_0 = arith.constant 0 : i32
    %c0_i32_1 = arith.constant 0 : i32
    return %c0_i32, %c0_i32_0 : i32, i32
  }
  func.func @transform_17(%arg0: i32) -> (i32, i32) {
    %c0_i32 = arith.constant 0 : i32
    %c0_i32_0 = arith.constant 0 : i32
    %c0_i32_1 = arith.constant 0 : i32
    return %c0_i32, %c0_i32_0 : i32, i32
  }
  func.func @transform_18(%arg0: i32) -> (i32, i32) {
    %c0_i32 = arith.constant 0 : i32
    %c0_i32_0 = arith.constant 0 : i32
    %c0_i32_1 = arith.constant 0 : i32
    return %c0_i32, %c0_i32_0 : i32, i32
  }
  func.func @transform_19(%arg0: i32) -> (i32, i32) {
    %c0_i32 = arith.constant 0 : i32
    %c0_i32_0 = arith.constant 0 : i32
    %c0_i32_1 = arith.constant 0 : i32
    return %c0_i32, %c0_i32_0 : i32, i32
  }
  func.func @transform_20(%arg0: i32) -> (i32, i32) {
    %c0_i32 = arith.constant 0 : i32
    %c0_i32_0 = arith.constant 0 : i32
    %c0_i32_1 = arith.constant 0 : i32
    return %c0_i32, %c0_i32_0 : i32, i32
  }
  func.func @transform_21(%arg0: i32) -> (i32, i32) {
    %c0_i32 = arith.constant 0 : i32
    %c0_i32_0 = arith.constant 0 : i32
    %c0_i32_1 = arith.constant 0 : i32
    return %c0_i32, %c0_i32_0 : i32, i32
  }
  func.func @transform_22(%arg0: i32) -> (i32, i32) {
    %c0_i32 = arith.constant 0 : i32
    %c0_i32_0 = arith.constant 0 : i32
    return %arg0, %c0_i32 : i32, i32
  }
}

</mosaic_0001>

<sc_bundles>
// kernel: kernel.12.cloned.1.call-start
scs
__scs_entry_jumppad:
0x0: {  	(pc) =	sbr.rel $0x88, $3  }
0x1: {  	(tag) =	ssettag $0x0;
	lr =	simm.s32 $0x1  }
0x2: {  	[smem:$0x3F87] =	sst lr;
	_ =	strace $0xD0000000  }
0x3: {  	_ = 	snop  }
0x4: {  	_ = 	snop  }
0x5: {  	_ = 	snop  }
0x6: {  	_ = 	snop  }
0x7: {  	_ = 	snop  }
__scs_overlays_trampoline_lowered:
0x8: {  	[smem:$0x3F96] =	sst s0  }
0x9: {  	[smem:$0x3F97] =	sst s1  }
0xa: {  	[smem:$0x3F98] =	sst s2  }
0xb: {  	[smem:$0x3F99] =	sst s3  }
0xc: {  	[smem:$0x3F9A] =	sst s4  }
0xd: {  	[smem:$0x3F9B] =	sst s5  }
0xe: {  	[smem:$0x3F9C] =	sst s6  }
0xf: {  	[smem:$0x3F9D] =	sst s7  }
0x10: {  	[smem:$0x3F9E] =	sst s8  }
0x11: {  	[smem:$0x3F9F] =	sst s9;
	s0 =	simm.s32 @!p0 $0x0  }
0x12: {  	s1 =	sld [smem:$0x3F85];
	s0 =	simm.s32 @p0 $0x1  }
0x13: {  	[smem:$0x3FA0] =	sst s0;
	s0 =	simm.s32 @!p1 $0x0  }
0x14: {  	s2 =	sld [smem:$0x3F84];
	s0 =	simm.s32 @p1 $0x1  }
0x15: {  	[smem:$0x3FA1] =	sst s0;
	s0 =	simm.s32 @!p2 $0x0  }
0x16: {  	s3 =	sld [smem:$0x3FDB];
	s0 =	simm.s32 @p2 $0x1  }
0x17: {  	s4 =	simm.s32 $0x1BF5;
	[smem:$0x3FA3] =	sst s0  }
0x18: {  	s0 =	sld [smem:$0x3F86];
	_ =	swait.ge [sflag:s4], $0x0  }
0x19: {  	s7 =	sld [smem:$0x3F87]  }
0x1a: {  	s8 =	sadd.s32 $0xFFFFE003, lr  }
0x1b: {  	s9 =	sadd.s32 $0xFFFFFEF7, lr;
	s5 =	simm.s32 $0xFFFFFFFF;
	p2 =	slt.u32 s8, $0xFFFFF086  }
0x1c: {  	p1 =	slt.u32 s9, $0xF7A;
	s5 =	simm.s32 @!p2 $0x0  }
0x1d: {  	s5 =	simm.s32 @p1 $0x1;
	p0 =	seq.s32 s7, s2  }
0x1e: {  	s7 =	smul.u32 @!p0 $0xF7A, s2;
	p2 =	seq.s32 @!p0 s5, $0x0  }
0x1f: {  	s9 =	smul.u32 $0xF7A, s1;
	s8 =	simm.s32 @!p0 $0x1BF5;
	p2 =	por !p2, p0  }
0x20: {  	[sflag:s8] =	ssyncset.s32 @!p0 $0xFFFFF086;
	s6 =	sadd.s32 @!p0 s3, s7;
	s7 =	simm.s32 @!p0 $0x108  }
0x21: {  	s3 =	sadd.s32 s3, s9;
	s6 =	sadd.s32 @!p0 $0x88, s6;
	s7 =	simm.s32 @p2 $0x1082  }
0x22: {  	[simem:s7], [sflag:s8] =	dma.local @!p0 [hbm:s6], $0xF7A  }
0x23: {  	s9 =	sor.u32 $0xD0000000, s2;
	s6 =	simm.s32 $0x108;
	_ =	swait.ge @!p0 [sflag:s8], $0x0  }
0x24: {  	s3 =	sadd.s32 $0x88, s3;
	s6 =	simm.s32 @!p1 $0x1082;
	[sflag:s4] =	ssyncset.s32 $0xFFFFF086  }
0x25: {  	[simem:s6], [sflag:s4] =	dma.local [hbm:s3], $0xF7A  }
0x26: {  	[smem:$0x3F87] =	sst s1;
	(tag) =	ssettag s2;
	_ =	strace s9  }
0x27: {  	s1 =	sld [smem:$0x3F97]  }
0x28: {  	s2 =	sld [smem:$0x3F98]  }
0x29: {  	s4 =	sld [smem:$0x3F9A]  }
0x2a: {  	p0 =	seq.s32 s5, $0x0;
	s5 =	sld [smem:$0x3F9B]  }
0x2b: {  	s6 =	sld [smem:$0x3F9C]  }
0x2c: {  	s7 =	sld [smem:$0x3F9D]  }
0x2d: {  	s3 =	simm.s32 $0x108;
	s8 =	sld [smem:$0x3F9E]  }
0x2e: {  	s3 =	simm.s32 @!p0 $0x1082;
	s9 =	sld [smem:$0x3F9F]  }
0x2f: {  	lr =	sadd.s32 s0, s3;
	s0 =	sld [smem:$0x3F96]  }
0x30: {  	s3 =	sld [smem:$0x3F99]  }
0x31: {  	[smem:$0x3FA2] =	sst s10  }
0x32: {  	s10 =	sld [smem:$0x3FA0];
	_ =	sdelay $0x3  }
0x33: {  	p0 =	seq.s32 s10, $0x1;
	s10 =	sld [smem:$0x3FA2];
	_ =	sdelay $0x3  }
0x34: {  	[smem:$0x3FA2] =	sst s10  }
0x35: {  	s10 =	sld [smem:$0x3FA1];
	_ =	sdelay $0x3  }
0x36: {  	p1 =	seq.s32 s10, $0x1;
	s10 =	sld [smem:$0x3FA2];
	_ =	sdelay $0x3  }
0x37: {  	[smem:$0x3FA2] =	sst s10  }
0x38: {  	s10 =	sld [smem:$0x3FA3]  }
0x39: {  	_ = 	snop;
	(pc) =	sbr.ind lr, $3  }
0x3a: {  	_ = 	snop  }
0x3b: {  	_ = 	snop  }
0x3c: {  	p2 =	seq.s32 s10, $0x1;
	s10 =	sld [smem:$0x3FA2]  }
0x3d: {  	_ =	shalt  }
0x3e: {  	_ =	shalt  }
0x3f: {  	_ =	shalt  }
0x40: {  	_ =	shalt  }
0x41: {  	_ =	shalt  }
0x42: {  	_ =	shalt  }
0x43: {  	_ =	shalt  }
0x44: {  	_ =	shalt  }
0x45: {  	_ =	shalt  }
0x46: {  	_ =	shalt  }
0x47: {  	_ =	shalt  }
0x48: {  	_ =	shalt  }
0x49: {  	_ =	shalt  }
0x4a: {  	_ =	shalt  }
0x4b: {  	_ =	shalt  }
0x4c: {  	_ =	shalt  }
0x4d: {  	_ =	shalt  }
0x4e: {  	_ =	shalt  }
0x4f: {  	_ =	shalt  }
0x50: {  	_ =	shalt  }
0x51: {  	_ =	shalt  }
0x52: {  	_ =	shalt  }
0x53: {  	_ =	shalt  }
0x54: {  	_ =	shalt  }
0x55: {  	_ =	shalt  }
0x56: {  	_ =	shalt  }
0x57: {  	_ =	shalt  }
0x58: {  	_ =	shalt  }
0x59: {  	_ =	shalt  }
0x5a: {  	_ =	shalt  }
0x5b: {  	_ =	shalt  }
0x5c: {  	_ =	shalt  }
0x5d: {  	_ =	shalt  }
0x5e: {  	_ =	shalt  }
0x5f: {  	_ =	shalt  }
0x60: {  	_ =	shalt  }
0x61: {  	_ =	shalt  }
0x62: {  	_ =	shalt  }
0x63: {  	_ =	shalt  }
0x64: {  	_ =	shalt  }
0x65: {  	_ =	shalt  }
0x66: {  	_ =	shalt  }
0x67: {  	_ =	shalt  }
0x68: {  	_ =	shalt  }
0x69: {  	_ =	shalt  }
0x6a: {  	_ =	shalt  }
0x6b: {  	_ =	shalt  }
0x6c: {  	_ =	shalt  }
0x6d: {  	_ =	shalt  }
0x6e: {  	_ =	shalt  }
0x6f: {  	_ =	shalt  }
0x70: {  	_ =	shalt  }
0x71: {  	_ =	shalt  }
0x72: {  	_ =	shalt  }
0x73: {  	_ =	shalt  }
0x74: {  	_ =	shalt  }
0x75: {  	_ =	shalt  }
0x76: {  	_ =	shalt  }
0x77: {  	_ =	shalt  }
0x78: {  	_ =	shalt  }
0x79: {  	_ =	shalt  }
0x7a: {  	_ =	shalt  }
0x7b: {  	_ =	shalt  }
0x7c: {  	_ =	shalt  }
0x7d: {  	_ =	shalt  }
0x7e: {  	_ =	shalt  }
0x7f: {  	_ =	shalt  }
0x80: {  	_ =	shalt  }
0x81: {  	_ =	shalt  }
0x82: {  	_ =	shalt  }
0x83: {  	_ =	shalt  }
0x84: {  	_ =	shalt  }
0x85: {  	_ =	shalt  }
0x86: {  	_ =	shalt  }
0x87: {  	_ =	shalt  }
.Lfunc_end0:
.L_simem_size_0:
called_computation_lowered:
.L_overlay_start_0:
0x88: {  	s2 =	sld [smem:$0x3FD9]  }
0x89: {  	s3 =	sld [smem:$0x3FFE];
	_ =	sdelay $0x1  }
0x8a: {  	s1 =	srdreg.scid  }
0x8b: {  	s0 =	sand.u32 $0x1, s1  }
0x8c: {  	s16 =	sshll.u32 s0, $0xA;
	s2 =	sadd.s32 s3, s2  }
0x8d: {  	s2 =	sadd.s32 s2, s16  }
0x8e: {  	[smem:$0x3FAE] =	sst s2  }
0x8f: {  	_ = 	snop  }
0x90: {  	(tm) =	ssettm $0x1  }
0x91: {  	s17 =	sld [smem:$0x3FFB];
	_ =	sdelay $0x3  }
0x92: {  	_ =	strace s17  }
0x93: {  	s2 =	sld [smem:$0x3FFC];
	_ =	sdelay $0x3  }
0x94: {  	_ =	strace s2  }
0x95: {  	s2 =	sld [smem:$0x3FFD];
	_ =	sdelay $0x3  }
0x96: {  	_ =	strace s2  }
0x97: {  	_ =	strace $0x8FFFFFFF  }
0x98: {  	s18 =	sld [smem:$0x3FDB];
	_ =	sdelay $0x1  }
0x99: {  	s19 =	simm.s32 $_scs_section_size  }
0x9a: {  	s4 =	simm.s32 $_size__tile_overlayer_lowered;
	s5 =	simm.s32 $_tile_overlayer_lowered  }
0x9b: {  	s22 =	simm.s32 $0x1BFF;
	s21 =	sshll.u32 s5, $0x1;
	s2 =	sadd.s32 s19, s18  }
0x9c: {  	s6 =	simm.s32 $0x0;
	s20 =	sshll.u32 s4, $0x1;
	s4 =	sadd.s32 s21, s2  }
0x9d: {  	[timem:s6], [sflag:s22] =	dma.local [hbm:s4], s20  }
0x9e: {  	_ =	swait.ge [sflag:s22], s20  }
0x9f: {  	s3 =	ssub.s32 $0x0, s20;
	[sflag:s22] =	ssyncset.done $0x0  }
0xa0: {  	[sflag:s22] =	ssyncadd.s32 s3;
	_ =	sdelay $0x1  }
0xa1: {  	s23 =	simm.s32 $0x1B8B  }
0xa2: {  	_ =	swait.ge [sflag:s23], $0x1  }
0xa3: {  	[sflag:s23] =	ssyncset.done $0x0  }
0xa4: {  	s25 =	simm.s32 $0x1B8E;
	s24 =	sld [smem:$0x3FFE];
	[sflag:s23] =	ssyncadd.s32 $0xFFFFFFFF  }
0xa5: {  	s26 =	simm.s32 $execute0_lowered;
	[smem:$0x3FD2] =	sst s25  }
0xa6: {  	s4 =	sshll.u32 s26, $0x1;
	_ =	strace $0x80000046;
	[dreg:$0x1] =	wrdreg $0xFFFFFFFF  }
0xa7: {  	s28 =	simm.s32 $_size_execute0_lowered;
	s2 =	sadd.s32 s2, s4;
	[dreg:$0x0] =	wrdreg $0x0  }
0xa8: {  	s4 =	sshll.u32 s28, $0x1;
	[dreg:$0x2] =	wrdreg s2  }
0xa9: {  	[dreg:$0x3] =	wrdreg s4  }
0xaa: {  	[dreg:$0x4] =	wrdreg $0xC0  }
0xab: {  	_ =	task [dreg:s6], $0x5FFFF  }
0xac: {  	[dreg:$0x1] =	wrdreg $0xFFFFFFFF  }
0xad: {  	[dreg:$0x0] =	wrdreg $0x60  }
0xae: {  	[dreg:$0x2] =	wrdreg s24  }
0xaf: {  	[dreg:$0x3] =	wrdreg $0x2B000  }
0xb0: {  	[dreg:$0x4] =	wrdreg $0x9  }
0xb1: {  	_ =	task.clear_ibuf [dreg:s6], $0x5FFFF;
	_ =	strace $0x90000046  }
0xb2: {  	s29 =	simm.s32 $0x9;
	_ =	strace $0x80000048  }
0xb3: {  	_ =	swait.ge [sflag:s29], $0x1  }
0xb4: {  	[sflag:s29] =	ssyncadd.s32 $0xFFFFFFFF  }
0xb5: {  	_ =	strace $0x90000048  }
0xb6: {  	_ =	sfence  }
0xb7: {  	s30 =	sld [smem:$0x0];
	_ =	sdelay $0x2  }
0xb8: {  	s31 =	sshll.u32 s1, $0xD;
	s1 =	sshrl.u32 s1, $0x2  }
0xb9: {  	s3 =	sand.u32 $0x4000, s31;
	s1 =	sadd.s32 s1, s30  }
0xba: {  	s0 =	sor.u32 s3, s0;
	s1 =	sshll.u32 s1, $0x11  }
0xbb: {  	s0 =	sor.u32 s1, s0  }
0xbc: {  	s0 =	sadd.s32 $0x8F2B, s0  }
0xbd: {  	[sflag:s0] =	ssyncadd.remote.s32 $0x1  }
0xbe: {  	_ =	sfence.sel $0xFFFF  }
0xbf: {  	[dreg:$0x0] =	wrdreg $0xFFFFFFFF;
	(pc) =	sbr.abs _section_cstart, $3  }
0xc0: {  	[dreg:$0x1] =	wrdreg $0xFFFFFFFF  }
0xc1: {  	_ =	task.clear_ibuf [dreg:s6], $0x2FFFF;
	_ =	strace $0x9FFFFFFF  }
0xc2: {  	(tm) =	ssettm $0x7FFFFFFF  }
0xc3: {  	_ =	shalt  }
tec
execute0_lowered:
.L_overlay_start_1:
0x0: {  	(tag) =	ssettag $0x1  }
0x1: {  	s0 =	srdreg.scid;
	s3 =	rddreg [dreg:$0x0]  }
0x2: {  	s10 =	stileid.u32;
	s1 =	rddreg [dreg:$0x1];
	s2 =	simm.s32 $0x0  }
0x3: {  	s9 =	simm.s32 $0x7D;
	s12 =	simm.s32 $0x0;
	s6 =	smul.u32 $0x2800, s10  }
0x4: {  	s4 =	sand.u32 $0x1, s0;
	s0 =	rddreg [dreg:$0x2];
	s30 =	smul.u32 $0xA00, s10  }
0x5: {  	[smem:$0x7FF] =	sst s2;
	p0 =	sne.s32 s10, $0x0;
	s5 =	smul.u32 $0x28000, s4  }
0x6: {  	s10 =	simm.s32 $0x2A80;
	_ =	strace $0x80000047;
	s7 =	sshll.u32 s4, $0x4  }
0x7: {  	s4 =	ssub.s32 $0x2, s4;
	s11 =	sshrl.u32 @!p0 s1, $0x3;
	s5 =	sadd.s32 s6, s5  }
0x8: {  	s7 =	sadd.s32 s7, s3;
	s31 =	sshrl.u32 s4, $0x1;
	s5 =	sshrl.u32 s5, $0x3  }
0x9: {  	s6 =	sshrl.u32 s30, $0x2;
	s8 =	ssub.s32 s4, s31;
	s5 =	sadd.s32 s5, s3  }
0xa: {  	s3 =	sadd.s32 s6, s1;
	s6 =	smax.u32 s8, $0x1;
	s8 =	simm.s32 $0x1  }
0xb: {  	v0 =	vimm.f32 $0.0e+00;
	v1 =	vimm.f32 $1.000000000e+00;
	s4 =	sadd.s32 $0x4C00, s5;
	s5 =	sadd.s32 $0xEC00, s7;
	s7 =	simm.s32 $0x2800  }
.LBB2_1:
0xc: {  	[tilespmem:$0x2800] =	vst v0  }
0xd: {  	[tilespmem:$0x2810] =	vst v0  }
0xe: {  	[tilespmem:$0x2820] =	vst v0  }
0xf: {  	[tilespmem:$0x2830] =	vst v0  }
0x10: {  	[tilespmem:$0x2840] =	vst v0  }
0x11: {  	[tilespmem:$0x2850] =	vst v0  }
0x12: {  	[tilespmem:$0x2860] =	vst v0  }
0x13: {  	[tilespmem:$0x2870] =	vst v0  }
0x14: {  	[tilespmem:$0x2880] =	vst v0  }
0x15: {  	[tilespmem:$0x2890] =	vst v0  }
0x16: {  	[tilespmem:$0x28A0] =	vst v0  }
0x17: {  	[tilespmem:$0x28B0] =	vst v0  }
0x18: {  	[tilespmem:$0x28C0] =	vst v0  }
0x19: {  	[tilespmem:$0x28D0] =	vst v0  }
0x1a: {  	[tilespmem:$0x28E0] =	vst v0  }
0x1b: {  	[tilespmem:$0x28F0] =	vst v0  }
0x1c: {  	[tilespmem:$0x2900] =	vst v0  }
0x1d: {  	[tilespmem:$0x2910] =	vst v0  }
0x1e: {  	[tilespmem:$0x2920] =	vst v0  }
0x1f: {  	[tilespmem:$0x2930] =	vst v0  }
0x20: {  	[tilespmem:$0x2940] =	vst v0  }
0x21: {  	[tilespmem:$0x2950] =	vst v0  }
0x22: {  	[tilespmem:$0x2960] =	vst v0  }
0x23: {  	[tilespmem:$0x2970] =	vst v0  }
0x24: {  	[tilespmem:$0x2980] =	vst v0  }
0x25: {  	[tilespmem:$0x2990] =	vst v0  }
0x26: {  	[tilespmem:$0x29A0] =	vst v0  }
0x27: {  	[tilespmem:$0x29B0] =	vst v0  }
0x28: {  	[tilespmem:$0x29C0] =	vst v0  }
0x29: {  	[tilespmem:$0x29D0] =	vst v0  }
0x2a: {  	[tilespmem:$0x29E0] =	vst v0  }
0x2b: {  	[tilespmem:$0x29F0] =	vst v0  }
0x2c: {  	[tilespmem:$0x2A00] =	vst v0  }
0x2d: {  	[tilespmem:$0x2A10] =	vst v0  }
0x2e: {  	[tilespmem:$0x2A20] =	vst v0  }
0x2f: {  	[tilespmem:$0x2A30] =	vst v0  }
0x30: {  	[tilespmem:$0x2A40] =	vst v0  }
0x31: {  	[tilespmem:$0x2A50] =	vst v0  }
0x32: {  	[tilespmem:$0x2A60] =	vst v0  }
0x33: {  	[tilespmem:$0x2A70] =	vst v0  }
0x34: {  	[tilespmem:$0x2A80] =	vst v1  }
0x35: {  	[tilespmem:$0x2A90] =	vst v1  }
0x36: {  	[tilespmem:$0x2AA0] =	vst v1  }
0x37: {  	[tilespmem:$0x2AB0] =	vst v1  }
0x38: {  	[tilespmem:$0x2AC0] =	vst v1  }
0x39: {  	[tilespmem:$0x2AD0] =	vst v1  }
0x3a: {  	[tilespmem:$0x2AE0] =	vst v1  }
0x3b: {  	[tilespmem:$0x2AF0] =	vst v1  }
0x3c: {  	[spmem:s3] =	stream.linear.scatter [tilespmem:s7], [sflag:$0x1], $0x280, $0x38;
	[tilespmem:$0x2D80] =	vst v63  }
0x3d: {  	_ =	swait.ge [sflag:s8], $0x280  }
0x3e: {  	[sflag:s8] =	ssyncset.done $0x0  }
0x3f: {  	[sflag:s8] =	ssyncadd.s32 $0xFFFFFD80  }
0x40: {  	[bflag:$0x0] =	sbarrier.arrive $0xFFFF  }
0x41: {  	[tilespmem:s2], [sflag:$0x1] =	stream.linear.gather [hbm4b:s4+s2], $0x2800, $0x38;
	[tilespmem:$0x2D80] =	vst v63  }
0x42: {  	_ =	swait.ge [sflag:s8], $0x2800  }
0x43: {  	[sflag:s8] =	ssyncset.done $0x0  }
0x44: {  	s13 =	simm.s32 $0x0;
	[sflag:s8] =	ssyncadd.s32 $0xFFFFD800  }
0x45: {  	[spmem:s1] =	stream.indirect.scatter.add.f32 [tilespmem:s10], [sflag:$0x1], $0x1, s13, s9, $0xb8;
	[tilespmem:$0x2D80] =	vst v63  }
0x46: {  	_ =	swait.ge [sflag:s8], $0x7D  }
0x47: {  	s13 =	simm.s32 $0x200;
	[sflag:s8] =	ssyncset.done $0x0  }
.LBB2_2:
0x48: {  	s14 =	sshra.s32 s13, $0x2;
	[sflag:s8] =	ssyncadd.s32 $0xFFFFFF83;
	p1 =	sne.s32 s13, $0x9E00  }
0x49: {  	[spmem:s1] =	stream.indirect.scatter.add.f32 [tilespmem:s10], [sflag:$0x1], $0x1, s14, s9, $0xb8;
	[tilespmem:$0x2D80] =	vst v63  }
.Ltmp0:
0x4a: {  	_ = 	snop;
	(pc) =	sbr.rel @p1 .LBB2_2-.Ltmp0, $4  }
0x4b: {  	_ = 	snop  }
0x4c: {  	s13 =	sadd.s32 $0x200, s13  }
0x4d: {  	_ =	swait.ge [sflag:s8], $0x7D  }
0x4e: {  	[sflag:s8] =	ssyncset.done $0x0  }
0x4f: {  	[sflag:s8] =	ssyncadd.s32 $0xFFFFFF83;
	s13 =	simm.s32 @!p0 $0x1;
	s12 =	sadd.s32 $0x1, s12  }
0x50: {  	s14 =	simm.s32 @!p0 $0x20;
	s15 =	simm.s32 @!p0 $0x10;
	p1 =	sne.s32 s12, s6  }
.Ltmp1:
0x51: {  	s16 =	simm.s32 @!p0 $0x1C01;
	[bflag:$0x0] =	sbarrier.arrive $0xFFFF;
	(pc) =	sbr.rel @p1 .LBB2_1-.Ltmp1, $4  }
0x52: {  	[hbm:s5@s14], [sflag:s16] =	dma.strided @!p0 [spmem:s11@s15], $0x500, s13, $0x10   }
0x53: {  	_ =	swait.ge @!p0 [sflag:s13], $0x500  }
0x54: {  	[sflag:s13] =	ssyncset.done @!p0 $0x0  }
0x55: {  	[sflag:s13] =	ssyncadd.s32 @!p0 $0xFFFFFB00  }
0x56: {  	_ =	sfence.sel $0x180000  }
0x57: {  	[bflag:$0x0] =	sbarrier.arrive $0xFFFF  }
0x58: {  	_ =	strace $0x90000047  }
0x59: {  	s0 =	sadd.s32 @!p0 $0x100000, s0;
	[bflag:$0x2] =	sbarrier.arrive $0xFFFF  }
0x5a: {  	[sflag:s0] =	ssyncadd.tile.s32 @!p0 $0x1;
	_ =	shalt  }
.Lfunc_end2:
_tile_overlayer_lowered:
.L_overlay_start_2:
0x5b: {  	(tag) =	ssettag $0x2  }
0x5c: {  	s0 =	rddreg [dreg:$0x0];
	s2 =	stileid.u32  }
0x5d: {  	s1 =	rddreg [dreg:$0x1];
	p0 =	sne.s32 s2, $0x0  }
0x5e: {  	s3 =	rddreg [dreg:$0x2];
	[bflag:$0x3] =	sbarrier.arrive $0xFFFF;
	s2 =	simm.s32 @!p0 $0x1C01  }
0x5f: {  	[timem:s3], [sflag:s2] =	dma.local @!p0 [hbm:s0], s1  }
0x60: {  	s0 =	simm.s32 @!p0 $0x1  }
0x61: {  	_ =	swait.ge @!p0 [sflag:s0], s1  }
0x62: {  	s1 =	ssub.s32 @!p0 $0x0, s1;
	[sflag:s0] =	ssyncset.done @!p0 $0x0  }
0x63: {  	[sflag:s0] =	ssyncadd.s32 @!p0 s1  }
0x64: {  	[bflag:$0x3] =	sbarrier.arrive $0xFFFF  }
0x65: {  	_ =	shalt  }

// kernel: kernel.15.cloned.1.call-start
scs
__scs_entry_jumppad:
0x0: {  	(pc) =	sbr.rel $0x88, $3  }
0x1: {  	(tag) =	ssettag $0x0;
	lr =	simm.s32 $0x1  }
0x2: {  	[smem:$0x3F87] =	sst lr;
	_ =	strace $0xD0000000  }
0x3: {  	_ = 	snop  }
0x4: {  	_ = 	snop  }
0x5: {  	_ = 	snop  }
0x6: {  	_ = 	snop  }
0x7: {  	_ = 	snop  }
__scs_overlays_trampoline_lowered:
0x8: {  	[smem:$0x3F96] =	sst s0  }
0x9: {  	[smem:$0x3F97] =	sst s1  }
0xa: {  	[smem:$0x3F98] =	sst s2  }
0xb: {  	[smem:$0x3F99] =	sst s3  }
0xc: {  	[smem:$0x3F9A] =	sst s4  }
0xd: {  	[smem:$0x3F9B] =	sst s5  }
0xe: {  	[smem:$0x3F9C] =	sst s6  }
0xf: {  	[smem:$0x3F9D] =	sst s7  }
0x10: {  	[smem:$0x3F9E] =	sst s8  }
0x11: {  	[smem:$0x3F9F] =	sst s9;
	s0 =	simm.s32 @!p0 $0x0  }
0x12: {  	s1 =	sld [smem:$0x3F85];
	s0 =	simm.s32 @p0 $0x1  }
0x13: {  	[smem:$0x3FA0] =	sst s0;
	s0 =	simm.s32 @!p1 $0x0  }
0x14: {  	s2 =	sld [smem:$0x3F84];
	s0 =	simm.s32 @p1 $0x1  }
0x15: {  	[smem:$0x3FA1] =	sst s0;
	s0 =	simm.s32 @!p2 $0x0  }
0x16: {  	s3 =	sld [smem:$0x3FDB];
	s0 =	simm.s32 @p2 $0x1  }
0x17: {  	s4 =	simm.s32 $0x1BF5;
	[smem:$0x3FA3] =	sst s0  }
0x18: {  	s0 =	sld [smem:$0x3F86];
	_ =	swait.ge [sflag:s4], $0x0  }
0x19: {  	s7 =	sld [smem:$0x3F87]  }
0x1a: {  	s8 =	sadd.s32 $0xFFFFE003, lr  }
0x1b: {  	s9 =	sadd.s32 $0xFFFFFEF7, lr;
	s5 =	simm.s32 $0xFFFFFFFF;
	p2 =	slt.u32 s8, $0xFFFFF086  }
0x1c: {  	p1 =	slt.u32 s9, $0xF7A;
	s5 =	simm.s32 @!p2 $0x0  }
0x1d: {  	s5 =	simm.s32 @p1 $0x1;
	p0 =	seq.s32 s7, s2  }
0x1e: {  	s7 =	smul.u32 @!p0 $0xF7A, s2;
	p2 =	seq.s32 @!p0 s5, $0x0  }
0x1f: {  	s9 =	smul.u32 $0xF7A, s1;
	s8 =	simm.s32 @!p0 $0x1BF5;
	p2 =	por !p2, p0  }
0x20: {  	[sflag:s8] =	ssyncset.s32 @!p0 $0xFFFFF086;
	s6 =	sadd.s32 @!p0 s3, s7;
	s7 =	simm.s32 @!p0 $0x108  }
0x21: {  	s3 =	sadd.s32 s3, s9;
	s6 =	sadd.s32 @!p0 $0x88, s6;
	s7 =	simm.s32 @p2 $0x1082  }
0x22: {  	[simem:s7], [sflag:s8] =	dma.local @!p0 [hbm:s6], $0xF7A  }
0x23: {  	s9 =	sor.u32 $0xD0000000, s2;
	s6 =	simm.s32 $0x108;
	_ =	swait.ge @!p0 [sflag:s8], $0x0  }
0x24: {  	s3 =	sadd.s32 $0x88, s3;
	s6 =	simm.s32 @!p1 $0x1082;
	[sflag:s4] =	ssyncset.s32 $0xFFFFF086  }
0x25: {  	[simem:s6], [sflag:s4] =	dma.local [hbm:s3], $0xF7A  }
0x26: {  	[smem:$0x3F87] =	sst s1;
	(tag) =	ssettag s2;
	_ =	strace s9  }
0x27: {  	s1 =	sld [smem:$0x3F97]  }
0x28: {  	s2 =	sld [smem:$0x3F98]  }
0x29: {  	s4 =	sld [smem:$0x3F9A]  }
0x2a: {  	p0 =	seq.s32 s5, $0x0;
	s5 =	sld [smem:$0x3F9B]  }
0x2b: {  	s6 =	sld [smem:$0x3F9C]  }
0x2c: {  	s7 =	sld [smem:$0x3F9D]  }
0x2d: {  	s3 =	simm.s32 $0x108;
	s8 =	sld [smem:$0x3F9E]  }
0x2e: {  	s3 =	simm.s32 @!p0 $0x1082;
	s9 =	sld [smem:$0x3F9F]  }
0x2f: {  	lr =	sadd.s32 s0, s3;
	s0 =	sld [smem:$0x3F96]  }
0x30: {  	s3 =	sld [smem:$0x3F99]  }
0x31: {  	[smem:$0x3FA2] =	sst s10  }
0x32: {  	s10 =	sld [smem:$0x3FA0];
	_ =	sdelay $0x3  }
0x33: {  	p0 =	seq.s32 s10, $0x1;
	s10 =	sld [smem:$0x3FA2];
	_ =	sdelay $0x3  }
0x34: {  	[smem:$0x3FA2] =	sst s10  }
0x35: {  	s10 =	sld [smem:$0x3FA1];
	_ =	sdelay $0x3  }
0x36: {  	p1 =	seq.s32 s10, $0x1;
	s10 =	sld [smem:$0x3FA2];
	_ =	sdelay $0x3  }
0x37: {  	[smem:$0x3FA2] =	sst s10  }
0x38: {  	s10 =	sld [smem:$0x3FA3]  }
0x39: {  	_ = 	snop;
	(pc) =	sbr.ind lr, $3  }
0x3a: {  	_ = 	snop  }
0x3b: {  	_ = 	snop  }
0x3c: {  	p2 =	seq.s32 s10, $0x1;
	s10 =	sld [smem:$0x3FA2]  }
0x3d: {  	_ =	shalt  }
0x3e: {  	_ =	shalt  }
0x3f: {  	_ =	shalt  }
0x40: {  	_ =	shalt  }
0x41: {  	_ =	shalt  }
0x42: {  	_ =	shalt  }
0x43: {  	_ =	shalt  }
0x44: {  	_ =	shalt  }
0x45: {  	_ =	shalt  }
0x46: {  	_ =	shalt  }
0x47: {  	_ =	shalt  }
0x48: {  	_ =	shalt  }
0x49: {  	_ =	shalt  }
0x4a: {  	_ =	shalt  }
0x4b: {  	_ =	shalt  }
0x4c: {  	_ =	shalt  }
0x4d: {  	_ =	shalt  }
0x4e: {  	_ =	shalt  }
0x4f: {  	_ =	shalt  }
0x50: {  	_ =	shalt  }
0x51: {  	_ =	shalt  }
0x52: {  	_ =	shalt  }
0x53: {  	_ =	shalt  }
0x54: {  	_ =	shalt  }
0x55: {  	_ =	shalt  }
0x56: {  	_ =	shalt  }
0x57: {  	_ =	shalt  }
0x58: {  	_ =	shalt  }
0x59: {  	_ =	shalt  }
0x5a: {  	_ =	shalt  }
0x5b: {  	_ =	shalt  }
0x5c: {  	_ =	shalt  }
0x5d: {  	_ =	shalt  }
0x5e: {  	_ =	shalt  }
0x5f: {  	_ =	shalt  }
0x60: {  	_ =	shalt  }
0x61: {  	_ =	shalt  }
0x62: {  	_ =	shalt  }
0x63: {  	_ =	shalt  }
0x64: {  	_ =	shalt  }
0x65: {  	_ =	shalt  }
0x66: {  	_ =	shalt  }
0x67: {  	_ =	shalt  }
0x68: {  	_ =	shalt  }
0x69: {  	_ =	shalt  }
0x6a: {  	_ =	shalt  }
0x6b: {  	_ =	shalt  }
0x6c: {  	_ =	shalt  }
0x6d: {  	_ =	shalt  }
0x6e: {  	_ =	shalt  }
0x6f: {  	_ =	shalt  }
0x70: {  	_ =	shalt  }
0x71: {  	_ =	shalt  }
0x72: {  	_ =	shalt  }
0x73: {  	_ =	shalt  }
0x74: {  	_ =	shalt  }
0x75: {  	_ =	shalt  }
0x76: {  	_ =	shalt  }
0x77: {  	_ =	shalt  }
0x78: {  	_ =	shalt  }
0x79: {  	_ =	shalt  }
0x7a: {  	_ =	shalt  }
0x7b: {  	_ =	shalt  }
0x7c: {  	_ =	shalt  }
0x7d: {  	_ =	shalt  }
0x7e: {  	_ =	shalt  }
0x7f: {  	_ =	shalt  }
0x80: {  	_ =	shalt  }
0x81: {  	_ =	shalt  }
0x82: {  	_ =	shalt  }
0x83: {  	_ =	shalt  }
0x84: {  	_ =	shalt  }
0x85: {  	_ =	shalt  }
0x86: {  	_ =	shalt  }
0x87: {  	_ =	shalt  }
.Lfunc_end0:
.L_simem_size_0:
called_computation.1_lowered:
.L_overlay_start_0:
0x88: {  	s2 =	sld [smem:$0x3FD9]  }
0x89: {  	s3 =	sld [smem:$0x3FFE];
	_ =	sdelay $0x1  }
0x8a: {  	s1 =	srdreg.scid  }
0x8b: {  	s0 =	sand.u32 $0x1, s1  }
0x8c: {  	s16 =	sshll.u32 s0, $0xA;
	s2 =	sadd.s32 s3, s2  }
0x8d: {  	s2 =	sadd.s32 s2, s16  }
0x8e: {  	[smem:$0x3FAE] =	sst s2  }
0x8f: {  	_ = 	snop  }
0x90: {  	(tm) =	ssettm $0x1  }
0x91: {  	s17 =	sld [smem:$0x3FFB];
	_ =	sdelay $0x3  }
0x92: {  	_ =	strace s17  }
0x93: {  	s2 =	sld [smem:$0x3FFC];
	_ =	sdelay $0x3  }
0x94: {  	_ =	strace s2  }
0x95: {  	s2 =	sld [smem:$0x3FFD];
	_ =	sdelay $0x3  }
0x96: {  	_ =	strace s2  }
0x97: {  	_ =	strace $0x8FFFFFFF  }
0x98: {  	s18 =	sld [smem:$0x3FDB];
	_ =	sdelay $0x1  }
0x99: {  	s19 =	simm.s32 $_scs_section_size  }
0x9a: {  	s4 =	simm.s32 $_size__tile_overlayer_lowered;
	s5 =	simm.s32 $_tile_overlayer_lowered  }
0x9b: {  	s22 =	simm.s32 $0x1BFF;
	s21 =	sshll.u32 s5, $0x1;
	s2 =	sadd.s32 s19, s18  }
0x9c: {  	s6 =	simm.s32 $0x0;
	s20 =	sshll.u32 s4, $0x1;
	s4 =	sadd.s32 s21, s2  }
0x9d: {  	[timem:s6], [sflag:s22] =	dma.local [hbm:s4], s20  }
0x9e: {  	_ =	swait.ge [sflag:s22], s20  }
0x9f: {  	s3 =	ssub.s32 $0x0, s20;
	[sflag:s22] =	ssyncset.done $0x0  }
0xa0: {  	[sflag:s22] =	ssyncadd.s32 s3;
	_ =	sdelay $0x1  }
0xa1: {  	s23 =	simm.s32 $0x1B8B  }
0xa2: {  	_ =	swait.ge [sflag:s23], $0x1  }
0xa3: {  	[sflag:s23] =	ssyncset.done $0x0  }
0xa4: {  	s25 =	simm.s32 $0x1B8E;
	s24 =	sld [smem:$0x3FFE];
	[sflag:s23] =	ssyncadd.s32 $0xFFFFFFFF  }
0xa5: {  	s26 =	simm.s32 $execute0_lowered;
	[smem:$0x3FD2] =	sst s25  }
0xa6: {  	s4 =	sshll.u32 s26, $0x1;
	_ =	strace $0x80000049;
	[dreg:$0x1] =	wrdreg $0xFFFFFFFF  }
0xa7: {  	s28 =	simm.s32 $_size_execute0_lowered;
	s2 =	sadd.s32 s2, s4;
	[dreg:$0x0] =	wrdreg $0x0  }
0xa8: {  	s4 =	sshll.u32 s28, $0x1;
	[dreg:$0x2] =	wrdreg s2  }
0xa9: {  	[dreg:$0x3] =	wrdreg s4  }
0xaa: {  	[dreg:$0x4] =	wrdreg $0xC0  }
0xab: {  	_ =	task [dreg:s6], $0x5FFFF  }
0xac: {  	[dreg:$0x1] =	wrdreg $0xFFFFFFFF  }
0xad: {  	[dreg:$0x0] =	wrdreg $0x60  }
0xae: {  	[dreg:$0x2] =	wrdreg s24  }
0xaf: {  	[dreg:$0x3] =	wrdreg $0x10C400  }
0xb0: {  	[dreg:$0x4] =	wrdreg $0x9  }
0xb1: {  	_ =	task.clear_ibuf [dreg:s6], $0x5FFFF;
	_ =	strace $0x90000049  }
0xb2: {  	s29 =	simm.s32 $0x9;
	_ =	strace $0x8000004B  }
0xb3: {  	_ =	swait.ge [sflag:s29], $0x1  }
0xb4: {  	[sflag:s29] =	ssyncadd.s32 $0xFFFFFFFF  }
0xb5: {  	_ =	strace $0x9000004B  }
0xb6: {  	_ =	sfence  }
0xb7: {  	s30 =	sld [smem:$0x0];
	_ =	sdelay $0x2  }
0xb8: {  	s31 =	sshll.u32 s1, $0xD;
	s1 =	sshrl.u32 s1, $0x2  }
0xb9: {  	s3 =	sand.u32 $0x4000, s31;
	s1 =	sadd.s32 s1, s30  }
0xba: {  	s0 =	sor.u32 s3, s0;
	s1 =	sshll.u32 s1, $0x11  }
0xbb: {  	s0 =	sor.u32 s1, s0  }
0xbc: {  	s0 =	sadd.s32 $0x8F2B, s0  }
0xbd: {  	[sflag:s0] =	ssyncadd.remote.s32 $0x1  }
0xbe: {  	_ =	sfence.sel $0xFFFF  }
0xbf: {  	[dreg:$0x0] =	wrdreg $0xFFFFFFFF;
	(pc) =	sbr.abs _section_cstart, $3  }
0xc0: {  	[dreg:$0x1] =	wrdreg $0xFFFFFFFF  }
0xc1: {  	_ =	task.clear_ibuf [dreg:s6], $0x2FFFF;
	_ =	strace $0x9FFFFFFF  }
0xc2: {  	(tm) =	ssettm $0x7FFFFFFF  }
0xc3: {  	_ =	shalt  }
tec
execute0_lowered:
.L_overlay_start_1:
0x0: {  	(tag) =	ssettag $0x1  }
0x1: {  	s0 =	srdreg.scid  }
0x2: {  	s1 =	rddreg [dreg:$0x0];
	s9 =	stileid.u32  }
0x3: {  	s2 =	rddreg [dreg:$0x1];
	s3 =	simm.s32 $0x0;
	s14 =	simm.s32 $0xEC40  }
0x4: {  	s15 =	simm.s32 $0xB;
	s17 =	simm.s32 $0x7D;
	s18 =	simm.s32 $0x5000  }
0x5: {  	s28 =	simm.s32 $0x1;
	s29 =	simm.s32 $0x6;
	s6 =	smul.u32 $0x2800, s9  }
0x6: {  	s30 =	simm.s32 $0x2;
	s31 =	simm.s32 $0x7;
	s7 =	smul.u32 $0xA000, s9  }
0x7: {  	s16 =	simm.s32 $0x4;
	s0 =	sand.u32 $0x1, s0;
	s21 =	smul.u32 $0x28000, s9  }
0x8: {  	s19 =	simm.s32 $0x9;
	[smem:$0x7FF] =	sst s3;
	s5 =	smul.u32 $0x28000, s0  }
0x9: {  	s4 =	sadd.s32 $0x23600, s1;
	s8 =	smul.u32 $0xA0000, s0;
	s0 =	ssub.s32 $0x2, s0  }
0xa: {  	_ =	strace $0x8000004A;
	s23 =	sshrl.u32 s0, $0x1;
	s24 =	sshrl.u32 s21, $0x2  }
0xb: {  	s21 =	simm.s32 $0x5;
	s5 =	sadd.s32 s6, s5;
	s20 =	sadd.s32 s7, s8  }
0xc: {  	s0 =	ssub.s32 s0, s23;
	s6 =	sadd.s32 s24, s2;
	s24 =	simm.s32 $0xADC0  }
0xd: {  	s23 =	simm.s32 $0xA;
	s5 =	sshrl.u32 s5, $0x3;
	s22 =	sshrl.u32 s20, $0x3  }
0xe: {  	s25 =	sadd.s32 $0x2000, s6;
	s26 =	sadd.s32 $0x4000, s6;
	s8 =	sadd.s32 $0x6000, s6  }
0xf: {  	s9 =	sadd.s32 $0x8000, s6;
	s13 =	smax.u32 s0, $0x1;
	s20 =	simm.s32 $0x6F40  }
0x10: {  	s0 =	simm.s32 $0x8;
	s11 =	sadd.s32 s5, s1;
	[dreg:$0x3] =	wrdreg s25  }
0x11: {  	s1 =	sadd.s32 s22, s1;
	s5 =	sadd.s32 s7, s2;
	[dreg:$0x4] =	wrdreg s26  }
0x12: {  	s22 =	simm.s32 $0x8E80;
	s26 =	simm.s32 $0xCD00;
	s10 =	sadd.s32 $0x19600, s11  }
0x13: {  	v0 =	vimm.f32 $0.0e+00;
	s11 =	sadd.s32 $0xF600, s11;
	s12 =	sadd.s32 $0x37000, s1;
	s1 =	simm.s32 $0x3  }
.LBB2_1:
0x14: {  	s25 =	simm.s32 $0x100;
	s6 =	simm.s32 $0x0  }
.LBB2_2:
0x15: {  	p0 =	sne.s32 s25, $0x7F00;
	[tilespmem:s6+$0xEC70] =	vst v0;
	s7 =	smov.u32 s25;
	s25 =	sadd.s32 $0x100, s25  }
.Ltmp0:
0x16: {  	[tilespmem:s6+$0xEC60] =	vst v0;
	(pc) =	sbr.rel @p0 .LBB2_2-.Ltmp0, $3  }
0x17: {  	[tilespmem:s6+$0xEC40] =	vst v0  }
0x18: {  	[tilespmem:s6+$0xEC50] =	vst v0;
	_ =	sdelay $0x1  }
0x19: {  	s6 =	sshra.s32 s7, $0x2  }
0x1a: {  	[tilespmem:s6+$0xEC70] =	vst v0  }
0x1b: {  	[tilespmem:s6+$0xEC60] =	vst v0  }
0x1c: {  	[tilespmem:s6+$0xEC40] =	vst v0  }
0x1d: {  	[tilespmem:s6+$0xEC50] =	vst v0  }
0x1e: {  	[spmem:s5] =	stream.linear.scatter [tilespmem:s14], [sflag:$0xB], $0x2000, $0x38;
	[tilespmem:$0x1AC40] =	vst v63  }
0x1f: {  	_ =	swait.ge [sflag:s15], $0x2000  }
0x20: {  	[sflag:s15] =	ssyncset.done $0x0  }
0x21: {  	s25 =	rddreg [dreg:$0x3];
	[sflag:s15] =	ssyncadd.s32 $0xFFFFE000  }
0x22: {  	[spmem:s25] =	stream.linear.scatter [tilespmem:s14], [sflag:$0xB], $0x2000, $0x38;
	[tilespmem:$0x1AC40] =	vst v63  }
0x23: {  	_ =	swait.ge [sflag:s15], $0x2000  }
0x24: {  	[sflag:s15] =	ssyncset.done $0x0  }
0x25: {  	s7 =	rddreg [dreg:$0x4];
	[sflag:s15] =	ssyncadd.s32 $0xFFFFE000  }
0x26: {  	[spmem:s7] =	stream.linear.scatter [tilespmem:s14], [sflag:$0xB], $0x2000, $0x38;
	[tilespmem:$0x1AC40] =	vst v63  }
0x27: {  	_ =	swait.ge [sflag:s15], $0x2000  }
0x28: {  	[sflag:s15] =	ssyncset.done $0x0  }
0x29: {  	[sflag:s15] =	ssyncadd.s32 $0xFFFFE000  }
0x2a: {  	[spmem:s8] =	stream.linear.scatter [tilespmem:s14], [sflag:$0xB], $0x2000, $0x38;
	[tilespmem:$0x1AC40] =	vst v63  }
0x2b: {  	_ =	swait.ge [sflag:s15], $0x2000  }
0x2c: {  	[sflag:s15] =	ssyncset.done $0x0  }
0x2d: {  	[sflag:s15] =	ssyncadd.s32 $0xFFFFE000  }
0x2e: {  	[spmem:s9] =	stream.linear.scatter [tilespmem:s14], [sflag:$0xB], $0x2000, $0x38;
	[tilespmem:$0x1AC40] =	vst v63  }
0x2f: {  	_ =	swait.ge [sflag:s15], $0x2000  }
0x30: {  	[sflag:s15] =	ssyncset.done $0x0  }
0x31: {  	[sflag:s15] =	ssyncadd.s32 $0xFFFFE000  }
0x32: {  	s25 =	simm.s32 $0x0;
	[bflag:$0x0] =	sbarrier.arrive $0xFFFF  }
0x33: {  	[tilespmem:s25], [sflag:$0xB] =	stream.linear.gather [hbm4b:s10+s25], $0x2800, $0x38;
	[tilespmem:$0x1AC40] =	vst v63  }
0x34: {  	_ =	swait.ge [sflag:s15], $0x2800  }
0x35: {  	[sflag:s15] =	ssyncset.done $0x0  }
0x36: {  	s7 =	simm.s32 $0x2800;
	[sflag:s15] =	ssyncadd.s32 $0xFFFFD800  }
0x37: {  	[tilespmem:s7], [sflag:$0xB] =	stream.linear.gather [hbm4b:s11+s25], $0x2800, $0x38;
	[tilespmem:$0x1AC40] =	vst v63  }
0x38: {  	_ =	swait.ge [sflag:s15], $0x2800  }
0x39: {  	[sflag:s15] =	ssyncset.done $0x0  }
0x3a: {  	[sflag:s15] =	ssyncadd.s32 $0xFFFFD800  }
0x3b: {  	[tilespmem:s18], [sflag:$0x1] =	stream.indirect.gather [hbm4b:s4+s17], $0x40, s25, s17, $0xb8;
	[tilespmem:$0x1AC40] =	vst v63  }
0x3c: {  	s25 =	simm.s32 $0x80  }
0x3d: {  	[tilespmem:s20], [sflag:$0x2] =	stream.indirect.gather [hbm4b:s4+s17], $0x40, s25, s17, $0xb8;
	[tilespmem:$0x1AC40] =	vst v63  }
0x3e: {  	s7 =	simm.s32 $0x100  }
0x3f: {  	[tilespmem:s22], [sflag:$0x3] =	stream.indirect.gather [hbm4b:s4+s17], $0x40, s7, s17, $0xb8;
	[tilespmem:$0x1AC40] =	vst v63  }
0x40: {  	s25 =	simm.s32 $0x180  }
0x41: {  	[tilespmem:s24], [sflag:$0x4] =	stream.indirect.gather [hbm4b:s4+s17], $0x40, s25, s17, $0xb8;
	[tilespmem:$0x1AC40] =	vst v63  }
0x42: {  	s7 =	simm.s32 $0x200  }
0x43: {  	[tilespmem:s26], [sflag:$0x5] =	stream.indirect.gather [hbm4b:s4+s17], $0x40, s7, s17, $0xb8;
	[tilespmem:$0x1AC40] =	vst v63  }
0x44: {  	_ =	swait.ge [sflag:s28], $0x1F40  }
0x45: {  	[sflag:s28] =	ssyncset.done $0x0  }
0x46: {  	s25 =	simm.s32 $0x2800;
	[sflag:s28] =	ssyncadd.s32 $0xFFFFE0C0  }
0x47: {  	[spmem:s2] =	stream.indirect.scatter.add.f32 [tilespmem:s18], [sflag:$0x6], $0x40, s25, s17, $0xb8;
	[tilespmem:$0x1AC40] =	vst v63  }
0x48: {  	_ =	swait.ge [sflag:s29], $0x1F40  }
0x49: {  	[sflag:s29] =	ssyncset.done $0x0  }
0x4a: {  	s7 =	simm.s32 $0x280;
	[sflag:s29] =	ssyncadd.s32 $0xFFFFE0C0  }
0x4b: {  	[tilespmem:s18], [sflag:$0x1] =	stream.indirect.gather [hbm4b:s4+s17], $0x40, s7, s17, $0xb8;
	[tilespmem:$0x1AC40] =	vst v63  }
0x4c: {  	_ =	swait.ge [sflag:s30], $0x1F40  }
0x4d: {  	[sflag:s30] =	ssyncset.done $0x0  }
0x4e: {  	s25 =	simm.s32 $0x2880;
	[sflag:s30] =	ssyncadd.s32 $0xFFFFE0C0  }
0x4f: {  	[spmem:s2] =	stream.indirect.scatter.add.f32 [tilespmem:s20], [sflag:$0x7], $0x40, s25, s17, $0xb8;
	[tilespmem:$0x1AC40] =	vst v63  }
0x50: {  	_ =	swait.ge [sflag:s31], $0x1F40  }
0x51: {  	[sflag:s31] =	ssyncset.done $0x0  }
0x52: {  	s7 =	simm.s32 $0x300;
	[sflag:s31] =	ssyncadd.s32 $0xFFFFE0C0  }
0x53: {  	[tilespmem:s20], [sflag:$0x2] =	stream.indirect.gather [hbm4b:s4+s17], $0x40, s7, s17, $0xb8;
	[tilespmem:$0x1AC40] =	vst v63  }
0x54: {  	_ =	swait.ge [sflag:s1], $0x1F40  }
0x55: {  	[sflag:s1] =	ssyncset.done $0x0  }
0x56: {  	s25 =	simm.s32 $0x2900;
	[sflag:s1] =	ssyncadd.s32 $0xFFFFE0C0  }
0x57: {  	[spmem:s2] =	stream.indirect.scatter.add.f32 [tilespmem:s22], [sflag:$0x8], $0x40, s25, s17, $0xb8;
	[tilespmem:$0x1AC40] =	vst v63  }
0x58: {  	_ =	swait.ge [sflag:s0], $0x1F40  }
0x59: {  	[sflag:s0] =	ssyncset.done $0x0  }
0x5a: {  	s7 =	simm.s32 $0x380;
	[sflag:s0] =	ssyncadd.s32 $0xFFFFE0C0  }
0x5b: {  	[tilespmem:s22], [sflag:$0x3] =	stream.indirect.gather [hbm4b:s4+s17], $0x40, s7, s17, $0xb8;
	[tilespmem:$0x1AC40] =	vst v63  }
0x5c: {  	_ =	swait.ge [sflag:s16], $0x1F40  }
0x5d: {  	[sflag:s16] =	ssyncset.done $0x0  }
0x5e: {  	s25 =	simm.s32 $0x2980;
	[sflag:s16] =	ssyncadd.s32 $0xFFFFE0C0  }
0x5f: {  	[spmem:s2] =	stream.indirect.scatter.add.f32 [tilespmem:s24], [sflag:$0x9], $0x40, s25, s17, $0xb8;
	[tilespmem:$0x1AC40] =	vst v63  }
0x60: {  	_ =	swait.ge [sflag:s19], $0x1F40  }
0x61: {  	[sflag:s19] =	ssyncset.done $0x0  }
0x62: {  	s7 =	simm.s32 $0x400;
	[sflag:s19] =	ssyncadd.s32 $0xFFFFE0C0  }
0x63: {  	[tilespmem:s24], [sflag:$0x4] =	stream.indirect.gather [hbm4b:s4+s17], $0x40, s7, s17, $0xb8;
	[tilespmem:$0x1AC40] =	vst v63  }
0x64: {  	_ =	swait.ge [sflag:s21], $0x1F40  }
0x65: {  	[sflag:s21] =	ssyncset.done $0x0  }
0x66: {  	s25 =	simm.s32 $0x2A00;
	[sflag:s21] =	ssyncadd.s32 $0xFFFFE0C0  }
0x67: {  	[spmem:s2] =	stream.indirect.scatter.add.f32 [tilespmem:s26], [sflag:$0xA], $0x40, s25, s17, $0xb8;
	[tilespmem:$0x1AC40] =	vst v63  }
0x68: {  	_ =	swait.ge [sflag:s23], $0x1F40  }
0x69: {  	[sflag:s23] =	ssyncset.done $0x0  }
0x6a: {  	s6 =	simm.s32 $0x480;
	s25 =	simm.s32 $0xA00;
	[sflag:s23] =	ssyncadd.s32 $0xFFFFE0C0  }
.LBB2_4:
0x6b: {  	[tilespmem:s26], [sflag:$0x5] =	stream.indirect.gather [hbm4b:s4+s17], $0x40, s6, s17, $0xb8;
	[tilespmem:$0x1AC40] =	vst v63  }
0x6c: {  	s6 =	smov.u32 s25  }
0x6d: {  	p0 =	sne.s32 s25, $0x8C00;
	s25 =	sadd.s32 $0xA00, s25;
	_ =	swait.ge [sflag:s28], $0x1F40  }
0x6e: {  	s6 =	sshra.s32 s6, $0x2;
	[sflag:s28] =	ssyncset.done $0x0  }
0x6f: {  	s7 =	sadd.s32 $0x2800, s6;
	[sflag:s28] =	ssyncadd.s32 $0xFFFFE0C0  }
0x70: {  	[spmem:s2] =	stream.indirect.scatter.add.f32 [tilespmem:s18], [sflag:$0x6], $0x40, s7, s17, $0xb8;
	[tilespmem:$0x1AC40] =	vst v63  }
0x71: {  	_ =	swait.ge [sflag:s29], $0x1F40  }
0x72: {  	[sflag:s29] =	ssyncset.done $0x0  }
0x73: {  	s7 =	sadd.s32 $0x280, s6;
	[sflag:s29] =	ssyncadd.s32 $0xFFFFE0C0  }
0x74: {  	[tilespmem:s18], [sflag:$0x1] =	stream.indirect.gather [hbm4b:s4+s17], $0x40, s7, s17, $0xb8;
	[tilespmem:$0x1AC40] =	vst v63  }
0x75: {  	_ =	swait.ge [sflag:s30], $0x1F40  }
0x76: {  	[sflag:s30] =	ssyncset.done $0x0  }
0x77: {  	s7 =	sadd.s32 $0x2880, s6;
	[sflag:s30] =	ssyncadd.s32 $0xFFFFE0C0  }
0x78: {  	[spmem:s2] =	stream.indirect.scatter.add.f32 [tilespmem:s20], [sflag:$0x7], $0x40, s7, s17, $0xb8;
	[tilespmem:$0x1AC40] =	vst v63  }
0x79: {  	_ =	swait.ge [sflag:s31], $0x1F40  }
0x7a: {  	[sflag:s31] =	ssyncset.done $0x0  }
0x7b: {  	s7 =	sadd.s32 $0x300, s6;
	[sflag:s31] =	ssyncadd.s32 $0xFFFFE0C0  }
0x7c: {  	[tilespmem:s20], [sflag:$0x2] =	stream.indirect.gather [hbm4b:s4+s17], $0x40, s7, s17, $0xb8;
	[tilespmem:$0x1AC40] =	vst v63  }
0x7d: {  	_ =	swait.ge [sflag:s1], $0x1F40  }
0x7e: {  	[sflag:s1] =	ssyncset.done $0x0  }
0x7f: {  	s7 =	sadd.s32 $0x2900, s6;
	[sflag:s1] =	ssyncadd.s32 $0xFFFFE0C0  }
0x80: {  	[spmem:s2] =	stream.indirect.scatter.add.f32 [tilespmem:s22], [sflag:$0x8], $0x40, s7, s17, $0xb8;
	[tilespmem:$0x1AC40] =	vst v63  }
0x81: {  	_ =	swait.ge [sflag:s0], $0x1F40  }
0x82: {  	[sflag:s0] =	ssyncset.done $0x0  }
0x83: {  	s7 =	sadd.s32 $0x380, s6;
	[sflag:s0] =	ssyncadd.s32 $0xFFFFE0C0  }
0x84: {  	[tilespmem:s22], [sflag:$0x3] =	stream.indirect.gather [hbm4b:s4+s17], $0x40, s7, s17, $0xb8;
	[tilespmem:$0x1AC40] =	vst v63  }
0x85: {  	_ =	swait.ge [sflag:s16], $0x1F40  }
0x86: {  	[sflag:s16] =	ssyncset.done $0x0  }
0x87: {  	s7 =	sadd.s32 $0x2980, s6;
	[sflag:s16] =	ssyncadd.s32 $0xFFFFE0C0  }
0x88: {  	[spmem:s2] =	stream.indirect.scatter.add.f32 [tilespmem:s24], [sflag:$0x9], $0x40, s7, s17, $0xb8;
	[tilespmem:$0x1AC40] =	vst v63  }
0x89: {  	_ =	swait.ge [sflag:s19], $0x1F40  }
0x8a: {  	[sflag:s19] =	ssyncset.done $0x0  }
0x8b: {  	s7 =	sadd.s32 $0x400, s6;
	[sflag:s19] =	ssyncadd.s32 $0xFFFFE0C0  }
0x8c: {  	[tilespmem:s24], [sflag:$0x4] =	stream.indirect.gather [hbm4b:s4+s17], $0x40, s7, s17, $0xb8;
	[tilespmem:$0x1AC40] =	vst v63  }
0x8d: {  	_ =	swait.ge [sflag:s21], $0x1F40  }
0x8e: {  	[sflag:s21] =	ssyncset.done $0x0  }
.Ltmp1:
0x8f: {  	s7 =	sadd.s32 $0x2A00, s6;
	[sflag:s21] =	ssyncadd.s32 $0xFFFFE0C0;
	(pc) =	sbr.rel @p0 .LBB2_4-.Ltmp1, $4  }
0x90: {  	[spmem:s2] =	stream.indirect.scatter.add.f32 [tilespmem:s26], [sflag:$0xA], $0x40, s7, s17, $0xb8;
	[tilespmem:$0x1AC40] =	vst v63  }
0x91: {  	_ =	swait.ge [sflag:s23], $0x1F40  }
0x92: {  	[sflag:s23] =	ssyncset.done $0x0  }
0x93: {  	s6 =	sadd.s32 $0x480, s6;
	[sflag:s23] =	ssyncadd.s32 $0xFFFFE0C0  }
0x94: {  	[tilespmem:s26], [sflag:$0x5] =	stream.indirect.gather [hbm4b:s4+s17], $0x40, s6, s17, $0xb8;
	[tilespmem:$0x1AC40] =	vst v63  }
0x95: {  	_ =	swait.ge [sflag:s28], $0x1F40  }
0x96: {  	[sflag:s28] =	ssyncset.done $0x0  }
0x97: {  	s7 =	simm.s32 $0x4D80;
	[sflag:s28] =	ssyncadd.s32 $0xFFFFE0C0  }
0x98: {  	[spmem:s2] =	stream.indirect.scatter.add.f32 [tilespmem:s18], [sflag:$0x6], $0x40, s7, s17, $0xb8;
	[tilespmem:$0x1AC40] =	vst v63  }
0x99: {  	_ =	swait.ge [sflag:s29], $0x1F40  }
0x9a: {  	[sflag:s29] =	ssyncset.done $0x0  }
0x9b: {  	[sflag:s29] =	ssyncadd.s32 $0xFFFFE0C0  }
0x9c: {  	_ =	swait.ge [sflag:s30], $0x1F40  }
0x9d: {  	[sflag:s30] =	ssyncset.done $0x0  }
0x9e: {  	s25 =	simm.s32 $0x4E00;
	[sflag:s30] =	ssyncadd.s32 $0xFFFFE0C0  }
0x9f: {  	[spmem:s2] =	stream.indirect.scatter.add.f32 [tilespmem:s20], [sflag:$0x7], $0x40, s25, s17, $0xb8;
	[tilespmem:$0x1AC40] =	vst v63  }
0xa0: {  	_ =	swait.ge [sflag:s31], $0x1F40  }
0xa1: {  	[sflag:s31] =	ssyncset.done $0x0  }
0xa2: {  	[sflag:s31] =	ssyncadd.s32 $0xFFFFE0C0  }
0xa3: {  	_ =	swait.ge [sflag:s1], $0x1F40  }
0xa4: {  	[sflag:s1] =	ssyncset.done $0x0  }
0xa5: {  	s7 =	simm.s32 $0x4E80;
	[sflag:s1] =	ssyncadd.s32 $0xFFFFE0C0  }
0xa6: {  	[spmem:s2] =	stream.indirect.scatter.add.f32 [tilespmem:s22], [sflag:$0x8], $0x40, s7, s17, $0xb8;
	[tilespmem:$0x1AC40] =	vst v63  }
0xa7: {  	_ =	swait.ge [sflag:s0], $0x1F40  }
0xa8: {  	[sflag:s0] =	ssyncset.done $0x0  }
0xa9: {  	[sflag:s0] =	ssyncadd.s32 $0xFFFFE0C0  }
0xaa: {  	_ =	swait.ge [sflag:s16], $0x1F40  }
0xab: {  	[sflag:s16] =	ssyncset.done $0x0  }
0xac: {  	s25 =	simm.s32 $0x4F00;
	[sflag:s16] =	ssyncadd.s32 $0xFFFFE0C0  }
0xad: {  	[spmem:s2] =	stream.indirect.scatter.add.f32 [tilespmem:s24], [sflag:$0x9], $0x40, s25, s17, $0xb8;
	[tilespmem:$0x1AC40] =	vst v63  }
0xae: {  	_ =	swait.ge [sflag:s19], $0x1F40  }
0xaf: {  	[sflag:s19] =	ssyncset.done $0x0  }
0xb0: {  	[sflag:s19] =	ssyncadd.s32 $0xFFFFE0C0  }
0xb1: {  	_ =	swait.ge [sflag:s21], $0x1F40  }
0xb2: {  	[sflag:s21] =	ssyncset.done $0x0  }
0xb3: {  	s7 =	simm.s32 $0x4F80;
	[sflag:s21] =	ssyncadd.s32 $0xFFFFE0C0  }
0xb4: {  	[spmem:s2] =	stream.indirect.scatter.add.f32 [tilespmem:s26], [sflag:$0xA], $0x40, s7, s17, $0xb8;
	[tilespmem:$0x1AC40] =	vst v63  }
0xb5: {  	s25 =	stileid.u32;
	_ =	swait.ge [sflag:s23], $0x1F40  }
0xb6: {  	s3 =	sadd.s32 $0x1, s3;
	s6 =	sshll.u32 s25, $0x6;
	[sflag:s23] =	ssyncset.done $0x0  }
0xb7: {  	p0 =	sne.s32 s3, s13;
	s6 =	sor.u32 $0x1C0B, s6;
	[sflag:s23] =	ssyncadd.s32 $0xFFFFE0C0  }
.Ltmp2:
0xb8: {  	s7 =	sshrl.u32 s5, $0x3;
	[bflag:$0x0] =	sbarrier.arrive $0xFFFF;
	(pc) =	sbr.rel @p0 .LBB2_1-.Ltmp2, $4  }
0xb9: {  	[hbm:s12], [sflag:s6] =	dma.local [spmem:s7], $0x1400  }
0xba: {  	_ =	swait.ge [sflag:s15], $0x1400  }
0xbb: {  	[sflag:s15] =	ssyncset.done $0x0  }
0xbc: {  	[sflag:s15] =	ssyncadd.s32 $0xFFFFEC00  }
0xbd: {  	_ =	sfence.sel $0x180000  }
0xbe: {  	[bflag:$0x0] =	sbarrier.arrive $0xFFFF  }
0xbf: {  	_ =	strace $0x9000004A  }
0xc0: {  	s0 =	stileid.u32;
	[bflag:$0x2] =	sbarrier.arrive $0xFFFF  }
0xc1: {  	p0 =	sne.s32 s0, $0x0;
	s0 =	rddreg [dreg:$0x2]  }
0xc2: {  	s0 =	sadd.s32 @!p0 $0x100000, s0  }
0xc3: {  	[sflag:s0] =	ssyncadd.tile.s32 @!p0 $0x1;
	_ =	shalt  }
.Lfunc_end2:
_tile_overlayer_lowered:
.L_overlay_start_2:
0xc4: {  	(tag) =	ssettag $0x2  }
0xc5: {  	s0 =	rddreg [dreg:$0x0];
	s2 =	stileid.u32  }
0xc6: {  	s1 =	rddreg [dreg:$0x1];
	p0 =	sne.s32 s2, $0x0  }
0xc7: {  	s3 =	rddreg [dreg:$0x2];
	[bflag:$0x3] =	sbarrier.arrive $0xFFFF;
	s2 =	simm.s32 @!p0 $0x1C0B  }
0xc8: {  	[timem:s3], [sflag:s2] =	dma.local @!p0 [hbm:s0], s1  }
0xc9: {  	s0 =	simm.s32 @!p0 $0xB  }
0xca: {  	_ =	swait.ge @!p0 [sflag:s0], s1  }
0xcb: {  	s1 =	ssub.s32 @!p0 $0x0, s1;
	[sflag:s0] =	ssyncset.done @!p0 $0x0  }
0xcc: {  	[sflag:s0] =	ssyncadd.s32 @!p0 s1  }
0xcd: {  	[bflag:$0x3] =	sbarrier.arrive $0xFFFF  }
0xce: {  	_ =	shalt  }

// kernel: kernel.18.cloned.1.call-start
scs
__scs_entry_jumppad:
0x0: {  	(pc) =	sbr.rel $0x88, $3  }
0x1: {  	(tag) =	ssettag $0x0;
	lr =	simm.s32 $0x1  }
0x2: {  	[smem:$0x3F87] =	sst lr;
	_ =	strace $0xD0000000  }
0x3: {  	_ = 	snop  }
0x4: {  	_ = 	snop  }
0x5: {  	_ = 	snop  }
0x6: {  	_ = 	snop  }
0x7: {  	_ = 	snop  }
__scs_overlays_trampoline_lowered:
0x8: {  	[smem:$0x3F96] =	sst s0  }
0x9: {  	[smem:$0x3F97] =	sst s1  }
0xa: {  	[smem:$0x3F98] =	sst s2  }
0xb: {  	[smem:$0x3F99] =	sst s3  }
0xc: {  	[smem:$0x3F9A] =	sst s4  }
0xd: {  	[smem:$0x3F9B] =	sst s5  }
0xe: {  	[smem:$0x3F9C] =	sst s6  }
0xf: {  	[smem:$0x3F9D] =	sst s7  }
0x10: {  	[smem:$0x3F9E] =	sst s8  }
0x11: {  	[smem:$0x3F9F] =	sst s9;
	s0 =	simm.s32 @!p0 $0x0  }
0x12: {  	s1 =	sld [smem:$0x3F85];
	s0 =	simm.s32 @p0 $0x1  }
0x13: {  	[smem:$0x3FA0] =	sst s0;
	s0 =	simm.s32 @!p1 $0x0  }
0x14: {  	s2 =	sld [smem:$0x3F84];
	s0 =	simm.s32 @p1 $0x1  }
0x15: {  	[smem:$0x3FA1] =	sst s0;
	s0 =	simm.s32 @!p2 $0x0  }
0x16: {  	s3 =	sld [smem:$0x3FDB];
	s0 =	simm.s32 @p2 $0x1  }
0x17: {  	s4 =	simm.s32 $0x1BF5;
	[smem:$0x3FA3] =	sst s0  }
0x18: {  	s0 =	sld [smem:$0x3F86];
	_ =	swait.ge [sflag:s4], $0x0  }
0x19: {  	s7 =	sld [smem:$0x3F87]  }
0x1a: {  	s8 =	sadd.s32 $0xFFFFE003, lr  }
0x1b: {  	s9 =	sadd.s32 $0xFFFFFEF7, lr;
	s5 =	simm.s32 $0xFFFFFFFF;
	p2 =	slt.u32 s8, $0xFFFFF086  }
0x1c: {  	p1 =	slt.u32 s9, $0xF7A;
	s5 =	simm.s32 @!p2 $0x0  }
0x1d: {  	s5 =	simm.s32 @p1 $0x1;
	p0 =	seq.s32 s7, s2  }
0x1e: {  	s7 =	smul.u32 @!p0 $0xF7A, s2;
	p2 =	seq.s32 @!p0 s5, $0x0  }
0x1f: {  	s9 =	smul.u32 $0xF7A, s1;
	s8 =	simm.s32 @!p0 $0x1BF5;
	p2 =	por !p2, p0  }
0x20: {  	[sflag:s8] =	ssyncset.s32 @!p0 $0xFFFFF086;
	s6 =	sadd.s32 @!p0 s3, s7;
	s7 =	simm.s32 @!p0 $0x108  }
0x21: {  	s3 =	sadd.s32 s3, s9;
	s6 =	sadd.s32 @!p0 $0x88, s6;
	s7 =	simm.s32 @p2 $0x1082  }
0x22: {  	[simem:s7], [sflag:s8] =	dma.local @!p0 [hbm:s6], $0xF7A  }
0x23: {  	s9 =	sor.u32 $0xD0000000, s2;
	s6 =	simm.s32 $0x108;
	_ =	swait.ge @!p0 [sflag:s8], $0x0  }
0x24: {  	s3 =	sadd.s32 $0x88, s3;
	s6 =	simm.s32 @!p1 $0x1082;
	[sflag:s4] =	ssyncset.s32 $0xFFFFF086  }
0x25: {  	[simem:s6], [sflag:s4] =	dma.local [hbm:s3], $0xF7A  }
0x26: {  	[smem:$0x3F87] =	sst s1;
	(tag) =	ssettag s2;
	_ =	strace s9  }
0x27: {  	s1 =	sld [smem:$0x3F97]  }
0x28: {  	s2 =	sld [smem:$0x3F98]  }
0x29: {  	s4 =	sld [smem:$0x3F9A]  }
0x2a: {  	p0 =	seq.s32 s5, $0x0;
	s5 =	sld [smem:$0x3F9B]  }
0x2b: {  	s6 =	sld [smem:$0x3F9C]  }
0x2c: {  	s7 =	sld [smem:$0x3F9D]  }
0x2d: {  	s3 =	simm.s32 $0x108;
	s8 =	sld [smem:$0x3F9E]  }
0x2e: {  	s3 =	simm.s32 @!p0 $0x1082;
	s9 =	sld [smem:$0x3F9F]  }
0x2f: {  	lr =	sadd.s32 s0, s3;
	s0 =	sld [smem:$0x3F96]  }
0x30: {  	s3 =	sld [smem:$0x3F99]  }
0x31: {  	[smem:$0x3FA2] =	sst s10  }
0x32: {  	s10 =	sld [smem:$0x3FA0];
	_ =	sdelay $0x3  }
0x33: {  	p0 =	seq.s32 s10, $0x1;
	s10 =	sld [smem:$0x3FA2];
	_ =	sdelay $0x3  }
0x34: {  	[smem:$0x3FA2] =	sst s10  }
0x35: {  	s10 =	sld [smem:$0x3FA1];
	_ =	sdelay $0x3  }
0x36: {  	p1 =	seq.s32 s10, $0x1;
	s10 =	sld [smem:$0x3FA2];
	_ =	sdelay $0x3  }
0x37: {  	[smem:$0x3FA2] =	sst s10  }
0x38: {  	s10 =	sld [smem:$0x3FA3]  }
0x39: {  	_ = 	snop;
	(pc) =	sbr.ind lr, $3  }
0x3a: {  	_ = 	snop  }
0x3b: {  	_ = 	snop  }
0x3c: {  	p2 =	seq.s32 s10, $0x1;
	s10 =	sld [smem:$0x3FA2]  }
0x3d: {  	_ =	shalt  }
0x3e: {  	_ =	shalt  }
0x3f: {  	_ =	shalt  }
0x40: {  	_ =	shalt  }
0x41: {  	_ =	shalt  }
0x42: {  	_ =	shalt  }
0x43: {  	_ =	shalt  }
0x44: {  	_ =	shalt  }
0x45: {  	_ =	shalt  }
0x46: {  	_ =	shalt  }
0x47: {  	_ =	shalt  }
0x48: {  	_ =	shalt  }
0x49: {  	_ =	shalt  }
0x4a: {  	_ =	shalt  }
0x4b: {  	_ =	shalt  }
0x4c: {  	_ =	shalt  }
0x4d: {  	_ =	shalt  }
0x4e: {  	_ =	shalt  }
0x4f: {  	_ =	shalt  }
0x50: {  	_ =	shalt  }
0x51: {  	_ =	shalt  }
0x52: {  	_ =	shalt  }
0x53: {  	_ =	shalt  }
0x54: {  	_ =	shalt  }
0x55: {  	_ =	shalt  }
0x56: {  	_ =	shalt  }
0x57: {  	_ =	shalt  }
0x58: {  	_ =	shalt  }
0x59: {  	_ =	shalt  }
0x5a: {  	_ =	shalt  }
0x5b: {  	_ =	shalt  }
0x5c: {  	_ =	shalt  }
0x5d: {  	_ =	shalt  }
0x5e: {  	_ =	shalt  }
0x5f: {  	_ =	shalt  }
0x60: {  	_ =	shalt  }
0x61: {  	_ =	shalt  }
0x62: {  	_ =	shalt  }
0x63: {  	_ =	shalt  }
0x64: {  	_ =	shalt  }
0x65: {  	_ =	shalt  }
0x66: {  	_ =	shalt  }
0x67: {  	_ =	shalt  }
0x68: {  	_ =	shalt  }
0x69: {  	_ =	shalt  }
0x6a: {  	_ =	shalt  }
0x6b: {  	_ =	shalt  }
0x6c: {  	_ =	shalt  }
0x6d: {  	_ =	shalt  }
0x6e: {  	_ =	shalt  }
0x6f: {  	_ =	shalt  }
0x70: {  	_ =	shalt  }
0x71: {  	_ =	shalt  }
0x72: {  	_ =	shalt  }
0x73: {  	_ =	shalt  }
0x74: {  	_ =	shalt  }
0x75: {  	_ =	shalt  }
0x76: {  	_ =	shalt  }
0x77: {  	_ =	shalt  }
0x78: {  	_ =	shalt  }
0x79: {  	_ =	shalt  }
0x7a: {  	_ =	shalt  }
0x7b: {  	_ =	shalt  }
0x7c: {  	_ =	shalt  }
0x7d: {  	_ =	shalt  }
0x7e: {  	_ =	shalt  }
0x7f: {  	_ =	shalt  }
0x80: {  	_ =	shalt  }
0x81: {  	_ =	shalt  }
0x82: {  	_ =	shalt  }
0x83: {  	_ =	shalt  }
0x84: {  	_ =	shalt  }
0x85: {  	_ =	shalt  }
0x86: {  	_ =	shalt  }
0x87: {  	_ =	shalt  }
.Lfunc_end0:
.L_simem_size_0:
called_computation.2_lowered:
.L_overlay_start_0:
0x88: {  	s2 =	sld [smem:$0x3FD9]  }
0x89: {  	s3 =	sld [smem:$0x3FFE];
	_ =	sdelay $0x1  }
0x8a: {  	s1 =	srdreg.scid  }
0x8b: {  	s0 =	sand.u32 $0x1, s1  }
0x8c: {  	s16 =	sshll.u32 s0, $0xA;
	s2 =	sadd.s32 s3, s2  }
0x8d: {  	s2 =	sadd.s32 s2, s16  }
0x8e: {  	[smem:$0x3FAE] =	sst s2  }
0x8f: {  	_ = 	snop  }
0x90: {  	(tm) =	ssettm $0x1  }
0x91: {  	s17 =	sld [smem:$0x3FFB];
	_ =	sdelay $0x3  }
0x92: {  	_ =	strace s17  }
0x93: {  	s2 =	sld [smem:$0x3FFC];
	_ =	sdelay $0x3  }
0x94: {  	_ =	strace s2  }
0x95: {  	s2 =	sld [smem:$0x3FFD];
	_ =	sdelay $0x3  }
0x96: {  	_ =	strace s2  }
0x97: {  	_ =	strace $0x8FFFFFFF  }
0x98: {  	s18 =	sld [smem:$0x3FDB];
	_ =	sdelay $0x1  }
0x99: {  	s19 =	simm.s32 $_scs_section_size  }
0x9a: {  	s4 =	simm.s32 $_size__tile_overlayer_lowered;
	s5 =	simm.s32 $_tile_overlayer_lowered  }
0x9b: {  	s22 =	simm.s32 $0x1BFF;
	s21 =	sshll.u32 s5, $0x1;
	s2 =	sadd.s32 s19, s18  }
0x9c: {  	s6 =	simm.s32 $0x0;
	s20 =	sshll.u32 s4, $0x1;
	s4 =	sadd.s32 s21, s2  }
0x9d: {  	[timem:s6], [sflag:s22] =	dma.local [hbm:s4], s20  }
0x9e: {  	_ =	swait.ge [sflag:s22], s20  }
0x9f: {  	s3 =	ssub.s32 $0x0, s20;
	[sflag:s22] =	ssyncset.done $0x0  }
0xa0: {  	[sflag:s22] =	ssyncadd.s32 s3;
	_ =	sdelay $0x1  }
0xa1: {  	s23 =	simm.s32 $0x1B8B  }
0xa2: {  	_ =	swait.ge [sflag:s23], $0x1  }
0xa3: {  	[sflag:s23] =	ssyncset.done $0x0  }
0xa4: {  	s25 =	simm.s32 $0x1B8E;
	s24 =	sld [smem:$0x3FFE];
	[sflag:s23] =	ssyncadd.s32 $0xFFFFFFFF  }
0xa5: {  	s26 =	simm.s32 $execute0_lowered;
	[smem:$0x3FD2] =	sst s25  }
0xa6: {  	s4 =	sshll.u32 s26, $0x1;
	_ =	strace $0x8000004C;
	[dreg:$0x1] =	wrdreg $0xFFFFFFFF  }
0xa7: {  	s28 =	simm.s32 $_size_execute0_lowered;
	s2 =	sadd.s32 s2, s4;
	[dreg:$0x0] =	wrdreg $0x0  }
0xa8: {  	s4 =	sshll.u32 s28, $0x1;
	[dreg:$0x2] =	wrdreg s2  }
0xa9: {  	[dreg:$0x3] =	wrdreg s4  }
0xaa: {  	[dreg:$0x4] =	wrdreg $0xC0  }
0xab: {  	_ =	task [dreg:s6], $0x5FFFF  }
0xac: {  	[dreg:$0x1] =	wrdreg $0xFFFFFFFF  }
0xad: {  	[dreg:$0x0] =	wrdreg $0x60  }
0xae: {  	[dreg:$0x2] =	wrdreg s24  }
0xaf: {  	[dreg:$0x3] =	wrdreg $0x10C400  }
0xb0: {  	[dreg:$0x4] =	wrdreg $0x9  }
0xb1: {  	_ =	task.clear_ibuf [dreg:s6], $0x5FFFF;
	_ =	strace $0x9000004C  }
0xb2: {  	s29 =	simm.s32 $0x9;
	_ =	strace $0x8000004E  }
0xb3: {  	_ =	swait.ge [sflag:s29], $0x1  }
0xb4: {  	[sflag:s29] =	ssyncadd.s32 $0xFFFFFFFF  }
0xb5: {  	_ =	strace $0x9000004E  }
0xb6: {  	_ =	sfence  }
0xb7: {  	s30 =	sld [smem:$0x0];
	_ =	sdelay $0x2  }
0xb8: {  	s31 =	sshll.u32 s1, $0xD;
	s1 =	sshrl.u32 s1, $0x2  }
0xb9: {  	s3 =	sand.u32 $0x4000, s31;
	s1 =	sadd.s32 s1, s30  }
0xba: {  	s0 =	sor.u32 s3, s0;
	s1 =	sshll.u32 s1, $0x11  }
0xbb: {  	s0 =	sor.u32 s1, s0  }
0xbc: {  	s0 =	sadd.s32 $0x8F2B, s0  }
0xbd: {  	[sflag:s0] =	ssyncadd.remote.s32 $0x1  }
0xbe: {  	_ =	sfence.sel $0xFFFF  }
0xbf: {  	[dreg:$0x0] =	wrdreg $0xFFFFFFFF;
	(pc) =	sbr.abs _section_cstart, $3  }
0xc0: {  	[dreg:$0x1] =	wrdreg $0xFFFFFFFF  }
0xc1: {  	_ =	task.clear_ibuf [dreg:s6], $0x2FFFF;
	_ =	strace $0x9FFFFFFF  }
0xc2: {  	(tm) =	ssettm $0x7FFFFFFF  }
0xc3: {  	_ =	shalt  }
tec
execute0_lowered:
.L_overlay_start_1:
0x0: {  	(tag) =	ssettag $0x1  }
0x1: {  	s0 =	srdreg.scid  }
0x2: {  	s1 =	rddreg [dreg:$0x0];
	s9 =	stileid.u32  }
0x3: {  	s2 =	rddreg [dreg:$0x1];
	s3 =	simm.s32 $0x0;
	s14 =	simm.s32 $0xEC40  }
0x4: {  	s15 =	simm.s32 $0xB;
	s17 =	simm.s32 $0x7D;
	s18 =	simm.s32 $0x5000  }
0x5: {  	s28 =	simm.s32 $0x1;
	s29 =	simm.s32 $0x6;
	s6 =	smul.u32 $0x2800, s9  }
0x6: {  	s30 =	simm.s32 $0x2;
	s31 =	simm.s32 $0x7;
	s7 =	smul.u32 $0xA000, s9  }
0x7: {  	s16 =	simm.s32 $0x4;
	s0 =	sand.u32 $0x1, s0;
	s21 =	smul.u32 $0x28000, s9  }
0x8: {  	s19 =	simm.s32 $0x9;
	[smem:$0x7FF] =	sst s3;
	s5 =	smul.u32 $0x28000, s0  }
0x9: {  	s4 =	sadd.s32 $0x23600, s1;
	s8 =	smul.u32 $0xA0000, s0;
	s0 =	ssub.s32 $0x2, s0  }
0xa: {  	_ =	strace $0x8000004D;
	s23 =	sshrl.u32 s0, $0x1;
	s24 =	sshrl.u32 s21, $0x2  }
0xb: {  	s21 =	simm.s32 $0x5;
	s5 =	sadd.s32 s6, s5;
	s20 =	sadd.s32 s7, s8  }
0xc: {  	s0 =	ssub.s32 s0, s23;
	s6 =	sadd.s32 s24, s2;
	s24 =	simm.s32 $0xADC0  }
0xd: {  	s23 =	simm.s32 $0xA;
	s5 =	sshrl.u32 s5, $0x3;
	s22 =	sshrl.u32 s20, $0x3  }
0xe: {  	s25 =	sadd.s32 $0x2000, s6;
	s26 =	sadd.s32 $0x4000, s6;
	s8 =	sadd.s32 $0x6000, s6  }
0xf: {  	s9 =	sadd.s32 $0x8000, s6;
	s13 =	smax.u32 s0, $0x1;
	s20 =	simm.s32 $0x6F40  }
0x10: {  	s0 =	simm.s32 $0x8;
	s11 =	sadd.s32 s5, s1;
	[dreg:$0x3] =	wrdreg s25  }
0x11: {  	s1 =	sadd.s32 s22, s1;
	s5 =	sadd.s32 s7, s2;
	[dreg:$0x4] =	wrdreg s26  }
0x12: {  	s22 =	simm.s32 $0x8E80;
	s26 =	simm.s32 $0xCD00;
	s10 =	sadd.s32 $0x19600, s11  }
0x13: {  	v0 =	vimm.f32 $0.0e+00;
	s11 =	sadd.s32 $0xF600, s11;
	s12 =	sadd.s32 $0x37000, s1;
	s1 =	simm.s32 $0x3  }
.LBB2_1:
0x14: {  	s25 =	simm.s32 $0x100;
	s6 =	simm.s32 $0x0  }
.LBB2_2:
0x15: {  	p0 =	sne.s32 s25, $0x7F00;
	[tilespmem:s6+$0xEC70] =	vst v0;
	s7 =	smov.u32 s25;
	s25 =	sadd.s32 $0x100, s25  }
.Ltmp0:
0x16: {  	[tilespmem:s6+$0xEC60] =	vst v0;
	(pc) =	sbr.rel @p0 .LBB2_2-.Ltmp0, $3  }
0x17: {  	[tilespmem:s6+$0xEC40] =	vst v0  }
0x18: {  	[tilespmem:s6+$0xEC50] =	vst v0;
	_ =	sdelay $0x1  }
0x19: {  	s6 =	sshra.s32 s7, $0x2  }
0x1a: {  	[tilespmem:s6+$0xEC70] =	vst v0  }
0x1b: {  	[tilespmem:s6+$0xEC60] =	vst v0  }
0x1c: {  	[tilespmem:s6+$0xEC40] =	vst v0  }
0x1d: {  	[tilespmem:s6+$0xEC50] =	vst v0  }
0x1e: {  	[spmem:s5] =	stream.linear.scatter [tilespmem:s14], [sflag:$0xB], $0x2000, $0x38;
	[tilespmem:$0x1AC40] =	vst v63  }
0x1f: {  	_ =	swait.ge [sflag:s15], $0x2000  }
0x20: {  	[sflag:s15] =	ssyncset.done $0x0  }
0x21: {  	s25 =	rddreg [dreg:$0x3];
	[sflag:s15] =	ssyncadd.s32 $0xFFFFE000  }
0x22: {  	[spmem:s25] =	stream.linear.scatter [tilespmem:s14], [sflag:$0xB], $0x2000, $0x38;
	[tilespmem:$0x1AC40] =	vst v63  }
0x23: {  	_ =	swait.ge [sflag:s15], $0x2000  }
0x24: {  	[sflag:s15] =	ssyncset.done $0x0  }
0x25: {  	s7 =	rddreg [dreg:$0x4];
	[sflag:s15] =	ssyncadd.s32 $0xFFFFE000  }
0x26: {  	[spmem:s7] =	stream.linear.scatter [tilespmem:s14], [sflag:$0xB], $0x2000, $0x38;
	[tilespmem:$0x1AC40] =	vst v63  }
0x27: {  	_ =	swait.ge [sflag:s15], $0x2000  }
0x28: {  	[sflag:s15] =	ssyncset.done $0x0  }
0x29: {  	[sflag:s15] =	ssyncadd.s32 $0xFFFFE000  }
0x2a: {  	[spmem:s8] =	stream.linear.scatter [tilespmem:s14], [sflag:$0xB], $0x2000, $0x38;
	[tilespmem:$0x1AC40] =	vst v63  }
0x2b: {  	_ =	swait.ge [sflag:s15], $0x2000  }
0x2c: {  	[sflag:s15] =	ssyncset.done $0x0  }
0x2d: {  	[sflag:s15] =	ssyncadd.s32 $0xFFFFE000  }
0x2e: {  	[spmem:s9] =	stream.linear.scatter [tilespmem:s14], [sflag:$0xB], $0x2000, $0x38;
	[tilespmem:$0x1AC40] =	vst v63  }
0x2f: {  	_ =	swait.ge [sflag:s15], $0x2000  }
0x30: {  	[sflag:s15] =	ssyncset.done $0x0  }
0x31: {  	[sflag:s15] =	ssyncadd.s32 $0xFFFFE000  }
0x32: {  	s25 =	simm.s32 $0x0;
	[bflag:$0x0] =	sbarrier.arrive $0xFFFF  }
0x33: {  	[tilespmem:s25], [sflag:$0xB] =	stream.linear.gather [hbm4b:s10+s25], $0x2800, $0x38;
	[tilespmem:$0x1AC40] =	vst v63  }
0x34: {  	_ =	swait.ge [sflag:s15], $0x2800  }
0x35: {  	[sflag:s15] =	ssyncset.done $0x0  }
0x36: {  	s7 =	simm.s32 $0x2800;
	[sflag:s15] =	ssyncadd.s32 $0xFFFFD800  }
0x37: {  	[tilespmem:s7], [sflag:$0xB] =	stream.linear.gather [hbm4b:s11+s25], $0x2800, $0x38;
	[tilespmem:$0x1AC40] =	vst v63  }
0x38: {  	_ =	swait.ge [sflag:s15], $0x2800  }
0x39: {  	[sflag:s15] =	ssyncset.done $0x0  }
0x3a: {  	[sflag:s15] =	ssyncadd.s32 $0xFFFFD800  }
0x3b: {  	[tilespmem:s18], [sflag:$0x1] =	stream.indirect.gather [hbm4b:s4+s17], $0x40, s25, s17, $0xb8;
	[tilespmem:$0x1AC40] =	vst v63  }
0x3c: {  	s25 =	simm.s32 $0x80  }
0x3d: {  	[tilespmem:s20], [sflag:$0x2] =	stream.indirect.gather [hbm4b:s4+s17], $0x40, s25, s17, $0xb8;
	[tilespmem:$0x1AC40] =	vst v63  }
0x3e: {  	s7 =	simm.s32 $0x100  }
0x3f: {  	[tilespmem:s22], [sflag:$0x3] =	stream.indirect.gather [hbm4b:s4+s17], $0x40, s7, s17, $0xb8;
	[tilespmem:$0x1AC40] =	vst v63  }
0x40: {  	s25 =	simm.s32 $0x180  }
0x41: {  	[tilespmem:s24], [sflag:$0x4] =	stream.indirect.gather [hbm4b:s4+s17], $0x40, s25, s17, $0xb8;
	[tilespmem:$0x1AC40] =	vst v63  }
0x42: {  	s7 =	simm.s32 $0x200  }
0x43: {  	[tilespmem:s26], [sflag:$0x5] =	stream.indirect.gather [hbm4b:s4+s17], $0x40, s7, s17, $0xb8;
	[tilespmem:$0x1AC40] =	vst v63  }
0x44: {  	_ =	swait.ge [sflag:s28], $0x1F40  }
0x45: {  	[sflag:s28] =	ssyncset.done $0x0  }
0x46: {  	s25 =	simm.s32 $0x2800;
	[sflag:s28] =	ssyncadd.s32 $0xFFFFE0C0  }
0x47: {  	[spmem:s2] =	stream.indirect.scatter.add.f32 [tilespmem:s18], [sflag:$0x6], $0x40, s25, s17, $0xb8;
	[tilespmem:$0x1AC40] =	vst v63  }
0x48: {  	_ =	swait.ge [sflag:s29], $0x1F40  }
0x49: {  	[sflag:s29] =	ssyncset.done $0x0  }
0x4a: {  	s7 =	simm.s32 $0x280;
	[sflag:s29] =	ssyncadd.s32 $0xFFFFE0C0  }
0x4b: {  	[tilespmem:s18], [sflag:$0x1] =	stream.indirect.gather [hbm4b:s4+s17], $0x40, s7, s17, $0xb8;
	[tilespmem:$0x1AC40] =	vst v63  }
0x4c: {  	_ =	swait.ge [sflag:s30], $0x1F40  }
0x4d: {  	[sflag:s30] =	ssyncset.done $0x0  }
0x4e: {  	s25 =	simm.s32 $0x2880;
	[sflag:s30] =	ssyncadd.s32 $0xFFFFE0C0  }
0x4f: {  	[spmem:s2] =	stream.indirect.scatter.add.f32 [tilespmem:s20], [sflag:$0x7], $0x40, s25, s17, $0xb8;
	[tilespmem:$0x1AC40] =	vst v63  }
0x50: {  	_ =	swait.ge [sflag:s31], $0x1F40  }
0x51: {  	[sflag:s31] =	ssyncset.done $0x0  }
0x52: {  	s7 =	simm.s32 $0x300;
	[sflag:s31] =	ssyncadd.s32 $0xFFFFE0C0  }
0x53: {  	[tilespmem:s20], [sflag:$0x2] =	stream.indirect.gather [hbm4b:s4+s17], $0x40, s7, s17, $0xb8;
	[tilespmem:$0x1AC40] =	vst v63  }
0x54: {  	_ =	swait.ge [sflag:s1], $0x1F40  }
0x55: {  	[sflag:s1] =	ssyncset.done $0x0  }
0x56: {  	s25 =	simm.s32 $0x2900;
	[sflag:s1] =	ssyncadd.s32 $0xFFFFE0C0  }
0x57: {  	[spmem:s2] =	stream.indirect.scatter.add.f32 [tilespmem:s22], [sflag:$0x8], $0x40, s25, s17, $0xb8;
	[tilespmem:$0x1AC40] =	vst v63  }
0x58: {  	_ =	swait.ge [sflag:s0], $0x1F40  }
0x59: {  	[sflag:s0] =	ssyncset.done $0x0  }
0x5a: {  	s7 =	simm.s32 $0x380;
	[sflag:s0] =	ssyncadd.s32 $0xFFFFE0C0  }
0x5b: {  	[tilespmem:s22], [sflag:$0x3] =	stream.indirect.gather [hbm4b:s4+s17], $0x40, s7, s17, $0xb8;
	[tilespmem:$0x1AC40] =	vst v63  }
0x5c: {  	_ =	swait.ge [sflag:s16], $0x1F40  }
0x5d: {  	[sflag:s16] =	ssyncset.done $0x0  }
0x5e: {  	s25 =	simm.s32 $0x2980;
	[sflag:s16] =	ssyncadd.s32 $0xFFFFE0C0  }
0x5f: {  	[spmem:s2] =	stream.indirect.scatter.add.f32 [tilespmem:s24], [sflag:$0x9], $0x40, s25, s17, $0xb8;
	[tilespmem:$0x1AC40] =	vst v63  }
0x60: {  	_ =	swait.ge [sflag:s19], $0x1F40  }
0x61: {  	[sflag:s19] =	ssyncset.done $0x0  }
0x62: {  	s7 =	simm.s32 $0x400;
	[sflag:s19] =	ssyncadd.s32 $0xFFFFE0C0  }
0x63: {  	[tilespmem:s24], [sflag:$0x4] =	stream.indirect.gather [hbm4b:s4+s17], $0x40, s7, s17, $0xb8;
	[tilespmem:$0x1AC40] =	vst v63  }
0x64: {  	_ =	swait.ge [sflag:s21], $0x1F40  }
0x65: {  	[sflag:s21] =	ssyncset.done $0x0  }
0x66: {  	s25 =	simm.s32 $0x2A00;
	[sflag:s21] =	ssyncadd.s32 $0xFFFFE0C0  }
0x67: {  	[spmem:s2] =	stream.indirect.scatter.add.f32 [tilespmem:s26], [sflag:$0xA], $0x40, s25, s17, $0xb8;
	[tilespmem:$0x1AC40] =	vst v63  }
0x68: {  	_ =	swait.ge [sflag:s23], $0x1F40  }
0x69: {  	[sflag:s23] =	ssyncset.done $0x0  }
0x6a: {  	s6 =	simm.s32 $0x480;
	s25 =	simm.s32 $0xA00;
	[sflag:s23] =	ssyncadd.s32 $0xFFFFE0C0  }
.LBB2_4:
0x6b: {  	[tilespmem:s26], [sflag:$0x5] =	stream.indirect.gather [hbm4b:s4+s17], $0x40, s6, s17, $0xb8;
	[tilespmem:$0x1AC40] =	vst v63  }
0x6c: {  	s6 =	smov.u32 s25  }
0x6d: {  	p0 =	sne.s32 s25, $0x8C00;
	s25 =	sadd.s32 $0xA00, s25;
	_ =	swait.ge [sflag:s28], $0x1F40  }
0x6e: {  	s6 =	sshra.s32 s6, $0x2;
	[sflag:s28] =	ssyncset.done $0x0  }
0x6f: {  	s7 =	sadd.s32 $0x2800, s6;
	[sflag:s28] =	ssyncadd.s32 $0xFFFFE0C0  }
0x70: {  	[spmem:s2] =	stream.indirect.scatter.add.f32 [tilespmem:s18], [sflag:$0x6], $0x40, s7, s17, $0xb8;
	[tilespmem:$0x1AC40] =	vst v63  }
0x71: {  	_ =	swait.ge [sflag:s29], $0x1F40  }
0x72: {  	[sflag:s29] =	ssyncset.done $0x0  }
0x73: {  	s7 =	sadd.s32 $0x280, s6;
	[sflag:s29] =	ssyncadd.s32 $0xFFFFE0C0  }
0x74: {  	[tilespmem:s18], [sflag:$0x1] =	stream.indirect.gather [hbm4b:s4+s17], $0x40, s7, s17, $0xb8;
	[tilespmem:$0x1AC40] =	vst v63  }
0x75: {  	_ =	swait.ge [sflag:s30], $0x1F40  }
0x76: {  	[sflag:s30] =	ssyncset.done $0x0  }
0x77: {  	s7 =	sadd.s32 $0x2880, s6;
	[sflag:s30] =	ssyncadd.s32 $0xFFFFE0C0  }
0x78: {  	[spmem:s2] =	stream.indirect.scatter.add.f32 [tilespmem:s20], [sflag:$0x7], $0x40, s7, s17, $0xb8;
	[tilespmem:$0x1AC40] =	vst v63  }
0x79: {  	_ =	swait.ge [sflag:s31], $0x1F40  }
0x7a: {  	[sflag:s31] =	ssyncset.done $0x0  }
0x7b: {  	s7 =	sadd.s32 $0x300, s6;
	[sflag:s31] =	ssyncadd.s32 $0xFFFFE0C0  }
0x7c: {  	[tilespmem:s20], [sflag:$0x2] =	stream.indirect.gather [hbm4b:s4+s17], $0x40, s7, s17, $0xb8;
	[tilespmem:$0x1AC40] =	vst v63  }
0x7d: {  	_ =	swait.ge [sflag:s1], $0x1F40  }
0x7e: {  	[sflag:s1] =	ssyncset.done $0x0  }
0x7f: {  	s7 =	sadd.s32 $0x2900, s6;
	[sflag:s1] =	ssyncadd.s32 $0xFFFFE0C0  }
0x80: {  	[spmem:s2] =	stream.indirect.scatter.add.f32 [tilespmem:s22], [sflag:$0x8], $0x40, s7, s17, $0xb8;
	[tilespmem:$0x1AC40] =	vst v63  }
0x81: {  	_ =	swait.ge [sflag:s0], $0x1F40  }
0x82: {  	[sflag:s0] =	ssyncset.done $0x0  }
0x83: {  	s7 =	sadd.s32 $0x380, s6;
	[sflag:s0] =	ssyncadd.s32 $0xFFFFE0C0  }
0x84: {  	[tilespmem:s22], [sflag:$0x3] =	stream.indirect.gather [hbm4b:s4+s17], $0x40, s7, s17, $0xb8;
	[tilespmem:$0x1AC40] =	vst v63  }
0x85: {  	_ =	swait.ge [sflag:s16], $0x1F40  }
0x86: {  	[sflag:s16] =	ssyncset.done $0x0  }
0x87: {  	s7 =	sadd.s32 $0x2980, s6;
	[sflag:s16] =	ssyncadd.s32 $0xFFFFE0C0  }
0x88: {  	[spmem:s2] =	stream.indirect.scatter.add.f32 [tilespmem:s24], [sflag:$0x9], $0x40, s7, s17, $0xb8;
	[tilespmem:$0x1AC40] =	vst v63  }
0x89: {  	_ =	swait.ge [sflag:s19], $0x1F40  }
0x8a: {  	[sflag:s19] =	ssyncset.done $0x0  }
0x8b: {  	s7 =	sadd.s32 $0x400, s6;
	[sflag:s19] =	ssyncadd.s32 $0xFFFFE0C0  }
0x8c: {  	[tilespmem:s24], [sflag:$0x4] =	stream.indirect.gather [hbm4b:s4+s17], $0x40, s7, s17, $0xb8;
	[tilespmem:$0x1AC40] =	vst v63  }
0x8d: {  	_ =	swait.ge [sflag:s21], $0x1F40  }
0x8e: {  	[sflag:s21] =	ssyncset.done $0x0  }
.Ltmp1:
0x8f: {  	s7 =	sadd.s32 $0x2A00, s6;
	[sflag:s21] =	ssyncadd.s32 $0xFFFFE0C0;
	(pc) =	sbr.rel @p0 .LBB2_4-.Ltmp1, $4  }
0x90: {  	[spmem:s2] =	stream.indirect.scatter.add.f32 [tilespmem:s26], [sflag:$0xA], $0x40, s7, s17, $0xb8;
	[tilespmem:$0x1AC40] =	vst v63  }
0x91: {  	_ =	swait.ge [sflag:s23], $0x1F40  }
0x92: {  	[sflag:s23] =	ssyncset.done $0x0  }
0x93: {  	s6 =	sadd.s32 $0x480, s6;
	[sflag:s23] =	ssyncadd.s32 $0xFFFFE0C0  }
0x94: {  	[tilespmem:s26], [sflag:$0x5] =	stream.indirect.gather [hbm4b:s4+s17], $0x40, s6, s17, $0xb8;
	[tilespmem:$0x1AC40] =	vst v63  }
0x95: {  	_ =	swait.ge [sflag:s28], $0x1F40  }
0x96: {  	[sflag:s28] =	ssyncset.done $0x0  }
0x97: {  	s7 =	simm.s32 $0x4D80;
	[sflag:s28] =	ssyncadd.s32 $0xFFFFE0C0  }
0x98: {  	[spmem:s2] =	stream.indirect.scatter.add.f32 [tilespmem:s18], [sflag:$0x6], $0x40, s7, s17, $0xb8;
	[tilespmem:$0x1AC40] =	vst v63  }
0x99: {  	_ =	swait.ge [sflag:s29], $0x1F40  }
0x9a: {  	[sflag:s29] =	ssyncset.done $0x0  }
0x9b: {  	[sflag:s29] =	ssyncadd.s32 $0xFFFFE0C0  }
0x9c: {  	_ =	swait.ge [sflag:s30], $0x1F40  }
0x9d: {  	[sflag:s30] =	ssyncset.done $0x0  }
0x9e: {  	s25 =	simm.s32 $0x4E00;
	[sflag:s30] =	ssyncadd.s32 $0xFFFFE0C0  }
0x9f: {  	[spmem:s2] =	stream.indirect.scatter.add.f32 [tilespmem:s20], [sflag:$0x7], $0x40, s25, s17, $0xb8;
	[tilespmem:$0x1AC40] =	vst v63  }
0xa0: {  	_ =	swait.ge [sflag:s31], $0x1F40  }
0xa1: {  	[sflag:s31] =	ssyncset.done $0x0  }
0xa2: {  	[sflag:s31] =	ssyncadd.s32 $0xFFFFE0C0  }
0xa3: {  	_ =	swait.ge [sflag:s1], $0x1F40  }
0xa4: {  	[sflag:s1] =	ssyncset.done $0x0  }
0xa5: {  	s7 =	simm.s32 $0x4E80;
	[sflag:s1] =	ssyncadd.s32 $0xFFFFE0C0  }
0xa6: {  	[spmem:s2] =	stream.indirect.scatter.add.f32 [tilespmem:s22], [sflag:$0x8], $0x40, s7, s17, $0xb8;
	[tilespmem:$0x1AC40] =	vst v63  }
0xa7: {  	_ =	swait.ge [sflag:s0], $0x1F40  }
0xa8: {  	[sflag:s0] =	ssyncset.done $0x0  }
0xa9: {  	[sflag:s0] =	ssyncadd.s32 $0xFFFFE0C0  }
0xaa: {  	_ =	swait.ge [sflag:s16], $0x1F40  }
0xab: {  	[sflag:s16] =	ssyncset.done $0x0  }
0xac: {  	s25 =	simm.s32 $0x4F00;
	[sflag:s16] =	ssyncadd.s32 $0xFFFFE0C0  }
0xad: {  	[spmem:s2] =	stream.indirect.scatter.add.f32 [tilespmem:s24], [sflag:$0x9], $0x40, s25, s17, $0xb8;
	[tilespmem:$0x1AC40] =	vst v63  }
0xae: {  	_ =	swait.ge [sflag:s19], $0x1F40  }
0xaf: {  	[sflag:s19] =	ssyncset.done $0x0  }
0xb0: {  	[sflag:s19] =	ssyncadd.s32 $0xFFFFE0C0  }
0xb1: {  	_ =	swait.ge [sflag:s21], $0x1F40  }
0xb2: {  	[sflag:s21] =	ssyncset.done $0x0  }
0xb3: {  	s7 =	simm.s32 $0x4F80;
	[sflag:s21] =	ssyncadd.s32 $0xFFFFE0C0  }
0xb4: {  	[spmem:s2] =	stream.indirect.scatter.add.f32 [tilespmem:s26], [sflag:$0xA], $0x40, s7, s17, $0xb8;
	[tilespmem:$0x1AC40] =	vst v63  }
0xb5: {  	s25 =	stileid.u32;
	_ =	swait.ge [sflag:s23], $0x1F40  }
0xb6: {  	s3 =	sadd.s32 $0x1, s3;
	s6 =	sshll.u32 s25, $0x6;
	[sflag:s23] =	ssyncset.done $0x0  }
0xb7: {  	p0 =	sne.s32 s3, s13;
	s6 =	sor.u32 $0x1C0B, s6;
	[sflag:s23] =	ssyncadd.s32 $0xFFFFE0C0  }
.Ltmp2:
0xb8: {  	s7 =	sshrl.u32 s5, $0x3;
	[bflag:$0x0] =	sbarrier.arrive $0xFFFF;
	(pc) =	sbr.rel @p0 .LBB2_1-.Ltmp2, $4  }
0xb9: {  	[hbm:s12], [sflag:s6] =	dma.local [spmem:s7], $0x1400  }
0xba: {  	_ =	swait.ge [sflag:s15], $0x1400  }
0xbb: {  	[sflag:s15] =	ssyncset.done $0x0  }
0xbc: {  	[sflag:s15] =	ssyncadd.s32 $0xFFFFEC00  }
0xbd: {  	_ =	sfence.sel $0x180000  }
0xbe: {  	[bflag:$0x0] =	sbarrier.arrive $0xFFFF  }
0xbf: {  	_ =	strace $0x9000004D  }
0xc0: {  	s0 =	stileid.u32;
	[bflag:$0x2] =	sbarrier.arrive $0xFFFF  }
0xc1: {  	p0 =	sne.s32 s0, $0x0;
	s0 =	rddreg [dreg:$0x2]  }
0xc2: {  	s0 =	sadd.s32 @!p0 $0x100000, s0  }
0xc3: {  	[sflag:s0] =	ssyncadd.tile.s32 @!p0 $0x1;
	_ =	shalt  }
.Lfunc_end2:
_tile_overlayer_lowered:
.L_overlay_start_2:
0xc4: {  	(tag) =	ssettag $0x2  }
0xc5: {  	s0 =	rddreg [dreg:$0x0];
	s2 =	stileid.u32  }
0xc6: {  	s1 =	rddreg [dreg:$0x1];
	p0 =	sne.s32 s2, $0x0  }
0xc7: {  	s3 =	rddreg [dreg:$0x2];
	[bflag:$0x3] =	sbarrier.arrive $0xFFFF;
	s2 =	simm.s32 @!p0 $0x1C0B  }
0xc8: {  	[timem:s3], [sflag:s2] =	dma.local @!p0 [hbm:s0], s1  }
0xc9: {  	s0 =	simm.s32 @!p0 $0xB  }
0xca: {  	_ =	swait.ge @!p0 [sflag:s0], s1  }
0xcb: {  	s1 =	ssub.s32 @!p0 $0x0, s1;
	[sflag:s0] =	ssyncset.done @!p0 $0x0  }
0xcc: {  	[sflag:s0] =	ssyncadd.s32 @!p0 s1  }
0xcd: {  	[bflag:$0x3] =	sbarrier.arrive $0xFFFF  }
0xce: {  	_ =	shalt  }

// kernel: kernel.21.cloned.1.call-start
scs
__scs_entry_jumppad:
0x0: {  	(pc) =	sbr.rel $0x88, $3  }
0x1: {  	(tag) =	ssettag $0x0;
	lr =	simm.s32 $0x1  }
0x2: {  	[smem:$0x3F87] =	sst lr;
	_ =	strace $0xD0000000  }
0x3: {  	_ = 	snop  }
0x4: {  	_ = 	snop  }
0x5: {  	_ = 	snop  }
0x6: {  	_ = 	snop  }
0x7: {  	_ = 	snop  }
__scs_overlays_trampoline_lowered:
0x8: {  	[smem:$0x3F96] =	sst s0  }
0x9: {  	[smem:$0x3F97] =	sst s1  }
0xa: {  	[smem:$0x3F98] =	sst s2  }
0xb: {  	[smem:$0x3F99] =	sst s3  }
0xc: {  	[smem:$0x3F9A] =	sst s4  }
0xd: {  	[smem:$0x3F9B] =	sst s5  }
0xe: {  	[smem:$0x3F9C] =	sst s6  }
0xf: {  	[smem:$0x3F9D] =	sst s7  }
0x10: {  	[smem:$0x3F9E] =	sst s8  }
0x11: {  	[smem:$0x3F9F] =	sst s9;
	s0 =	simm.s32 @!p0 $0x0  }
0x12: {  	s1 =	sld [smem:$0x3F85];
	s0 =	simm.s32 @p0 $0x1  }
0x13: {  	[smem:$0x3FA0] =	sst s0;
	s0 =	simm.s32 @!p1 $0x0  }
0x14: {  	s2 =	sld [smem:$0x3F84];
	s0 =	simm.s32 @p1 $0x1  }
0x15: {  	[smem:$0x3FA1] =	sst s0;
	s0 =	simm.s32 @!p2 $0x0  }
0x16: {  	s3 =	sld [smem:$0x3FDB];
	s0 =	simm.s32 @p2 $0x1  }
0x17: {  	s4 =	simm.s32 $0x1BF5;
	[smem:$0x3FA3] =	sst s0  }
0x18: {  	s0 =	sld [smem:$0x3F86];
	_ =	swait.ge [sflag:s4], $0x0  }
0x19: {  	s7 =	sld [smem:$0x3F87]  }
0x1a: {  	s8 =	sadd.s32 $0xFFFFE003, lr  }
0x1b: {  	s9 =	sadd.s32 $0xFFFFFEF7, lr;
	s5 =	simm.s32 $0xFFFFFFFF;
	p2 =	slt.u32 s8, $0xFFFFF086  }
0x1c: {  	p1 =	slt.u32 s9, $0xF7A;
	s5 =	simm.s32 @!p2 $0x0  }
0x1d: {  	s5 =	simm.s32 @p1 $0x1;
	p0 =	seq.s32 s7, s2  }
0x1e: {  	s7 =	smul.u32 @!p0 $0xF7A, s2;
	p2 =	seq.s32 @!p0 s5, $0x0  }
0x1f: {  	s9 =	smul.u32 $0xF7A, s1;
	s8 =	simm.s32 @!p0 $0x1BF5;
	p2 =	por !p2, p0  }
0x20: {  	[sflag:s8] =	ssyncset.s32 @!p0 $0xFFFFF086;
	s6 =	sadd.s32 @!p0 s3, s7;
	s7 =	simm.s32 @!p0 $0x108  }
0x21: {  	s3 =	sadd.s32 s3, s9;
	s6 =	sadd.s32 @!p0 $0x88, s6;
	s7 =	simm.s32 @p2 $0x1082  }
0x22: {  	[simem:s7], [sflag:s8] =	dma.local @!p0 [hbm:s6], $0xF7A  }
0x23: {  	s9 =	sor.u32 $0xD0000000, s2;
	s6 =	simm.s32 $0x108;
	_ =	swait.ge @!p0 [sflag:s8], $0x0  }
0x24: {  	s3 =	sadd.s32 $0x88, s3;
	s6 =	simm.s32 @!p1 $0x1082;
	[sflag:s4] =	ssyncset.s32 $0xFFFFF086  }
0x25: {  	[simem:s6], [sflag:s4] =	dma.local [hbm:s3], $0xF7A  }
0x26: {  	[smem:$0x3F87] =	sst s1;
	(tag) =	ssettag s2;
	_ =	strace s9  }
0x27: {  	s1 =	sld [smem:$0x3F97]  }
0x28: {  	s2 =	sld [smem:$0x3F98]  }
0x29: {  	s4 =	sld [smem:$0x3F9A]  }
0x2a: {  	p0 =	seq.s32 s5, $0x0;
	s5 =	sld [smem:$0x3F9B]  }
0x2b: {  	s6 =	sld [smem:$0x3F9C]  }
0x2c: {  	s7 =	sld [smem:$0x3F9D]  }
0x2d: {  	s3 =	simm.s32 $0x108;
	s8 =	sld [smem:$0x3F9E]  }
0x2e: {  	s3 =	simm.s32 @!p0 $0x1082;
	s9 =	sld [smem:$0x3F9F]  }
0x2f: {  	lr =	sadd.s32 s0, s3;
	s0 =	sld [smem:$0x3F96]  }
0x30: {  	s3 =	sld [smem:$0x3F99]  }
0x31: {  	[smem:$0x3FA2] =	sst s10  }
0x32: {  	s10 =	sld [smem:$0x3FA0];
	_ =	sdelay $0x3  }
0x33: {  	p0 =	seq.s32 s10, $0x1;
	s10 =	sld [smem:$0x3FA2];
	_ =	sdelay $0x3  }
0x34: {  	[smem:$0x3FA2] =	sst s10  }
0x35: {  	s10 =	sld [smem:$0x3FA1];
	_ =	sdelay $0x3  }
0x36: {  	p1 =	seq.s32 s10, $0x1;
	s10 =	sld [smem:$0x3FA2];
	_ =	sdelay $0x3  }
0x37: {  	[smem:$0x3FA2] =	sst s10  }
0x38: {  	s10 =	sld [smem:$0x3FA3]  }
0x39: {  	_ = 	snop;
	(pc) =	sbr.ind lr, $3  }
0x3a: {  	_ = 	snop  }
0x3b: {  	_ = 	snop  }
0x3c: {  	p2 =	seq.s32 s10, $0x1;
	s10 =	sld [smem:$0x3FA2]  }
0x3d: {  	_ =	shalt  }
0x3e: {  	_ =	shalt  }
0x3f: {  	_ =	shalt  }
0x40: {  	_ =	shalt  }
0x41: {  	_ =	shalt  }
0x42: {  	_ =	shalt  }
0x43: {  	_ =	shalt  }
0x44: {  	_ =	shalt  }
0x45: {  	_ =	shalt  }
0x46: {  	_ =	shalt  }
0x47: {  	_ =	shalt  }
0x48: {  	_ =	shalt  }
0x49: {  	_ =	shalt  }
0x4a: {  	_ =	shalt  }
0x4b: {  	_ =	shalt  }
0x4c: {  	_ =	shalt  }
0x4d: {  	_ =	shalt  }
0x4e: {  	_ =	shalt  }
0x4f: {  	_ =	shalt  }
0x50: {  	_ =	shalt  }
0x51: {  	_ =	shalt  }
0x52: {  	_ =	shalt  }
0x53: {  	_ =	shalt  }
0x54: {  	_ =	shalt  }
0x55: {  	_ =	shalt  }
0x56: {  	_ =	shalt  }
0x57: {  	_ =	shalt  }
0x58: {  	_ =	shalt  }
0x59: {  	_ =	shalt  }
0x5a: {  	_ =	shalt  }
0x5b: {  	_ =	shalt  }
0x5c: {  	_ =	shalt  }
0x5d: {  	_ =	shalt  }
0x5e: {  	_ =	shalt  }
0x5f: {  	_ =	shalt  }
0x60: {  	_ =	shalt  }
0x61: {  	_ =	shalt  }
0x62: {  	_ =	shalt  }
0x63: {  	_ =	shalt  }
0x64: {  	_ =	shalt  }
0x65: {  	_ =	shalt  }
0x66: {  	_ =	shalt  }
0x67: {  	_ =	shalt  }
0x68: {  	_ =	shalt  }
0x69: {  	_ =	shalt  }
0x6a: {  	_ =	shalt  }
0x6b: {  	_ =	shalt  }
0x6c: {  	_ =	shalt  }
0x6d: {  	_ =	shalt  }
0x6e: {  	_ =	shalt  }
0x6f: {  	_ =	shalt  }
0x70: {  	_ =	shalt  }
0x71: {  	_ =	shalt  }
0x72: {  	_ =	shalt  }
0x73: {  	_ =	shalt  }
0x74: {  	_ =	shalt  }
0x75: {  	_ =	shalt  }
0x76: {  	_ =	shalt  }
0x77: {  	_ =	shalt  }
0x78: {  	_ =	shalt  }
0x79: {  	_ =	shalt  }
0x7a: {  	_ =	shalt  }
0x7b: {  	_ =	shalt  }
0x7c: {  	_ =	shalt  }
0x7d: {  	_ =	shalt  }
0x7e: {  	_ =	shalt  }
0x7f: {  	_ =	shalt  }
0x80: {  	_ =	shalt  }
0x81: {  	_ =	shalt  }
0x82: {  	_ =	shalt  }
0x83: {  	_ =	shalt  }
0x84: {  	_ =	shalt  }
0x85: {  	_ =	shalt  }
0x86: {  	_ =	shalt  }
0x87: {  	_ =	shalt  }
.Lfunc_end0:
.L_simem_size_0:
called_computation.3_lowered:
.L_overlay_start_0:
0x88: {  	s2 =	sld [smem:$0x3FD9]  }
0x89: {  	s3 =	sld [smem:$0x3FFE];
	_ =	sdelay $0x1  }
0x8a: {  	s1 =	srdreg.scid  }
0x8b: {  	s0 =	sand.u32 $0x1, s1  }
0x8c: {  	s16 =	sshll.u32 s0, $0xA;
	s2 =	sadd.s32 s3, s2  }
0x8d: {  	s2 =	sadd.s32 s2, s16  }
0x8e: {  	[smem:$0x3FAE] =	sst s2  }
0x8f: {  	_ = 	snop  }
0x90: {  	(tm) =	ssettm $0x1  }
0x91: {  	s17 =	sld [smem:$0x3FFB];
	_ =	sdelay $0x3  }
0x92: {  	_ =	strace s17  }
0x93: {  	s2 =	sld [smem:$0x3FFC];
	_ =	sdelay $0x3  }
0x94: {  	_ =	strace s2  }
0x95: {  	s2 =	sld [smem:$0x3FFD];
	_ =	sdelay $0x3  }
0x96: {  	_ =	strace s2  }
0x97: {  	_ =	strace $0x8FFFFFFF  }
0x98: {  	s18 =	sld [smem:$0x3FDB];
	_ =	sdelay $0x1  }
0x99: {  	s19 =	simm.s32 $_scs_section_size  }
0x9a: {  	s4 =	simm.s32 $_size__tile_overlayer_lowered;
	s5 =	simm.s32 $_tile_overlayer_lowered  }
0x9b: {  	s22 =	simm.s32 $0x1BFF;
	s21 =	sshll.u32 s5, $0x1;
	s2 =	sadd.s32 s19, s18  }
0x9c: {  	s6 =	simm.s32 $0x0;
	s20 =	sshll.u32 s4, $0x1;
	s4 =	sadd.s32 s21, s2  }
0x9d: {  	[timem:s6], [sflag:s22] =	dma.local [hbm:s4], s20  }
0x9e: {  	_ =	swait.ge [sflag:s22], s20  }
0x9f: {  	s3 =	ssub.s32 $0x0, s20;
	[sflag:s22] =	ssyncset.done $0x0  }
0xa0: {  	[sflag:s22] =	ssyncadd.s32 s3;
	_ =	sdelay $0x1  }
0xa1: {  	s23 =	simm.s32 $0x1B8B  }
0xa2: {  	_ =	swait.ge [sflag:s23], $0x1  }
0xa3: {  	[sflag:s23] =	ssyncset.done $0x0  }
0xa4: {  	s25 =	simm.s32 $0x1B8E;
	s24 =	sld [smem:$0x3FFE];
	[sflag:s23] =	ssyncadd.s32 $0xFFFFFFFF  }
0xa5: {  	s26 =	simm.s32 $execute0_lowered;
	[smem:$0x3FD2] =	sst s25  }
0xa6: {  	s4 =	sshll.u32 s26, $0x1;
	_ =	strace $0x8000004F;
	[dreg:$0x1] =	wrdreg $0xFFFFFFFF  }
0xa7: {  	s28 =	simm.s32 $_size_execute0_lowered;
	s2 =	sadd.s32 s2, s4;
	[dreg:$0x0] =	wrdreg $0x0  }
0xa8: {  	s4 =	sshll.u32 s28, $0x1;
	[dreg:$0x2] =	wrdreg s2  }
0xa9: {  	[dreg:$0x3] =	wrdreg s4  }
0xaa: {  	[dreg:$0x4] =	wrdreg $0xC0  }
0xab: {  	_ =	task [dreg:s6], $0x5FFFF  }
0xac: {  	[dreg:$0x1] =	wrdreg $0xFFFFFFFF  }
0xad: {  	[dreg:$0x0] =	wrdreg $0x60  }
0xae: {  	[dreg:$0x2] =	wrdreg s24  }
0xaf: {  	[dreg:$0x3] =	wrdreg $0x10C400  }
0xb0: {  	[dreg:$0x4] =	wrdreg $0x9  }
0xb1: {  	_ =	task.clear_ibuf [dreg:s6], $0x5FFFF;
	_ =	strace $0x9000004F  }
0xb2: {  	s29 =	simm.s32 $0x9;
	_ =	strace $0x80000051  }
0xb3: {  	_ =	swait.ge [sflag:s29], $0x1  }
0xb4: {  	[sflag:s29] =	ssyncadd.s32 $0xFFFFFFFF  }
0xb5: {  	_ =	strace $0x90000051  }
0xb6: {  	_ =	sfence  }
0xb7: {  	s30 =	sld [smem:$0x0];
	_ =	sdelay $0x2  }
0xb8: {  	s31 =	sshll.u32 s1, $0xD;
	s1 =	sshrl.u32 s1, $0x2  }
0xb9: {  	s3 =	sand.u32 $0x4000, s31;
	s1 =	sadd.s32 s1, s30  }
0xba: {  	s0 =	sor.u32 s3, s0;
	s1 =	sshll.u32 s1, $0x11  }
0xbb: {  	s0 =	sor.u32 s1, s0  }
0xbc: {  	s0 =	sadd.s32 $0x8F2B, s0  }
0xbd: {  	[sflag:s0] =	ssyncadd.remote.s32 $0x1  }
0xbe: {  	_ =	sfence.sel $0xFFFF  }
0xbf: {  	[dreg:$0x0] =	wrdreg $0xFFFFFFFF;
	(pc) =	sbr.abs _section_cstart, $3  }
0xc0: {  	[dreg:$0x1] =	wrdreg $0xFFFFFFFF  }
0xc1: {  	_ =	task.clear_ibuf [dreg:s6], $0x2FFFF;
	_ =	strace $0x9FFFFFFF  }
0xc2: {  	(tm) =	ssettm $0x7FFFFFFF  }
0xc3: {  	_ =	shalt  }
tec
execute0_lowered:
.L_overlay_start_1:
0x0: {  	(tag) =	ssettag $0x1  }
0x1: {  	s0 =	srdreg.scid  }
0x2: {  	s1 =	rddreg [dreg:$0x0];
	s9 =	stileid.u32  }
0x3: {  	s2 =	rddreg [dreg:$0x1];
	s3 =	simm.s32 $0x0;
	s14 =	simm.s32 $0xEC40  }
0x4: {  	s15 =	simm.s32 $0xB;
	s17 =	simm.s32 $0x7D;
	s18 =	simm.s32 $0x5000  }
0x5: {  	s28 =	simm.s32 $0x1;
	s29 =	simm.s32 $0x6;
	s6 =	smul.u32 $0x2800, s9  }
0x6: {  	s30 =	simm.s32 $0x2;
	s31 =	simm.s32 $0x7;
	s7 =	smul.u32 $0xA000, s9  }
0x7: {  	s16 =	simm.s32 $0x4;
	s0 =	sand.u32 $0x1, s0;
	s21 =	smul.u32 $0x28000, s9  }
0x8: {  	s19 =	simm.s32 $0x9;
	[smem:$0x7FF] =	sst s3;
	s5 =	smul.u32 $0x28000, s0  }
0x9: {  	s4 =	sadd.s32 $0x23600, s1;
	s8 =	smul.u32 $0xA0000, s0;
	s0 =	ssub.s32 $0x2, s0  }
0xa: {  	_ =	strace $0x80000050;
	s23 =	sshrl.u32 s0, $0x1;
	s24 =	sshrl.u32 s21, $0x2  }
0xb: {  	s21 =	simm.s32 $0x5;
	s5 =	sadd.s32 s6, s5;
	s20 =	sadd.s32 s7, s8  }
0xc: {  	s0 =	ssub.s32 s0, s23;
	s6 =	sadd.s32 s24, s2;
	s24 =	simm.s32 $0xADC0  }
0xd: {  	s23 =	simm.s32 $0xA;
	s5 =	sshrl.u32 s5, $0x3;
	s22 =	sshrl.u32 s20, $0x3  }
0xe: {  	s25 =	sadd.s32 $0x2000, s6;
	s26 =	sadd.s32 $0x4000, s6;
	s8 =	sadd.s32 $0x6000, s6  }
0xf: {  	s9 =	sadd.s32 $0x8000, s6;
	s13 =	smax.u32 s0, $0x1;
	s20 =	simm.s32 $0x6F40  }
0x10: {  	s0 =	simm.s32 $0x8;
	s11 =	sadd.s32 s5, s1;
	[dreg:$0x3] =	wrdreg s25  }
0x11: {  	s1 =	sadd.s32 s22, s1;
	s5 =	sadd.s32 s7, s2;
	[dreg:$0x4] =	wrdreg s26  }
0x12: {  	s22 =	simm.s32 $0x8E80;
	s26 =	simm.s32 $0xCD00;
	s10 =	sadd.s32 $0x19600, s11  }
0x13: {  	v0 =	vimm.f32 $0.0e+00;
	s11 =	sadd.s32 $0xF600, s11;
	s12 =	sadd.s32 $0x37000, s1;
	s1 =	simm.s32 $0x3  }
.LBB2_1:
0x14: {  	s25 =	simm.s32 $0x100;
	s6 =	simm.s32 $0x0  }
.LBB2_2:
0x15: {  	p0 =	sne.s32 s25, $0x7F00;
	[tilespmem:s6+$0xEC70] =	vst v0;
	s7 =	smov.u32 s25;
	s25 =	sadd.s32 $0x100, s25  }
.Ltmp0:
0x16: {  	[tilespmem:s6+$0xEC60] =	vst v0;
	(pc) =	sbr.rel @p0 .LBB2_2-.Ltmp0, $3  }
0x17: {  	[tilespmem:s6+$0xEC40] =	vst v0  }
0x18: {  	[tilespmem:s6+$0xEC50] =	vst v0;
	_ =	sdelay $0x1  }
0x19: {  	s6 =	sshra.s32 s7, $0x2  }
0x1a: {  	[tilespmem:s6+$0xEC70] =	vst v0  }
0x1b: {  	[tilespmem:s6+$0xEC60] =	vst v0  }
0x1c: {  	[tilespmem:s6+$0xEC40] =	vst v0  }
0x1d: {  	[tilespmem:s6+$0xEC50] =	vst v0  }
0x1e: {  	[spmem:s5] =	stream.linear.scatter [tilespmem:s14], [sflag:$0xB], $0x2000, $0x38;
	[tilespmem:$0x1AC40] =	vst v63  }
0x1f: {  	_ =	swait.ge [sflag:s15], $0x2000  }
0x20: {  	[sflag:s15] =	ssyncset.done $0x0  }
0x21: {  	s25 =	rddreg [dreg:$0x3];
	[sflag:s15] =	ssyncadd.s32 $0xFFFFE000  }
0x22: {  	[spmem:s25] =	stream.linear.scatter [tilespmem:s14], [sflag:$0xB], $0x2000, $0x38;
	[tilespmem:$0x1AC40] =	vst v63  }
0x23: {  	_ =	swait.ge [sflag:s15], $0x2000  }
0x24: {  	[sflag:s15] =	ssyncset.done $0x0  }
0x25: {  	s7 =	rddreg [dreg:$0x4];
	[sflag:s15] =	ssyncadd.s32 $0xFFFFE000  }
0x26: {  	[spmem:s7] =	stream.linear.scatter [tilespmem:s14], [sflag:$0xB], $0x2000, $0x38;
	[tilespmem:$0x1AC40] =	vst v63  }
0x27: {  	_ =	swait.ge [sflag:s15], $0x2000  }
0x28: {  	[sflag:s15] =	ssyncset.done $0x0  }
0x29: {  	[sflag:s15] =	ssyncadd.s32 $0xFFFFE000  }
0x2a: {  	[spmem:s8] =	stream.linear.scatter [tilespmem:s14], [sflag:$0xB], $0x2000, $0x38;
	[tilespmem:$0x1AC40] =	vst v63  }
0x2b: {  	_ =	swait.ge [sflag:s15], $0x2000  }
0x2c: {  	[sflag:s15] =	ssyncset.done $0x0  }
0x2d: {  	[sflag:s15] =	ssyncadd.s32 $0xFFFFE000  }
0x2e: {  	[spmem:s9] =	stream.linear.scatter [tilespmem:s14], [sflag:$0xB], $0x2000, $0x38;
	[tilespmem:$0x1AC40] =	vst v63  }
0x2f: {  	_ =	swait.ge [sflag:s15], $0x2000  }
0x30: {  	[sflag:s15] =	ssyncset.done $0x0  }
0x31: {  	[sflag:s15] =	ssyncadd.s32 $0xFFFFE000  }
0x32: {  	s25 =	simm.s32 $0x0;
	[bflag:$0x0] =	sbarrier.arrive $0xFFFF  }
0x33: {  	[tilespmem:s25], [sflag:$0xB] =	stream.linear.gather [hbm4b:s10+s25], $0x2800, $0x38;
	[tilespmem:$0x1AC40] =	vst v63  }
0x34: {  	_ =	swait.ge [sflag:s15], $0x2800  }
0x35: {  	[sflag:s15] =	ssyncset.done $0x0  }
0x36: {  	s7 =	simm.s32 $0x2800;
	[sflag:s15] =	ssyncadd.s32 $0xFFFFD800  }
0x37: {  	[tilespmem:s7], [sflag:$0xB] =	stream.linear.gather [hbm4b:s11+s25], $0x2800, $0x38;
	[tilespmem:$0x1AC40] =	vst v63  }
0x38: {  	_ =	swait.ge [sflag:s15], $0x2800  }
0x39: {  	[sflag:s15] =	ssyncset.done $0x0  }
0x3a: {  	[sflag:s15] =	ssyncadd.s32 $0xFFFFD800  }
0x3b: {  	[tilespmem:s18], [sflag:$0x1] =	stream.indirect.gather [hbm4b:s4+s17], $0x40, s25, s17, $0xb8;
	[tilespmem:$0x1AC40] =	vst v63  }
0x3c: {  	s25 =	simm.s32 $0x80  }
0x3d: {  	[tilespmem:s20], [sflag:$0x2] =	stream.indirect.gather [hbm4b:s4+s17], $0x40, s25, s17, $0xb8;
	[tilespmem:$0x1AC40] =	vst v63  }
0x3e: {  	s7 =	simm.s32 $0x100  }
0x3f: {  	[tilespmem:s22], [sflag:$0x3] =	stream.indirect.gather [hbm4b:s4+s17], $0x40, s7, s17, $0xb8;
	[tilespmem:$0x1AC40] =	vst v63  }
0x40: {  	s25 =	simm.s32 $0x180  }
0x41: {  	[tilespmem:s24], [sflag:$0x4] =	stream.indirect.gather [hbm4b:s4+s17], $0x40, s25, s17, $0xb8;
	[tilespmem:$0x1AC40] =	vst v63  }
0x42: {  	s7 =	simm.s32 $0x200  }
0x43: {  	[tilespmem:s26], [sflag:$0x5] =	stream.indirect.gather [hbm4b:s4+s17], $0x40, s7, s17, $0xb8;
	[tilespmem:$0x1AC40] =	vst v63  }
0x44: {  	_ =	swait.ge [sflag:s28], $0x1F40  }
0x45: {  	[sflag:s28] =	ssyncset.done $0x0  }
0x46: {  	s25 =	simm.s32 $0x2800;
	[sflag:s28] =	ssyncadd.s32 $0xFFFFE0C0  }
0x47: {  	[spmem:s2] =	stream.indirect.scatter.add.f32 [tilespmem:s18], [sflag:$0x6], $0x40, s25, s17, $0xb8;
	[tilespmem:$0x1AC40] =	vst v63  }
0x48: {  	_ =	swait.ge [sflag:s29], $0x1F40  }
0x49: {  	[sflag:s29] =	ssyncset.done $0x0  }
0x4a: {  	s7 =	simm.s32 $0x280;
	[sflag:s29] =	ssyncadd.s32 $0xFFFFE0C0  }
0x4b: {  	[tilespmem:s18], [sflag:$0x1] =	stream.indirect.gather [hbm4b:s4+s17], $0x40, s7, s17, $0xb8;
	[tilespmem:$0x1AC40] =	vst v63  }
0x4c: {  	_ =	swait.ge [sflag:s30], $0x1F40  }
0x4d: {  	[sflag:s30] =	ssyncset.done $0x0  }
0x4e: {  	s25 =	simm.s32 $0x2880;
	[sflag:s30] =	ssyncadd.s32 $0xFFFFE0C0  }
0x4f: {  	[spmem:s2] =	stream.indirect.scatter.add.f32 [tilespmem:s20], [sflag:$0x7], $0x40, s25, s17, $0xb8;
	[tilespmem:$0x1AC40] =	vst v63  }
0x50: {  	_ =	swait.ge [sflag:s31], $0x1F40  }
0x51: {  	[sflag:s31] =	ssyncset.done $0x0  }
0x52: {  	s7 =	simm.s32 $0x300;
	[sflag:s31] =	ssyncadd.s32 $0xFFFFE0C0  }
0x53: {  	[tilespmem:s20], [sflag:$0x2] =	stream.indirect.gather [hbm4b:s4+s17], $0x40, s7, s17, $0xb8;
	[tilespmem:$0x1AC40] =	vst v63  }
0x54: {  	_ =	swait.ge [sflag:s1], $0x1F40  }
0x55: {  	[sflag:s1] =	ssyncset.done $0x0  }
0x56: {  	s25 =	simm.s32 $0x2900;
	[sflag:s1] =	ssyncadd.s32 $0xFFFFE0C0  }
0x57: {  	[spmem:s2] =	stream.indirect.scatter.add.f32 [tilespmem:s22], [sflag:$0x8], $0x40, s25, s17, $0xb8;
	[tilespmem:$0x1AC40] =	vst v63  }
0x58: {  	_ =	swait.ge [sflag:s0], $0x1F40  }
0x59: {  	[sflag:s0] =	ssyncset.done $0x0  }
0x5a: {  	s7 =	simm.s32 $0x380;
	[sflag:s0] =	ssyncadd.s32 $0xFFFFE0C0  }
0x5b: {  	[tilespmem:s22], [sflag:$0x3] =	stream.indirect.gather [hbm4b:s4+s17], $0x40, s7, s17, $0xb8;
	[tilespmem:$0x1AC40] =	vst v63  }
0x5c: {  	_ =	swait.ge [sflag:s16], $0x1F40  }
0x5d: {  	[sflag:s16] =	ssyncset.done $0x0  }
0x5e: {  	s25 =	simm.s32 $0x2980;
	[sflag:s16] =	ssyncadd.s32 $0xFFFFE0C0  }
0x5f: {  	[spmem:s2] =	stream.indirect.scatter.add.f32 [tilespmem:s24], [sflag:$0x9], $0x40, s25, s17, $0xb8;
	[tilespmem:$0x1AC40] =	vst v63  }
0x60: {  	_ =	swait.ge [sflag:s19], $0x1F40  }
0x61: {  	[sflag:s19] =	ssyncset.done $0x0  }
0x62: {  	s7 =	simm.s32 $0x400;
	[sflag:s19] =	ssyncadd.s32 $0xFFFFE0C0  }
0x63: {  	[tilespmem:s24], [sflag:$0x4] =	stream.indirect.gather [hbm4b:s4+s17], $0x40, s7, s17, $0xb8;
	[tilespmem:$0x1AC40] =	vst v63  }
0x64: {  	_ =	swait.ge [sflag:s21], $0x1F40  }
0x65: {  	[sflag:s21] =	ssyncset.done $0x0  }
0x66: {  	s25 =	simm.s32 $0x2A00;
	[sflag:s21] =	ssyncadd.s32 $0xFFFFE0C0  }
0x67: {  	[spmem:s2] =	stream.indirect.scatter.add.f32 [tilespmem:s26], [sflag:$0xA], $0x40, s25, s17, $0xb8;
	[tilespmem:$0x1AC40] =	vst v63  }
0x68: {  	_ =	swait.ge [sflag:s23], $0x1F40  }
0x69: {  	[sflag:s23] =	ssyncset.done $0x0  }
0x6a: {  	s6 =	simm.s32 $0x480;
	s25 =	simm.s32 $0xA00;
	[sflag:s23] =	ssyncadd.s32 $0xFFFFE0C0  }
.LBB2_4:
0x6b: {  	[tilespmem:s26], [sflag:$0x5] =	stream.indirect.gather [hbm4b:s4+s17], $0x40, s6, s17, $0xb8;
	[tilespmem:$0x1AC40] =	vst v63  }
0x6c: {  	s6 =	smov.u32 s25  }
0x6d: {  	p0 =	sne.s32 s25, $0x8C00;
	s25 =	sadd.s32 $0xA00, s25;
	_ =	swait.ge [sflag:s28], $0x1F40  }
0x6e: {  	s6 =	sshra.s32 s6, $0x2;
	[sflag:s28] =	ssyncset.done $0x0  }
0x6f: {  	s7 =	sadd.s32 $0x2800, s6;
	[sflag:s28] =	ssyncadd.s32 $0xFFFFE0C0  }
0x70: {  	[spmem:s2] =	stream.indirect.scatter.add.f32 [tilespmem:s18], [sflag:$0x6], $0x40, s7, s17, $0xb8;
	[tilespmem:$0x1AC40] =	vst v63  }
0x71: {  	_ =	swait.ge [sflag:s29], $0x1F40  }
0x72: {  	[sflag:s29] =	ssyncset.done $0x0  }
0x73: {  	s7 =	sadd.s32 $0x280, s6;
	[sflag:s29] =	ssyncadd.s32 $0xFFFFE0C0  }
0x74: {  	[tilespmem:s18], [sflag:$0x1] =	stream.indirect.gather [hbm4b:s4+s17], $0x40, s7, s17, $0xb8;
	[tilespmem:$0x1AC40] =	vst v63  }
0x75: {  	_ =	swait.ge [sflag:s30], $0x1F40  }
0x76: {  	[sflag:s30] =	ssyncset.done $0x0  }
0x77: {  	s7 =	sadd.s32 $0x2880, s6;
	[sflag:s30] =	ssyncadd.s32 $0xFFFFE0C0  }
0x78: {  	[spmem:s2] =	stream.indirect.scatter.add.f32 [tilespmem:s20], [sflag:$0x7], $0x40, s7, s17, $0xb8;
	[tilespmem:$0x1AC40] =	vst v63  }
0x79: {  	_ =	swait.ge [sflag:s31], $0x1F40  }
0x7a: {  	[sflag:s31] =	ssyncset.done $0x0  }
0x7b: {  	s7 =	sadd.s32 $0x300, s6;
	[sflag:s31] =	ssyncadd.s32 $0xFFFFE0C0  }
0x7c: {  	[tilespmem:s20], [sflag:$0x2] =	stream.indirect.gather [hbm4b:s4+s17], $0x40, s7, s17, $0xb8;
	[tilespmem:$0x1AC40] =	vst v63  }
0x7d: {  	_ =	swait.ge [sflag:s1], $0x1F40  }
0x7e: {  	[sflag:s1] =	ssyncset.done $0x0  }
0x7f: {  	s7 =	sadd.s32 $0x2900, s6;
	[sflag:s1] =	ssyncadd.s32 $0xFFFFE0C0  }
0x80: {  	[spmem:s2] =	stream.indirect.scatter.add.f32 [tilespmem:s22], [sflag:$0x8], $0x40, s7, s17, $0xb8;
	[tilespmem:$0x1AC40] =	vst v63  }
0x81: {  	_ =	swait.ge [sflag:s0], $0x1F40  }
0x82: {  	[sflag:s0] =	ssyncset.done $0x0  }
0x83: {  	s7 =	sadd.s32 $0x380, s6;
	[sflag:s0] =	ssyncadd.s32 $0xFFFFE0C0  }
0x84: {  	[tilespmem:s22], [sflag:$0x3] =	stream.indirect.gather [hbm4b:s4+s17], $0x40, s7, s17, $0xb8;
	[tilespmem:$0x1AC40] =	vst v63  }
0x85: {  	_ =	swait.ge [sflag:s16], $0x1F40  }
0x86: {  	[sflag:s16] =	ssyncset.done $0x0  }
0x87: {  	s7 =	sadd.s32 $0x2980, s6;
	[sflag:s16] =	ssyncadd.s32 $0xFFFFE0C0  }
0x88: {  	[spmem:s2] =	stream.indirect.scatter.add.f32 [tilespmem:s24], [sflag:$0x9], $0x40, s7, s17, $0xb8;
	[tilespmem:$0x1AC40] =	vst v63  }
0x89: {  	_ =	swait.ge [sflag:s19], $0x1F40  }
0x8a: {  	[sflag:s19] =	ssyncset.done $0x0  }
0x8b: {  	s7 =	sadd.s32 $0x400, s6;
	[sflag:s19] =	ssyncadd.s32 $0xFFFFE0C0  }
0x8c: {  	[tilespmem:s24], [sflag:$0x4] =	stream.indirect.gather [hbm4b:s4+s17], $0x40, s7, s17, $0xb8;
	[tilespmem:$0x1AC40] =	vst v63  }
0x8d: {  	_ =	swait.ge [sflag:s21], $0x1F40  }
0x8e: {  	[sflag:s21] =	ssyncset.done $0x0  }
.Ltmp1:
0x8f: {  	s7 =	sadd.s32 $0x2A00, s6;
	[sflag:s21] =	ssyncadd.s32 $0xFFFFE0C0;
	(pc) =	sbr.rel @p0 .LBB2_4-.Ltmp1, $4  }
0x90: {  	[spmem:s2] =	stream.indirect.scatter.add.f32 [tilespmem:s26], [sflag:$0xA], $0x40, s7, s17, $0xb8;
	[tilespmem:$0x1AC40] =	vst v63  }
0x91: {  	_ =	swait.ge [sflag:s23], $0x1F40  }
0x92: {  	[sflag:s23] =	ssyncset.done $0x0  }
0x93: {  	s6 =	sadd.s32 $0x480, s6;
	[sflag:s23] =	ssyncadd.s32 $0xFFFFE0C0  }
0x94: {  	[tilespmem:s26], [sflag:$0x5] =	stream.indirect.gather [hbm4b:s4+s17], $0x40, s6, s17, $0xb8;
	[tilespmem:$0x1AC40] =	vst v63  }
0x95: {  	_ =	swait.ge [sflag:s28], $0x1F40  }
0x96: {  	[sflag:s28] =	ssyncset.done $0x0  }
0x97: {  	s7 =	simm.s32 $0x4D80;
	[sflag:s28] =	ssyncadd.s32 $0xFFFFE0C0  }
0x98: {  	[spmem:s2] =	stream.indirect.scatter.add.f32 [tilespmem:s18], [sflag:$0x6], $0x40, s7, s17, $0xb8;
	[tilespmem:$0x1AC40] =	vst v63  }
0x99: {  	_ =	swait.ge [sflag:s29], $0x1F40  }
0x9a: {  	[sflag:s29] =	ssyncset.done $0x0  }
0x9b: {  	[sflag:s29] =	ssyncadd.s32 $0xFFFFE0C0  }
0x9c: {  	_ =	swait.ge [sflag:s30], $0x1F40  }
0x9d: {  	[sflag:s30] =	ssyncset.done $0x0  }
0x9e: {  	s25 =	simm.s32 $0x4E00;
	[sflag:s30] =	ssyncadd.s32 $0xFFFFE0C0  }
0x9f: {  	[spmem:s2] =	stream.indirect.scatter.add.f32 [tilespmem:s20], [sflag:$0x7], $0x40, s25, s17, $0xb8;
	[tilespmem:$0x1AC40] =	vst v63  }
0xa0: {  	_ =	swait.ge [sflag:s31], $0x1F40  }
0xa1: {  	[sflag:s31] =	ssyncset.done $0x0  }
0xa2: {  	[sflag:s31] =	ssyncadd.s32 $0xFFFFE0C0  }
0xa3: {  	_ =	swait.ge [sflag:s1], $0x1F40  }
0xa4: {  	[sflag:s1] =	ssyncset.done $0x0  }
0xa5: {  	s7 =	simm.s32 $0x4E80;
	[sflag:s1] =	ssyncadd.s32 $0xFFFFE0C0  }
0xa6: {  	[spmem:s2] =	stream.indirect.scatter.add.f32 [tilespmem:s22], [sflag:$0x8], $0x40, s7, s17, $0xb8;
	[tilespmem:$0x1AC40] =	vst v63  }
0xa7: {  	_ =	swait.ge [sflag:s0], $0x1F40  }
0xa8: {  	[sflag:s0] =	ssyncset.done $0x0  }
0xa9: {  	[sflag:s0] =	ssyncadd.s32 $0xFFFFE0C0  }
0xaa: {  	_ =	swait.ge [sflag:s16], $0x1F40  }
0xab: {  	[sflag:s16] =	ssyncset.done $0x0  }
0xac: {  	s25 =	simm.s32 $0x4F00;
	[sflag:s16] =	ssyncadd.s32 $0xFFFFE0C0  }
0xad: {  	[spmem:s2] =	stream.indirect.scatter.add.f32 [tilespmem:s24], [sflag:$0x9], $0x40, s25, s17, $0xb8;
	[tilespmem:$0x1AC40] =	vst v63  }
0xae: {  	_ =	swait.ge [sflag:s19], $0x1F40  }
0xaf: {  	[sflag:s19] =	ssyncset.done $0x0  }
0xb0: {  	[sflag:s19] =	ssyncadd.s32 $0xFFFFE0C0  }
0xb1: {  	_ =	swait.ge [sflag:s21], $0x1F40  }
0xb2: {  	[sflag:s21] =	ssyncset.done $0x0  }
0xb3: {  	s7 =	simm.s32 $0x4F80;
	[sflag:s21] =	ssyncadd.s32 $0xFFFFE0C0  }
0xb4: {  	[spmem:s2] =	stream.indirect.scatter.add.f32 [tilespmem:s26], [sflag:$0xA], $0x40, s7, s17, $0xb8;
	[tilespmem:$0x1AC40] =	vst v63  }
0xb5: {  	s25 =	stileid.u32;
	_ =	swait.ge [sflag:s23], $0x1F40  }
0xb6: {  	s3 =	sadd.s32 $0x1, s3;
	s6 =	sshll.u32 s25, $0x6;
	[sflag:s23] =	ssyncset.done $0x0  }
0xb7: {  	p0 =	sne.s32 s3, s13;
	s6 =	sor.u32 $0x1C0B, s6;
	[sflag:s23] =	ssyncadd.s32 $0xFFFFE0C0  }
.Ltmp2:
0xb8: {  	s7 =	sshrl.u32 s5, $0x3;
	[bflag:$0x0] =	sbarrier.arrive $0xFFFF;
	(pc) =	sbr.rel @p0 .LBB2_1-.Ltmp2, $4  }
0xb9: {  	[hbm:s12], [sflag:s6] =	dma.local [spmem:s7], $0x1400  }
0xba: {  	_ =	swait.ge [sflag:s15], $0x1400  }
0xbb: {  	[sflag:s15] =	ssyncset.done $0x0  }
0xbc: {  	[sflag:s15] =	ssyncadd.s32 $0xFFFFEC00  }
0xbd: {  	_ =	sfence.sel $0x180000  }
0xbe: {  	[bflag:$0x0] =	sbarrier.arrive $0xFFFF  }
0xbf: {  	_ =	strace $0x90000050  }
0xc0: {  	s0 =	stileid.u32;
	[bflag:$0x2] =	sbarrier.arrive $0xFFFF  }
0xc1: {  	p0 =	sne.s32 s0, $0x0;
	s0 =	rddreg [dreg:$0x2]  }
0xc2: {  	s0 =	sadd.s32 @!p0 $0x100000, s0  }
0xc3: {  	[sflag:s0] =	ssyncadd.tile.s32 @!p0 $0x1;
	_ =	shalt  }
.Lfunc_end2:
_tile_overlayer_lowered:
.L_overlay_start_2:
0xc4: {  	(tag) =	ssettag $0x2  }
0xc5: {  	s0 =	rddreg [dreg:$0x0];
	s2 =	stileid.u32  }
0xc6: {  	s1 =	rddreg [dreg:$0x1];
	p0 =	sne.s32 s2, $0x0  }
0xc7: {  	s3 =	rddreg [dreg:$0x2];
	[bflag:$0x3] =	sbarrier.arrive $0xFFFF;
	s2 =	simm.s32 @!p0 $0x1C0B  }
0xc8: {  	[timem:s3], [sflag:s2] =	dma.local @!p0 [hbm:s0], s1  }
0xc9: {  	s0 =	simm.s32 @!p0 $0xB  }
0xca: {  	_ =	swait.ge @!p0 [sflag:s0], s1  }
0xcb: {  	s1 =	ssub.s32 @!p0 $0x0, s1;
	[sflag:s0] =	ssyncset.done @!p0 $0x0  }
0xcc: {  	[sflag:s0] =	ssyncadd.s32 @!p0 s1  }
0xcd: {  	[bflag:$0x3] =	sbarrier.arrive $0xFFFF  }
0xce: {  	_ =	shalt  }

// kernel: kernel.24.cloned.1.call-start
scs
__scs_entry_jumppad:
0x0: {  	(pc) =	sbr.rel $0x88, $3  }
0x1: {  	(tag) =	ssettag $0x0;
	lr =	simm.s32 $0x1  }
0x2: {  	[smem:$0x3F87] =	sst lr;
	_ =	strace $0xD0000000  }
0x3: {  	_ = 	snop  }
0x4: {  	_ = 	snop  }
0x5: {  	_ = 	snop  }
0x6: {  	_ = 	snop  }
0x7: {  	_ = 	snop  }
__scs_overlays_trampoline_lowered:
0x8: {  	[smem:$0x3F96] =	sst s0  }
0x9: {  	[smem:$0x3F97] =	sst s1  }
0xa: {  	[smem:$0x3F98] =	sst s2  }
0xb: {  	[smem:$0x3F99] =	sst s3  }
0xc: {  	[smem:$0x3F9A] =	sst s4  }
0xd: {  	[smem:$0x3F9B] =	sst s5  }
0xe: {  	[smem:$0x3F9C] =	sst s6  }
0xf: {  	[smem:$0x3F9D] =	sst s7  }
0x10: {  	[smem:$0x3F9E] =	sst s8  }
0x11: {  	[smem:$0x3F9F] =	sst s9;
	s0 =	simm.s32 @!p0 $0x0  }
0x12: {  	s1 =	sld [smem:$0x3F85];
	s0 =	simm.s32 @p0 $0x1  }
0x13: {  	[smem:$0x3FA0] =	sst s0;
	s0 =	simm.s32 @!p1 $0x0  }
0x14: {  	s2 =	sld [smem:$0x3F84];
	s0 =	simm.s32 @p1 $0x1  }
0x15: {  	[smem:$0x3FA1] =	sst s0;
	s0 =	simm.s32 @!p2 $0x0  }
0x16: {  	s3 =	sld [smem:$0x3FDB];
	s0 =	simm.s32 @p2 $0x1  }
0x17: {  	s4 =	simm.s32 $0x1BF5;
	[smem:$0x3FA3] =	sst s0  }
0x18: {  	s0 =	sld [smem:$0x3F86];
	_ =	swait.ge [sflag:s4], $0x0  }
0x19: {  	s7 =	sld [smem:$0x3F87]  }
0x1a: {  	s8 =	sadd.s32 $0xFFFFE003, lr  }
0x1b: {  	s9 =	sadd.s32 $0xFFFFFEF7, lr;
	s5 =	simm.s32 $0xFFFFFFFF;
	p2 =	slt.u32 s8, $0xFFFFF086  }
0x1c: {  	p1 =	slt.u32 s9, $0xF7A;
	s5 =	simm.s32 @!p2 $0x0  }
0x1d: {  	s5 =	simm.s32 @p1 $0x1;
	p0 =	seq.s32 s7, s2  }
0x1e: {  	s7 =	smul.u32 @!p0 $0xF7A, s2;
	p2 =	seq.s32 @!p0 s5, $0x0  }
0x1f: {  	s9 =	smul.u32 $0xF7A, s1;
	s8 =	simm.s32 @!p0 $0x1BF5;
	p2 =	por !p2, p0  }
0x20: {  	[sflag:s8] =	ssyncset.s32 @!p0 $0xFFFFF086;
	s6 =	sadd.s32 @!p0 s3, s7;
	s7 =	simm.s32 @!p0 $0x108  }
0x21: {  	s3 =	sadd.s32 s3, s9;
	s6 =	sadd.s32 @!p0 $0x88, s6;
	s7 =	simm.s32 @p2 $0x1082  }
0x22: {  	[simem:s7], [sflag:s8] =	dma.local @!p0 [hbm:s6], $0xF7A  }
0x23: {  	s9 =	sor.u32 $0xD0000000, s2;
	s6 =	simm.s32 $0x108;
	_ =	swait.ge @!p0 [sflag:s8], $0x0  }
0x24: {  	s3 =	sadd.s32 $0x88, s3;
	s6 =	simm.s32 @!p1 $0x1082;
	[sflag:s4] =	ssyncset.s32 $0xFFFFF086  }
0x25: {  	[simem:s6], [sflag:s4] =	dma.local [hbm:s3], $0xF7A  }
0x26: {  	[smem:$0x3F87] =	sst s1;
	(tag) =	ssettag s2;
	_ =	strace s9  }
0x27: {  	s1 =	sld [smem:$0x3F97]  }
0x28: {  	s2 =	sld [smem:$0x3F98]  }
0x29: {  	s4 =	sld [smem:$0x3F9A]  }
0x2a: {  	p0 =	seq.s32 s5, $0x0;
	s5 =	sld [smem:$0x3F9B]  }
0x2b: {  	s6 =	sld [smem:$0x3F9C]  }
0x2c: {  	s7 =	sld [smem:$0x3F9D]  }
0x2d: {  	s3 =	simm.s32 $0x108;
	s8 =	sld [smem:$0x3F9E]  }
0x2e: {  	s3 =	simm.s32 @!p0 $0x1082;
	s9 =	sld [smem:$0x3F9F]  }
0x2f: {  	lr =	sadd.s32 s0, s3;
	s0 =	sld [smem:$0x3F96]  }
0x30: {  	s3 =	sld [smem:$0x3F99]  }
0x31: {  	[smem:$0x3FA2] =	sst s10  }
0x32: {  	s10 =	sld [smem:$0x3FA0];
	_ =	sdelay $0x3  }
0x33: {  	p0 =	seq.s32 s10, $0x1;
	s10 =	sld [smem:$0x3FA2];
	_ =	sdelay $0x3  }
0x34: {  	[smem:$0x3FA2] =	sst s10  }
0x35: {  	s10 =	sld [smem:$0x3FA1];
	_ =	sdelay $0x3  }
0x36: {  	p1 =	seq.s32 s10, $0x1;
	s10 =	sld [smem:$0x3FA2];
	_ =	sdelay $0x3  }
0x37: {  	[smem:$0x3FA2] =	sst s10  }
0x38: {  	s10 =	sld [smem:$0x3FA3]  }
0x39: {  	_ = 	snop;
	(pc) =	sbr.ind lr, $3  }
0x3a: {  	_ = 	snop  }
0x3b: {  	_ = 	snop  }
0x3c: {  	p2 =	seq.s32 s10, $0x1;
	s10 =	sld [smem:$0x3FA2]  }
0x3d: {  	_ =	shalt  }
0x3e: {  	_ =	shalt  }
0x3f: {  	_ =	shalt  }
0x40: {  	_ =	shalt  }
0x41: {  	_ =	shalt  }
0x42: {  	_ =	shalt  }
0x43: {  	_ =	shalt  }
0x44: {  	_ =	shalt  }
0x45: {  	_ =	shalt  }
0x46: {  	_ =	shalt  }
0x47: {  	_ =	shalt  }
0x48: {  	_ =	shalt  }
0x49: {  	_ =	shalt  }
0x4a: {  	_ =	shalt  }
0x4b: {  	_ =	shalt  }
0x4c: {  	_ =	shalt  }
0x4d: {  	_ =	shalt  }
0x4e: {  	_ =	shalt  }
0x4f: {  	_ =	shalt  }
0x50: {  	_ =	shalt  }
0x51: {  	_ =	shalt  }
0x52: {  	_ =	shalt  }
0x53: {  	_ =	shalt  }
0x54: {  	_ =	shalt  }
0x55: {  	_ =	shalt  }
0x56: {  	_ =	shalt  }
0x57: {  	_ =	shalt  }
0x58: {  	_ =	shalt  }
0x59: {  	_ =	shalt  }
0x5a: {  	_ =	shalt  }
0x5b: {  	_ =	shalt  }
0x5c: {  	_ =	shalt  }
0x5d: {  	_ =	shalt  }
0x5e: {  	_ =	shalt  }
0x5f: {  	_ =	shalt  }
0x60: {  	_ =	shalt  }
0x61: {  	_ =	shalt  }
0x62: {  	_ =	shalt  }
0x63: {  	_ =	shalt  }
0x64: {  	_ =	shalt  }
0x65: {  	_ =	shalt  }
0x66: {  	_ =	shalt  }
0x67: {  	_ =	shalt  }
0x68: {  	_ =	shalt  }
0x69: {  	_ =	shalt  }
0x6a: {  	_ =	shalt  }
0x6b: {  	_ =	shalt  }
0x6c: {  	_ =	shalt  }
0x6d: {  	_ =	shalt  }
0x6e: {  	_ =	shalt  }
0x6f: {  	_ =	shalt  }
0x70: {  	_ =	shalt  }
0x71: {  	_ =	shalt  }
0x72: {  	_ =	shalt  }
0x73: {  	_ =	shalt  }
0x74: {  	_ =	shalt  }
0x75: {  	_ =	shalt  }
0x76: {  	_ =	shalt  }
0x77: {  	_ =	shalt  }
0x78: {  	_ =	shalt  }
0x79: {  	_ =	shalt  }
0x7a: {  	_ =	shalt  }
0x7b: {  	_ =	shalt  }
0x7c: {  	_ =	shalt  }
0x7d: {  	_ =	shalt  }
0x7e: {  	_ =	shalt  }
0x7f: {  	_ =	shalt  }
0x80: {  	_ =	shalt  }
0x81: {  	_ =	shalt  }
0x82: {  	_ =	shalt  }
0x83: {  	_ =	shalt  }
0x84: {  	_ =	shalt  }
0x85: {  	_ =	shalt  }
0x86: {  	_ =	shalt  }
0x87: {  	_ =	shalt  }
.Lfunc_end0:
.L_simem_size_0:
called_computation.4_lowered:
.L_overlay_start_0:
0x88: {  	s2 =	sld [smem:$0x3FD9]  }
0x89: {  	s3 =	sld [smem:$0x3FFE];
	_ =	sdelay $0x1  }
0x8a: {  	s1 =	srdreg.scid  }
0x8b: {  	s0 =	sand.u32 $0x1, s1  }
0x8c: {  	s17 =	sshll.u32 s0, $0xA;
	s2 =	sadd.s32 s3, s2  }
0x8d: {  	s2 =	sadd.s32 s2, s17  }
0x8e: {  	[smem:$0x3FAE] =	sst s2  }
0x8f: {  	_ = 	snop  }
0x90: {  	s2 =	sld [smem:$0x3FC7]  }
0x91: {  	s18 =	sld [smem:$0x3FC6];
	(tm) =	ssettm $0x1  }
0x92: {  	s4 =	sld [smem:$0x3FFB];
	_ =	sdelay $0x3  }
0x93: {  	_ =	strace s4  }
0x94: {  	s4 =	sld [smem:$0x3FFC];
	_ =	sdelay $0x3  }
0x95: {  	_ =	strace s4  }
0x96: {  	s4 =	sld [smem:$0x3FFD];
	_ =	sdelay $0x3  }
0x97: {  	_ =	strace s4  }
0x98: {  	_ =	strace $0x8FFFFFFF  }
0x99: {  	s19 =	sld [smem:$0x3FDB];
	_ =	sdelay $0x1  }
0x9a: {  	s5 =	simm.s32 $_scs_section_size  }
0x9b: {  	s6 =	simm.s32 $_size__tile_overlayer_lowered;
	s7 =	simm.s32 $_tile_overlayer_lowered  }
0x9c: {  	s22 =	simm.s32 $0x1BFF;
	s21 =	sshll.u32 s7, $0x1;
	s4 =	sadd.s32 s5, s19  }
0x9d: {  	s8 =	simm.s32 $0x0;
	s20 =	sshll.u32 s6, $0x1;
	s6 =	sadd.s32 s21, s4  }
0x9e: {  	[timem:s8], [sflag:s22] =	dma.local [hbm:s6], s20  }
0x9f: {  	_ =	swait.ge [sflag:s22], s20  }
0xa0: {  	s5 =	ssub.s32 $0x0, s20;
	[sflag:s22] =	ssyncset.done $0x0  }
0xa1: {  	[sflag:s22] =	ssyncadd.s32 s5;
	_ =	sdelay $0x1  }
0xa2: {  	s23 =	simm.s32 $0x1B8B  }
0xa3: {  	_ =	swait.ge [sflag:s23], $0x1  }
0xa4: {  	[sflag:s23] =	ssyncset.done $0x0  }
0xa5: {  	s25 =	simm.s32 $0x1B8E;
	s24 =	sld [smem:$0x3FFE];
	[sflag:s23] =	ssyncadd.s32 $0xFFFFFFFF  }
0xa6: {  	s26 =	simm.s32 $execute0_lowered;
	[smem:$0x3FD2] =	sst s25  }
0xa7: {  	s6 =	sshll.u32 s26, $0x1;
	_ =	strace $0x80000052;
	[dreg:$0x1] =	wrdreg $0xFFFFFFFF  }
0xa8: {  	s28 =	simm.s32 $_size_execute0_lowered;
	s4 =	sadd.s32 s4, s6;
	[dreg:$0x0] =	wrdreg $0x0  }
0xa9: {  	s6 =	sshll.u32 s28, $0x1;
	[dreg:$0x2] =	wrdreg s4  }
0xaa: {  	[dreg:$0x3] =	wrdreg s6  }
0xab: {  	[dreg:$0x4] =	wrdreg $0xC0  }
0xac: {  	_ =	task [dreg:s8], $0x5FFFF  }
0xad: {  	[dreg:$0x1] =	wrdreg $0xFFFFFFFF  }
0xae: {  	[dreg:$0x0] =	wrdreg $0x60  }
0xaf: {  	[dreg:$0x2] =	wrdreg s24  }
0xb0: {  	[dreg:$0x3] =	wrdreg s2  }
0xb1: {  	[dreg:$0x4] =	wrdreg s18  }
0xb2: {  	[dreg:$0x5] =	wrdreg $0x9  }
0xb3: {  	_ =	task.clear_ibuf [dreg:s8], $0x6FFFF;
	_ =	strace $0x90000052  }
0xb4: {  	s29 =	simm.s32 $0x9;
	_ =	strace $0x80000054  }
0xb5: {  	_ =	swait.ge [sflag:s29], $0x1  }
0xb6: {  	[sflag:s29] =	ssyncadd.s32 $0xFFFFFFFF  }
0xb7: {  	_ =	strace $0x90000054  }
0xb8: {  	_ =	sfence  }
0xb9: {  	s30 =	sld [smem:$0x0];
	_ =	sdelay $0x2  }
0xba: {  	s31 =	sshll.u32 s1, $0xD;
	s1 =	sshrl.u32 s1, $0x2  }
0xbb: {  	s3 =	sand.u32 $0x4000, s31;
	s1 =	sadd.s32 s1, s30  }
0xbc: {  	s0 =	sor.u32 s3, s0;
	s1 =	sshll.u32 s1, $0x11  }
0xbd: {  	s0 =	sor.u32 s1, s0  }
0xbe: {  	s0 =	sadd.s32 $0x8F2B, s0  }
0xbf: {  	[sflag:s0] =	ssyncadd.remote.s32 $0x1  }
0xc0: {  	_ =	sfence.sel $0xFFFF  }
0xc1: {  	[dreg:$0x0] =	wrdreg $0xFFFFFFFF;
	(pc) =	sbr.abs _section_cstart, $3  }
0xc2: {  	[dreg:$0x1] =	wrdreg $0xFFFFFFFF  }
0xc3: {  	_ =	task.clear_ibuf [dreg:s8], $0x2FFFF;
	_ =	strace $0x9FFFFFFF  }
0xc4: {  	(tm) =	ssettm $0x7FFFFFFF  }
0xc5: {  	_ =	shalt  }
tec
execute0_lowered:
.L_overlay_start_1:
0x0: {  	(tag) =	ssettag $0x1  }
0x1: {  	s20 =	rddreg [dreg:$0x0];
	s1 =	srdreg.scid  }
0x2: {  	s3 =	rddreg [dreg:$0x1];
	s0 =	stileid.u32;
	s25 =	sand.u32 $0x1, s1  }
0x3: {  	s5 =	rddreg [dreg:$0x2];
	s6 =	sshll.u32 s0, $0x9;
	s4 =	sshll.u32 s25, $0xD  }
0x4: {  	s2 =	simm.s32 $0x0;
	s1 =	rddreg [dreg:$0x3];
	s12 =	sor.u32 s6, s4  }
0x5: {  	[smem:$0x7FF] =	sst s2;
	s6 =	sshrl.u32 s12, $0x3  }
0x6: {  	_ =	strace $0x80000053;
	s4 =	sadd.s32 s3, s6;
	s3 =	simm.s32 $0x3  }
0x7: {  	[tilespmem:s2], [sflag:$0x3] =	stream.linear.gather [hbm4b:s4+s2], $0x200, $0x38;
	[tilespmem:$0x4400] =	vst v63  }
0x8: {  	_ =	swait.ge [sflag:s3], $0x200  }
0x9: {  	[sflag:s3] =	ssyncset.done $0x0  }
0xa: {  	s5 =	sadd.s32 s5, s6;
	s6 =	simm.s32 $0x200;
	[sflag:s3] =	ssyncadd.s32 $0xFFFFFE00  }
0xb: {  	[tilespmem:s6], [sflag:$0x3] =	stream.linear.gather [hbm4b:s5+s2], $0x200, $0x38;
	[tilespmem:$0x4400] =	vst v63  }
0xc: {  	_ =	swait.ge [sflag:s3], $0x200  }
0xd: {  	s8 =	simm.s32 $0x80;
	[sflag:s3] =	ssyncset.done $0x0  }
0xe: {  	s9 =	simm.s32 $0x400;
	s7 =	sadd.s32 $0x4C00, s20;
	[sflag:s3] =	ssyncadd.s32 $0xFFFFFE00  }
0xf: {  	[tilespmem:s9], [sflag:$0x1] =	stream.indirect.gather [hbm4b:s7+s8], $0x40, s2, s8, $0xb8;
	[tilespmem:$0x4400] =	vst v63  }
0x10: {  	s10 =	simm.s32 $0x2400;
	s11 =	simm.s32 $0x1  }
0x11: {  	[tilespmem:s10], [sflag:$0x2] =	stream.indirect.gather [hbm4b:s7+s8], $0x40, s8, s8, $0xb8;
	[tilespmem:$0x4400] =	vst v63  }
0x12: {  	_ =	swait.ge [sflag:s11], $0x2000  }
0x13: {  	s18 =	sadd.s32 $0x38600, s20;
	s21 =	sshll.u32 s12, $0x3;
	[sflag:s11] =	ssyncset.done $0x0  }
0x14: {  	s12 =	sadd.s32 s18, s21;
	[sflag:s11] =	ssyncadd.s32 $0xFFFFE000  }
0x15: {  	[hbm4b:s12+s2] =	stream.linear.scatter [tilespmem:s9], [sflag:$0x3], $0x2000, $0x38;
	[tilespmem:$0x4400] =	vst v63  }
0x16: {  	_ =	swait.ge [sflag:s3], $0x2000  }
0x17: {  	[sflag:s3] =	ssyncset.done $0x0  }
0x18: {  	s13 =	simm.s32 $0x100;
	s14 =	simm.s32 $0x2;
	[sflag:s3] =	ssyncadd.s32 $0xFFFFE000  }
0x19: {  	[tilespmem:s9], [sflag:$0x1] =	stream.indirect.gather [hbm4b:s7+s8], $0x40, s13, s8, $0xb8;
	[tilespmem:$0x4400] =	vst v63  }
0x1a: {  	_ =	swait.ge [sflag:s14], $0x2000  }
0x1b: {  	s22 =	sor.u32 $0x400, s21;
	[sflag:s14] =	ssyncset.done $0x0  }
0x1c: {  	s15 =	sadd.s32 s18, s22;
	[sflag:s14] =	ssyncadd.s32 $0xFFFFE000  }
0x1d: {  	[hbm4b:s15+s2] =	stream.linear.scatter [tilespmem:s10], [sflag:$0x3], $0x2000, $0x38;
	[tilespmem:$0x4400] =	vst v63  }
0x1e: {  	_ =	swait.ge [sflag:s3], $0x2000  }
0x1f: {  	[sflag:s3] =	ssyncset.done $0x0  }
0x20: {  	s16 =	simm.s32 $0x180;
	[sflag:s3] =	ssyncadd.s32 $0xFFFFE000  }
0x21: {  	[tilespmem:s10], [sflag:$0x2] =	stream.indirect.gather [hbm4b:s7+s8], $0x40, s16, s8, $0xb8;
	[tilespmem:$0x4400] =	vst v63  }
0x22: {  	_ =	swait.ge [sflag:s11], $0x2000  }
0x23: {  	s24 =	sor.u32 $0x800, s21;
	[sflag:s11] =	ssyncset.done $0x0  }
0x24: {  	s17 =	sadd.s32 s18, s24;
	[sflag:s11] =	ssyncadd.s32 $0xFFFFE000  }
0x25: {  	[hbm4b:s17+s2] =	stream.linear.scatter [tilespmem:s9], [sflag:$0x3], $0x2000, $0x38;
	[tilespmem:$0x4400] =	vst v63  }
0x26: {  	_ =	swait.ge [sflag:s3], $0x2000  }
0x27: {  	[sflag:s3] =	ssyncset.done $0x0  }
0x28: {  	[sflag:s3] =	ssyncadd.s32 $0xFFFFE000  }
0x29: {  	[tilespmem:s9], [sflag:$0x1] =	stream.indirect.gather [hbm4b:s7+s8], $0x40, s6, s8, $0xb8;
	[tilespmem:$0x4400] =	vst v63  }
0x2a: {  	_ =	swait.ge [sflag:s14], $0x2000  }
0x2b: {  	s26 =	sor.u32 $0xC00, s21;
	[sflag:s14] =	ssyncset.done $0x0  }
0x2c: {  	s18 =	sadd.s32 s18, s26;
	[sflag:s14] =	ssyncadd.s32 $0xFFFFE000  }
0x2d: {  	[hbm4b:s18+s2] =	stream.linear.scatter [tilespmem:s10], [sflag:$0x3], $0x2000, $0x38;
	[tilespmem:$0x4400] =	vst v63  }
0x2e: {  	_ =	swait.ge [sflag:s3], $0x2000  }
0x2f: {  	[sflag:s3] =	ssyncset.done $0x0  }
0x30: {  	s19 =	simm.s32 $0x280;
	[sflag:s3] =	ssyncadd.s32 $0xFFFFE000  }
0x31: {  	[tilespmem:s10], [sflag:$0x2] =	stream.indirect.gather [hbm4b:s7+s8], $0x40, s19, s8, $0xb8;
	[tilespmem:$0x4400] =	vst v63  }
0x32: {  	_ =	swait.ge [sflag:s11], $0x2000  }
0x33: {  	s28 =	sadd.s32 $0x18600, s20;
	[sflag:s11] =	ssyncset.done $0x0  }
0x34: {  	s20 =	sadd.s32 s28, s21;
	[sflag:s11] =	ssyncadd.s32 $0xFFFFE000  }
0x35: {  	[hbm4b:s20+s2] =	stream.linear.scatter [tilespmem:s9], [sflag:$0x3], $0x2000, $0x38;
	[tilespmem:$0x4400] =	vst v63  }
0x36: {  	_ =	swait.ge [sflag:s3], $0x2000  }
0x37: {  	[sflag:s3] =	ssyncset.done $0x0  }
0x38: {  	s21 =	simm.s32 $0x300;
	[sflag:s3] =	ssyncadd.s32 $0xFFFFE000  }
0x39: {  	[tilespmem:s9], [sflag:$0x1] =	stream.indirect.gather [hbm4b:s7+s8], $0x40, s21, s8, $0xb8;
	[tilespmem:$0x4400] =	vst v63  }
0x3a: {  	_ =	swait.ge [sflag:s14], $0x2000  }
0x3b: {  	[sflag:s14] =	ssyncset.done $0x0  }
0x3c: {  	s22 =	sadd.s32 s28, s22;
	[sflag:s14] =	ssyncadd.s32 $0xFFFFE000  }
0x3d: {  	[hbm4b:s22+s2] =	stream.linear.scatter [tilespmem:s10], [sflag:$0x3], $0x2000, $0x38;
	[tilespmem:$0x4400] =	vst v63  }
0x3e: {  	_ =	swait.ge [sflag:s3], $0x2000  }
0x3f: {  	[sflag:s3] =	ssyncset.done $0x0  }
0x40: {  	s23 =	simm.s32 $0x380;
	[sflag:s3] =	ssyncadd.s32 $0xFFFFE000  }
0x41: {  	[tilespmem:s10], [sflag:$0x2] =	stream.indirect.gather [hbm4b:s7+s8], $0x40, s23, s8, $0xb8;
	[tilespmem:$0x4400] =	vst v63  }
0x42: {  	_ =	swait.ge [sflag:s11], $0x2000  }
0x43: {  	[sflag:s11] =	ssyncset.done $0x0  }
0x44: {  	s25 =	ssub.s32 $0x2, s25;
	s24 =	sadd.s32 s28, s24;
	[sflag:s11] =	ssyncadd.s32 $0xFFFFE000  }
0x45: {  	[hbm4b:s24+s2] =	stream.linear.scatter [tilespmem:s9], [sflag:$0x3], $0x2000, $0x38;
	[tilespmem:$0x4400] =	vst v63  }
0x46: {  	s29 =	sshrl.u32 s25, $0x1;
	_ =	swait.ge [sflag:s3], $0x2000  }
0x47: {  	s29 =	ssub.s32 s25, s29;
	[sflag:s3] =	ssyncset.done $0x0  }
0x48: {  	s31 =	smax.u32 s29, $0x1;
	[sflag:s3] =	ssyncadd.s32 $0xFFFFE000  }
0x49: {  	p0 =	sne.s32 s31, $0x1;
	_ =	swait.ge [sflag:s14], $0x2000  }
.Ltmp0:
0x4a: {  	[sflag:s14] =	ssyncset.done $0x0;
	(pc) =	sbr.rel @!p0 .LBB2_2-.Ltmp0, $4  }
0x4b: {  	s25 =	sadd.s32 s28, s26;
	[sflag:s14] =	ssyncadd.s32 $0xFFFFE000  }
0x4c: {  	[hbm4b:s25+s2] =	stream.linear.scatter [tilespmem:s10], [sflag:$0x3], $0x2000, $0x38;
	[tilespmem:$0x4400] =	vst v63  }
0x4d: {  	_ =	swait.ge [sflag:s3], $0x2000  }
0x4e: {  	s26 =	sadd.s32 $0xFFFFFFFF, s31;
	[sflag:s3] =	ssyncset.done $0x0  }
.LBB2_1:
0x4f: {  	p0 =	sne.s32 s26, $0x1;
	s26 =	sadd.s32 $0xFFFFFFFF, s26;
	[sflag:s3] =	ssyncadd.s32 $0xFFFFE000  }
0x50: {  	[tilespmem:s2], [sflag:$0x3] =	stream.linear.gather [hbm4b:s4+s2], $0x200, $0x38;
	[tilespmem:$0x4400] =	vst v63  }
0x51: {  	_ =	swait.ge [sflag:s3], $0x200  }
0x52: {  	[sflag:s3] =	ssyncset.done $0x0  }
0x53: {  	[sflag:s3] =	ssyncadd.s32 $0xFFFFFE00  }
0x54: {  	[tilespmem:s6], [sflag:$0x3] =	stream.linear.gather [hbm4b:s5+s2], $0x200, $0x38;
	[tilespmem:$0x4400] =	vst v63  }
0x55: {  	_ =	swait.ge [sflag:s3], $0x200  }
0x56: {  	[sflag:s3] =	ssyncset.done $0x0  }
0x57: {  	[sflag:s3] =	ssyncadd.s32 $0xFFFFFE00  }
0x58: {  	[tilespmem:s9], [sflag:$0x1] =	stream.indirect.gather [hbm4b:s7+s8], $0x40, s2, s8, $0xb8;
	[tilespmem:$0x4400] =	vst v63  }
0x59: {  	_ = 	snop  }
0x5a: {  	[tilespmem:s10], [sflag:$0x2] =	stream.indirect.gather [hbm4b:s7+s8], $0x40, s8, s8, $0xb8;
	[tilespmem:$0x4400] =	vst v63  }
0x5b: {  	_ =	swait.ge [sflag:s11], $0x2000  }
0x5c: {  	[sflag:s11] =	ssyncset.done $0x0  }
0x5d: {  	[sflag:s11] =	ssyncadd.s32 $0xFFFFE000  }
0x5e: {  	[hbm4b:s12+s2] =	stream.linear.scatter [tilespmem:s9], [sflag:$0x3], $0x2000, $0x38;
	[tilespmem:$0x4400] =	vst v63  }
0x5f: {  	_ =	swait.ge [sflag:s3], $0x2000  }
0x60: {  	[sflag:s3] =	ssyncset.done $0x0  }
0x61: {  	[sflag:s3] =	ssyncadd.s32 $0xFFFFE000  }
0x62: {  	[tilespmem:s9], [sflag:$0x1] =	stream.indirect.gather [hbm4b:s7+s8], $0x40, s13, s8, $0xb8;
	[tilespmem:$0x4400] =	vst v63  }
0x63: {  	_ =	swait.ge [sflag:s14], $0x2000  }
0x64: {  	[sflag:s14] =	ssyncset.done $0x0  }
0x65: {  	[sflag:s14] =	ssyncadd.s32 $0xFFFFE000  }
0x66: {  	[hbm4b:s15+s2] =	stream.linear.scatter [tilespmem:s10], [sflag:$0x3], $0x2000, $0x38;
	[tilespmem:$0x4400] =	vst v63  }
0x67: {  	_ =	swait.ge [sflag:s3], $0x2000  }
0x68: {  	[sflag:s3] =	ssyncset.done $0x0  }
0x69: {  	[sflag:s3] =	ssyncadd.s32 $0xFFFFE000  }
0x6a: {  	[tilespmem:s10], [sflag:$0x2] =	stream.indirect.gather [hbm4b:s7+s8], $0x40, s16, s8, $0xb8;
	[tilespmem:$0x4400] =	vst v63  }
0x6b: {  	_ =	swait.ge [sflag:s11], $0x2000  }
0x6c: {  	[sflag:s11] =	ssyncset.done $0x0  }
0x6d: {  	[sflag:s11] =	ssyncadd.s32 $0xFFFFE000  }
0x6e: {  	[hbm4b:s17+s2] =	stream.linear.scatter [tilespmem:s9], [sflag:$0x3], $0x2000, $0x38;
	[tilespmem:$0x4400] =	vst v63  }
0x6f: {  	_ =	swait.ge [sflag:s3], $0x2000  }
0x70: {  	[sflag:s3] =	ssyncset.done $0x0  }
0x71: {  	[sflag:s3] =	ssyncadd.s32 $0xFFFFE000  }
0x72: {  	[tilespmem:s9], [sflag:$0x1] =	stream.indirect.gather [hbm4b:s7+s8], $0x40, s6, s8, $0xb8;
	[tilespmem:$0x4400] =	vst v63  }
0x73: {  	_ =	swait.ge [sflag:s14], $0x2000  }
0x74: {  	[sflag:s14] =	ssyncset.done $0x0  }
0x75: {  	[sflag:s14] =	ssyncadd.s32 $0xFFFFE000  }
0x76: {  	[hbm4b:s18+s2] =	stream.linear.scatter [tilespmem:s10], [sflag:$0x3], $0x2000, $0x38;
	[tilespmem:$0x4400] =	vst v63  }
0x77: {  	_ =	swait.ge [sflag:s3], $0x2000  }
0x78: {  	[sflag:s3] =	ssyncset.done $0x0  }
0x79: {  	[sflag:s3] =	ssyncadd.s32 $0xFFFFE000  }
0x7a: {  	[tilespmem:s10], [sflag:$0x2] =	stream.indirect.gather [hbm4b:s7+s8], $0x40, s19, s8, $0xb8;
	[tilespmem:$0x4400] =	vst v63  }
0x7b: {  	_ =	swait.ge [sflag:s11], $0x2000  }
0x7c: {  	[sflag:s11] =	ssyncset.done $0x0  }
0x7d: {  	[sflag:s11] =	ssyncadd.s32 $0xFFFFE000  }
0x7e: {  	[hbm4b:s20+s2] =	stream.linear.scatter [tilespmem:s9], [sflag:$0x3], $0x2000, $0x38;
	[tilespmem:$0x4400] =	vst v63  }
0x7f: {  	_ =	swait.ge [sflag:s3], $0x2000  }
0x80: {  	[sflag:s3] =	ssyncset.done $0x0  }
0x81: {  	[sflag:s3] =	ssyncadd.s32 $0xFFFFE000  }
0x82: {  	[tilespmem:s9], [sflag:$0x1] =	stream.indirect.gather [hbm4b:s7+s8], $0x40, s21, s8, $0xb8;
	[tilespmem:$0x4400] =	vst v63  }
0x83: {  	_ =	swait.ge [sflag:s14], $0x2000  }
0x84: {  	[sflag:s14] =	ssyncset.done $0x0  }
0x85: {  	[sflag:s14] =	ssyncadd.s32 $0xFFFFE000  }
0x86: {  	[hbm4b:s22+s2] =	stream.linear.scatter [tilespmem:s10], [sflag:$0x3], $0x2000, $0x38;
	[tilespmem:$0x4400] =	vst v63  }
0x87: {  	_ =	swait.ge [sflag:s3], $0x2000  }
0x88: {  	[sflag:s3] =	ssyncset.done $0x0  }
0x89: {  	[sflag:s3] =	ssyncadd.s32 $0xFFFFE000  }
0x8a: {  	[tilespmem:s10], [sflag:$0x2] =	stream.indirect.gather [hbm4b:s7+s8], $0x40, s23, s8, $0xb8;
	[tilespmem:$0x4400] =	vst v63  }
0x8b: {  	_ =	swait.ge [sflag:s11], $0x2000  }
0x8c: {  	[sflag:s11] =	ssyncset.done $0x0  }
0x8d: {  	[sflag:s11] =	ssyncadd.s32 $0xFFFFE000  }
0x8e: {  	[hbm4b:s24+s2] =	stream.linear.scatter [tilespmem:s9], [sflag:$0x3], $0x2000, $0x38;
	[tilespmem:$0x4400] =	vst v63  }
0x8f: {  	_ =	swait.ge [sflag:s3], $0x2000  }
0x90: {  	[sflag:s3] =	ssyncset.done $0x0  }
0x91: {  	[sflag:s3] =	ssyncadd.s32 $0xFFFFE000  }
0x92: {  	_ =	swait.ge [sflag:s14], $0x2000  }
.Ltmp1:
0x93: {  	[sflag:s14] =	ssyncset.done $0x0;
	(pc) =	sbr.rel @p0 .LBB2_1-.Ltmp1, $4  }
0x94: {  	[sflag:s14] =	ssyncadd.s32 $0xFFFFE000  }
0x95: {  	[hbm4b:s25+s2] =	stream.linear.scatter [tilespmem:s10], [sflag:$0x3], $0x2000, $0x38;
	[tilespmem:$0x4400] =	vst v63  }
0x96: {  	_ =	swait.ge [sflag:s3], $0x2000  }
0x97: {  	[sflag:s3] =	ssyncset.done $0x0  }
.LBB2_2:
0x98: {  	[sflag:s3] =	ssyncadd.s32 $0xFFFFE000  }
0x99: {  	_ =	sfence.sel $0x180000  }
0x9a: {  	[bflag:$0x0] =	sbarrier.arrive $0xFFFF  }
0x9b: {  	p0 =	sne.s32 s0, $0x0;
	_ =	strace $0x90000053  }
0x9c: {  	s0 =	sadd.s32 @!p0 $0x100000, s1;
	[bflag:$0x2] =	sbarrier.arrive $0xFFFF  }
0x9d: {  	[sflag:s0] =	ssyncadd.tile.s32 @!p0 $0x1;
	_ =	shalt  }
.Lfunc_end2:
_tile_overlayer_lowered:
.L_overlay_start_2:
0x9e: {  	(tag) =	ssettag $0x2  }
0x9f: {  	s0 =	rddreg [dreg:$0x0];
	s2 =	stileid.u32  }
0xa0: {  	s1 =	rddreg [dreg:$0x1];
	p0 =	sne.s32 s2, $0x0  }
0xa1: {  	s3 =	rddreg [dreg:$0x2];
	[bflag:$0x3] =	sbarrier.arrive $0xFFFF;
	s2 =	simm.s32 @!p0 $0x1C03  }
0xa2: {  	[timem:s3], [sflag:s2] =	dma.local @!p0 [hbm:s0], s1  }
0xa3: {  	s0 =	simm.s32 @!p0 $0x3  }
0xa4: {  	_ =	swait.ge @!p0 [sflag:s0], s1  }
0xa5: {  	s1 =	ssub.s32 @!p0 $0x0, s1;
	[sflag:s0] =	ssyncset.done @!p0 $0x0  }
0xa6: {  	[sflag:s0] =	ssyncadd.s32 @!p0 s1  }
0xa7: {  	[bflag:$0x3] =	sbarrier.arrive $0xFFFF  }
0xa8: {  	_ =	shalt  }

</sc_bundles>
